<compile_context>
chip_gen: v7x
topology: tpu7x:2x2x1
jax: 0.10.2.dev20260603
libtpu: 0.0.44.dev20260713+nightly
codegen_flags: <defaults>
</compile_context>

<pallas_src>
import functools
import math

import jax
import jax.numpy as jnp
from jax import lax
from jax.experimental import pallas as pl
from jax.experimental.pallas import tpu as pltpu
from jax.experimental.pallas import tpu_sc as plsc

N = 10000
E = 320000
D = 128
H = 8
DH = D // H
EPS = 1e-05


NC, NS = 2, 16
NW = NC * NS
EPW = E // NW
GCH = 200
NSLG = 2
EPT = E // NS
SCH = 80
NSL = 4
NGRP = EPT // SCH // 2
RNG = 5120
NDUMP = 128
TROWS = 5248
NPT = TROWS // NS


def _ln(x, g, b):
    mu = jnp.mean(x, axis=1, keepdims=True)
    xc = x - mu
    var = jnp.mean(xc * xc, axis=1, keepdims=True)
    return xc * lax.rsqrt(var + EPS) * g + b



def _qkv_body(x_ref, g_ref, b_ref, wq_ref, bq_ref, wk_ref, bk_ref,
              wv_ref, bv_ref, q_ref, kv_ref):
    xn = _ln(x_ref[...], g_ref[...], b_ref[...])
    q_ref[...] = xn @ wq_ref[...] + bq_ref[...]
    k16 = lax.bitcast_convert_type(
        (xn @ wk_ref[...] + bk_ref[...]).astype(jnp.bfloat16), jnp.uint16)
    v16 = lax.bitcast_convert_type(
        (xn @ wv_ref[...] + bv_ref[...]).astype(jnp.bfloat16), jnp.uint16)
    kv_ref[...] = (k16.astype(jnp.int32) << 16) | v16.astype(jnp.int32)


def _qkv(x, g1, beta1, Wq, bq, Wk, bk, Wv, bv):
    BN = 1000
    grid = (N // BN,)
    full = lambda *s: pl.BlockSpec(s, lambda i: (0,) * len(s))
    return pl.pallas_call(
        _qkv_body,
        grid=grid,
        in_specs=[
            pl.BlockSpec((BN, D), lambda i: (i, 0)),
            full(1, D), full(1, D),
            full(D, D), full(1, D),
            full(D, D), full(1, D),
            full(D, D), full(1, D),
        ],
        out_specs=[
            pl.BlockSpec((BN, D), lambda i: (i, 0)),
            pl.BlockSpec((BN, D), lambda i: (i, 0)),
        ],
        out_shape=[
            jax.ShapeDtypeStruct((N, D), jnp.float32),
            jax.ShapeDtypeStruct((N, D), jnp.int32),
        ],
    )(x, g1.reshape(1, D), beta1.reshape(1, D), Wq, bq.reshape(1, D),
      Wk, bk.reshape(1, D), Wv, bv.reshape(1, D))



def _make_gather(width, dtype):
    mesh = plsc.VectorSubcoreMesh(core_axis_name="c", subcore_axis_name="s")
    ch = GCH

    @functools.partial(
        pl.kernel,
        out_type=jax.ShapeDtypeStruct((E, width), dtype),
        mesh=mesh,
        scratch_types=[
            [pltpu.VMEM((ch,), jnp.int32)] * NSLG,
            [pltpu.VMEM((ch, width), dtype)] * NSLG,
            [pltpu.SemaphoreType.DMA] * NSLG,
            [pltpu.SemaphoreType.DMA] * NSLG,
            [pltpu.SemaphoreType.DMA] * NSLG,
        ],
    )
    def gather_k(table_hbm, idx_hbm, out_hbm, ibufs, rbufs, sis, sgs, sos):
        wid = lax.axis_index("s") * NC + lax.axis_index("c")
        base = wid * EPW
        nch = EPW // ch

        def loadidx(g, s):
            pltpu.async_copy(idx_hbm.at[pl.ds(base + g * ch, ch)],
                             ibufs[s], sis[s])

        def wait_idx(s):
            pltpu.make_async_copy(idx_hbm.at[pl.ds(0, ch)], ibufs[s],
                                  sis[s]).wait()

        def wait_out(s):
            pltpu.make_async_copy(rbufs[s], out_hbm.at[pl.ds(0, ch)],
                                  sos[s]).wait()

        for s in range(NSLG):
            loadidx(s, s)

        def pair(j, carry):
            for s in range(NSLG):
                g = j * NSLG + s
                @pl.when(g >= NSLG)
                def _():
                    wait_out(s)

                wait_idx(s)
                pltpu.async_copy(table_hbm.at[ibufs[s]], rbufs[s], sgs[s])
                pltpu.make_async_copy(table_hbm.at[ibufs[s]], rbufs[s],
                                      sgs[s]).wait()

                @pl.when(g + NSLG < nch)
                def _():
                    loadidx(g + NSLG, s)

                pltpu.async_copy(rbufs[s], out_hbm.at[pl.ds(base + g * ch, ch)],
                                 sos[s])
            return carry

        lax.fori_loop(0, nch // NSLG, pair, 0)
        for s in range(NSLG):
            wait_out(s)

    return gather_k



def _edge_body(qi_ref, kvj_ref, ea_ref, we_ref, be_ref, s_ref, r_ref,
               vex_ref, exb_ref):
    qi = qi_ref[...]
    kvj = kvj_ref[...]
    kj = lax.bitcast_convert_type(kvj & jnp.int32(-65536), jnp.float32)
    vj = lax.bitcast_convert_type(kvj << 16, jnp.float32)
    scores = ((qi * kj) @ s_ref[...]) * (1.0 / math.sqrt(DH))
    scores = scores + ea_ref[...] @ we_ref[...] + be_ref[...]
    ex = jnp.exp(scores)
    exb = ex @ r_ref[...]
    vex_ref[...] = vj * exb
    exb_ref[...] = exb


def _edge(qi, kvj, edge_attr, We, be):
    BE = 4000
    grid = (E // BE,)
    lane = jnp.arange(D) // DH
    S = (lane[:, None] == jnp.arange(H)[None, :]).astype(jnp.float32)
    R = (jnp.arange(H)[:, None] == lane[None, :]).astype(jnp.float32)
    full = lambda *s: pl.BlockSpec(s, lambda i: (0,) * len(s))
    return pl.pallas_call(
        _edge_body,
        grid=grid,
        in_specs=[
            pl.BlockSpec((BE, D), lambda i: (i, 0)),
            pl.BlockSpec((BE, D), lambda i: (i, 0)),
            pl.BlockSpec((BE, D), lambda i: (i, 0)),
            full(D, H), full(1, H), full(D, H), full(H, D),
        ],
        out_specs=[pl.BlockSpec((BE, D), lambda i: (i, 0)),
                   pl.BlockSpec((BE, D), lambda i: (i, 0))],
        out_shape=[jax.ShapeDtypeStruct((E, D), jnp.float32),
                   jax.ShapeDtypeStruct((E, D), jnp.float32)],
    )(qi, kvj, edge_attr, We, be.reshape(1, H), S, R)



def _make_scatter():
    mesh = plsc.VectorSubcoreMesh(core_axis_name="c", subcore_axis_name="s")

    @functools.partial(
        pl.kernel,
        out_type=jax.ShapeDtypeStruct((NC, 2, TROWS, D), jnp.float32),
        mesh=mesh,
        scratch_types=[
            [pltpu.VMEM((SCH,), jnp.int32)] * NSL,
            [pltpu.VMEM((SCH, D), jnp.float32)] * NSL,
            pltpu.VMEM((16, D), jnp.float32),
            pltpu.VMEM_SHARED((TROWS, D), jnp.float32),
            [pltpu.SemaphoreType.DMA] * NSL,
            [pltpu.SemaphoreType.DMA] * NSL,
        ],
    )
    def scatter_k(vex_hbm, exb_hbm, row_hbm, out_hbm, ibufs, dbufs, zbuf,
                  acc, sis, sds):
        cid = lax.axis_index("c")
        sid = lax.axis_index("s")
        lo = cid * RNG
        base = sid * EPT

        for jj in range(16):
            for kk in range(D // 16):
                zbuf[jj, pl.ds(kk * 16, 16)] = jnp.zeros((16,), jnp.float32)

        for p, tbl_hbm in ((0, vex_hbm), (1, exb_hbm)):

            def loads(g, s):
                off = base + g * SCH
                pltpu.async_copy(row_hbm.at[pl.ds(off, SCH)], ibufs[s], sis[s])
                pltpu.async_copy(tbl_hbm.at[pl.ds(off, SCH)], dbufs[s], sds[s])

            def wait_loads(s):
                pltpu.make_async_copy(row_hbm.at[pl.ds(0, SCH)], ibufs[s],
                                      sis[s]).wait()
                pltpu.make_async_copy(tbl_hbm.at[pl.ds(0, SCH)], dbufs[s],
                                      sds[s]).wait()

            def process(s):
                wait_loads(s)

                def remap(k, c2):
                    g = ibufs[s][pl.ds(k * 16, 16)]
                    l = g - lo
                    valid = (l >= 0) & (l < RNG)
                    dump = RNG + (g & (NDUMP - 1))
                    ibufs[s][pl.ds(k * 16, 16)] = jnp.where(valid, l, dump)
                    return c2

                lax.fori_loop(0, SCH // 16, remap, 0)
                pltpu.sync_copy(dbufs[s], acc.at[ibufs[s]], add=True)

            for k in range(NPT // 16):
                pltpu.sync_copy(zbuf, acc.at[pl.ds(sid * NPT + k * 16, 16)])
            plsc.subcore_barrier()

            loads(0, 0)
            loads(1, 1)

            def group(j, carry):
                def run(cur, nxt):
                    g0 = j * 2

                    @pl.when(j + 1 < NGRP)
                    def _():
                        loads(g0 + 2, nxt[0])
                        loads(g0 + 3, nxt[1])

                    process(cur[0])
                    process(cur[1])

                @pl.when(j % 2 == 0)
                def _():
                    run((0, 1), (2, 3))

                @pl.when(j % 2 == 1)
                def _():
                    run((2, 3), (0, 1))

                return carry

            lax.fori_loop(0, NGRP, group, 0)
            plsc.subcore_barrier()
            pltpu.sync_copy(acc.at[pl.ds(sid * NPT, NPT)],
                            out_hbm.at[cid, p, pl.ds(sid * NPT, NPT)])
            plsc.subcore_barrier()

    return scatter_k



def _final_body(u_ref, den_ref, x_ref, wo_ref, bo_ref,
                g2_ref, b2g_ref, w1_ref, b1_ref, w2_ref, b2_ref, out_ref):
    agg = u_ref[...] / den_ref[...]
    x1 = agg @ wo_ref[...] + bo_ref[...] + x_ref[...]
    xn = _ln(x1, g2_ref[...], b2g_ref[...])
    h1 = xn @ w1_ref[...] + b1_ref[...]
    h1 = 0.5 * h1 * (1.0 + lax.erf(h1 * (1.0 / math.sqrt(2.0))))
    out_ref[...] = h1 @ w2_ref[...] + b2_ref[...] + x1


def _final(u, den, x, Wo, bo, g2, beta2, W1, b1, W2, b2):
    BN = 1000
    grid = (N // BN,)
    full = lambda *s: pl.BlockSpec(s, lambda i: (0,) * len(s))
    blk = pl.BlockSpec((BN, D), lambda i: (i, 0))
    return pl.pallas_call(
        _final_body,
        grid=grid,
        in_specs=[
            blk, blk, blk,
            full(D, D), full(1, D), full(1, D), full(1, D),
            full(D, 4 * D), full(1, 4 * D), full(4 * D, D), full(1, D),
        ],
        out_specs=pl.BlockSpec((BN, D), lambda i: (i, 0)),
        out_shape=jax.ShapeDtypeStruct((N, D), jnp.float32),
    )(u, den, x, Wo, bo.reshape(1, D), g2.reshape(1, D),
      beta2.reshape(1, D), W1, b1.reshape(1, 4 * D), W2, b2.reshape(1, D))


def kernel(x, edge_index, edge_attr, Wq, bq, Wk, bk, Wv, bv, Wo, bo,
           We, be, W1, b1, W2, b2, g1, beta1, g2, beta2):
    row = edge_index[0]
    col = edge_index[1]

    q, kv = _qkv(x, g1, beta1, Wq, bq, Wk, bk, Wv, bv)
    qi = _make_gather(D, jnp.float32)(q, row)
    kvj = _make_gather(D, jnp.int32)(kv, col)
    vex, exb = _edge(qi, kvj, edge_attr, We, be)
    partials = _make_scatter()(vex, exb, row)
    u = jnp.concatenate([partials[0, 0, :RNG], partials[1, 0, :N - RNG]])
    den = jnp.concatenate([partials[0, 1, :RNG], partials[1, 1, :N - RNG]])
    return _final(u, den, x, Wo, bo, g2, beta2, W1, b1, W2, b2)

# --- scband reference (transcript-rebuilt; emitter-appended) ---
"""Pipeline reference for scband-graph-transformer-layer-69312182223535 (READ-ONLY COPY).

The authoritative reference and input builder live on the scoring server;
editing this copy changes nothing except your own understanding.
"""

import jax, jax.numpy as jnp
import numpy as np
import math

N = 10000
E = 320000
D = 128
H = 8
DH = D // H
EPS = 1e-05


def _p(key, i, shape, scale=0.02):
    return jax.random.normal(jax.random.fold_in(key, i), shape, dtype=jnp.float32) * scale


def setup_inputs(seed: int = 0) -> dict:
    key = jax.random.key(seed)
    inp = {}
    inp['x'] = jax.random.normal(jax.random.fold_in(key, 0), (N, D), dtype=jnp.float32)
    inp['edge_index'] = jax.random.randint(jax.random.fold_in(key, 1), (2, E), 0, N, dtype=jnp.int64 if jax.config.jax_enable_x64 else jnp.int32).astype(jnp.int32)
    inp['edge_attr'] = jax.random.normal(jax.random.fold_in(key, 2), (E, D), dtype=jnp.float32)
    # parameters (stored as [in, out]; y = x @ W + b)
    inp['Wq'] = _p(key, 10, (D, D)); inp['bq'] = jnp.zeros((D,), jnp.float32)
    inp['Wk'] = _p(key, 11, (D, D)); inp['bk'] = jnp.zeros((D,), jnp.float32)
    inp['Wv'] = _p(key, 12, (D, D)); inp['bv'] = jnp.zeros((D,), jnp.float32)
    inp['Wo'] = _p(key, 13, (D, D)); inp['bo'] = jnp.zeros((D,), jnp.float32)
    inp['We'] = _p(key, 14, (D, H)); inp['be'] = jnp.zeros((H,), jnp.float32)
    inp['W1'] = _p(key, 15, (D, 4 * D)); inp['b1'] = jnp.zeros((4 * D,), jnp.float32)
    inp['W2'] = _p(key, 16, (4 * D, D)); inp['b2'] = jnp.zeros((D,), jnp.float32)
    inp['g1'] = jnp.ones((D,), jnp.float32); inp['beta1'] = jnp.zeros((D,), jnp.float32)
    inp['g2'] = jnp.ones((D,), jnp.float32); inp['beta2'] = jnp.zeros((D,), jnp.float32)
    return inp


def _layer_norm(x, g, b):
    mu = jnp.mean(x, axis=-1, keepdims=True)
    var = jnp.mean((x - mu) ** 2, axis=-1, keepdims=True)
    return (x - mu) / jnp.sqrt(var + EPS) * g + b


def reference(x, edge_index, edge_attr, Wq, bq, Wk, bk, Wv, bv, Wo, bo, We, be, W1, b1, W2, b2, g1, beta1, g2, beta2):
    row = edge_index[0]
    col = edge_index[1]
    # --- attention block (pre-norm) ---
    xn = _layer_norm(x, g1, beta1)
    Q = (xn @ Wq + bq).reshape(N, H, DH)
    K = (xn @ Wk + bk).reshape(N, H, DH)
    V = (xn @ Wv + bv).reshape(N, H, DH)
    Qi = Q[row]
    Kj = K[col]
    Vj = V[col]
    scores = (Qi * Kj).sum(axis=-1) / math.sqrt(DH)  # [E, H]
    scores = scores + (edge_attr @ We + be)
    # segment softmax over destination nodes (row)
    seg_max = jax.ops.segment_max(scores, row, num_segments=N)  # [N, H]
    ex = jnp.exp(scores - seg_max[row])
    denom = jax.ops.segment_sum(ex, row, num_segments=N)[row]
    alpha = ex / denom
    out = jax.ops.segment_sum(Vj * alpha[..., None], row, num_segments=N)  # [N, H, DH]
    out = out.reshape(N, D) @ Wo + bo
    x = x + out  # dropout inactive (eval)
    # --- FFN block ---
    xn = _layer_norm(x, g2, beta2)
    h = jax.nn.gelu(xn @ W1 + b1, approximate=False)
    ffn = h @ W2 + b2
    x = x + ffn
    return x

if __name__ == "__main__":
    import jax
    _d = setup_inputs()
    print(jax.jit(kernel)(*tuple(_d.values())))

</pallas_src>

<mosaic_0001>
#map = affine_map<(d0, d1) -> (0, 0)>
#map1 = affine_map<(d0, d1) -> (0)>
module attributes {stable_mosaic.version = 14 : i64} {
  func.func @gather_k(%arg0: i32, %arg1: i32, %arg2: memref<10000x128xf32, #tpu.memory_space<hbm>>, %arg3: memref<320000xi32, #tpu.memory_space<hbm>>, %arg4: memref<320000x128xf32, #tpu.memory_space<hbm>>, %arg5: memref<200xi32, #tpu.memory_space<vmem>>, %arg6: memref<200xi32, #tpu.memory_space<vmem>>, %arg7: memref<200x128xf32, #tpu.memory_space<vmem>>, %arg8: memref<200x128xf32, #tpu.memory_space<vmem>>, %arg9: memref<!tpu.dma_semaphore, #tpu.memory_space<semaphore_mem>>, %arg10: memref<!tpu.dma_semaphore, #tpu.memory_space<semaphore_mem>>, %arg11: memref<!tpu.dma_semaphore, #tpu.memory_space<semaphore_mem>>, %arg12: memref<!tpu.dma_semaphore, #tpu.memory_space<semaphore_mem>>, %arg13: memref<!tpu.dma_semaphore, #tpu.memory_space<semaphore_mem>>, %arg14: memref<!tpu.dma_semaphore, #tpu.memory_space<semaphore_mem>>) attributes {dimension_semantics = [#tpu.dimension_semantics<core_parallel>, #tpu.dimension_semantics<subcore_parallel>], iteration_bounds = array<i64: 2, 16>, scalar_prefetch = 0 : i64, scratch_operands = 10 : i64, tpu.core_type = #tpu.core_type<sc_vector_subcore>, window_params = [{transform_indices = #map}, {transform_indices = #map1}, {transform_indices = #map}]} {
    %mul3A = arith.constant 2 : i32
    %mul3A_0 = arith.muli %arg1, %mul3A : i32
    %add3A = arith.addi %mul3A_0, %arg0 : i32
    %mul3A_1 = arith.constant 10000 : i32
    %mul3A_2 = arith.muli %add3A, %mul3A_1 : i32
    %add3A_3 = arith.constant 0 : i32
    %add3A_4 = arith.addi %mul3A_2, %add3A_3 : i32
    %dma_start3A = tpu.memref_slice %arg3[%add3A_4] : memref<320000xi32, #tpu.memory_space<hbm>> -> memref<200xi32, #tpu.memory_space<hbm>>
    %dma_start3A_5 = tpu.memref_slice %arg3[%add3A_4] : memref<320000xi32, #tpu.memory_space<hbm>> -> memref<200xi32, #tpu.memory_space<hbm>>
    tpu.enqueue_dma source(%dma_start3A_5 : memref<200xi32, #tpu.memory_space<hbm>>) target(%arg5 : memref<200xi32, #tpu.memory_space<vmem>>) target_semaphore(%arg9 : memref<!tpu.dma_semaphore, #tpu.memory_space<semaphore_mem>>)
    %add3A_6 = arith.constant 200 : i32
    %add3A_7 = arith.addi %mul3A_2, %add3A_6 : i32
    %dma_start3A_8 = tpu.memref_slice %arg3[%add3A_7] : memref<320000xi32, #tpu.memory_space<hbm>> -> memref<200xi32, #tpu.memory_space<hbm>>
    %dma_start3A_9 = tpu.memref_slice %arg3[%add3A_7] : memref<320000xi32, #tpu.memory_space<hbm>> -> memref<200xi32, #tpu.memory_space<hbm>>
    tpu.enqueue_dma source(%dma_start3A_9 : memref<200xi32, #tpu.memory_space<hbm>>) target(%arg6 : memref<200xi32, #tpu.memory_space<vmem>>) target_semaphore(%arg10 : memref<!tpu.dma_semaphore, #tpu.memory_space<semaphore_mem>>)
    %scan3A = arith.constant 0 : i32
    %scan3A_10 = arith.constant 0 : i32
    %scan3A_11 = arith.constant 25 : i32
    %scan3A_12 = arith.addi %scan3A_10, %scan3A_11 : i32
    %scan3A_13 = arith.constant 1 : i32
    scf.for %scan3A_26 = %scan3A_10 to %scan3A_12 step %scan3A_13  : i32 {
      %mul3A_27 = arith.constant 2 : i32
      %mul3A_28 = arith.muli %scan3A_26, %mul3A_27 : i32
      %add3A_29 = arith.constant 0 : i32
      %add3A_30 = arith.addi %mul3A_28, %add3A_29 : i32
      %ge3A = arith.constant 2 : i32
      %ge3A_31 = arith.cmpi sge, %add3A_30, %ge3A : i32
      %convert_element_type3A = arith.extui %ge3A_31 : i1 to i32
      %cond3A = arith.constant 0 : i32
      %cond3A_32 = arith.cmpi ne, %convert_element_type3A, %cond3A : i32
      scf.if %cond3A_32 {
        %dma_wait3A_89 = arith.constant 0 : i32
        %dma_wait3A_90 = arith.constant 0 : i32
        %dma_wait3A_91 = tpu.memref_slice %arg4[%dma_wait3A_89, %dma_wait3A_90] : memref<320000x128xf32, #tpu.memory_space<hbm>> -> memref<200x128xf32, #tpu.memory_space<hbm>>
        %dma_wait3A_92 = arith.constant 0 : i32
        %dma_wait3A_93 = arith.constant 0 : i32
        %dma_wait3A_94 = tpu.memref_slice %arg4[%dma_wait3A_92, %dma_wait3A_93] : memref<320000x128xf32, #tpu.memory_space<hbm>> -> memref<200x128xf32, #tpu.memory_space<hbm>>
        tpu.wait_dma2 semaphore(%arg13 : memref<!tpu.dma_semaphore, #tpu.memory_space<semaphore_mem>>) src(%arg7 : memref<200x128xf32, #tpu.memory_space<vmem>>) dst(%dma_wait3A_94 : memref<200x128xf32, #tpu.memory_space<hbm>>)
      } else {
      }
      %dma_wait3A_33 = arith.constant 0 : i32
      %dma_wait3A_34 = tpu.memref_slice %arg3[%dma_wait3A_33] : memref<320000xi32, #tpu.memory_space<hbm>> -> memref<200xi32, #tpu.memory_space<hbm>>
      %dma_wait3A_35 = arith.constant 0 : i32
      %dma_wait3A_36 = tpu.memref_slice %arg3[%dma_wait3A_35] : memref<320000xi32, #tpu.memory_space<hbm>> -> memref<200xi32, #tpu.memory_space<hbm>>
      tpu.wait_dma2 semaphore(%arg9 : memref<!tpu.dma_semaphore, #tpu.memory_space<semaphore_mem>>) src(%dma_wait3A_36 : memref<200xi32, #tpu.memory_space<hbm>>) dst(%arg5 : memref<200xi32, #tpu.memory_space<vmem>>)
      %dma_start3A_37 = arith.constant 0 : i32
      %dma_start3A_38 = arith.constant 0 : i32
      %dma_start3A_39 = tpu.memref_slice %arg2[%dma_start3A_37, %dma_start3A_38] : memref<10000x128xf32, #tpu.memory_space<hbm>> -> memref<10000x128xf32, #tpu.memory_space<hbm>>
      tpu.enqueue_indirect_dma source(%dma_start3A_39 : memref<10000x128xf32, #tpu.memory_space<hbm>>) target(%arg7 : memref<200x128xf32, #tpu.memory_space<vmem>>) offsets(%arg5 : memref<200xi32, #tpu.memory_space<vmem>>) semaphore(%arg11 : memref<!tpu.dma_semaphore, #tpu.memory_space<semaphore_mem>>)
      %dma_wait3A_40 = arith.constant 0 : i32
      %dma_wait3A_41 = arith.constant 0 : i32
      %dma_wait3A_42 = tpu.memref_slice %arg2[%dma_wait3A_40, %dma_wait3A_41] : memref<10000x128xf32, #tpu.memory_space<hbm>> -> memref<10000x128xf32, #tpu.memory_space<hbm>>
      tpu.wait_indirect_dma semaphore(%arg11 : memref<!tpu.dma_semaphore, #tpu.memory_space<semaphore_mem>>) src(%dma_wait3A_42 : memref<10000x128xf32, #tpu.memory_space<hbm>>) dst(%arg7 : memref<200x128xf32, #tpu.memory_space<vmem>>)
      %add3A_43 = arith.constant 2 : i32
      %add3A_44 = arith.addi %add3A_30, %add3A_43 : i32
      %lt3A = arith.constant 50 : i32
      %lt3A_45 = arith.cmpi slt, %add3A_44, %lt3A : i32
      %convert_element_type3A_46 = arith.extui %lt3A_45 : i1 to i32
      %cond3A_47 = arith.constant 0 : i32
      %cond3A_48 = arith.cmpi ne, %convert_element_type3A_46, %cond3A_47 : i32
      scf.if %cond3A_48 {
        %add3A_89 = arith.constant 2 : i32
        %add3A_90 = arith.addi %add3A_30, %add3A_89 : i32
        %mul3A_91 = arith.constant 200 : i32
        %mul3A_92 = arith.muli %add3A_90, %mul3A_91 : i32
        %add3A_93 = arith.addi %mul3A_2, %mul3A_92 : i32
        %dma_start3A_94 = tpu.memref_slice %arg3[%add3A_93] : memref<320000xi32, #tpu.memory_space<hbm>> -> memref<200xi32, #tpu.memory_space<hbm>>
        %dma_start3A_95 = tpu.memref_slice %arg3[%add3A_93] : memref<320000xi32, #tpu.memory_space<hbm>> -> memref<200xi32, #tpu.memory_space<hbm>>
        tpu.enqueue_dma source(%dma_start3A_95 : memref<200xi32, #tpu.memory_space<hbm>>) target(%arg5 : memref<200xi32, #tpu.memory_space<vmem>>) target_semaphore(%arg9 : memref<!tpu.dma_semaphore, #tpu.memory_space<semaphore_mem>>)
      } else {
      }
      %mul3A_49 = arith.constant 200 : i32
      %mul3A_50 = arith.muli %add3A_30, %mul3A_49 : i32
      %add3A_51 = arith.addi %mul3A_2, %mul3A_50 : i32
      %dma_start3A_52 = arith.constant 0 : i32
      %dma_start3A_53 = tpu.memref_slice %arg4[%add3A_51, %dma_start3A_52] : memref<320000x128xf32, #tpu.memory_space<hbm>> -> memref<200x128xf32, #tpu.memory_space<hbm>>
      %dma_start3A_54 = arith.constant 0 : i32
      %dma_start3A_55 = tpu.memref_slice %arg4[%add3A_51, %dma_start3A_54] : memref<320000x128xf32, #tpu.memory_space<hbm>> -> memref<200x128xf32, #tpu.memory_space<hbm>>
      tpu.enqueue_dma source(%arg7 : memref<200x128xf32, #tpu.memory_space<vmem>>) target(%dma_start3A_55 : memref<200x128xf32, #tpu.memory_space<hbm>>) target_semaphore(%arg13 : memref<!tpu.dma_semaphore, #tpu.memory_space<semaphore_mem>>)
      %mul3A_56 = arith.constant 2 : i32
      %mul3A_57 = arith.muli %scan3A_26, %mul3A_56 : i32
      %add3A_58 = arith.constant 1 : i32
      %add3A_59 = arith.addi %mul3A_57, %add3A_58 : i32
      %ge3A_60 = arith.constant 2 : i32
      %ge3A_61 = arith.cmpi sge, %add3A_59, %ge3A_60 : i32
      %convert_element_type3A_62 = arith.extui %ge3A_61 : i1 to i32
      %cond3A_63 = arith.constant 0 : i32
      %cond3A_64 = arith.cmpi ne, %convert_element_type3A_62, %cond3A_63 : i32
      scf.if %cond3A_64 {
        %dma_wait3A_89 = arith.constant 0 : i32
        %dma_wait3A_90 = arith.constant 0 : i32
        %dma_wait3A_91 = tpu.memref_slice %arg4[%dma_wait3A_89, %dma_wait3A_90] : memref<320000x128xf32, #tpu.memory_space<hbm>> -> memref<200x128xf32, #tpu.memory_space<hbm>>
        %dma_wait3A_92 = arith.constant 0 : i32
        %dma_wait3A_93 = arith.constant 0 : i32
        %dma_wait3A_94 = tpu.memref_slice %arg4[%dma_wait3A_92, %dma_wait3A_93] : memref<320000x128xf32, #tpu.memory_space<hbm>> -> memref<200x128xf32, #tpu.memory_space<hbm>>
        tpu.wait_dma2 semaphore(%arg14 : memref<!tpu.dma_semaphore, #tpu.memory_space<semaphore_mem>>) src(%arg8 : memref<200x128xf32, #tpu.memory_space<vmem>>) dst(%dma_wait3A_94 : memref<200x128xf32, #tpu.memory_space<hbm>>)
      } else {
      }
      %dma_wait3A_65 = arith.constant 0 : i32
      %dma_wait3A_66 = tpu.memref_slice %arg3[%dma_wait3A_65] : memref<320000xi32, #tpu.memory_space<hbm>> -> memref<200xi32, #tpu.memory_space<hbm>>
      %dma_wait3A_67 = arith.constant 0 : i32
      %dma_wait3A_68 = tpu.memref_slice %arg3[%dma_wait3A_67] : memref<320000xi32, #tpu.memory_space<hbm>> -> memref<200xi32, #tpu.memory_space<hbm>>
      tpu.wait_dma2 semaphore(%arg10 : memref<!tpu.dma_semaphore, #tpu.memory_space<semaphore_mem>>) src(%dma_wait3A_68 : memref<200xi32, #tpu.memory_space<hbm>>) dst(%arg6 : memref<200xi32, #tpu.memory_space<vmem>>)
      %dma_start3A_69 = arith.constant 0 : i32
      %dma_start3A_70 = arith.constant 0 : i32
      %dma_start3A_71 = tpu.memref_slice %arg2[%dma_start3A_69, %dma_start3A_70] : memref<10000x128xf32, #tpu.memory_space<hbm>> -> memref<10000x128xf32, #tpu.memory_space<hbm>>
      tpu.enqueue_indirect_dma source(%dma_start3A_71 : memref<10000x128xf32, #tpu.memory_space<hbm>>) target(%arg8 : memref<200x128xf32, #tpu.memory_space<vmem>>) offsets(%arg6 : memref<200xi32, #tpu.memory_space<vmem>>) semaphore(%arg12 : memref<!tpu.dma_semaphore, #tpu.memory_space<semaphore_mem>>)
      %dma_wait3A_72 = arith.constant 0 : i32
      %dma_wait3A_73 = arith.constant 0 : i32
      %dma_wait3A_74 = tpu.memref_slice %arg2[%dma_wait3A_72, %dma_wait3A_73] : memref<10000x128xf32, #tpu.memory_space<hbm>> -> memref<10000x128xf32, #tpu.memory_space<hbm>>
      tpu.wait_indirect_dma semaphore(%arg12 : memref<!tpu.dma_semaphore, #tpu.memory_space<semaphore_mem>>) src(%dma_wait3A_74 : memref<10000x128xf32, #tpu.memory_space<hbm>>) dst(%arg8 : memref<200x128xf32, #tpu.memory_space<vmem>>)
      %add3A_75 = arith.constant 2 : i32
      %add3A_76 = arith.addi %add3A_59, %add3A_75 : i32
      %lt3A_77 = arith.constant 50 : i32
      %lt3A_78 = arith.cmpi slt, %add3A_76, %lt3A_77 : i32
      %convert_element_type3A_79 = arith.extui %lt3A_78 : i1 to i32
      %cond3A_80 = arith.constant 0 : i32
      %cond3A_81 = arith.cmpi ne, %convert_element_type3A_79, %cond3A_80 : i32
      scf.if %cond3A_81 {
        %add3A_89 = arith.constant 2 : i32
        %add3A_90 = arith.addi %add3A_59, %add3A_89 : i32
        %mul3A_91 = arith.constant 200 : i32
        %mul3A_92 = arith.muli %add3A_90, %mul3A_91 : i32
        %add3A_93 = arith.addi %mul3A_2, %mul3A_92 : i32
        %dma_start3A_94 = tpu.memref_slice %arg3[%add3A_93] : memref<320000xi32, #tpu.memory_space<hbm>> -> memref<200xi32, #tpu.memory_space<hbm>>
        %dma_start3A_95 = tpu.memref_slice %arg3[%add3A_93] : memref<320000xi32, #tpu.memory_space<hbm>> -> memref<200xi32, #tpu.memory_space<hbm>>
        tpu.enqueue_dma source(%dma_start3A_95 : memref<200xi32, #tpu.memory_space<hbm>>) target(%arg6 : memref<200xi32, #tpu.memory_space<vmem>>) target_semaphore(%arg10 : memref<!tpu.dma_semaphore, #tpu.memory_space<semaphore_mem>>)
      } else {
      }
      %mul3A_82 = arith.constant 200 : i32
      %mul3A_83 = arith.muli %add3A_59, %mul3A_82 : i32
      %add3A_84 = arith.addi %mul3A_2, %mul3A_83 : i32
      %dma_start3A_85 = arith.constant 0 : i32
      %dma_start3A_86 = tpu.memref_slice %arg4[%add3A_84, %dma_start3A_85] : memref<320000x128xf32, #tpu.memory_space<hbm>> -> memref<200x128xf32, #tpu.memory_space<hbm>>
      %dma_start3A_87 = arith.constant 0 : i32
      %dma_start3A_88 = tpu.memref_slice %arg4[%add3A_84, %dma_start3A_87] : memref<320000x128xf32, #tpu.memory_space<hbm>> -> memref<200x128xf32, #tpu.memory_space<hbm>>
      tpu.enqueue_dma source(%arg8 : memref<200x128xf32, #tpu.memory_space<vmem>>) target(%dma_start3A_88 : memref<200x128xf32, #tpu.memory_space<hbm>>) target_semaphore(%arg14 : memref<!tpu.dma_semaphore, #tpu.memory_space<semaphore_mem>>)
    }
    %scan3A_14 = arith.constant 25 : i32
    %dma_wait3A = arith.constant 0 : i32
    %dma_wait3A_15 = arith.constant 0 : i32
    %dma_wait3A_16 = tpu.memref_slice %arg4[%dma_wait3A, %dma_wait3A_15] : memref<320000x128xf32, #tpu.memory_space<hbm>> -> memref<200x128xf32, #tpu.memory_space<hbm>>
    %dma_wait3A_17 = arith.constant 0 : i32
    %dma_wait3A_18 = arith.constant 0 : i32
    %dma_wait3A_19 = tpu.memref_slice %arg4[%dma_wait3A_17, %dma_wait3A_18] : memref<320000x128xf32, #tpu.memory_space<hbm>> -> memref<200x128xf32, #tpu.memory_space<hbm>>
    tpu.wait_dma2 semaphore(%arg13 : memref<!tpu.dma_semaphore, #tpu.memory_space<semaphore_mem>>) src(%arg7 : memref<200x128xf32, #tpu.memory_space<vmem>>) dst(%dma_wait3A_19 : memref<200x128xf32, #tpu.memory_space<hbm>>)
    %dma_wait3A_20 = arith.constant 0 : i32
    %dma_wait3A_21 = arith.constant 0 : i32
    %dma_wait3A_22 = tpu.memref_slice %arg4[%dma_wait3A_20, %dma_wait3A_21] : memref<320000x128xf32, #tpu.memory_space<hbm>> -> memref<200x128xf32, #tpu.memory_space<hbm>>
    %dma_wait3A_23 = arith.constant 0 : i32
    %dma_wait3A_24 = arith.constant 0 : i32
    %dma_wait3A_25 = tpu.memref_slice %arg4[%dma_wait3A_23, %dma_wait3A_24] : memref<320000x128xf32, #tpu.memory_space<hbm>> -> memref<200x128xf32, #tpu.memory_space<hbm>>
    tpu.wait_dma2 semaphore(%arg14 : memref<!tpu.dma_semaphore, #tpu.memory_space<semaphore_mem>>) src(%arg8 : memref<200x128xf32, #tpu.memory_space<vmem>>) dst(%dma_wait3A_25 : memref<200x128xf32, #tpu.memory_space<hbm>>)
    return
  }
}

#map = affine_map<(d0, d1) -> (0, 0)>
#map1 = affine_map<(d0, d1) -> (0)>
#map2 = affine_map<(d0, d1) -> (0, 0, 0, 0)>
module attributes {stable_mosaic.version = 14 : i64} {
  func.func @scatter_k(%arg0: i32, %arg1: i32, %arg2: memref<320000x128xf32, #tpu.memory_space<hbm>>, %arg3: memref<320000x128xf32, #tpu.memory_space<hbm>>, %arg4: memref<320000xi32, #tpu.memory_space<hbm>>, %arg5: memref<2x2x5248x128xf32, #tpu.memory_space<hbm>>, %arg6: memref<80xi32, #tpu.memory_space<vmem>>, %arg7: memref<80xi32, #tpu.memory_space<vmem>>, %arg8: memref<80xi32, #tpu.memory_space<vmem>>, %arg9: memref<80xi32, #tpu.memory_space<vmem>>, %arg10: memref<80x128xf32, #tpu.memory_space<vmem>>, %arg11: memref<80x128xf32, #tpu.memory_space<vmem>>, %arg12: memref<80x128xf32, #tpu.memory_space<vmem>>, %arg13: memref<80x128xf32, #tpu.memory_space<vmem>>, %arg14: memref<16x128xf32, #tpu.memory_space<vmem>>, %arg15: memref<5248x128xf32, #tpu.memory_space<vmem_shared>>, %arg16: memref<!tpu.dma_semaphore, #tpu.memory_space<semaphore_mem>>, %arg17: memref<!tpu.dma_semaphore, #tpu.memory_space<semaphore_mem>>, %arg18: memref<!tpu.dma_semaphore, #tpu.memory_space<semaphore_mem>>, %arg19: memref<!tpu.dma_semaphore, #tpu.memory_space<semaphore_mem>>, %arg20: memref<!tpu.dma_semaphore, #tpu.memory_space<semaphore_mem>>, %arg21: memref<!tpu.dma_semaphore, #tpu.memory_space<semaphore_mem>>, %arg22: memref<!tpu.dma_semaphore, #tpu.memory_space<semaphore_mem>>, %arg23: memref<!tpu.dma_semaphore, #tpu.memory_space<semaphore_mem>>) attributes {dimension_semantics = [#tpu.dimension_semantics<core_parallel>, #tpu.dimension_semantics<subcore_parallel>], iteration_bounds = array<i64: 2, 16>, scalar_prefetch = 0 : i64, scratch_operands = 18 : i64, tpu.core_type = #tpu.core_type<sc_vector_subcore>, window_params = [{transform_indices = #map}, {transform_indices = #map}, {transform_indices = #map1}, {transform_indices = #map2}]} {
    %mul3A = arith.constant 5120 : i32
    %mul3A_0 = arith.muli %arg0, %mul3A : i32
    %mul3A_1 = arith.constant 20000 : i32
    %mul3A_2 = arith.muli %arg1, %mul3A_1 : i32
    %broadcast_in_dim3A = arith.constant 0.000000e+00 : f32
    %broadcast_in_dim3A_3 = vector.broadcast %broadcast_in_dim3A : f32 to vector<16xf32>
    %swap3A = arith.constant 0 : i32
    %swap3A_4 = arith.index_cast %swap3A : i32 to index
    %swap3A_5 = arith.constant 0 : index
    %swap3A_6 = tpu.vector_load %arg14[%swap3A_4, %swap3A_5] {strides = array<i32>} : memref<16x128xf32, #tpu.memory_space<vmem>>, vector<1x16xf32>,
    %swap3A_7 = vector.shape_cast %swap3A_6 : vector<1x16xf32> to vector<16xf32>
    %swap3A_8 = vector.shape_cast %broadcast_in_dim3A_3 : vector<16xf32> to vector<1x16xf32>
    tpu.vector_store %arg14[%swap3A_4, %swap3A_5], %swap3A_8 {strides = array<i32>} : memref<16x128xf32, #tpu.memory_space<vmem>>, vector<1x16xf32>,
    %broadcast_in_dim3A_9 = arith.constant 0.000000e+00 : f32
    %broadcast_in_dim3A_10 = vector.broadcast %broadcast_in_dim3A_9 : f32 to vector<16xf32>
    %swap3A_11 = arith.constant 0 : i32
    %swap3A_12 = arith.index_cast %swap3A_11 : i32 to index
    %swap3A_13 = arith.constant 16 : index
    %swap3A_14 = tpu.vector_load %arg14[%swap3A_12, %swap3A_13] {strides = array<i32>} : memref<16x128xf32, #tpu.memory_space<vmem>>, vector<1x16xf32>,
    %swap3A_15 = vector.shape_cast %swap3A_14 : vector<1x16xf32> to vector<16xf32>
    %swap3A_16 = vector.shape_cast %broadcast_in_dim3A_10 : vector<16xf32> to vector<1x16xf32>
    tpu.vector_store %arg14[%swap3A_12, %swap3A_13], %swap3A_16 {strides = array<i32>} : memref<16x128xf32, #tpu.memory_space<vmem>>, vector<1x16xf32>,
    %broadcast_in_dim3A_17 = arith.constant 0.000000e+00 : f32
    %broadcast_in_dim3A_18 = vector.broadcast %broadcast_in_dim3A_17 : f32 to vector<16xf32>
    %swap3A_19 = arith.constant 0 : i32
    %swap3A_20 = arith.index_cast %swap3A_19 : i32 to index
    %swap3A_21 = arith.constant 32 : index
    %swap3A_22 = tpu.vector_load %arg14[%swap3A_20, %swap3A_21] {strides = array<i32>} : memref<16x128xf32, #tpu.memory_space<vmem>>, vector<1x16xf32>,
    %swap3A_23 = vector.shape_cast %swap3A_22 : vector<1x16xf32> to vector<16xf32>
    %swap3A_24 = vector.shape_cast %broadcast_in_dim3A_18 : vector<16xf32> to vector<1x16xf32>
    tpu.vector_store %arg14[%swap3A_20, %swap3A_21], %swap3A_24 {strides = array<i32>} : memref<16x128xf32, #tpu.memory_space<vmem>>, vector<1x16xf32>,
    %broadcast_in_dim3A_25 = arith.constant 0.000000e+00 : f32
    %broadcast_in_dim3A_26 = vector.broadcast %broadcast_in_dim3A_25 : f32 to vector<16xf32>
    %swap3A_27 = arith.constant 0 : i32
    %swap3A_28 = arith.index_cast %swap3A_27 : i32 to index
    %swap3A_29 = arith.constant 48 : index
    %swap3A_30 = tpu.vector_load %arg14[%swap3A_28, %swap3A_29] {strides = array<i32>} : memref<16x128xf32, #tpu.memory_space<vmem>>, vector<1x16xf32>,
    %swap3A_31 = vector.shape_cast %swap3A_30 : vector<1x16xf32> to vector<16xf32>
    %swap3A_32 = vector.shape_cast %broadcast_in_dim3A_26 : vector<16xf32> to vector<1x16xf32>
    tpu.vector_store %arg14[%swap3A_28, %swap3A_29], %swap3A_32 {strides = array<i32>} : memref<16x128xf32, #tpu.memory_space<vmem>>, vector<1x16xf32>,
    %broadcast_in_dim3A_33 = arith.constant 0.000000e+00 : f32
    %broadcast_in_dim3A_34 = vector.broadcast %broadcast_in_dim3A_33 : f32 to vector<16xf32>
    %swap3A_35 = arith.constant 0 : i32
    %swap3A_36 = arith.index_cast %swap3A_35 : i32 to index
    %swap3A_37 = arith.constant 64 : index
    %swap3A_38 = tpu.vector_load %arg14[%swap3A_36, %swap3A_37] {strides = array<i32>} : memref<16x128xf32, #tpu.memory_space<vmem>>, vector<1x16xf32>,
    %swap3A_39 = vector.shape_cast %swap3A_38 : vector<1x16xf32> to vector<16xf32>
    %swap3A_40 = vector.shape_cast %broadcast_in_dim3A_34 : vector<16xf32> to vector<1x16xf32>
    tpu.vector_store %arg14[%swap3A_36, %swap3A_37], %swap3A_40 {strides = array<i32>} : memref<16x128xf32, #tpu.memory_space<vmem>>, vector<1x16xf32>,
    %broadcast_in_dim3A_41 = arith.constant 0.000000e+00 : f32
    %broadcast_in_dim3A_42 = vector.broadcast %broadcast_in_dim3A_41 : f32 to vector<16xf32>
    %swap3A_43 = arith.constant 0 : i32
    %swap3A_44 = arith.index_cast %swap3A_43 : i32 to index
    %swap3A_45 = arith.constant 80 : index
    %swap3A_46 = tpu.vector_load %arg14[%swap3A_44, %swap3A_45] {strides = array<i32>} : memref<16x128xf32, #tpu.memory_space<vmem>>, vector<1x16xf32>,
    %swap3A_47 = vector.shape_cast %swap3A_46 : vector<1x16xf32> to vector<16xf32>
    %swap3A_48 = vector.shape_cast %broadcast_in_dim3A_42 : vector<16xf32> to vector<1x16xf32>
    tpu.vector_store %arg14[%swap3A_44, %swap3A_45], %swap3A_48 {strides = array<i32>} : memref<16x128xf32, #tpu.memory_space<vmem>>, vector<1x16xf32>,
    %broadcast_in_dim3A_49 = arith.constant 0.000000e+00 : f32
    %broadcast_in_dim3A_50 = vector.broadcast %broadcast_in_dim3A_49 : f32 to vector<16xf32>
    %swap3A_51 = arith.constant 0 : i32
    %swap3A_52 = arith.index_cast %swap3A_51 : i32 to index
    %swap3A_53 = arith.constant 96 : index
    %swap3A_54 = tpu.vector_load %arg14[%swap3A_52, %swap3A_53] {strides = array<i32>} : memref<16x128xf32, #tpu.memory_space<vmem>>, vector<1x16xf32>,
    %swap3A_55 = vector.shape_cast %swap3A_54 : vector<1x16xf32> to vector<16xf32>
    %swap3A_56 = vector.shape_cast %broadcast_in_dim3A_50 : vector<16xf32> to vector<1x16xf32>
    tpu.vector_store %arg14[%swap3A_52, %swap3A_53], %swap3A_56 {strides = array<i32>} : memref<16x128xf32, #tpu.memory_space<vmem>>, vector<1x16xf32>,
    %broadcast_in_dim3A_57 = arith.constant 0.000000e+00 : f32
    %broadcast_in_dim3A_58 = vector.broadcast %broadcast_in_dim3A_57 : f32 to vector<16xf32>
    %swap3A_59 = arith.constant 0 : i32
    %swap3A_60 = arith.index_cast %swap3A_59 : i32 to index
    %swap3A_61 = arith.constant 112 : index
    %swap3A_62 = tpu.vector_load %arg14[%swap3A_60, %swap3A_61] {strides = array<i32>} : memref<16x128xf32, #tpu.memory_space<vmem>>, vector<1x16xf32>,
    %swap3A_63 = vector.shape_cast %swap3A_62 : vector<1x16xf32> to vector<16xf32>
    %swap3A_64 = vector.shape_cast %broadcast_in_dim3A_58 : vector<16xf32> to vector<1x16xf32>
    tpu.vector_store %arg14[%swap3A_60, %swap3A_61], %swap3A_64 {strides = array<i32>} : memref<16x128xf32, #tpu.memory_space<vmem>>, vector<1x16xf32>,
    %broadcast_in_dim3A_65 = arith.constant 0.000000e+00 : f32
    %broadcast_in_dim3A_66 = vector.broadcast %broadcast_in_dim3A_65 : f32 to vector<16xf32>
    %swap3A_67 = arith.constant 1 : i32
    %swap3A_68 = arith.index_cast %swap3A_67 : i32 to index
    %swap3A_69 = arith.constant 0 : index
    %swap3A_70 = tpu.vector_load %arg14[%swap3A_68, %swap3A_69] {strides = array<i32>} : memref<16x128xf32, #tpu.memory_space<vmem>>, vector<1x16xf32>,
    %swap3A_71 = vector.shape_cast %swap3A_70 : vector<1x16xf32> to vector<16xf32>
    %swap3A_72 = vector.shape_cast %broadcast_in_dim3A_66 : vector<16xf32> to vector<1x16xf32>
    tpu.vector_store %arg14[%swap3A_68, %swap3A_69], %swap3A_72 {strides = array<i32>} : memref<16x128xf32, #tpu.memory_space<vmem>>, vector<1x16xf32>,
    %broadcast_in_dim3A_73 = arith.constant 0.000000e+00 : f32
    %broadcast_in_dim3A_74 = vector.broadcast %broadcast_in_dim3A_73 : f32 to vector<16xf32>
    %swap3A_75 = arith.constant 1 : i32
    %swap3A_76 = arith.index_cast %swap3A_75 : i32 to index
    %swap3A_77 = arith.constant 16 : index
    %swap3A_78 = tpu.vector_load %arg14[%swap3A_76, %swap3A_77] {strides = array<i32>} : memref<16x128xf32, #tpu.memory_space<vmem>>, vector<1x16xf32>,
    %swap3A_79 = vector.shape_cast %swap3A_78 : vector<1x16xf32> to vector<16xf32>
    %swap3A_80 = vector.shape_cast %broadcast_in_dim3A_74 : vector<16xf32> to vector<1x16xf32>
    tpu.vector_store %arg14[%swap3A_76, %swap3A_77], %swap3A_80 {strides = array<i32>} : memref<16x128xf32, #tpu.memory_space<vmem>>, vector<1x16xf32>,
    %broadcast_in_dim3A_81 = arith.constant 0.000000e+00 : f32
    %broadcast_in_dim3A_82 = vector.broadcast %broadcast_in_dim3A_81 : f32 to vector<16xf32>
    %swap3A_83 = arith.constant 1 : i32
    %swap3A_84 = arith.index_cast %swap3A_83 : i32 to index
    %swap3A_85 = arith.constant 32 : index
    %swap3A_86 = tpu.vector_load %arg14[%swap3A_84, %swap3A_85] {strides = array<i32>} : memref<16x128xf32, #tpu.memory_space<vmem>>, vector<1x16xf32>,
    %swap3A_87 = vector.shape_cast %swap3A_86 : vector<1x16xf32> to vector<16xf32>
    %swap3A_88 = vector.shape_cast %broadcast_in_dim3A_82 : vector<16xf32> to vector<1x16xf32>
    tpu.vector_store %arg14[%swap3A_84, %swap3A_85], %swap3A_88 {strides = array<i32>} : memref<16x128xf32, #tpu.memory_space<vmem>>, vector<1x16xf32>,
    %broadcast_in_dim3A_89 = arith.constant 0.000000e+00 : f32
    %broadcast_in_dim3A_90 = vector.broadcast %broadcast_in_dim3A_89 : f32 to vector<16xf32>
    %swap3A_91 = arith.constant 1 : i32
    %swap3A_92 = arith.index_cast %swap3A_91 : i32 to index
    %swap3A_93 = arith.constant 48 : index
    %swap3A_94 = tpu.vector_load %arg14[%swap3A_92, %swap3A_93] {strides = array<i32>} : memref<16x128xf32, #tpu.memory_space<vmem>>, vector<1x16xf32>,
    %swap3A_95 = vector.shape_cast %swap3A_94 : vector<1x16xf32> to vector<16xf32>
    %swap3A_96 = vector.shape_cast %broadcast_in_dim3A_90 : vector<16xf32> to vector<1x16xf32>
    tpu.vector_store %arg14[%swap3A_92, %swap3A_93], %swap3A_96 {strides = array<i32>} : memref<16x128xf32, #tpu.memory_space<vmem>>, vector<1x16xf32>,
    %broadcast_in_dim3A_97 = arith.constant 0.000000e+00 : f32
    %broadcast_in_dim3A_98 = vector.broadcast %broadcast_in_dim3A_97 : f32 to vector<16xf32>
    %swap3A_99 = arith.constant 1 : i32
    %swap3A_100 = arith.index_cast %swap3A_99 : i32 to index
    %swap3A_101 = arith.constant 64 : index
    %swap3A_102 = tpu.vector_load %arg14[%swap3A_100, %swap3A_101] {strides = array<i32>} : memref<16x128xf32, #tpu.memory_space<vmem>>, vector<1x16xf32>,
    %swap3A_103 = vector.shape_cast %swap3A_102 : vector<1x16xf32> to vector<16xf32>
    %swap3A_104 = vector.shape_cast %broadcast_in_dim3A_98 : vector<16xf32> to vector<1x16xf32>
    tpu.vector_store %arg14[%swap3A_100, %swap3A_101], %swap3A_104 {strides = array<i32>} : memref<16x128xf32, #tpu.memory_space<vmem>>, vector<1x16xf32>,
    %broadcast_in_dim3A_105 = arith.constant 0.000000e+00 : f32
    %broadcast_in_dim3A_106 = vector.broadcast %broadcast_in_dim3A_105 : f32 to vector<16xf32>
    %swap3A_107 = arith.constant 1 : i32
    %swap3A_108 = arith.index_cast %swap3A_107 : i32 to index
    %swap3A_109 = arith.constant 80 : index
    %swap3A_110 = tpu.vector_load %arg14[%swap3A_108, %swap3A_109] {strides = array<i32>} : memref<16x128xf32, #tpu.memory_space<vmem>>, vector<1x16xf32>,
    %swap3A_111 = vector.shape_cast %swap3A_110 : vector<1x16xf32> to vector<16xf32>
    %swap3A_112 = vector.shape_cast %broadcast_in_dim3A_106 : vector<16xf32> to vector<1x16xf32>
    tpu.vector_store %arg14[%swap3A_108, %swap3A_109], %swap3A_112 {strides = array<i32>} : memref<16x128xf32, #tpu.memory_space<vmem>>, vector<1x16xf32>,
    %broadcast_in_dim3A_113 = arith.constant 0.000000e+00 : f32
    %broadcast_in_dim3A_114 = vector.broadcast %broadcast_in_dim3A_113 : f32 to vector<16xf32>
    %swap3A_115 = arith.constant 1 : i32
    %swap3A_116 = arith.index_cast %swap3A_115 : i32 to index
    %swap3A_117 = arith.constant 96 : index
    %swap3A_118 = tpu.vector_load %arg14[%swap3A_116, %swap3A_117] {strides = array<i32>} : memref<16x128xf32, #tpu.memory_space<vmem>>, vector<1x16xf32>,
    %swap3A_119 = vector.shape_cast %swap3A_118 : vector<1x16xf32> to vector<16xf32>
    %swap3A_120 = vector.shape_cast %broadcast_in_dim3A_114 : vector<16xf32> to vector<1x16xf32>
    tpu.vector_store %arg14[%swap3A_116, %swap3A_117], %swap3A_120 {strides = array<i32>} : memref<16x128xf32, #tpu.memory_space<vmem>>, vector<1x16xf32>,
    %broadcast_in_dim3A_121 = arith.constant 0.000000e+00 : f32
    %broadcast_in_dim3A_122 = vector.broadcast %broadcast_in_dim3A_121 : f32 to vector<16xf32>
    %swap3A_123 = arith.constant 1 : i32
    %swap3A_124 = arith.index_cast %swap3A_123 : i32 to index
    %swap3A_125 = arith.constant 112 : index
    %swap3A_126 = tpu.vector_load %arg14[%swap3A_124, %swap3A_125] {strides = array<i32>} : memref<16x128xf32, #tpu.memory_space<vmem>>, vector<1x16xf32>,
    %swap3A_127 = vector.shape_cast %swap3A_126 : vector<1x16xf32> to vector<16xf32>
    %swap3A_128 = vector.shape_cast %broadcast_in_dim3A_122 : vector<16xf32> to vector<1x16xf32>
    tpu.vector_store %arg14[%swap3A_124, %swap3A_125], %swap3A_128 {strides = array<i32>} : memref<16x128xf32, #tpu.memory_space<vmem>>, vector<1x16xf32>,
    %broadcast_in_dim3A_129 = arith.constant 0.000000e+00 : f32
    %broadcast_in_dim3A_130 = vector.broadcast %broadcast_in_dim3A_129 : f32 to vector<16xf32>
    %swap3A_131 = arith.constant 2 : i32
    %swap3A_132 = arith.index_cast %swap3A_131 : i32 to index
    %swap3A_133 = arith.constant 0 : index
    %swap3A_134 = tpu.vector_load %arg14[%swap3A_132, %swap3A_133] {strides = array<i32>} : memref<16x128xf32, #tpu.memory_space<vmem>>, vector<1x16xf32>,
    %swap3A_135 = vector.shape_cast %swap3A_134 : vector<1x16xf32> to vector<16xf32>
    %swap3A_136 = vector.shape_cast %broadcast_in_dim3A_130 : vector<16xf32> to vector<1x16xf32>
    tpu.vector_store %arg14[%swap3A_132, %swap3A_133], %swap3A_136 {strides = array<i32>} : memref<16x128xf32, #tpu.memory_space<vmem>>, vector<1x16xf32>,
    %broadcast_in_dim3A_137 = arith.constant 0.000000e+00 : f32
    %broadcast_in_dim3A_138 = vector.broadcast %broadcast_in_dim3A_137 : f32 to vector<16xf32>
    %swap3A_139 = arith.constant 2 : i32
    %swap3A_140 = arith.index_cast %swap3A_139 : i32 to index
    %swap3A_141 = arith.constant 16 : index
    %swap3A_142 = tpu.vector_load %arg14[%swap3A_140, %swap3A_141] {strides = array<i32>} : memref<16x128xf32, #tpu.memory_space<vmem>>, vector<1x16xf32>,
    %swap3A_143 = vector.shape_cast %swap3A_142 : vector<1x16xf32> to vector<16xf32>
    %swap3A_144 = vector.shape_cast %broadcast_in_dim3A_138 : vector<16xf32> to vector<1x16xf32>
    tpu.vector_store %arg14[%swap3A_140, %swap3A_141], %swap3A_144 {strides = array<i32>} : memref<16x128xf32, #tpu.memory_space<vmem>>, vector<1x16xf32>,
    %broadcast_in_dim3A_145 = arith.constant 0.000000e+00 : f32
    %broadcast_in_dim3A_146 = vector.broadcast %broadcast_in_dim3A_145 : f32 to vector<16xf32>
    %swap3A_147 = arith.constant 2 : i32
    %swap3A_148 = arith.index_cast %swap3A_147 : i32 to index
    %swap3A_149 = arith.constant 32 : index
    %swap3A_150 = tpu.vector_load %arg14[%swap3A_148, %swap3A_149] {strides = array<i32>} : memref<16x128xf32, #tpu.memory_space<vmem>>, vector<1x16xf32>,
    %swap3A_151 = vector.shape_cast %swap3A_150 : vector<1x16xf32> to vector<16xf32>
    %swap3A_152 = vector.shape_cast %broadcast_in_dim3A_146 : vector<16xf32> to vector<1x16xf32>
    tpu.vector_store %arg14[%swap3A_148, %swap3A_149], %swap3A_152 {strides = array<i32>} : memref<16x128xf32, #tpu.memory_space<vmem>>, vector<1x16xf32>,
    %broadcast_in_dim3A_153 = arith.constant 0.000000e+00 : f32
    %broadcast_in_dim3A_154 = vector.broadcast %broadcast_in_dim3A_153 : f32 to vector<16xf32>
    %swap3A_155 = arith.constant 2 : i32
    %swap3A_156 = arith.index_cast %swap3A_155 : i32 to index
    %swap3A_157 = arith.constant 48 : index
    %swap3A_158 = tpu.vector_load %arg14[%swap3A_156, %swap3A_157] {strides = array<i32>} : memref<16x128xf32, #tpu.memory_space<vmem>>, vector<1x16xf32>,
    %swap3A_159 = vector.shape_cast %swap3A_158 : vector<1x16xf32> to vector<16xf32>
    %swap3A_160 = vector.shape_cast %broadcast_in_dim3A_154 : vector<16xf32> to vector<1x16xf32>
    tpu.vector_store %arg14[%swap3A_156, %swap3A_157], %swap3A_160 {strides = array<i32>} : memref<16x128xf32, #tpu.memory_space<vmem>>, vector<1x16xf32>,
    %broadcast_in_dim3A_161 = arith.constant 0.000000e+00 : f32
    %broadcast_in_dim3A_162 = vector.broadcast %broadcast_in_dim3A_161 : f32 to vector<16xf32>
    %swap3A_163 = arith.constant 2 : i32
    %swap3A_164 = arith.index_cast %swap3A_163 : i32 to index
    %swap3A_165 = arith.constant 64 : index
    %swap3A_166 = tpu.vector_load %arg14[%swap3A_164, %swap3A_165] {strides = array<i32>} : memref<16x128xf32, #tpu.memory_space<vmem>>, vector<1x16xf32>,
    %swap3A_167 = vector.shape_cast %swap3A_166 : vector<1x16xf32> to vector<16xf32>
    %swap3A_168 = vector.shape_cast %broadcast_in_dim3A_162 : vector<16xf32> to vector<1x16xf32>
    tpu.vector_store %arg14[%swap3A_164, %swap3A_165], %swap3A_168 {strides = array<i32>} : memref<16x128xf32, #tpu.memory_space<vmem>>, vector<1x16xf32>,
    %broadcast_in_dim3A_169 = arith.constant 0.000000e+00 : f32
    %broadcast_in_dim3A_170 = vector.broadcast %broadcast_in_dim3A_169 : f32 to vector<16xf32>
    %swap3A_171 = arith.constant 2 : i32
    %swap3A_172 = arith.index_cast %swap3A_171 : i32 to index
    %swap3A_173 = arith.constant 80 : index
    %swap3A_174 = tpu.vector_load %arg14[%swap3A_172, %swap3A_173] {strides = array<i32>} : memref<16x128xf32, #tpu.memory_space<vmem>>, vector<1x16xf32>,
    %swap3A_175 = vector.shape_cast %swap3A_174 : vector<1x16xf32> to vector<16xf32>
    %swap3A_176 = vector.shape_cast %broadcast_in_dim3A_170 : vector<16xf32> to vector<1x16xf32>
    tpu.vector_store %arg14[%swap3A_172, %swap3A_173], %swap3A_176 {strides = array<i32>} : memref<16x128xf32, #tpu.memory_space<vmem>>, vector<1x16xf32>,
    %broadcast_in_dim3A_177 = arith.constant 0.000000e+00 : f32
    %broadcast_in_dim3A_178 = vector.broadcast %broadcast_in_dim3A_177 : f32 to vector<16xf32>
    %swap3A_179 = arith.constant 2 : i32
    %swap3A_180 = arith.index_cast %swap3A_179 : i32 to index
    %swap3A_181 = arith.constant 96 : index
    %swap3A_182 = tpu.vector_load %arg14[%swap3A_180, %swap3A_181] {strides = array<i32>} : memref<16x128xf32, #tpu.memory_space<vmem>>, vector<1x16xf32>,
    %swap3A_183 = vector.shape_cast %swap3A_182 : vector<1x16xf32> to vector<16xf32>
    %swap3A_184 = vector.shape_cast %broadcast_in_dim3A_178 : vector<16xf32> to vector<1x16xf32>
    tpu.vector_store %arg14[%swap3A_180, %swap3A_181], %swap3A_184 {strides = array<i32>} : memref<16x128xf32, #tpu.memory_space<vmem>>, vector<1x16xf32>,
    %broadcast_in_dim3A_185 = arith.constant 0.000000e+00 : f32
    %broadcast_in_dim3A_186 = vector.broadcast %broadcast_in_dim3A_185 : f32 to vector<16xf32>
    %swap3A_187 = arith.constant 2 : i32
    %swap3A_188 = arith.index_cast %swap3A_187 : i32 to index
    %swap3A_189 = arith.constant 112 : index
    %swap3A_190 = tpu.vector_load %arg14[%swap3A_188, %swap3A_189] {strides = array<i32>} : memref<16x128xf32, #tpu.memory_space<vmem>>, vector<1x16xf32>,
    %swap3A_191 = vector.shape_cast %swap3A_190 : vector<1x16xf32> to vector<16xf32>
    %swap3A_192 = vector.shape_cast %broadcast_in_dim3A_186 : vector<16xf32> to vector<1x16xf32>
    tpu.vector_store %arg14[%swap3A_188, %swap3A_189], %swap3A_192 {strides = array<i32>} : memref<16x128xf32, #tpu.memory_space<vmem>>, vector<1x16xf32>,
    %broadcast_in_dim3A_193 = arith.constant 0.000000e+00 : f32
    %broadcast_in_dim3A_194 = vector.broadcast %broadcast_in_dim3A_193 : f32 to vector<16xf32>
    %swap3A_195 = arith.constant 3 : i32
    %swap3A_196 = arith.index_cast %swap3A_195 : i32 to index
    %swap3A_197 = arith.constant 0 : index
    %swap3A_198 = tpu.vector_load %arg14[%swap3A_196, %swap3A_197] {strides = array<i32>} : memref<16x128xf32, #tpu.memory_space<vmem>>, vector<1x16xf32>,
    %swap3A_199 = vector.shape_cast %swap3A_198 : vector<1x16xf32> to vector<16xf32>
    %swap3A_200 = vector.shape_cast %broadcast_in_dim3A_194 : vector<16xf32> to vector<1x16xf32>
    tpu.vector_store %arg14[%swap3A_196, %swap3A_197], %swap3A_200 {strides = array<i32>} : memref<16x128xf32, #tpu.memory_space<vmem>>, vector<1x16xf32>,
    %broadcast_in_dim3A_201 = arith.constant 0.000000e+00 : f32
    %broadcast_in_dim3A_202 = vector.broadcast %broadcast_in_dim3A_201 : f32 to vector<16xf32>
    %swap3A_203 = arith.constant 3 : i32
    %swap3A_204 = arith.index_cast %swap3A_203 : i32 to index
    %swap3A_205 = arith.constant 16 : index
    %swap3A_206 = tpu.vector_load %arg14[%swap3A_204, %swap3A_205] {strides = array<i32>} : memref<16x128xf32, #tpu.memory_space<vmem>>, vector<1x16xf32>,
    %swap3A_207 = vector.shape_cast %swap3A_206 : vector<1x16xf32> to vector<16xf32>
    %swap3A_208 = vector.shape_cast %broadcast_in_dim3A_202 : vector<16xf32> to vector<1x16xf32>
    tpu.vector_store %arg14[%swap3A_204, %swap3A_205], %swap3A_208 {strides = array<i32>} : memref<16x128xf32, #tpu.memory_space<vmem>>, vector<1x16xf32>,
    %broadcast_in_dim3A_209 = arith.constant 0.000000e+00 : f32
    %broadcast_in_dim3A_210 = vector.broadcast %broadcast_in_dim3A_209 : f32 to vector<16xf32>
    %swap3A_211 = arith.constant 3 : i32
    %swap3A_212 = arith.index_cast %swap3A_211 : i32 to index
    %swap3A_213 = arith.constant 32 : index
    %swap3A_214 = tpu.vector_load %arg14[%swap3A_212, %swap3A_213] {strides = array<i32>} : memref<16x128xf32, #tpu.memory_space<vmem>>, vector<1x16xf32>,
    %swap3A_215 = vector.shape_cast %swap3A_214 : vector<1x16xf32> to vector<16xf32>
    %swap3A_216 = vector.shape_cast %broadcast_in_dim3A_210 : vector<16xf32> to vector<1x16xf32>
    tpu.vector_store %arg14[%swap3A_212, %swap3A_213], %swap3A_216 {strides = array<i32>} : memref<16x128xf32, #tpu.memory_space<vmem>>, vector<1x16xf32>,
    %broadcast_in_dim3A_217 = arith.constant 0.000000e+00 : f32
    %broadcast_in_dim3A_218 = vector.broadcast %broadcast_in_dim3A_217 : f32 to vector<16xf32>
    %swap3A_219 = arith.constant 3 : i32
    %swap3A_220 = arith.index_cast %swap3A_219 : i32 to index
    %swap3A_221 = arith.constant 48 : index
    %swap3A_222 = tpu.vector_load %arg14[%swap3A_220, %swap3A_221] {strides = array<i32>} : memref<16x128xf32, #tpu.memory_space<vmem>>, vector<1x16xf32>,
    %swap3A_223 = vector.shape_cast %swap3A_222 : vector<1x16xf32> to vector<16xf32>
    %swap3A_224 = vector.shape_cast %broadcast_in_dim3A_218 : vector<16xf32> to vector<1x16xf32>
    tpu.vector_store %arg14[%swap3A_220, %swap3A_221], %swap3A_224 {strides = array<i32>} : memref<16x128xf32, #tpu.memory_space<vmem>>, vector<1x16xf32>,
    %broadcast_in_dim3A_225 = arith.constant 0.000000e+00 : f32
    %broadcast_in_dim3A_226 = vector.broadcast %broadcast_in_dim3A_225 : f32 to vector<16xf32>
    %swap3A_227 = arith.constant 3 : i32
    %swap3A_228 = arith.index_cast %swap3A_227 : i32 to index
    %swap3A_229 = arith.constant 64 : index
    %swap3A_230 = tpu.vector_load %arg14[%swap3A_228, %swap3A_229] {strides = array<i32>} : memref<16x128xf32, #tpu.memory_space<vmem>>, vector<1x16xf32>,
    %swap3A_231 = vector.shape_cast %swap3A_230 : vector<1x16xf32> to vector<16xf32>
    %swap3A_232 = vector.shape_cast %broadcast_in_dim3A_226 : vector<16xf32> to vector<1x16xf32>
    tpu.vector_store %arg14[%swap3A_228, %swap3A_229], %swap3A_232 {strides = array<i32>} : memref<16x128xf32, #tpu.memory_space<vmem>>, vector<1x16xf32>,
    %broadcast_in_dim3A_233 = arith.constant 0.000000e+00 : f32
    %broadcast_in_dim3A_234 = vector.broadcast %broadcast_in_dim3A_233 : f32 to vector<16xf32>
    %swap3A_235 = arith.constant 3 : i32
    %swap3A_236 = arith.index_cast %swap3A_235 : i32 to index
    %swap3A_237 = arith.constant 80 : index
    %swap3A_238 = tpu.vector_load %arg14[%swap3A_236, %swap3A_237] {strides = array<i32>} : memref<16x128xf32, #tpu.memory_space<vmem>>, vector<1x16xf32>,
    %swap3A_239 = vector.shape_cast %swap3A_238 : vector<1x16xf32> to vector<16xf32>
    %swap3A_240 = vector.shape_cast %broadcast_in_dim3A_234 : vector<16xf32> to vector<1x16xf32>
    tpu.vector_store %arg14[%swap3A_236, %swap3A_237], %swap3A_240 {strides = array<i32>} : memref<16x128xf32, #tpu.memory_space<vmem>>, vector<1x16xf32>,
    %broadcast_in_dim3A_241 = arith.constant 0.000000e+00 : f32
    %broadcast_in_dim3A_242 = vector.broadcast %broadcast_in_dim3A_241 : f32 to vector<16xf32>
    %swap3A_243 = arith.constant 3 : i32
    %swap3A_244 = arith.index_cast %swap3A_243 : i32 to index
    %swap3A_245 = arith.constant 96 : index
    %swap3A_246 = tpu.vector_load %arg14[%swap3A_244, %swap3A_245] {strides = array<i32>} : memref<16x128xf32, #tpu.memory_space<vmem>>, vector<1x16xf32>,
    %swap3A_247 = vector.shape_cast %swap3A_246 : vector<1x16xf32> to vector<16xf32>
    %swap3A_248 = vector.shape_cast %broadcast_in_dim3A_242 : vector<16xf32> to vector<1x16xf32>
    tpu.vector_store %arg14[%swap3A_244, %swap3A_245], %swap3A_248 {strides = array<i32>} : memref<16x128xf32, #tpu.memory_space<vmem>>, vector<1x16xf32>,
    %broadcast_in_dim3A_249 = arith.constant 0.000000e+00 : f32
    %broadcast_in_dim3A_250 = vector.broadcast %broadcast_in_dim3A_249 : f32 to vector<16xf32>
    %swap3A_251 = arith.constant 3 : i32
    %swap3A_252 = arith.index_cast %swap3A_251 : i32 to index
    %swap3A_253 = arith.constant 112 : index
    %swap3A_254 = tpu.vector_load %arg14[%swap3A_252, %swap3A_253] {strides = array<i32>} : memref<16x128xf32, #tpu.memory_space<vmem>>, vector<1x16xf32>,
    %swap3A_255 = vector.shape_cast %swap3A_254 : vector<1x16xf32> to vector<16xf32>
    %swap3A_256 = vector.shape_cast %broadcast_in_dim3A_250 : vector<16xf32> to vector<1x16xf32>
    tpu.vector_store %arg14[%swap3A_252, %swap3A_253], %swap3A_256 {strides = array<i32>} : memref<16x128xf32, #tpu.memory_space<vmem>>, vector<1x16xf32>,
    %broadcast_in_dim3A_257 = arith.constant 0.000000e+00 : f32
    %broadcast_in_dim3A_258 = vector.broadcast %broadcast_in_dim3A_257 : f32 to vector<16xf32>
    %swap3A_259 = arith.constant 4 : i32
    %swap3A_260 = arith.index_cast %swap3A_259 : i32 to index
    %swap3A_261 = arith.constant 0 : index
    %swap3A_262 = tpu.vector_load %arg14[%swap3A_260, %swap3A_261] {strides = array<i32>} : memref<16x128xf32, #tpu.memory_space<vmem>>, vector<1x16xf32>,
    %swap3A_263 = vector.shape_cast %swap3A_262 : vector<1x16xf32> to vector<16xf32>
    %swap3A_264 = vector.shape_cast %broadcast_in_dim3A_258 : vector<16xf32> to vector<1x16xf32>
    tpu.vector_store %arg14[%swap3A_260, %swap3A_261], %swap3A_264 {strides = array<i32>} : memref<16x128xf32, #tpu.memory_space<vmem>>, vector<1x16xf32>,
    %broadcast_in_dim3A_265 = arith.constant 0.000000e+00 : f32
    %broadcast_in_dim3A_266 = vector.broadcast %broadcast_in_dim3A_265 : f32 to vector<16xf32>
    %swap3A_267 = arith.constant 4 : i32
    %swap3A_268 = arith.index_cast %swap3A_267 : i32 to index
    %swap3A_269 = arith.constant 16 : index
    %swap3A_270 = tpu.vector_load %arg14[%swap3A_268, %swap3A_269] {strides = array<i32>} : memref<16x128xf32, #tpu.memory_space<vmem>>, vector<1x16xf32>,
    %swap3A_271 = vector.shape_cast %swap3A_270 : vector<1x16xf32> to vector<16xf32>
    %swap3A_272 = vector.shape_cast %broadcast_in_dim3A_266 : vector<16xf32> to vector<1x16xf32>
    tpu.vector_store %arg14[%swap3A_268, %swap3A_269], %swap3A_272 {strides = array<i32>} : memref<16x128xf32, #tpu.memory_space<vmem>>, vector<1x16xf32>,
    %broadcast_in_dim3A_273 = arith.constant 0.000000e+00 : f32
    %broadcast_in_dim3A_274 = vector.broadcast %broadcast_in_dim3A_273 : f32 to vector<16xf32>
    %swap3A_275 = arith.constant 4 : i32
    %swap3A_276 = arith.index_cast %swap3A_275 : i32 to index
    %swap3A_277 = arith.constant 32 : index
    %swap3A_278 = tpu.vector_load %arg14[%swap3A_276, %swap3A_277] {strides = array<i32>} : memref<16x128xf32, #tpu.memory_space<vmem>>, vector<1x16xf32>,
    %swap3A_279 = vector.shape_cast %swap3A_278 : vector<1x16xf32> to vector<16xf32>
    %swap3A_280 = vector.shape_cast %broadcast_in_dim3A_274 : vector<16xf32> to vector<1x16xf32>
    tpu.vector_store %arg14[%swap3A_276, %swap3A_277], %swap3A_280 {strides = array<i32>} : memref<16x128xf32, #tpu.memory_space<vmem>>, vector<1x16xf32>,
    %broadcast_in_dim3A_281 = arith.constant 0.000000e+00 : f32
    %broadcast_in_dim3A_282 = vector.broadcast %broadcast_in_dim3A_281 : f32 to vector<16xf32>
    %swap3A_283 = arith.constant 4 : i32
    %swap3A_284 = arith.index_cast %swap3A_283 : i32 to index
    %swap3A_285 = arith.constant 48 : index
    %swap3A_286 = tpu.vector_load %arg14[%swap3A_284, %swap3A_285] {strides = array<i32>} : memref<16x128xf32, #tpu.memory_space<vmem>>, vector<1x16xf32>,
    %swap3A_287 = vector.shape_cast %swap3A_286 : vector<1x16xf32> to vector<16xf32>
    %swap3A_288 = vector.shape_cast %broadcast_in_dim3A_282 : vector<16xf32> to vector<1x16xf32>
    tpu.vector_store %arg14[%swap3A_284, %swap3A_285], %swap3A_288 {strides = array<i32>} : memref<16x128xf32, #tpu.memory_space<vmem>>, vector<1x16xf32>,
    %broadcast_in_dim3A_289 = arith.constant 0.000000e+00 : f32
    %broadcast_in_dim3A_290 = vector.broadcast %broadcast_in_dim3A_289 : f32 to vector<16xf32>
    %swap3A_291 = arith.constant 4 : i32
    %swap3A_292 = arith.index_cast %swap3A_291 : i32 to index
    %swap3A_293 = arith.constant 64 : index
    %swap3A_294 = tpu.vector_load %arg14[%swap3A_292, %swap3A_293] {strides = array<i32>} : memref<16x128xf32, #tpu.memory_space<vmem>>, vector<1x16xf32>,
    %swap3A_295 = vector.shape_cast %swap3A_294 : vector<1x16xf32> to vector<16xf32>
    %swap3A_296 = vector.shape_cast %broadcast_in_dim3A_290 : vector<16xf32> to vector<1x16xf32>
    tpu.vector_store %arg14[%swap3A_292, %swap3A_293], %swap3A_296 {strides = array<i32>} : memref<16x128xf32, #tpu.memory_space<vmem>>, vector<1x16xf32>,
    %broadcast_in_dim3A_297 = arith.constant 0.000000e+00 : f32
    %broadcast_in_dim3A_298 = vector.broadcast %broadcast_in_dim3A_297 : f32 to vector<16xf32>
    %swap3A_299 = arith.constant 4 : i32
    %swap3A_300 = arith.index_cast %swap3A_299 : i32 to index
    %swap3A_301 = arith.constant 80 : index
    %swap3A_302 = tpu.vector_load %arg14[%swap3A_300, %swap3A_301] {strides = array<i32>} : memref<16x128xf32, #tpu.memory_space<vmem>>, vector<1x16xf32>,
    %swap3A_303 = vector.shape_cast %swap3A_302 : vector<1x16xf32> to vector<16xf32>
    %swap3A_304 = vector.shape_cast %broadcast_in_dim3A_298 : vector<16xf32> to vector<1x16xf32>
    tpu.vector_store %arg14[%swap3A_300, %swap3A_301], %swap3A_304 {strides = array<i32>} : memref<16x128xf32, #tpu.memory_space<vmem>>, vector<1x16xf32>,
    %broadcast_in_dim3A_305 = arith.constant 0.000000e+00 : f32
    %broadcast_in_dim3A_306 = vector.broadcast %broadcast_in_dim3A_305 : f32 to vector<16xf32>
    %swap3A_307 = arith.constant 4 : i32
    %swap3A_308 = arith.index_cast %swap3A_307 : i32 to index
    %swap3A_309 = arith.constant 96 : index
    %swap3A_310 = tpu.vector_load %arg14[%swap3A_308, %swap3A_309] {strides = array<i32>} : memref<16x128xf32, #tpu.memory_space<vmem>>, vector<1x16xf32>,
    %swap3A_311 = vector.shape_cast %swap3A_310 : vector<1x16xf32> to vector<16xf32>
    %swap3A_312 = vector.shape_cast %broadcast_in_dim3A_306 : vector<16xf32> to vector<1x16xf32>
    tpu.vector_store %arg14[%swap3A_308, %swap3A_309], %swap3A_312 {strides = array<i32>} : memref<16x128xf32, #tpu.memory_space<vmem>>, vector<1x16xf32>,
    %broadcast_in_dim3A_313 = arith.constant 0.000000e+00 : f32
    %broadcast_in_dim3A_314 = vector.broadcast %broadcast_in_dim3A_313 : f32 to vector<16xf32>
    %swap3A_315 = arith.constant 4 : i32
    %swap3A_316 = arith.index_cast %swap3A_315 : i32 to index
    %swap3A_317 = arith.constant 112 : index
    %swap3A_318 = tpu.vector_load %arg14[%swap3A_316, %swap3A_317] {strides = array<i32>} : memref<16x128xf32, #tpu.memory_space<vmem>>, vector<1x16xf32>,
    %swap3A_319 = vector.shape_cast %swap3A_318 : vector<1x16xf32> to vector<16xf32>
    %swap3A_320 = vector.shape_cast %broadcast_in_dim3A_314 : vector<16xf32> to vector<1x16xf32>
    tpu.vector_store %arg14[%swap3A_316, %swap3A_317], %swap3A_320 {strides = array<i32>} : memref<16x128xf32, #tpu.memory_space<vmem>>, vector<1x16xf32>,
    %broadcast_in_dim3A_321 = arith.constant 0.000000e+00 : f32
    %broadcast_in_dim3A_322 = vector.broadcast %broadcast_in_dim3A_321 : f32 to vector<16xf32>
    %swap3A_323 = arith.constant 5 : i32
    %swap3A_324 = arith.index_cast %swap3A_323 : i32 to index
    %swap3A_325 = arith.constant 0 : index
    %swap3A_326 = tpu.vector_load %arg14[%swap3A_324, %swap3A_325] {strides = array<i32>} : memref<16x128xf32, #tpu.memory_space<vmem>>, vector<1x16xf32>,
    %swap3A_327 = vector.shape_cast %swap3A_326 : vector<1x16xf32> to vector<16xf32>
    %swap3A_328 = vector.shape_cast %broadcast_in_dim3A_322 : vector<16xf32> to vector<1x16xf32>
    tpu.vector_store %arg14[%swap3A_324, %swap3A_325], %swap3A_328 {strides = array<i32>} : memref<16x128xf32, #tpu.memory_space<vmem>>, vector<1x16xf32>,
    %broadcast_in_dim3A_329 = arith.constant 0.000000e+00 : f32
    %broadcast_in_dim3A_330 = vector.broadcast %broadcast_in_dim3A_329 : f32 to vector<16xf32>
    %swap3A_331 = arith.constant 5 : i32
    %swap3A_332 = arith.index_cast %swap3A_331 : i32 to index
    %swap3A_333 = arith.constant 16 : index
    %swap3A_334 = tpu.vector_load %arg14[%swap3A_332, %swap3A_333] {strides = array<i32>} : memref<16x128xf32, #tpu.memory_space<vmem>>, vector<1x16xf32>,
    %swap3A_335 = vector.shape_cast %swap3A_334 : vector<1x16xf32> to vector<16xf32>
    %swap3A_336 = vector.shape_cast %broadcast_in_dim3A_330 : vector<16xf32> to vector<1x16xf32>
    tpu.vector_store %arg14[%swap3A_332, %swap3A_333], %swap3A_336 {strides = array<i32>} : memref<16x128xf32, #tpu.memory_space<vmem>>, vector<1x16xf32>,
    %broadcast_in_dim3A_337 = arith.constant 0.000000e+00 : f32
    %broadcast_in_dim3A_338 = vector.broadcast %broadcast_in_dim3A_337 : f32 to vector<16xf32>
    %swap3A_339 = arith.constant 5 : i32
    %swap3A_340 = arith.index_cast %swap3A_339 : i32 to index
    %swap3A_341 = arith.constant 32 : index
    %swap3A_342 = tpu.vector_load %arg14[%swap3A_340, %swap3A_341] {strides = array<i32>} : memref<16x128xf32, #tpu.memory_space<vmem>>, vector<1x16xf32>,
    %swap3A_343 = vector.shape_cast %swap3A_342 : vector<1x16xf32> to vector<16xf32>
    %swap3A_344 = vector.shape_cast %broadcast_in_dim3A_338 : vector<16xf32> to vector<1x16xf32>
    tpu.vector_store %arg14[%swap3A_340, %swap3A_341], %swap3A_344 {strides = array<i32>} : memref<16x128xf32, #tpu.memory_space<vmem>>, vector<1x16xf32>,
    %broadcast_in_dim3A_345 = arith.constant 0.000000e+00 : f32
    %broadcast_in_dim3A_346 = vector.broadcast %broadcast_in_dim3A_345 : f32 to vector<16xf32>
    %swap3A_347 = arith.constant 5 : i32
    %swap3A_348 = arith.index_cast %swap3A_347 : i32 to index
    %swap3A_349 = arith.constant 48 : index
    %swap3A_350 = tpu.vector_load %arg14[%swap3A_348, %swap3A_349] {strides = array<i32>} : memref<16x128xf32, #tpu.memory_space<vmem>>, vector<1x16xf32>,
    %swap3A_351 = vector.shape_cast %swap3A_350 : vector<1x16xf32> to vector<16xf32>
    %swap3A_352 = vector.shape_cast %broadcast_in_dim3A_346 : vector<16xf32> to vector<1x16xf32>
    tpu.vector_store %arg14[%swap3A_348, %swap3A_349], %swap3A_352 {strides = array<i32>} : memref<16x128xf32, #tpu.memory_space<vmem>>, vector<1x16xf32>,
    %broadcast_in_dim3A_353 = arith.constant 0.000000e+00 : f32
    %broadcast_in_dim3A_354 = vector.broadcast %broadcast_in_dim3A_353 : f32 to vector<16xf32>
    %swap3A_355 = arith.constant 5 : i32
    %swap3A_356 = arith.index_cast %swap3A_355 : i32 to index
    %swap3A_357 = arith.constant 64 : index
    %swap3A_358 = tpu.vector_load %arg14[%swap3A_356, %swap3A_357] {strides = array<i32>} : memref<16x128xf32, #tpu.memory_space<vmem>>, vector<1x16xf32>,
    %swap3A_359 = vector.shape_cast %swap3A_358 : vector<1x16xf32> to vector<16xf32>
    %swap3A_360 = vector.shape_cast %broadcast_in_dim3A_354 : vector<16xf32> to vector<1x16xf32>
    tpu.vector_store %arg14[%swap3A_356, %swap3A_357], %swap3A_360 {strides = array<i32>} : memref<16x128xf32, #tpu.memory_space<vmem>>, vector<1x16xf32>,
    %broadcast_in_dim3A_361 = arith.constant 0.000000e+00 : f32
    %broadcast_in_dim3A_362 = vector.broadcast %broadcast_in_dim3A_361 : f32 to vector<16xf32>
    %swap3A_363 = arith.constant 5 : i32
    %swap3A_364 = arith.index_cast %swap3A_363 : i32 to index
    %swap3A_365 = arith.constant 80 : index
    %swap3A_366 = tpu.vector_load %arg14[%swap3A_364, %swap3A_365] {strides = array<i32>} : memref<16x128xf32, #tpu.memory_space<vmem>>, vector<1x16xf32>,
    %swap3A_367 = vector.shape_cast %swap3A_366 : vector<1x16xf32> to vector<16xf32>
    %swap3A_368 = vector.shape_cast %broadcast_in_dim3A_362 : vector<16xf32> to vector<1x16xf32>
    tpu.vector_store %arg14[%swap3A_364, %swap3A_365], %swap3A_368 {strides = array<i32>} : memref<16x128xf32, #tpu.memory_space<vmem>>, vector<1x16xf32>,
    %broadcast_in_dim3A_369 = arith.constant 0.000000e+00 : f32
    %broadcast_in_dim3A_370 = vector.broadcast %broadcast_in_dim3A_369 : f32 to vector<16xf32>
    %swap3A_371 = arith.constant 5 : i32
    %swap3A_372 = arith.index_cast %swap3A_371 : i32 to index
    %swap3A_373 = arith.constant 96 : index
    %swap3A_374 = tpu.vector_load %arg14[%swap3A_372, %swap3A_373] {strides = array<i32>} : memref<16x128xf32, #tpu.memory_space<vmem>>, vector<1x16xf32>,
    %swap3A_375 = vector.shape_cast %swap3A_374 : vector<1x16xf32> to vector<16xf32>
    %swap3A_376 = vector.shape_cast %broadcast_in_dim3A_370 : vector<16xf32> to vector<1x16xf32>
    tpu.vector_store %arg14[%swap3A_372, %swap3A_373], %swap3A_376 {strides = array<i32>} : memref<16x128xf32, #tpu.memory_space<vmem>>, vector<1x16xf32>,
    %broadcast_in_dim3A_377 = arith.constant 0.000000e+00 : f32
    %broadcast_in_dim3A_378 = vector.broadcast %broadcast_in_dim3A_377 : f32 to vector<16xf32>
    %swap3A_379 = arith.constant 5 : i32
    %swap3A_380 = arith.index_cast %swap3A_379 : i32 to index
    %swap3A_381 = arith.constant 112 : index
    %swap3A_382 = tpu.vector_load %arg14[%swap3A_380, %swap3A_381] {strides = array<i32>} : memref<16x128xf32, #tpu.memory_space<vmem>>, vector<1x16xf32>,
    %swap3A_383 = vector.shape_cast %swap3A_382 : vector<1x16xf32> to vector<16xf32>
    %swap3A_384 = vector.shape_cast %broadcast_in_dim3A_378 : vector<16xf32> to vector<1x16xf32>
    tpu.vector_store %arg14[%swap3A_380, %swap3A_381], %swap3A_384 {strides = array<i32>} : memref<16x128xf32, #tpu.memory_space<vmem>>, vector<1x16xf32>,
    %broadcast_in_dim3A_385 = arith.constant 0.000000e+00 : f32
    %broadcast_in_dim3A_386 = vector.broadcast %broadcast_in_dim3A_385 : f32 to vector<16xf32>
    %swap3A_387 = arith.constant 6 : i32
    %swap3A_388 = arith.index_cast %swap3A_387 : i32 to index
    %swap3A_389 = arith.constant 0 : index
    %swap3A_390 = tpu.vector_load %arg14[%swap3A_388, %swap3A_389] {strides = array<i32>} : memref<16x128xf32, #tpu.memory_space<vmem>>, vector<1x16xf32>,
    %swap3A_391 = vector.shape_cast %swap3A_390 : vector<1x16xf32> to vector<16xf32>
    %swap3A_392 = vector.shape_cast %broadcast_in_dim3A_386 : vector<16xf32> to vector<1x16xf32>
    tpu.vector_store %arg14[%swap3A_388, %swap3A_389], %swap3A_392 {strides = array<i32>} : memref<16x128xf32, #tpu.memory_space<vmem>>, vector<1x16xf32>,
    %broadcast_in_dim3A_393 = arith.constant 0.000000e+00 : f32
    %broadcast_in_dim3A_394 = vector.broadcast %broadcast_in_dim3A_393 : f32 to vector<16xf32>
    %swap3A_395 = arith.constant 6 : i32
    %swap3A_396 = arith.index_cast %swap3A_395 : i32 to index
    %swap3A_397 = arith.constant 16 : index
    %swap3A_398 = tpu.vector_load %arg14[%swap3A_396, %swap3A_397] {strides = array<i32>} : memref<16x128xf32, #tpu.memory_space<vmem>>, vector<1x16xf32>,
    %swap3A_399 = vector.shape_cast %swap3A_398 : vector<1x16xf32> to vector<16xf32>
    %swap3A_400 = vector.shape_cast %broadcast_in_dim3A_394 : vector<16xf32> to vector<1x16xf32>
    tpu.vector_store %arg14[%swap3A_396, %swap3A_397], %swap3A_400 {strides = array<i32>} : memref<16x128xf32, #tpu.memory_space<vmem>>, vector<1x16xf32>,
    %broadcast_in_dim3A_401 = arith.constant 0.000000e+00 : f32
    %broadcast_in_dim3A_402 = vector.broadcast %broadcast_in_dim3A_401 : f32 to vector<16xf32>
    %swap3A_403 = arith.constant 6 : i32
    %swap3A_404 = arith.index_cast %swap3A_403 : i32 to index
    %swap3A_405 = arith.constant 32 : index
    %swap3A_406 = tpu.vector_load %arg14[%swap3A_404, %swap3A_405] {strides = array<i32>} : memref<16x128xf32, #tpu.memory_space<vmem>>, vector<1x16xf32>,
    %swap3A_407 = vector.shape_cast %swap3A_406 : vector<1x16xf32> to vector<16xf32>
    %swap3A_408 = vector.shape_cast %broadcast_in_dim3A_402 : vector<16xf32> to vector<1x16xf32>
    tpu.vector_store %arg14[%swap3A_404, %swap3A_405], %swap3A_408 {strides = array<i32>} : memref<16x128xf32, #tpu.memory_space<vmem>>, vector<1x16xf32>,
    %broadcast_in_dim3A_409 = arith.constant 0.000000e+00 : f32
    %broadcast_in_dim3A_410 = vector.broadcast %broadcast_in_dim3A_409 : f32 to vector<16xf32>
    %swap3A_411 = arith.constant 6 : i32
    %swap3A_412 = arith.index_cast %swap3A_411 : i32 to index
    %swap3A_413 = arith.constant 48 : index
    %swap3A_414 = tpu.vector_load %arg14[%swap3A_412, %swap3A_413] {strides = array<i32>} : memref<16x128xf32, #tpu.memory_space<vmem>>, vector<1x16xf32>,
    %swap3A_415 = vector.shape_cast %swap3A_414 : vector<1x16xf32> to vector<16xf32>
    %swap3A_416 = vector.shape_cast %broadcast_in_dim3A_410 : vector<16xf32> to vector<1x16xf32>
    tpu.vector_store %arg14[%swap3A_412, %swap3A_413], %swap3A_416 {strides = array<i32>} : memref<16x128xf32, #tpu.memory_space<vmem>>, vector<1x16xf32>,
    %broadcast_in_dim3A_417 = arith.constant 0.000000e+00 : f32
    %broadcast_in_dim3A_418 = vector.broadcast %broadcast_in_dim3A_417 : f32 to vector<16xf32>
    %swap3A_419 = arith.constant 6 : i32
    %swap3A_420 = arith.index_cast %swap3A_419 : i32 to index
    %swap3A_421 = arith.constant 64 : index
    %swap3A_422 = tpu.vector_load %arg14[%swap3A_420, %swap3A_421] {strides = array<i32>} : memref<16x128xf32, #tpu.memory_space<vmem>>, vector<1x16xf32>,
    %swap3A_423 = vector.shape_cast %swap3A_422 : vector<1x16xf32> to vector<16xf32>
    %swap3A_424 = vector.shape_cast %broadcast_in_dim3A_418 : vector<16xf32> to vector<1x16xf32>
    tpu.vector_store %arg14[%swap3A_420, %swap3A_421], %swap3A_424 {strides = array<i32>} : memref<16x128xf32, #tpu.memory_space<vmem>>, vector<1x16xf32>,
    %broadcast_in_dim3A_425 = arith.constant 0.000000e+00 : f32
    %broadcast_in_dim3A_426 = vector.broadcast %broadcast_in_dim3A_425 : f32 to vector<16xf32>
    %swap3A_427 = arith.constant 6 : i32
    %swap3A_428 = arith.index_cast %swap3A_427 : i32 to index
    %swap3A_429 = arith.constant 80 : index
    %swap3A_430 = tpu.vector_load %arg14[%swap3A_428, %swap3A_429] {strides = array<i32>} : memref<16x128xf32, #tpu.memory_space<vmem>>, vector<1x16xf32>,
    %swap3A_431 = vector.shape_cast %swap3A_430 : vector<1x16xf32> to vector<16xf32>
    %swap3A_432 = vector.shape_cast %broadcast_in_dim3A_426 : vector<16xf32> to vector<1x16xf32>
    tpu.vector_store %arg14[%swap3A_428, %swap3A_429], %swap3A_432 {strides = array<i32>} : memref<16x128xf32, #tpu.memory_space<vmem>>, vector<1x16xf32>,
    %broadcast_in_dim3A_433 = arith.constant 0.000000e+00 : f32
    %broadcast_in_dim3A_434 = vector.broadcast %broadcast_in_dim3A_433 : f32 to vector<16xf32>
    %swap3A_435 = arith.constant 6 : i32
    %swap3A_436 = arith.index_cast %swap3A_435 : i32 to index
    %swap3A_437 = arith.constant 96 : index
    %swap3A_438 = tpu.vector_load %arg14[%swap3A_436, %swap3A_437] {strides = array<i32>} : memref<16x128xf32, #tpu.memory_space<vmem>>, vector<1x16xf32>,
    %swap3A_439 = vector.shape_cast %swap3A_438 : vector<1x16xf32> to vector<16xf32>
    %swap3A_440 = vector.shape_cast %broadcast_in_dim3A_434 : vector<16xf32> to vector<1x16xf32>
    tpu.vector_store %arg14[%swap3A_436, %swap3A_437], %swap3A_440 {strides = array<i32>} : memref<16x128xf32, #tpu.memory_space<vmem>>, vector<1x16xf32>,
    %broadcast_in_dim3A_441 = arith.constant 0.000000e+00 : f32
    %broadcast_in_dim3A_442 = vector.broadcast %broadcast_in_dim3A_441 : f32 to vector<16xf32>
    %swap3A_443 = arith.constant 6 : i32
    %swap3A_444 = arith.index_cast %swap3A_443 : i32 to index
    %swap3A_445 = arith.constant 112 : index
    %swap3A_446 = tpu.vector_load %arg14[%swap3A_444, %swap3A_445] {strides = array<i32>} : memref<16x128xf32, #tpu.memory_space<vmem>>, vector<1x16xf32>,
    %swap3A_447 = vector.shape_cast %swap3A_446 : vector<1x16xf32> to vector<16xf32>
    %swap3A_448 = vector.shape_cast %broadcast_in_dim3A_442 : vector<16xf32> to vector<1x16xf32>
    tpu.vector_store %arg14[%swap3A_444, %swap3A_445], %swap3A_448 {strides = array<i32>} : memref<16x128xf32, #tpu.memory_space<vmem>>, vector<1x16xf32>,
    %broadcast_in_dim3A_449 = arith.constant 0.000000e+00 : f32
    %broadcast_in_dim3A_450 = vector.broadcast %broadcast_in_dim3A_449 : f32 to vector<16xf32>
    %swap3A_451 = arith.constant 7 : i32
    %swap3A_452 = arith.index_cast %swap3A_451 : i32 to index
    %swap3A_453 = arith.constant 0 : index
    %swap3A_454 = tpu.vector_load %arg14[%swap3A_452, %swap3A_453] {strides = array<i32>} : memref<16x128xf32, #tpu.memory_space<vmem>>, vector<1x16xf32>,
    %swap3A_455 = vector.shape_cast %swap3A_454 : vector<1x16xf32> to vector<16xf32>
    %swap3A_456 = vector.shape_cast %broadcast_in_dim3A_450 : vector<16xf32> to vector<1x16xf32>
    tpu.vector_store %arg14[%swap3A_452, %swap3A_453], %swap3A_456 {strides = array<i32>} : memref<16x128xf32, #tpu.memory_space<vmem>>, vector<1x16xf32>,
    %broadcast_in_dim3A_457 = arith.constant 0.000000e+00 : f32
    %broadcast_in_dim3A_458 = vector.broadcast %broadcast_in_dim3A_457 : f32 to vector<16xf32>
    %swap3A_459 = arith.constant 7 : i32
    %swap3A_460 = arith.index_cast %swap3A_459 : i32 to index
    %swap3A_461 = arith.constant 16 : index
    %swap3A_462 = tpu.vector_load %arg14[%swap3A_460, %swap3A_461] {strides = array<i32>} : memref<16x128xf32, #tpu.memory_space<vmem>>, vector<1x16xf32>,
    %swap3A_463 = vector.shape_cast %swap3A_462 : vector<1x16xf32> to vector<16xf32>
    %swap3A_464 = vector.shape_cast %broadcast_in_dim3A_458 : vector<16xf32> to vector<1x16xf32>
    tpu.vector_store %arg14[%swap3A_460, %swap3A_461], %swap3A_464 {strides = array<i32>} : memref<16x128xf32, #tpu.memory_space<vmem>>, vector<1x16xf32>,
    %broadcast_in_dim3A_465 = arith.constant 0.000000e+00 : f32
    %broadcast_in_dim3A_466 = vector.broadcast %broadcast_in_dim3A_465 : f32 to vector<16xf32>
    %swap3A_467 = arith.constant 7 : i32
    %swap3A_468 = arith.index_cast %swap3A_467 : i32 to index
    %swap3A_469 = arith.constant 32 : index
    %swap3A_470 = tpu.vector_load %arg14[%swap3A_468, %swap3A_469] {strides = array<i32>} : memref<16x128xf32, #tpu.memory_space<vmem>>, vector<1x16xf32>,
    %swap3A_471 = vector.shape_cast %swap3A_470 : vector<1x16xf32> to vector<16xf32>
    %swap3A_472 = vector.shape_cast %broadcast_in_dim3A_466 : vector<16xf32> to vector<1x16xf32>
    tpu.vector_store %arg14[%swap3A_468, %swap3A_469], %swap3A_472 {strides = array<i32>} : memref<16x128xf32, #tpu.memory_space<vmem>>, vector<1x16xf32>,
    %broadcast_in_dim3A_473 = arith.constant 0.000000e+00 : f32
    %broadcast_in_dim3A_474 = vector.broadcast %broadcast_in_dim3A_473 : f32 to vector<16xf32>
    %swap3A_475 = arith.constant 7 : i32
    %swap3A_476 = arith.index_cast %swap3A_475 : i32 to index
    %swap3A_477 = arith.constant 48 : index
    %swap3A_478 = tpu.vector_load %arg14[%swap3A_476, %swap3A_477] {strides = array<i32>} : memref<16x128xf32, #tpu.memory_space<vmem>>, vector<1x16xf32>,
    %swap3A_479 = vector.shape_cast %swap3A_478 : vector<1x16xf32> to vector<16xf32>
    %swap3A_480 = vector.shape_cast %broadcast_in_dim3A_474 : vector<16xf32> to vector<1x16xf32>
    tpu.vector_store %arg14[%swap3A_476, %swap3A_477], %swap3A_480 {strides = array<i32>} : memref<16x128xf32, #tpu.memory_space<vmem>>, vector<1x16xf32>,
    %broadcast_in_dim3A_481 = arith.constant 0.000000e+00 : f32
    %broadcast_in_dim3A_482 = vector.broadcast %broadcast_in_dim3A_481 : f32 to vector<16xf32>
    %swap3A_483 = arith.constant 7 : i32
    %swap3A_484 = arith.index_cast %swap3A_483 : i32 to index
    %swap3A_485 = arith.constant 64 : index
    %swap3A_486 = tpu.vector_load %arg14[%swap3A_484, %swap3A_485] {strides = array<i32>} : memref<16x128xf32, #tpu.memory_space<vmem>>, vector<1x16xf32>,
    %swap3A_487 = vector.shape_cast %swap3A_486 : vector<1x16xf32> to vector<16xf32>
    %swap3A_488 = vector.shape_cast %broadcast_in_dim3A_482 : vector<16xf32> to vector<1x16xf32>
    tpu.vector_store %arg14[%swap3A_484, %swap3A_485], %swap3A_488 {strides = array<i32>} : memref<16x128xf32, #tpu.memory_space<vmem>>, vector<1x16xf32>,
    %broadcast_in_dim3A_489 = arith.constant 0.000000e+00 : f32
    %broadcast_in_dim3A_490 = vector.broadcast %broadcast_in_dim3A_489 : f32 to vector<16xf32>
    %swap3A_491 = arith.constant 7 : i32
    %swap3A_492 = arith.index_cast %swap3A_491 : i32 to index
    %swap3A_493 = arith.constant 80 : index
    %swap3A_494 = tpu.vector_load %arg14[%swap3A_492, %swap3A_493] {strides = array<i32>} : memref<16x128xf32, #tpu.memory_space<vmem>>, vector<1x16xf32>,
    %swap3A_495 = vector.shape_cast %swap3A_494 : vector<1x16xf32> to vector<16xf32>
    %swap3A_496 = vector.shape_cast %broadcast_in_dim3A_490 : vector<16xf32> to vector<1x16xf32>
    tpu.vector_store %arg14[%swap3A_492, %swap3A_493], %swap3A_496 {strides = array<i32>} : memref<16x128xf32, #tpu.memory_space<vmem>>, vector<1x16xf32>,
    %broadcast_in_dim3A_497 = arith.constant 0.000000e+00 : f32
    %broadcast_in_dim3A_498 = vector.broadcast %broadcast_in_dim3A_497 : f32 to vector<16xf32>
    %swap3A_499 = arith.constant 7 : i32
    %swap3A_500 = arith.index_cast %swap3A_499 : i32 to index
    %swap3A_501 = arith.constant 96 : index
    %swap3A_502 = tpu.vector_load %arg14[%swap3A_500, %swap3A_501] {strides = array<i32>} : memref<16x128xf32, #tpu.memory_space<vmem>>, vector<1x16xf32>,
    %swap3A_503 = vector.shape_cast %swap3A_502 : vector<1x16xf32> to vector<16xf32>
    %swap3A_504 = vector.shape_cast %broadcast_in_dim3A_498 : vector<16xf32> to vector<1x16xf32>
    tpu.vector_store %arg14[%swap3A_500, %swap3A_501], %swap3A_504 {strides = array<i32>} : memref<16x128xf32, #tpu.memory_space<vmem>>, vector<1x16xf32>,
    %broadcast_in_dim3A_505 = arith.constant 0.000000e+00 : f32
    %broadcast_in_dim3A_506 = vector.broadcast %broadcast_in_dim3A_505 : f32 to vector<16xf32>
    %swap3A_507 = arith.constant 7 : i32
    %swap3A_508 = arith.index_cast %swap3A_507 : i32 to index
    %swap3A_509 = arith.constant 112 : index
    %swap3A_510 = tpu.vector_load %arg14[%swap3A_508, %swap3A_509] {strides = array<i32>} : memref<16x128xf32, #tpu.memory_space<vmem>>, vector<1x16xf32>,
    %swap3A_511 = vector.shape_cast %swap3A_510 : vector<1x16xf32> to vector<16xf32>
    %swap3A_512 = vector.shape_cast %broadcast_in_dim3A_506 : vector<16xf32> to vector<1x16xf32>
    tpu.vector_store %arg14[%swap3A_508, %swap3A_509], %swap3A_512 {strides = array<i32>} : memref<16x128xf32, #tpu.memory_space<vmem>>, vector<1x16xf32>,
    %broadcast_in_dim3A_513 = arith.constant 0.000000e+00 : f32
    %broadcast_in_dim3A_514 = vector.broadcast %broadcast_in_dim3A_513 : f32 to vector<16xf32>
    %swap3A_515 = arith.constant 8 : i32
    %swap3A_516 = arith.index_cast %swap3A_515 : i32 to index
    %swap3A_517 = arith.constant 0 : index
    %swap3A_518 = tpu.vector_load %arg14[%swap3A_516, %swap3A_517] {strides = array<i32>} : memref<16x128xf32, #tpu.memory_space<vmem>>, vector<1x16xf32>,
    %swap3A_519 = vector.shape_cast %swap3A_518 : vector<1x16xf32> to vector<16xf32>
    %swap3A_520 = vector.shape_cast %broadcast_in_dim3A_514 : vector<16xf32> to vector<1x16xf32>
    tpu.vector_store %arg14[%swap3A_516, %swap3A_517], %swap3A_520 {strides = array<i32>} : memref<16x128xf32, #tpu.memory_space<vmem>>, vector<1x16xf32>,
    %broadcast_in_dim3A_521 = arith.constant 0.000000e+00 : f32
    %broadcast_in_dim3A_522 = vector.broadcast %broadcast_in_dim3A_521 : f32 to vector<16xf32>
    %swap3A_523 = arith.constant 8 : i32
    %swap3A_524 = arith.index_cast %swap3A_523 : i32 to index
    %swap3A_525 = arith.constant 16 : index
    %swap3A_526 = tpu.vector_load %arg14[%swap3A_524, %swap3A_525] {strides = array<i32>} : memref<16x128xf32, #tpu.memory_space<vmem>>, vector<1x16xf32>,
    %swap3A_527 = vector.shape_cast %swap3A_526 : vector<1x16xf32> to vector<16xf32>
    %swap3A_528 = vector.shape_cast %broadcast_in_dim3A_522 : vector<16xf32> to vector<1x16xf32>
    tpu.vector_store %arg14[%swap3A_524, %swap3A_525], %swap3A_528 {strides = array<i32>} : memref<16x128xf32, #tpu.memory_space<vmem>>, vector<1x16xf32>,
    %broadcast_in_dim3A_529 = arith.constant 0.000000e+00 : f32
    %broadcast_in_dim3A_530 = vector.broadcast %broadcast_in_dim3A_529 : f32 to vector<16xf32>
    %swap3A_531 = arith.constant 8 : i32
    %swap3A_532 = arith.index_cast %swap3A_531 : i32 to index
    %swap3A_533 = arith.constant 32 : index
    %swap3A_534 = tpu.vector_load %arg14[%swap3A_532, %swap3A_533] {strides = array<i32>} : memref<16x128xf32, #tpu.memory_space<vmem>>, vector<1x16xf32>,
    %swap3A_535 = vector.shape_cast %swap3A_534 : vector<1x16xf32> to vector<16xf32>
    %swap3A_536 = vector.shape_cast %broadcast_in_dim3A_530 : vector<16xf32> to vector<1x16xf32>
    tpu.vector_store %arg14[%swap3A_532, %swap3A_533], %swap3A_536 {strides = array<i32>} : memref<16x128xf32, #tpu.memory_space<vmem>>, vector<1x16xf32>,
    %broadcast_in_dim3A_537 = arith.constant 0.000000e+00 : f32
    %broadcast_in_dim3A_538 = vector.broadcast %broadcast_in_dim3A_537 : f32 to vector<16xf32>
    %swap3A_539 = arith.constant 8 : i32
    %swap3A_540 = arith.index_cast %swap3A_539 : i32 to index
    %swap3A_541 = arith.constant 48 : index
    %swap3A_542 = tpu.vector_load %arg14[%swap3A_540, %swap3A_541] {strides = array<i32>} : memref<16x128xf32, #tpu.memory_space<vmem>>, vector<1x16xf32>,
    %swap3A_543 = vector.shape_cast %swap3A_542 : vector<1x16xf32> to vector<16xf32>
    %swap3A_544 = vector.shape_cast %broadcast_in_dim3A_538 : vector<16xf32> to vector<1x16xf32>
    tpu.vector_store %arg14[%swap3A_540, %swap3A_541], %swap3A_544 {strides = array<i32>} : memref<16x128xf32, #tpu.memory_space<vmem>>, vector<1x16xf32>,
    %broadcast_in_dim3A_545 = arith.constant 0.000000e+00 : f32
    %broadcast_in_dim3A_546 = vector.broadcast %broadcast_in_dim3A_545 : f32 to vector<16xf32>
    %swap3A_547 = arith.constant 8 : i32
    %swap3A_548 = arith.index_cast %swap3A_547 : i32 to index
    %swap3A_549 = arith.constant 64 : index
    %swap3A_550 = tpu.vector_load %arg14[%swap3A_548, %swap3A_549] {strides = array<i32>} : memref<16x128xf32, #tpu.memory_space<vmem>>, vector<1x16xf32>,
    %swap3A_551 = vector.shape_cast %swap3A_550 : vector<1x16xf32> to vector<16xf32>
    %swap3A_552 = vector.shape_cast %broadcast_in_dim3A_546 : vector<16xf32> to vector<1x16xf32>
    tpu.vector_store %arg14[%swap3A_548, %swap3A_549], %swap3A_552 {strides = array<i32>} : memref<16x128xf32, #tpu.memory_space<vmem>>, vector<1x16xf32>,
    %broadcast_in_dim3A_553 = arith.constant 0.000000e+00 : f32
    %broadcast_in_dim3A_554 = vector.broadcast %broadcast_in_dim3A_553 : f32 to vector<16xf32>
    %swap3A_555 = arith.constant 8 : i32
    %swap3A_556 = arith.index_cast %swap3A_555 : i32 to index
    %swap3A_557 = arith.constant 80 : index
    %swap3A_558 = tpu.vector_load %arg14[%swap3A_556, %swap3A_557] {strides = array<i32>} : memref<16x128xf32, #tpu.memory_space<vmem>>, vector<1x16xf32>,
    %swap3A_559 = vector.shape_cast %swap3A_558 : vector<1x16xf32> to vector<16xf32>
    %swap3A_560 = vector.shape_cast %broadcast_in_dim3A_554 : vector<16xf32> to vector<1x16xf32>
    tpu.vector_store %arg14[%swap3A_556, %swap3A_557], %swap3A_560 {strides = array<i32>} : memref<16x128xf32, #tpu.memory_space<vmem>>, vector<1x16xf32>,
    %broadcast_in_dim3A_561 = arith.constant 0.000000e+00 : f32
    %broadcast_in_dim3A_562 = vector.broadcast %broadcast_in_dim3A_561 : f32 to vector<16xf32>
    %swap3A_563 = arith.constant 8 : i32
    %swap3A_564 = arith.index_cast %swap3A_563 : i32 to index
    %swap3A_565 = arith.constant 96 : index
    %swap3A_566 = tpu.vector_load %arg14[%swap3A_564, %swap3A_565] {strides = array<i32>} : memref<16x128xf32, #tpu.memory_space<vmem>>, vector<1x16xf32>,
    %swap3A_567 = vector.shape_cast %swap3A_566 : vector<1x16xf32> to vector<16xf32>
    %swap3A_568 = vector.shape_cast %broadcast_in_dim3A_562 : vector<16xf32> to vector<1x16xf32>
    tpu.vector_store %arg14[%swap3A_564, %swap3A_565], %swap3A_568 {strides = array<i32>} : memref<16x128xf32, #tpu.memory_space<vmem>>, vector<1x16xf32>,
    %broadcast_in_dim3A_569 = arith.constant 0.000000e+00 : f32
    %broadcast_in_dim3A_570 = vector.broadcast %broadcast_in_dim3A_569 : f32 to vector<16xf32>
    %swap3A_571 = arith.constant 8 : i32
    %swap3A_572 = arith.index_cast %swap3A_571 : i32 to index
    %swap3A_573 = arith.constant 112 : index
    %swap3A_574 = tpu.vector_load %arg14[%swap3A_572, %swap3A_573] {strides = array<i32>} : memref<16x128xf32, #tpu.memory_space<vmem>>, vector<1x16xf32>,
    %swap3A_575 = vector.shape_cast %swap3A_574 : vector<1x16xf32> to vector<16xf32>
    %swap3A_576 = vector.shape_cast %broadcast_in_dim3A_570 : vector<16xf32> to vector<1x16xf32>
    tpu.vector_store %arg14[%swap3A_572, %swap3A_573], %swap3A_576 {strides = array<i32>} : memref<16x128xf32, #tpu.memory_space<vmem>>, vector<1x16xf32>,
    %broadcast_in_dim3A_577 = arith.constant 0.000000e+00 : f32
    %broadcast_in_dim3A_578 = vector.broadcast %broadcast_in_dim3A_577 : f32 to vector<16xf32>
    %swap3A_579 = arith.constant 9 : i32
    %swap3A_580 = arith.index_cast %swap3A_579 : i32 to index
    %swap3A_581 = arith.constant 0 : index
    %swap3A_582 = tpu.vector_load %arg14[%swap3A_580, %swap3A_581] {strides = array<i32>} : memref<16x128xf32, #tpu.memory_space<vmem>>, vector<1x16xf32>,
    %swap3A_583 = vector.shape_cast %swap3A_582 : vector<1x16xf32> to vector<16xf32>
    %swap3A_584 = vector.shape_cast %broadcast_in_dim3A_578 : vector<16xf32> to vector<1x16xf32>
    tpu.vector_store %arg14[%swap3A_580, %swap3A_581], %swap3A_584 {strides = array<i32>} : memref<16x128xf32, #tpu.memory_space<vmem>>, vector<1x16xf32>,
    %broadcast_in_dim3A_585 = arith.constant 0.000000e+00 : f32
    %broadcast_in_dim3A_586 = vector.broadcast %broadcast_in_dim3A_585 : f32 to vector<16xf32>
    %swap3A_587 = arith.constant 9 : i32
    %swap3A_588 = arith.index_cast %swap3A_587 : i32 to index
    %swap3A_589 = arith.constant 16 : index
    %swap3A_590 = tpu.vector_load %arg14[%swap3A_588, %swap3A_589] {strides = array<i32>} : memref<16x128xf32, #tpu.memory_space<vmem>>, vector<1x16xf32>,
    %swap3A_591 = vector.shape_cast %swap3A_590 : vector<1x16xf32> to vector<16xf32>
    %swap3A_592 = vector.shape_cast %broadcast_in_dim3A_586 : vector<16xf32> to vector<1x16xf32>
    tpu.vector_store %arg14[%swap3A_588, %swap3A_589], %swap3A_592 {strides = array<i32>} : memref<16x128xf32, #tpu.memory_space<vmem>>, vector<1x16xf32>,
    %broadcast_in_dim3A_593 = arith.constant 0.000000e+00 : f32
    %broadcast_in_dim3A_594 = vector.broadcast %broadcast_in_dim3A_593 : f32 to vector<16xf32>
    %swap3A_595 = arith.constant 9 : i32
    %swap3A_596 = arith.index_cast %swap3A_595 : i32 to index
    %swap3A_597 = arith.constant 32 : index
    %swap3A_598 = tpu.vector_load %arg14[%swap3A_596, %swap3A_597] {strides = array<i32>} : memref<16x128xf32, #tpu.memory_space<vmem>>, vector<1x16xf32>,
    %swap3A_599 = vector.shape_cast %swap3A_598 : vector<1x16xf32> to vector<16xf32>
    %swap3A_600 = vector.shape_cast %broadcast_in_dim3A_594 : vector<16xf32> to vector<1x16xf32>
    tpu.vector_store %arg14[%swap3A_596, %swap3A_597], %swap3A_600 {strides = array<i32>} : memref<16x128xf32, #tpu.memory_space<vmem>>, vector<1x16xf32>,
    %broadcast_in_dim3A_601 = arith.constant 0.000000e+00 : f32
    %broadcast_in_dim3A_602 = vector.broadcast %broadcast_in_dim3A_601 : f32 to vector<16xf32>
    %swap3A_603 = arith.constant 9 : i32
    %swap3A_604 = arith.index_cast %swap3A_603 : i32 to index
    %swap3A_605 = arith.constant 48 : index
    %swap3A_606 = tpu.vector_load %arg14[%swap3A_604, %swap3A_605] {strides = array<i32>} : memref<16x128xf32, #tpu.memory_space<vmem>>, vector<1x16xf32>,
    %swap3A_607 = vector.shape_cast %swap3A_606 : vector<1x16xf32> to vector<16xf32>
    %swap3A_608 = vector.shape_cast %broadcast_in_dim3A_602 : vector<16xf32> to vector<1x16xf32>
    tpu.vector_store %arg14[%swap3A_604, %swap3A_605], %swap3A_608 {strides = array<i32>} : memref<16x128xf32, #tpu.memory_space<vmem>>, vector<1x16xf32>,
    %broadcast_in_dim3A_609 = arith.constant 0.000000e+00 : f32
    %broadcast_in_dim3A_610 = vector.broadcast %broadcast_in_dim3A_609 : f32 to vector<16xf32>
    %swap3A_611 = arith.constant 9 : i32
    %swap3A_612 = arith.index_cast %swap3A_611 : i32 to index
    %swap3A_613 = arith.constant 64 : index
    %swap3A_614 = tpu.vector_load %arg14[%swap3A_612, %swap3A_613] {strides = array<i32>} : memref<16x128xf32, #tpu.memory_space<vmem>>, vector<1x16xf32>,
    %swap3A_615 = vector.shape_cast %swap3A_614 : vector<1x16xf32> to vector<16xf32>
    %swap3A_616 = vector.shape_cast %broadcast_in_dim3A_610 : vector<16xf32> to vector<1x16xf32>
    tpu.vector_store %arg14[%swap3A_612, %swap3A_613], %swap3A_616 {strides = array<i32>} : memref<16x128xf32, #tpu.memory_space<vmem>>, vector<1x16xf32>,
    %broadcast_in_dim3A_617 = arith.constant 0.000000e+00 : f32
    %broadcast_in_dim3A_618 = vector.broadcast %broadcast_in_dim3A_617 : f32 to vector<16xf32>
    %swap3A_619 = arith.constant 9 : i32
    %swap3A_620 = arith.index_cast %swap3A_619 : i32 to index
    %swap3A_621 = arith.constant 80 : index
    %swap3A_622 = tpu.vector_load %arg14[%swap3A_620, %swap3A_621] {strides = array<i32>} : memref<16x128xf32, #tpu.memory_space<vmem>>, vector<1x16xf32>,
    %swap3A_623 = vector.shape_cast %swap3A_622 : vector<1x16xf32> to vector<16xf32>
    %swap3A_624 = vector.shape_cast %broadcast_in_dim3A_618 : vector<16xf32> to vector<1x16xf32>
    tpu.vector_store %arg14[%swap3A_620, %swap3A_621], %swap3A_624 {strides = array<i32>} : memref<16x128xf32, #tpu.memory_space<vmem>>, vector<1x16xf32>,
    %broadcast_in_dim3A_625 = arith.constant 0.000000e+00 : f32
    %broadcast_in_dim3A_626 = vector.broadcast %broadcast_in_dim3A_625 : f32 to vector<16xf32>
    %swap3A_627 = arith.constant 9 : i32
    %swap3A_628 = arith.index_cast %swap3A_627 : i32 to index
    %swap3A_629 = arith.constant 96 : index
    %swap3A_630 = tpu.vector_load %arg14[%swap3A_628, %swap3A_629] {strides = array<i32>} : memref<16x128xf32, #tpu.memory_space<vmem>>, vector<1x16xf32>,
    %swap3A_631 = vector.shape_cast %swap3A_630 : vector<1x16xf32> to vector<16xf32>
    %swap3A_632 = vector.shape_cast %broadcast_in_dim3A_626 : vector<16xf32> to vector<1x16xf32>
    tpu.vector_store %arg14[%swap3A_628, %swap3A_629], %swap3A_632 {strides = array<i32>} : memref<16x128xf32, #tpu.memory_space<vmem>>, vector<1x16xf32>,
    %broadcast_in_dim3A_633 = arith.constant 0.000000e+00 : f32
    %broadcast_in_dim3A_634 = vector.broadcast %broadcast_in_dim3A_633 : f32 to vector<16xf32>
    %swap3A_635 = arith.constant 9 : i32
    %swap3A_636 = arith.index_cast %swap3A_635 : i32 to index
    %swap3A_637 = arith.constant 112 : index
    %swap3A_638 = tpu.vector_load %arg14[%swap3A_636, %swap3A_637] {strides = array<i32>} : memref<16x128xf32, #tpu.memory_space<vmem>>, vector<1x16xf32>,
    %swap3A_639 = vector.shape_cast %swap3A_638 : vector<1x16xf32> to vector<16xf32>
    %swap3A_640 = vector.shape_cast %broadcast_in_dim3A_634 : vector<16xf32> to vector<1x16xf32>
    tpu.vector_store %arg14[%swap3A_636, %swap3A_637], %swap3A_640 {strides = array<i32>} : memref<16x128xf32, #tpu.memory_space<vmem>>, vector<1x16xf32>,
    %broadcast_in_dim3A_641 = arith.constant 0.000000e+00 : f32
    %broadcast_in_dim3A_642 = vector.broadcast %broadcast_in_dim3A_641 : f32 to vector<16xf32>
    %swap3A_643 = arith.constant 10 : i32
    %swap3A_644 = arith.index_cast %swap3A_643 : i32 to index
    %swap3A_645 = arith.constant 0 : index
    %swap3A_646 = tpu.vector_load %arg14[%swap3A_644, %swap3A_645] {strides = array<i32>} : memref<16x128xf32, #tpu.memory_space<vmem>>, vector<1x16xf32>,
    %swap3A_647 = vector.shape_cast %swap3A_646 : vector<1x16xf32> to vector<16xf32>
    %swap3A_648 = vector.shape_cast %broadcast_in_dim3A_642 : vector<16xf32> to vector<1x16xf32>
    tpu.vector_store %arg14[%swap3A_644, %swap3A_645], %swap3A_648 {strides = array<i32>} : memref<16x128xf32, #tpu.memory_space<vmem>>, vector<1x16xf32>,
    %broadcast_in_dim3A_649 = arith.constant 0.000000e+00 : f32
    %broadcast_in_dim3A_650 = vector.broadcast %broadcast_in_dim3A_649 : f32 to vector<16xf32>
    %swap3A_651 = arith.constant 10 : i32
    %swap3A_652 = arith.index_cast %swap3A_651 : i32 to index
    %swap3A_653 = arith.constant 16 : index
    %swap3A_654 = tpu.vector_load %arg14[%swap3A_652, %swap3A_653] {strides = array<i32>} : memref<16x128xf32, #tpu.memory_space<vmem>>, vector<1x16xf32>,
    %swap3A_655 = vector.shape_cast %swap3A_654 : vector<1x16xf32> to vector<16xf32>
    %swap3A_656 = vector.shape_cast %broadcast_in_dim3A_650 : vector<16xf32> to vector<1x16xf32>
    tpu.vector_store %arg14[%swap3A_652, %swap3A_653], %swap3A_656 {strides = array<i32>} : memref<16x128xf32, #tpu.memory_space<vmem>>, vector<1x16xf32>,
    %broadcast_in_dim3A_657 = arith.constant 0.000000e+00 : f32
    %broadcast_in_dim3A_658 = vector.broadcast %broadcast_in_dim3A_657 : f32 to vector<16xf32>
    %swap3A_659 = arith.constant 10 : i32
    %swap3A_660 = arith.index_cast %swap3A_659 : i32 to index
    %swap3A_661 = arith.constant 32 : index
    %swap3A_662 = tpu.vector_load %arg14[%swap3A_660, %swap3A_661] {strides = array<i32>} : memref<16x128xf32, #tpu.memory_space<vmem>>, vector<1x16xf32>,
    %swap3A_663 = vector.shape_cast %swap3A_662 : vector<1x16xf32> to vector<16xf32>
    %swap3A_664 = vector.shape_cast %broadcast_in_dim3A_658 : vector<16xf32> to vector<1x16xf32>
    tpu.vector_store %arg14[%swap3A_660, %swap3A_661], %swap3A_664 {strides = array<i32>} : memref<16x128xf32, #tpu.memory_space<vmem>>, vector<1x16xf32>,
    %broadcast_in_dim3A_665 = arith.constant 0.000000e+00 : f32
    %broadcast_in_dim3A_666 = vector.broadcast %broadcast_in_dim3A_665 : f32 to vector<16xf32>
    %swap3A_667 = arith.constant 10 : i32
    %swap3A_668 = arith.index_cast %swap3A_667 : i32 to index
    %swap3A_669 = arith.constant 48 : index
    %swap3A_670 = tpu.vector_load %arg14[%swap3A_668, %swap3A_669] {strides = array<i32>} : memref<16x128xf32, #tpu.memory_space<vmem>>, vector<1x16xf32>,
    %swap3A_671 = vector.shape_cast %swap3A_670 : vector<1x16xf32> to vector<16xf32>
    %swap3A_672 = vector.shape_cast %broadcast_in_dim3A_666 : vector<16xf32> to vector<1x16xf32>
    tpu.vector_store %arg14[%swap3A_668, %swap3A_669], %swap3A_672 {strides = array<i32>} : memref<16x128xf32, #tpu.memory_space<vmem>>, vector<1x16xf32>,
    %broadcast_in_dim3A_673 = arith.constant 0.000000e+00 : f32
    %broadcast_in_dim3A_674 = vector.broadcast %broadcast_in_dim3A_673 : f32 to vector<16xf32>
    %swap3A_675 = arith.constant 10 : i32
    %swap3A_676 = arith.index_cast %swap3A_675 : i32 to index
    %swap3A_677 = arith.constant 64 : index
    %swap3A_678 = tpu.vector_load %arg14[%swap3A_676, %swap3A_677] {strides = array<i32>} : memref<16x128xf32, #tpu.memory_space<vmem>>, vector<1x16xf32>,
    %swap3A_679 = vector.shape_cast %swap3A_678 : vector<1x16xf32> to vector<16xf32>
    %swap3A_680 = vector.shape_cast %broadcast_in_dim3A_674 : vector<16xf32> to vector<1x16xf32>
    tpu.vector_store %arg14[%swap3A_676, %swap3A_677], %swap3A_680 {strides = array<i32>} : memref<16x128xf32, #tpu.memory_space<vmem>>, vector<1x16xf32>,
    %broadcast_in_dim3A_681 = arith.constant 0.000000e+00 : f32
    %broadcast_in_dim3A_682 = vector.broadcast %broadcast_in_dim3A_681 : f32 to vector<16xf32>
    %swap3A_683 = arith.constant 10 : i32
    %swap3A_684 = arith.index_cast %swap3A_683 : i32 to index
    %swap3A_685 = arith.constant 80 : index
    %swap3A_686 = tpu.vector_load %arg14[%swap3A_684, %swap3A_685] {strides = array<i32>} : memref<16x128xf32, #tpu.memory_space<vmem>>, vector<1x16xf32>,
    %swap3A_687 = vector.shape_cast %swap3A_686 : vector<1x16xf32> to vector<16xf32>
    %swap3A_688 = vector.shape_cast %broadcast_in_dim3A_682 : vector<16xf32> to vector<1x16xf32>
    tpu.vector_store %arg14[%swap3A_684, %swap3A_685], %swap3A_688 {strides = array<i32>} : memref<16x128xf32, #tpu.memory_space<vmem>>, vector<1x16xf32>,
    %broadcast_in_dim3A_689 = arith.constant 0.000000e+00 : f32
    %broadcast_in_dim3A_690 = vector.broadcast %broadcast_in_dim3A_689 : f32 to vector<16xf32>
    %swap3A_691 = arith.constant 10 : i32
    %swap3A_692 = arith.index_cast %swap3A_691 : i32 to index
    %swap3A_693 = arith.constant 96 : index
    %swap3A_694 = tpu.vector_load %arg14[%swap3A_692, %swap3A_693] {strides = array<i32>} : memref<16x128xf32, #tpu.memory_space<vmem>>, vector<1x16xf32>,
    %swap3A_695 = vector.shape_cast %swap3A_694 : vector<1x16xf32> to vector<16xf32>
    %swap3A_696 = vector.shape_cast %broadcast_in_dim3A_690 : vector<16xf32> to vector<1x16xf32>
    tpu.vector_store %arg14[%swap3A_692, %swap3A_693], %swap3A_696 {strides = array<i32>} : memref<16x128xf32, #tpu.memory_space<vmem>>, vector<1x16xf32>,
    %broadcast_in_dim3A_697 = arith.constant 0.000000e+00 : f32
    %broadcast_in_dim3A_698 = vector.broadcast %broadcast_in_dim3A_697 : f32 to vector<16xf32>
    %swap3A_699 = arith.constant 10 : i32
    %swap3A_700 = arith.index_cast %swap3A_699 : i32 to index
    %swap3A_701 = arith.constant 112 : index
    %swap3A_702 = tpu.vector_load %arg14[%swap3A_700, %swap3A_701] {strides = array<i32>} : memref<16x128xf32, #tpu.memory_space<vmem>>, vector<1x16xf32>,
    %swap3A_703 = vector.shape_cast %swap3A_702 : vector<1x16xf32> to vector<16xf32>
    %swap3A_704 = vector.shape_cast %broadcast_in_dim3A_698 : vector<16xf32> to vector<1x16xf32>
    tpu.vector_store %arg14[%swap3A_700, %swap3A_701], %swap3A_704 {strides = array<i32>} : memref<16x128xf32, #tpu.memory_space<vmem>>, vector<1x16xf32>,
    %broadcast_in_dim3A_705 = arith.constant 0.000000e+00 : f32
    %broadcast_in_dim3A_706 = vector.broadcast %broadcast_in_dim3A_705 : f32 to vector<16xf32>
    %swap3A_707 = arith.constant 11 : i32
    %swap3A_708 = arith.index_cast %swap3A_707 : i32 to index
    %swap3A_709 = arith.constant 0 : index
    %swap3A_710 = tpu.vector_load %arg14[%swap3A_708, %swap3A_709] {strides = array<i32>} : memref<16x128xf32, #tpu.memory_space<vmem>>, vector<1x16xf32>,
    %swap3A_711 = vector.shape_cast %swap3A_710 : vector<1x16xf32> to vector<16xf32>
    %swap3A_712 = vector.shape_cast %broadcast_in_dim3A_706 : vector<16xf32> to vector<1x16xf32>
    tpu.vector_store %arg14[%swap3A_708, %swap3A_709], %swap3A_712 {strides = array<i32>} : memref<16x128xf32, #tpu.memory_space<vmem>>, vector<1x16xf32>,
    %broadcast_in_dim3A_713 = arith.constant 0.000000e+00 : f32
    %broadcast_in_dim3A_714 = vector.broadcast %broadcast_in_dim3A_713 : f32 to vector<16xf32>
    %swap3A_715 = arith.constant 11 : i32
    %swap3A_716 = arith.index_cast %swap3A_715 : i32 to index
    %swap3A_717 = arith.constant 16 : index
    %swap3A_718 = tpu.vector_load %arg14[%swap3A_716, %swap3A_717] {strides = array<i32>} : memref<16x128xf32, #tpu.memory_space<vmem>>, vector<1x16xf32>,
    %swap3A_719 = vector.shape_cast %swap3A_718 : vector<1x16xf32> to vector<16xf32>
    %swap3A_720 = vector.shape_cast %broadcast_in_dim3A_714 : vector<16xf32> to vector<1x16xf32>
    tpu.vector_store %arg14[%swap3A_716, %swap3A_717], %swap3A_720 {strides = array<i32>} : memref<16x128xf32, #tpu.memory_space<vmem>>, vector<1x16xf32>,
    %broadcast_in_dim3A_721 = arith.constant 0.000000e+00 : f32
    %broadcast_in_dim3A_722 = vector.broadcast %broadcast_in_dim3A_721 : f32 to vector<16xf32>
    %swap3A_723 = arith.constant 11 : i32
    %swap3A_724 = arith.index_cast %swap3A_723 : i32 to index
    %swap3A_725 = arith.constant 32 : index
    %swap3A_726 = tpu.vector_load %arg14[%swap3A_724, %swap3A_725] {strides = array<i32>} : memref<16x128xf32, #tpu.memory_space<vmem>>, vector<1x16xf32>,
    %swap3A_727 = vector.shape_cast %swap3A_726 : vector<1x16xf32> to vector<16xf32>
    %swap3A_728 = vector.shape_cast %broadcast_in_dim3A_722 : vector<16xf32> to vector<1x16xf32>
    tpu.vector_store %arg14[%swap3A_724, %swap3A_725], %swap3A_728 {strides = array<i32>} : memref<16x128xf32, #tpu.memory_space<vmem>>, vector<1x16xf32>,
    %broadcast_in_dim3A_729 = arith.constant 0.000000e+00 : f32
    %broadcast_in_dim3A_730 = vector.broadcast %broadcast_in_dim3A_729 : f32 to vector<16xf32>
    %swap3A_731 = arith.constant 11 : i32
    %swap3A_732 = arith.index_cast %swap3A_731 : i32 to index
    %swap3A_733 = arith.constant 48 : index
    %swap3A_734 = tpu.vector_load %arg14[%swap3A_732, %swap3A_733] {strides = array<i32>} : memref<16x128xf32, #tpu.memory_space<vmem>>, vector<1x16xf32>,
    %swap3A_735 = vector.shape_cast %swap3A_734 : vector<1x16xf32> to vector<16xf32>
    %swap3A_736 = vector.shape_cast %broadcast_in_dim3A_730 : vector<16xf32> to vector<1x16xf32>
    tpu.vector_store %arg14[%swap3A_732, %swap3A_733], %swap3A_736 {strides = array<i32>} : memref<16x128xf32, #tpu.memory_space<vmem>>, vector<1x16xf32>,
    %broadcast_in_dim3A_737 = arith.constant 0.000000e+00 : f32
    %broadcast_in_dim3A_738 = vector.broadcast %broadcast_in_dim3A_737 : f32 to vector<16xf32>
    %swap3A_739 = arith.constant 11 : i32
    %swap3A_740 = arith.index_cast %swap3A_739 : i32 to index
    %swap3A_741 = arith.constant 64 : index
    %swap3A_742 = tpu.vector_load %arg14[%swap3A_740, %swap3A_741] {strides = array<i32>} : memref<16x128xf32, #tpu.memory_space<vmem>>, vector<1x16xf32>,
    %swap3A_743 = vector.shape_cast %swap3A_742 : vector<1x16xf32> to vector<16xf32>
    %swap3A_744 = vector.shape_cast %broadcast_in_dim3A_738 : vector<16xf32> to vector<1x16xf32>
    tpu.vector_store %arg14[%swap3A_740, %swap3A_741], %swap3A_744 {strides = array<i32>} : memref<16x128xf32, #tpu.memory_space<vmem>>, vector<1x16xf32>,
    %broadcast_in_dim3A_745 = arith.constant 0.000000e+00 : f32
    %broadcast_in_dim3A_746 = vector.broadcast %broadcast_in_dim3A_745 : f32 to vector<16xf32>
    %swap3A_747 = arith.constant 11 : i32
    %swap3A_748 = arith.index_cast %swap3A_747 : i32 to index
    %swap3A_749 = arith.constant 80 : index
    %swap3A_750 = tpu.vector_load %arg14[%swap3A_748, %swap3A_749] {strides = array<i32>} : memref<16x128xf32, #tpu.memory_space<vmem>>, vector<1x16xf32>,
    %swap3A_751 = vector.shape_cast %swap3A_750 : vector<1x16xf32> to vector<16xf32>
    %swap3A_752 = vector.shape_cast %broadcast_in_dim3A_746 : vector<16xf32> to vector<1x16xf32>
    tpu.vector_store %arg14[%swap3A_748, %swap3A_749], %swap3A_752 {strides = array<i32>} : memref<16x128xf32, #tpu.memory_space<vmem>>, vector<1x16xf32>,
    %broadcast_in_dim3A_753 = arith.constant 0.000000e+00 : f32
    %broadcast_in_dim3A_754 = vector.broadcast %broadcast_in_dim3A_753 : f32 to vector<16xf32>
    %swap3A_755 = arith.constant 11 : i32
    %swap3A_756 = arith.index_cast %swap3A_755 : i32 to index
    %swap3A_757 = arith.constant 96 : index
    %swap3A_758 = tpu.vector_load %arg14[%swap3A_756, %swap3A_757] {strides = array<i32>} : memref<16x128xf32, #tpu.memory_space<vmem>>, vector<1x16xf32>,
    %swap3A_759 = vector.shape_cast %swap3A_758 : vector<1x16xf32> to vector<16xf32>
    %swap3A_760 = vector.shape_cast %broadcast_in_dim3A_754 : vector<16xf32> to vector<1x16xf32>
    tpu.vector_store %arg14[%swap3A_756, %swap3A_757], %swap3A_760 {strides = array<i32>} : memref<16x128xf32, #tpu.memory_space<vmem>>, vector<1x16xf32>,
    %broadcast_in_dim3A_761 = arith.constant 0.000000e+00 : f32
    %broadcast_in_dim3A_762 = vector.broadcast %broadcast_in_dim3A_761 : f32 to vector<16xf32>
    %swap3A_763 = arith.constant 11 : i32
    %swap3A_764 = arith.index_cast %swap3A_763 : i32 to index
    %swap3A_765 = arith.constant 112 : index
    %swap3A_766 = tpu.vector_load %arg14[%swap3A_764, %swap3A_765] {strides = array<i32>} : memref<16x128xf32, #tpu.memory_space<vmem>>, vector<1x16xf32>,
    %swap3A_767 = vector.shape_cast %swap3A_766 : vector<1x16xf32> to vector<16xf32>
    %swap3A_768 = vector.shape_cast %broadcast_in_dim3A_762 : vector<16xf32> to vector<1x16xf32>
    tpu.vector_store %arg14[%swap3A_764, %swap3A_765], %swap3A_768 {strides = array<i32>} : memref<16x128xf32, #tpu.memory_space<vmem>>, vector<1x16xf32>,
    %broadcast_in_dim3A_769 = arith.constant 0.000000e+00 : f32
    %broadcast_in_dim3A_770 = vector.broadcast %broadcast_in_dim3A_769 : f32 to vector<16xf32>
    %swap3A_771 = arith.constant 12 : i32
    %swap3A_772 = arith.index_cast %swap3A_771 : i32 to index
    %swap3A_773 = arith.constant 0 : index
    %swap3A_774 = tpu.vector_load %arg14[%swap3A_772, %swap3A_773] {strides = array<i32>} : memref<16x128xf32, #tpu.memory_space<vmem>>, vector<1x16xf32>,
    %swap3A_775 = vector.shape_cast %swap3A_774 : vector<1x16xf32> to vector<16xf32>
    %swap3A_776 = vector.shape_cast %broadcast_in_dim3A_770 : vector<16xf32> to vector<1x16xf32>
    tpu.vector_store %arg14[%swap3A_772, %swap3A_773], %swap3A_776 {strides = array<i32>} : memref<16x128xf32, #tpu.memory_space<vmem>>, vector<1x16xf32>,
    %broadcast_in_dim3A_777 = arith.constant 0.000000e+00 : f32
    %broadcast_in_dim3A_778 = vector.broadcast %broadcast_in_dim3A_777 : f32 to vector<16xf32>
    %swap3A_779 = arith.constant 12 : i32
    %swap3A_780 = arith.index_cast %swap3A_779 : i32 to index
    %swap3A_781 = arith.constant 16 : index
    %swap3A_782 = tpu.vector_load %arg14[%swap3A_780, %swap3A_781] {strides = array<i32>} : memref<16x128xf32, #tpu.memory_space<vmem>>, vector<1x16xf32>,
    %swap3A_783 = vector.shape_cast %swap3A_782 : vector<1x16xf32> to vector<16xf32>
    %swap3A_784 = vector.shape_cast %broadcast_in_dim3A_778 : vector<16xf32> to vector<1x16xf32>
    tpu.vector_store %arg14[%swap3A_780, %swap3A_781], %swap3A_784 {strides = array<i32>} : memref<16x128xf32, #tpu.memory_space<vmem>>, vector<1x16xf32>,
    %broadcast_in_dim3A_785 = arith.constant 0.000000e+00 : f32
    %broadcast_in_dim3A_786 = vector.broadcast %broadcast_in_dim3A_785 : f32 to vector<16xf32>
    %swap3A_787 = arith.constant 12 : i32
    %swap3A_788 = arith.index_cast %swap3A_787 : i32 to index
    %swap3A_789 = arith.constant 32 : index
    %swap3A_790 = tpu.vector_load %arg14[%swap3A_788, %swap3A_789] {strides = array<i32>} : memref<16x128xf32, #tpu.memory_space<vmem>>, vector<1x16xf32>,
    %swap3A_791 = vector.shape_cast %swap3A_790 : vector<1x16xf32> to vector<16xf32>
    %swap3A_792 = vector.shape_cast %broadcast_in_dim3A_786 : vector<16xf32> to vector<1x16xf32>
    tpu.vector_store %arg14[%swap3A_788, %swap3A_789], %swap3A_792 {strides = array<i32>} : memref<16x128xf32, #tpu.memory_space<vmem>>, vector<1x16xf32>,
    %broadcast_in_dim3A_793 = arith.constant 0.000000e+00 : f32
    %broadcast_in_dim3A_794 = vector.broadcast %broadcast_in_dim3A_793 : f32 to vector<16xf32>
    %swap3A_795 = arith.constant 12 : i32
    %swap3A_796 = arith.index_cast %swap3A_795 : i32 to index
    %swap3A_797 = arith.constant 48 : index
    %swap3A_798 = tpu.vector_load %arg14[%swap3A_796, %swap3A_797] {strides = array<i32>} : memref<16x128xf32, #tpu.memory_space<vmem>>, vector<1x16xf32>,
    %swap3A_799 = vector.shape_cast %swap3A_798 : vector<1x16xf32> to vector<16xf32>
    %swap3A_800 = vector.shape_cast %broadcast_in_dim3A_794 : vector<16xf32> to vector<1x16xf32>
    tpu.vector_store %arg14[%swap3A_796, %swap3A_797], %swap3A_800 {strides = array<i32>} : memref<16x128xf32, #tpu.memory_space<vmem>>, vector<1x16xf32>,
    %broadcast_in_dim3A_801 = arith.constant 0.000000e+00 : f32
    %broadcast_in_dim3A_802 = vector.broadcast %broadcast_in_dim3A_801 : f32 to vector<16xf32>
    %swap3A_803 = arith.constant 12 : i32
    %swap3A_804 = arith.index_cast %swap3A_803 : i32 to index
    %swap3A_805 = arith.constant 64 : index
    %swap3A_806 = tpu.vector_load %arg14[%swap3A_804, %swap3A_805] {strides = array<i32>} : memref<16x128xf32, #tpu.memory_space<vmem>>, vector<1x16xf32>,
    %swap3A_807 = vector.shape_cast %swap3A_806 : vector<1x16xf32> to vector<16xf32>
    %swap3A_808 = vector.shape_cast %broadcast_in_dim3A_802 : vector<16xf32> to vector<1x16xf32>
    tpu.vector_store %arg14[%swap3A_804, %swap3A_805], %swap3A_808 {strides = array<i32>} : memref<16x128xf32, #tpu.memory_space<vmem>>, vector<1x16xf32>,
    %broadcast_in_dim3A_809 = arith.constant 0.000000e+00 : f32
    %broadcast_in_dim3A_810 = vector.broadcast %broadcast_in_dim3A_809 : f32 to vector<16xf32>
    %swap3A_811 = arith.constant 12 : i32
    %swap3A_812 = arith.index_cast %swap3A_811 : i32 to index
    %swap3A_813 = arith.constant 80 : index
    %swap3A_814 = tpu.vector_load %arg14[%swap3A_812, %swap3A_813] {strides = array<i32>} : memref<16x128xf32, #tpu.memory_space<vmem>>, vector<1x16xf32>,
    %swap3A_815 = vector.shape_cast %swap3A_814 : vector<1x16xf32> to vector<16xf32>
    %swap3A_816 = vector.shape_cast %broadcast_in_dim3A_810 : vector<16xf32> to vector<1x16xf32>
    tpu.vector_store %arg14[%swap3A_812, %swap3A_813], %swap3A_816 {strides = array<i32>} : memref<16x128xf32, #tpu.memory_space<vmem>>, vector<1x16xf32>,
    %broadcast_in_dim3A_817 = arith.constant 0.000000e+00 : f32
    %broadcast_in_dim3A_818 = vector.broadcast %broadcast_in_dim3A_817 : f32 to vector<16xf32>
    %swap3A_819 = arith.constant 12 : i32
    %swap3A_820 = arith.index_cast %swap3A_819 : i32 to index
    %swap3A_821 = arith.constant 96 : index
    %swap3A_822 = tpu.vector_load %arg14[%swap3A_820, %swap3A_821] {strides = array<i32>} : memref<16x128xf32, #tpu.memory_space<vmem>>, vector<1x16xf32>,
    %swap3A_823 = vector.shape_cast %swap3A_822 : vector<1x16xf32> to vector<16xf32>
    %swap3A_824 = vector.shape_cast %broadcast_in_dim3A_818 : vector<16xf32> to vector<1x16xf32>
    tpu.vector_store %arg14[%swap3A_820, %swap3A_821], %swap3A_824 {strides = array<i32>} : memref<16x128xf32, #tpu.memory_space<vmem>>, vector<1x16xf32>,
    %broadcast_in_dim3A_825 = arith.constant 0.000000e+00 : f32
    %broadcast_in_dim3A_826 = vector.broadcast %broadcast_in_dim3A_825 : f32 to vector<16xf32>
    %swap3A_827 = arith.constant 12 : i32
    %swap3A_828 = arith.index_cast %swap3A_827 : i32 to index
    %swap3A_829 = arith.constant 112 : index
    %swap3A_830 = tpu.vector_load %arg14[%swap3A_828, %swap3A_829] {strides = array<i32>} : memref<16x128xf32, #tpu.memory_space<vmem>>, vector<1x16xf32>,
    %swap3A_831 = vector.shape_cast %swap3A_830 : vector<1x16xf32> to vector<16xf32>
    %swap3A_832 = vector.shape_cast %broadcast_in_dim3A_826 : vector<16xf32> to vector<1x16xf32>
    tpu.vector_store %arg14[%swap3A_828, %swap3A_829], %swap3A_832 {strides = array<i32>} : memref<16x128xf32, #tpu.memory_space<vmem>>, vector<1x16xf32>,
    %broadcast_in_dim3A_833 = arith.constant 0.000000e+00 : f32
    %broadcast_in_dim3A_834 = vector.broadcast %broadcast_in_dim3A_833 : f32 to vector<16xf32>
    %swap3A_835 = arith.constant 13 : i32
    %swap3A_836 = arith.index_cast %swap3A_835 : i32 to index
    %swap3A_837 = arith.constant 0 : index
    %swap3A_838 = tpu.vector_load %arg14[%swap3A_836, %swap3A_837] {strides = array<i32>} : memref<16x128xf32, #tpu.memory_space<vmem>>, vector<1x16xf32>,
    %swap3A_839 = vector.shape_cast %swap3A_838 : vector<1x16xf32> to vector<16xf32>
    %swap3A_840 = vector.shape_cast %broadcast_in_dim3A_834 : vector<16xf32> to vector<1x16xf32>
    tpu.vector_store %arg14[%swap3A_836, %swap3A_837], %swap3A_840 {strides = array<i32>} : memref<16x128xf32, #tpu.memory_space<vmem>>, vector<1x16xf32>,
    %broadcast_in_dim3A_841 = arith.constant 0.000000e+00 : f32
    %broadcast_in_dim3A_842 = vector.broadcast %broadcast_in_dim3A_841 : f32 to vector<16xf32>
    %swap3A_843 = arith.constant 13 : i32
    %swap3A_844 = arith.index_cast %swap3A_843 : i32 to index
    %swap3A_845 = arith.constant 16 : index
    %swap3A_846 = tpu.vector_load %arg14[%swap3A_844, %swap3A_845] {strides = array<i32>} : memref<16x128xf32, #tpu.memory_space<vmem>>, vector<1x16xf32>,
    %swap3A_847 = vector.shape_cast %swap3A_846 : vector<1x16xf32> to vector<16xf32>
    %swap3A_848 = vector.shape_cast %broadcast_in_dim3A_842 : vector<16xf32> to vector<1x16xf32>
    tpu.vector_store %arg14[%swap3A_844, %swap3A_845], %swap3A_848 {strides = array<i32>} : memref<16x128xf32, #tpu.memory_space<vmem>>, vector<1x16xf32>,
    %broadcast_in_dim3A_849 = arith.constant 0.000000e+00 : f32
    %broadcast_in_dim3A_850 = vector.broadcast %broadcast_in_dim3A_849 : f32 to vector<16xf32>
    %swap3A_851 = arith.constant 13 : i32
    %swap3A_852 = arith.index_cast %swap3A_851 : i32 to index
    %swap3A_853 = arith.constant 32 : index
    %swap3A_854 = tpu.vector_load %arg14[%swap3A_852, %swap3A_853] {strides = array<i32>} : memref<16x128xf32, #tpu.memory_space<vmem>>, vector<1x16xf32>,
    %swap3A_855 = vector.shape_cast %swap3A_854 : vector<1x16xf32> to vector<16xf32>
    %swap3A_856 = vector.shape_cast %broadcast_in_dim3A_850 : vector<16xf32> to vector<1x16xf32>
    tpu.vector_store %arg14[%swap3A_852, %swap3A_853], %swap3A_856 {strides = array<i32>} : memref<16x128xf32, #tpu.memory_space<vmem>>, vector<1x16xf32>,
    %broadcast_in_dim3A_857 = arith.constant 0.000000e+00 : f32
    %broadcast_in_dim3A_858 = vector.broadcast %broadcast_in_dim3A_857 : f32 to vector<16xf32>
    %swap3A_859 = arith.constant 13 : i32
    %swap3A_860 = arith.index_cast %swap3A_859 : i32 to index
    %swap3A_861 = arith.constant 48 : index
    %swap3A_862 = tpu.vector_load %arg14[%swap3A_860, %swap3A_861] {strides = array<i32>} : memref<16x128xf32, #tpu.memory_space<vmem>>, vector<1x16xf32>,
    %swap3A_863 = vector.shape_cast %swap3A_862 : vector<1x16xf32> to vector<16xf32>
    %swap3A_864 = vector.shape_cast %broadcast_in_dim3A_858 : vector<16xf32> to vector<1x16xf32>
    tpu.vector_store %arg14[%swap3A_860, %swap3A_861], %swap3A_864 {strides = array<i32>} : memref<16x128xf32, #tpu.memory_space<vmem>>, vector<1x16xf32>,
    %broadcast_in_dim3A_865 = arith.constant 0.000000e+00 : f32
    %broadcast_in_dim3A_866 = vector.broadcast %broadcast_in_dim3A_865 : f32 to vector<16xf32>
    %swap3A_867 = arith.constant 13 : i32
    %swap3A_868 = arith.index_cast %swap3A_867 : i32 to index
    %swap3A_869 = arith.constant 64 : index
    %swap3A_870 = tpu.vector_load %arg14[%swap3A_868, %swap3A_869] {strides = array<i32>} : memref<16x128xf32, #tpu.memory_space<vmem>>, vector<1x16xf32>,
    %swap3A_871 = vector.shape_cast %swap3A_870 : vector<1x16xf32> to vector<16xf32>
    %swap3A_872 = vector.shape_cast %broadcast_in_dim3A_866 : vector<16xf32> to vector<1x16xf32>
    tpu.vector_store %arg14[%swap3A_868, %swap3A_869], %swap3A_872 {strides = array<i32>} : memref<16x128xf32, #tpu.memory_space<vmem>>, vector<1x16xf32>,
    %broadcast_in_dim3A_873 = arith.constant 0.000000e+00 : f32
    %broadcast_in_dim3A_874 = vector.broadcast %broadcast_in_dim3A_873 : f32 to vector<16xf32>
    %swap3A_875 = arith.constant 13 : i32
    %swap3A_876 = arith.index_cast %swap3A_875 : i32 to index
    %swap3A_877 = arith.constant 80 : index
    %swap3A_878 = tpu.vector_load %arg14[%swap3A_876, %swap3A_877] {strides = array<i32>} : memref<16x128xf32, #tpu.memory_space<vmem>>, vector<1x16xf32>,
    %swap3A_879 = vector.shape_cast %swap3A_878 : vector<1x16xf32> to vector<16xf32>
    %swap3A_880 = vector.shape_cast %broadcast_in_dim3A_874 : vector<16xf32> to vector<1x16xf32>
    tpu.vector_store %arg14[%swap3A_876, %swap3A_877], %swap3A_880 {strides = array<i32>} : memref<16x128xf32, #tpu.memory_space<vmem>>, vector<1x16xf32>,
    %broadcast_in_dim3A_881 = arith.constant 0.000000e+00 : f32
    %broadcast_in_dim3A_882 = vector.broadcast %broadcast_in_dim3A_881 : f32 to vector<16xf32>
    %swap3A_883 = arith.constant 13 : i32
    %swap3A_884 = arith.index_cast %swap3A_883 : i32 to index
    %swap3A_885 = arith.constant 96 : index
    %swap3A_886 = tpu.vector_load %arg14[%swap3A_884, %swap3A_885] {strides = array<i32>} : memref<16x128xf32, #tpu.memory_space<vmem>>, vector<1x16xf32>,
    %swap3A_887 = vector.shape_cast %swap3A_886 : vector<1x16xf32> to vector<16xf32>
    %swap3A_888 = vector.shape_cast %broadcast_in_dim3A_882 : vector<16xf32> to vector<1x16xf32>
    tpu.vector_store %arg14[%swap3A_884, %swap3A_885], %swap3A_888 {strides = array<i32>} : memref<16x128xf32, #tpu.memory_space<vmem>>, vector<1x16xf32>,
    %broadcast_in_dim3A_889 = arith.constant 0.000000e+00 : f32
    %broadcast_in_dim3A_890 = vector.broadcast %broadcast_in_dim3A_889 : f32 to vector<16xf32>
    %swap3A_891 = arith.constant 13 : i32
    %swap3A_892 = arith.index_cast %swap3A_891 : i32 to index
    %swap3A_893 = arith.constant 112 : index
    %swap3A_894 = tpu.vector_load %arg14[%swap3A_892, %swap3A_893] {strides = array<i32>} : memref<16x128xf32, #tpu.memory_space<vmem>>, vector<1x16xf32>,
    %swap3A_895 = vector.shape_cast %swap3A_894 : vector<1x16xf32> to vector<16xf32>
    %swap3A_896 = vector.shape_cast %broadcast_in_dim3A_890 : vector<16xf32> to vector<1x16xf32>
    tpu.vector_store %arg14[%swap3A_892, %swap3A_893], %swap3A_896 {strides = array<i32>} : memref<16x128xf32, #tpu.memory_space<vmem>>, vector<1x16xf32>,
    %broadcast_in_dim3A_897 = arith.constant 0.000000e+00 : f32
    %broadcast_in_dim3A_898 = vector.broadcast %broadcast_in_dim3A_897 : f32 to vector<16xf32>
    %swap3A_899 = arith.constant 14 : i32
    %swap3A_900 = arith.index_cast %swap3A_899 : i32 to index
    %swap3A_901 = arith.constant 0 : index
    %swap3A_902 = tpu.vector_load %arg14[%swap3A_900, %swap3A_901] {strides = array<i32>} : memref<16x128xf32, #tpu.memory_space<vmem>>, vector<1x16xf32>,
    %swap3A_903 = vector.shape_cast %swap3A_902 : vector<1x16xf32> to vector<16xf32>
    %swap3A_904 = vector.shape_cast %broadcast_in_dim3A_898 : vector<16xf32> to vector<1x16xf32>
    tpu.vector_store %arg14[%swap3A_900, %swap3A_901], %swap3A_904 {strides = array<i32>} : memref<16x128xf32, #tpu.memory_space<vmem>>, vector<1x16xf32>,
    %broadcast_in_dim3A_905 = arith.constant 0.000000e+00 : f32
    %broadcast_in_dim3A_906 = vector.broadcast %broadcast_in_dim3A_905 : f32 to vector<16xf32>
    %swap3A_907 = arith.constant 14 : i32
    %swap3A_908 = arith.index_cast %swap3A_907 : i32 to index
    %swap3A_909 = arith.constant 16 : index
    %swap3A_910 = tpu.vector_load %arg14[%swap3A_908, %swap3A_909] {strides = array<i32>} : memref<16x128xf32, #tpu.memory_space<vmem>>, vector<1x16xf32>,
    %swap3A_911 = vector.shape_cast %swap3A_910 : vector<1x16xf32> to vector<16xf32>
    %swap3A_912 = vector.shape_cast %broadcast_in_dim3A_906 : vector<16xf32> to vector<1x16xf32>
    tpu.vector_store %arg14[%swap3A_908, %swap3A_909], %swap3A_912 {strides = array<i32>} : memref<16x128xf32, #tpu.memory_space<vmem>>, vector<1x16xf32>,
    %broadcast_in_dim3A_913 = arith.constant 0.000000e+00 : f32
    %broadcast_in_dim3A_914 = vector.broadcast %broadcast_in_dim3A_913 : f32 to vector<16xf32>
    %swap3A_915 = arith.constant 14 : i32
    %swap3A_916 = arith.index_cast %swap3A_915 : i32 to index
    %swap3A_917 = arith.constant 32 : index
    %swap3A_918 = tpu.vector_load %arg14[%swap3A_916, %swap3A_917] {strides = array<i32>} : memref<16x128xf32, #tpu.memory_space<vmem>>, vector<1x16xf32>,
    %swap3A_919 = vector.shape_cast %swap3A_918 : vector<1x16xf32> to vector<16xf32>
    %swap3A_920 = vector.shape_cast %broadcast_in_dim3A_914 : vector<16xf32> to vector<1x16xf32>
    tpu.vector_store %arg14[%swap3A_916, %swap3A_917], %swap3A_920 {strides = array<i32>} : memref<16x128xf32, #tpu.memory_space<vmem>>, vector<1x16xf32>,
    %broadcast_in_dim3A_921 = arith.constant 0.000000e+00 : f32
    %broadcast_in_dim3A_922 = vector.broadcast %broadcast_in_dim3A_921 : f32 to vector<16xf32>
    %swap3A_923 = arith.constant 14 : i32
    %swap3A_924 = arith.index_cast %swap3A_923 : i32 to index
    %swap3A_925 = arith.constant 48 : index
    %swap3A_926 = tpu.vector_load %arg14[%swap3A_924, %swap3A_925] {strides = array<i32>} : memref<16x128xf32, #tpu.memory_space<vmem>>, vector<1x16xf32>,
    %swap3A_927 = vector.shape_cast %swap3A_926 : vector<1x16xf32> to vector<16xf32>
    %swap3A_928 = vector.shape_cast %broadcast_in_dim3A_922 : vector<16xf32> to vector<1x16xf32>
    tpu.vector_store %arg14[%swap3A_924, %swap3A_925], %swap3A_928 {strides = array<i32>} : memref<16x128xf32, #tpu.memory_space<vmem>>, vector<1x16xf32>,
    %broadcast_in_dim3A_929 = arith.constant 0.000000e+00 : f32
    %broadcast_in_dim3A_930 = vector.broadcast %broadcast_in_dim3A_929 : f32 to vector<16xf32>
    %swap3A_931 = arith.constant 14 : i32
    %swap3A_932 = arith.index_cast %swap3A_931 : i32 to index
    %swap3A_933 = arith.constant 64 : index
    %swap3A_934 = tpu.vector_load %arg14[%swap3A_932, %swap3A_933] {strides = array<i32>} : memref<16x128xf32, #tpu.memory_space<vmem>>, vector<1x16xf32>,
    %swap3A_935 = vector.shape_cast %swap3A_934 : vector<1x16xf32> to vector<16xf32>
    %swap3A_936 = vector.shape_cast %broadcast_in_dim3A_930 : vector<16xf32> to vector<1x16xf32>
    tpu.vector_store %arg14[%swap3A_932, %swap3A_933], %swap3A_936 {strides = array<i32>} : memref<16x128xf32, #tpu.memory_space<vmem>>, vector<1x16xf32>,
    %broadcast_in_dim3A_937 = arith.constant 0.000000e+00 : f32
    %broadcast_in_dim3A_938 = vector.broadcast %broadcast_in_dim3A_937 : f32 to vector<16xf32>
    %swap3A_939 = arith.constant 14 : i32
    %swap3A_940 = arith.index_cast %swap3A_939 : i32 to index
    %swap3A_941 = arith.constant 80 : index
    %swap3A_942 = tpu.vector_load %arg14[%swap3A_940, %swap3A_941] {strides = array<i32>} : memref<16x128xf32, #tpu.memory_space<vmem>>, vector<1x16xf32>,
    %swap3A_943 = vector.shape_cast %swap3A_942 : vector<1x16xf32> to vector<16xf32>
    %swap3A_944 = vector.shape_cast %broadcast_in_dim3A_938 : vector<16xf32> to vector<1x16xf32>
    tpu.vector_store %arg14[%swap3A_940, %swap3A_941], %swap3A_944 {strides = array<i32>} : memref<16x128xf32, #tpu.memory_space<vmem>>, vector<1x16xf32>,
    %broadcast_in_dim3A_945 = arith.constant 0.000000e+00 : f32
    %broadcast_in_dim3A_946 = vector.broadcast %broadcast_in_dim3A_945 : f32 to vector<16xf32>
    %swap3A_947 = arith.constant 14 : i32
    %swap3A_948 = arith.index_cast %swap3A_947 : i32 to index
    %swap3A_949 = arith.constant 96 : index
    %swap3A_950 = tpu.vector_load %arg14[%swap3A_948, %swap3A_949] {strides = array<i32>} : memref<16x128xf32, #tpu.memory_space<vmem>>, vector<1x16xf32>,
    %swap3A_951 = vector.shape_cast %swap3A_950 : vector<1x16xf32> to vector<16xf32>
    %swap3A_952 = vector.shape_cast %broadcast_in_dim3A_946 : vector<16xf32> to vector<1x16xf32>
    tpu.vector_store %arg14[%swap3A_948, %swap3A_949], %swap3A_952 {strides = array<i32>} : memref<16x128xf32, #tpu.memory_space<vmem>>, vector<1x16xf32>,
    %broadcast_in_dim3A_953 = arith.constant 0.000000e+00 : f32
    %broadcast_in_dim3A_954 = vector.broadcast %broadcast_in_dim3A_953 : f32 to vector<16xf32>
    %swap3A_955 = arith.constant 14 : i32
    %swap3A_956 = arith.index_cast %swap3A_955 : i32 to index
    %swap3A_957 = arith.constant 112 : index
    %swap3A_958 = tpu.vector_load %arg14[%swap3A_956, %swap3A_957] {strides = array<i32>} : memref<16x128xf32, #tpu.memory_space<vmem>>, vector<1x16xf32>,
    %swap3A_959 = vector.shape_cast %swap3A_958 : vector<1x16xf32> to vector<16xf32>
    %swap3A_960 = vector.shape_cast %broadcast_in_dim3A_954 : vector<16xf32> to vector<1x16xf32>
    tpu.vector_store %arg14[%swap3A_956, %swap3A_957], %swap3A_960 {strides = array<i32>} : memref<16x128xf32, #tpu.memory_space<vmem>>, vector<1x16xf32>,
    %broadcast_in_dim3A_961 = arith.constant 0.000000e+00 : f32
    %broadcast_in_dim3A_962 = vector.broadcast %broadcast_in_dim3A_961 : f32 to vector<16xf32>
    %swap3A_963 = arith.constant 15 : i32
    %swap3A_964 = arith.index_cast %swap3A_963 : i32 to index
    %swap3A_965 = arith.constant 0 : index
    %swap3A_966 = tpu.vector_load %arg14[%swap3A_964, %swap3A_965] {strides = array<i32>} : memref<16x128xf32, #tpu.memory_space<vmem>>, vector<1x16xf32>,
    %swap3A_967 = vector.shape_cast %swap3A_966 : vector<1x16xf32> to vector<16xf32>
    %swap3A_968 = vector.shape_cast %broadcast_in_dim3A_962 : vector<16xf32> to vector<1x16xf32>
    tpu.vector_store %arg14[%swap3A_964, %swap3A_965], %swap3A_968 {strides = array<i32>} : memref<16x128xf32, #tpu.memory_space<vmem>>, vector<1x16xf32>,
    %broadcast_in_dim3A_969 = arith.constant 0.000000e+00 : f32
    %broadcast_in_dim3A_970 = vector.broadcast %broadcast_in_dim3A_969 : f32 to vector<16xf32>
    %swap3A_971 = arith.constant 15 : i32
    %swap3A_972 = arith.index_cast %swap3A_971 : i32 to index
    %swap3A_973 = arith.constant 16 : index
    %swap3A_974 = tpu.vector_load %arg14[%swap3A_972, %swap3A_973] {strides = array<i32>} : memref<16x128xf32, #tpu.memory_space<vmem>>, vector<1x16xf32>,
    %swap3A_975 = vector.shape_cast %swap3A_974 : vector<1x16xf32> to vector<16xf32>
    %swap3A_976 = vector.shape_cast %broadcast_in_dim3A_970 : vector<16xf32> to vector<1x16xf32>
    tpu.vector_store %arg14[%swap3A_972, %swap3A_973], %swap3A_976 {strides = array<i32>} : memref<16x128xf32, #tpu.memory_space<vmem>>, vector<1x16xf32>,
    %broadcast_in_dim3A_977 = arith.constant 0.000000e+00 : f32
    %broadcast_in_dim3A_978 = vector.broadcast %broadcast_in_dim3A_977 : f32 to vector<16xf32>
    %swap3A_979 = arith.constant 15 : i32
    %swap3A_980 = arith.index_cast %swap3A_979 : i32 to index
    %swap3A_981 = arith.constant 32 : index
    %swap3A_982 = tpu.vector_load %arg14[%swap3A_980, %swap3A_981] {strides = array<i32>} : memref<16x128xf32, #tpu.memory_space<vmem>>, vector<1x16xf32>,
    %swap3A_983 = vector.shape_cast %swap3A_982 : vector<1x16xf32> to vector<16xf32>
    %swap3A_984 = vector.shape_cast %broadcast_in_dim3A_978 : vector<16xf32> to vector<1x16xf32>
    tpu.vector_store %arg14[%swap3A_980, %swap3A_981], %swap3A_984 {strides = array<i32>} : memref<16x128xf32, #tpu.memory_space<vmem>>, vector<1x16xf32>,
    %broadcast_in_dim3A_985 = arith.constant 0.000000e+00 : f32
    %broadcast_in_dim3A_986 = vector.broadcast %broadcast_in_dim3A_985 : f32 to vector<16xf32>
    %swap3A_987 = arith.constant 15 : i32
    %swap3A_988 = arith.index_cast %swap3A_987 : i32 to index
    %swap3A_989 = arith.constant 48 : index
    %swap3A_990 = tpu.vector_load %arg14[%swap3A_988, %swap3A_989] {strides = array<i32>} : memref<16x128xf32, #tpu.memory_space<vmem>>, vector<1x16xf32>,
    %swap3A_991 = vector.shape_cast %swap3A_990 : vector<1x16xf32> to vector<16xf32>
    %swap3A_992 = vector.shape_cast %broadcast_in_dim3A_986 : vector<16xf32> to vector<1x16xf32>
    tpu.vector_store %arg14[%swap3A_988, %swap3A_989], %swap3A_992 {strides = array<i32>} : memref<16x128xf32, #tpu.memory_space<vmem>>, vector<1x16xf32>,
    %broadcast_in_dim3A_993 = arith.constant 0.000000e+00 : f32
    %broadcast_in_dim3A_994 = vector.broadcast %broadcast_in_dim3A_993 : f32 to vector<16xf32>
    %swap3A_995 = arith.constant 15 : i32
    %swap3A_996 = arith.index_cast %swap3A_995 : i32 to index
    %swap3A_997 = arith.constant 64 : index
    %swap3A_998 = tpu.vector_load %arg14[%swap3A_996, %swap3A_997] {strides = array<i32>} : memref<16x128xf32, #tpu.memory_space<vmem>>, vector<1x16xf32>,
    %swap3A_999 = vector.shape_cast %swap3A_998 : vector<1x16xf32> to vector<16xf32>
    %swap3A_1000 = vector.shape_cast %broadcast_in_dim3A_994 : vector<16xf32> to vector<1x16xf32>
    tpu.vector_store %arg14[%swap3A_996, %swap3A_997], %swap3A_1000 {strides = array<i32>} : memref<16x128xf32, #tpu.memory_space<vmem>>, vector<1x16xf32>,
    %broadcast_in_dim3A_1001 = arith.constant 0.000000e+00 : f32
    %broadcast_in_dim3A_1002 = vector.broadcast %broadcast_in_dim3A_1001 : f32 to vector<16xf32>
    %swap3A_1003 = arith.constant 15 : i32
    %swap3A_1004 = arith.index_cast %swap3A_1003 : i32 to index
    %swap3A_1005 = arith.constant 80 : index
    %swap3A_1006 = tpu.vector_load %arg14[%swap3A_1004, %swap3A_1005] {strides = array<i32>} : memref<16x128xf32, #tpu.memory_space<vmem>>, vector<1x16xf32>,
    %swap3A_1007 = vector.shape_cast %swap3A_1006 : vector<1x16xf32> to vector<16xf32>
    %swap3A_1008 = vector.shape_cast %broadcast_in_dim3A_1002 : vector<16xf32> to vector<1x16xf32>
    tpu.vector_store %arg14[%swap3A_1004, %swap3A_1005], %swap3A_1008 {strides = array<i32>} : memref<16x128xf32, #tpu.memory_space<vmem>>, vector<1x16xf32>,
    %broadcast_in_dim3A_1009 = arith.constant 0.000000e+00 : f32
    %broadcast_in_dim3A_1010 = vector.broadcast %broadcast_in_dim3A_1009 : f32 to vector<16xf32>
    %swap3A_1011 = arith.constant 15 : i32
    %swap3A_1012 = arith.index_cast %swap3A_1011 : i32 to index
    %swap3A_1013 = arith.constant 96 : index
    %swap3A_1014 = tpu.vector_load %arg14[%swap3A_1012, %swap3A_1013] {strides = array<i32>} : memref<16x128xf32, #tpu.memory_space<vmem>>, vector<1x16xf32>,
    %swap3A_1015 = vector.shape_cast %swap3A_1014 : vector<1x16xf32> to vector<16xf32>
    %swap3A_1016 = vector.shape_cast %broadcast_in_dim3A_1010 : vector<16xf32> to vector<1x16xf32>
    tpu.vector_store %arg14[%swap3A_1012, %swap3A_1013], %swap3A_1016 {strides = array<i32>} : memref<16x128xf32, #tpu.memory_space<vmem>>, vector<1x16xf32>,
    %broadcast_in_dim3A_1017 = arith.constant 0.000000e+00 : f32
    %broadcast_in_dim3A_1018 = vector.broadcast %broadcast_in_dim3A_1017 : f32 to vector<16xf32>
    %swap3A_1019 = arith.constant 15 : i32
    %swap3A_1020 = arith.index_cast %swap3A_1019 : i32 to index
    %swap3A_1021 = arith.constant 112 : index
    %swap3A_1022 = tpu.vector_load %arg14[%swap3A_1020, %swap3A_1021] {strides = array<i32>} : memref<16x128xf32, #tpu.memory_space<vmem>>, vector<1x16xf32>,
    %swap3A_1023 = vector.shape_cast %swap3A_1022 : vector<1x16xf32> to vector<16xf32>
    %swap3A_1024 = vector.shape_cast %broadcast_in_dim3A_1018 : vector<16xf32> to vector<1x16xf32>
    tpu.vector_store %arg14[%swap3A_1020, %swap3A_1021], %swap3A_1024 {strides = array<i32>} : memref<16x128xf32, #tpu.memory_space<vmem>>, vector<1x16xf32>,
    %mul3A_1025 = arith.constant 328 : i32
    %mul3A_1026 = arith.muli %arg1, %mul3A_1025 : i32
    %add3A = arith.constant 0 : i32
    %add3A_1027 = arith.addi %mul3A_1026, %add3A : i32
    "tpu.region"() ({
      %run_scoped3A_1240 = tpu.sem_alloc : memref<!tpu.dma_semaphore, #tpu.memory_space<semaphore_mem>>
      %dma_start3A_1241 = arith.constant 0 : i32
      %dma_start3A_1242 = tpu.memref_slice %arg15[%add3A_1027, %dma_start3A_1241] : memref<5248x128xf32, #tpu.memory_space<vmem_shared>> -> memref<16x128xf32, #tpu.memory_space<vmem_shared>>
      %dma_start3A_1243 = arith.constant 0 : i32
      %dma_start3A_1244 = tpu.memref_slice %arg15[%add3A_1027, %dma_start3A_1243] : memref<5248x128xf32, #tpu.memory_space<vmem_shared>> -> memref<16x128xf32, #tpu.memory_space<vmem_shared>>
      tpu.enqueue_dma source(%arg14 : memref<16x128xf32, #tpu.memory_space<vmem>>) target(%dma_start3A_1244 : memref<16x128xf32, #tpu.memory_space<vmem_shared>>) target_semaphore(%run_scoped3A_1240 : memref<!tpu.dma_semaphore, #tpu.memory_space<semaphore_mem>>)
      %dma_wait3A = arith.constant 0 : i32
      %dma_wait3A_1245 = tpu.memref_slice %arg15[%add3A_1027, %dma_wait3A] : memref<5248x128xf32, #tpu.memory_space<vmem_shared>> -> memref<16x128xf32, #tpu.memory_space<vmem_shared>>
      %dma_wait3A_1246 = arith.constant 0 : i32
      %dma_wait3A_1247 = tpu.memref_slice %arg15[%add3A_1027, %dma_wait3A_1246] : memref<5248x128xf32, #tpu.memory_space<vmem_shared>> -> memref<16x128xf32, #tpu.memory_space<vmem_shared>>
      tpu.wait_dma2 semaphore(%run_scoped3A_1240 : memref<!tpu.dma_semaphore, #tpu.memory_space<semaphore_mem>>) src(%arg14 : memref<16x128xf32, #tpu.memory_space<vmem>>) dst(%dma_wait3A_1247 : memref<16x128xf32, #tpu.memory_space<vmem_shared>>)
      tpu.yield
    }) : () -> ()
    %mul3A_1028 = arith.constant 328 : i32
    %mul3A_1029 = arith.muli %arg1, %mul3A_1028 : i32
    %add3A_1030 = arith.constant 16 : i32
    %add3A_1031 = arith.addi %mul3A_1029, %add3A_1030 : i32
    "tpu.region"() ({
      %run_scoped3A_1240 = tpu.sem_alloc : memref<!tpu.dma_semaphore, #tpu.memory_space<semaphore_mem>>
      %dma_start3A_1241 = arith.constant 0 : i32
      %dma_start3A_1242 = tpu.memref_slice %arg15[%add3A_1031, %dma_start3A_1241] : memref<5248x128xf32, #tpu.memory_space<vmem_shared>> -> memref<16x128xf32, #tpu.memory_space<vmem_shared>>
      %dma_start3A_1243 = arith.constant 0 : i32
      %dma_start3A_1244 = tpu.memref_slice %arg15[%add3A_1031, %dma_start3A_1243] : memref<5248x128xf32, #tpu.memory_space<vmem_shared>> -> memref<16x128xf32, #tpu.memory_space<vmem_shared>>
      tpu.enqueue_dma source(%arg14 : memref<16x128xf32, #tpu.memory_space<vmem>>) target(%dma_start3A_1244 : memref<16x128xf32, #tpu.memory_space<vmem_shared>>) target_semaphore(%run_scoped3A_1240 : memref<!tpu.dma_semaphore, #tpu.memory_space<semaphore_mem>>)
      %dma_wait3A = arith.constant 0 : i32
      %dma_wait3A_1245 = tpu.memref_slice %arg15[%add3A_1031, %dma_wait3A] : memref<5248x128xf32, #tpu.memory_space<vmem_shared>> -> memref<16x128xf32, #tpu.memory_space<vmem_shared>>
      %dma_wait3A_1246 = arith.constant 0 : i32
      %dma_wait3A_1247 = tpu.memref_slice %arg15[%add3A_1031, %dma_wait3A_1246] : memref<5248x128xf32, #tpu.memory_space<vmem_shared>> -> memref<16x128xf32, #tpu.memory_space<vmem_shared>>
      tpu.wait_dma2 semaphore(%run_scoped3A_1240 : memref<!tpu.dma_semaphore, #tpu.memory_space<semaphore_mem>>) src(%arg14 : memref<16x128xf32, #tpu.memory_space<vmem>>) dst(%dma_wait3A_1247 : memref<16x128xf32, #tpu.memory_space<vmem_shared>>)
      tpu.yield
    }) : () -> ()
    %mul3A_1032 = arith.constant 328 : i32
    %mul3A_1033 = arith.muli %arg1, %mul3A_1032 : i32
    %add3A_1034 = arith.constant 32 : i32
    %add3A_1035 = arith.addi %mul3A_1033, %add3A_1034 : i32
    "tpu.region"() ({
      %run_scoped3A_1240 = tpu.sem_alloc : memref<!tpu.dma_semaphore, #tpu.memory_space<semaphore_mem>>
      %dma_start3A_1241 = arith.constant 0 : i32
      %dma_start3A_1242 = tpu.memref_slice %arg15[%add3A_1035, %dma_start3A_1241] : memref<5248x128xf32, #tpu.memory_space<vmem_shared>> -> memref<16x128xf32, #tpu.memory_space<vmem_shared>>
      %dma_start3A_1243 = arith.constant 0 : i32
      %dma_start3A_1244 = tpu.memref_slice %arg15[%add3A_1035, %dma_start3A_1243] : memref<5248x128xf32, #tpu.memory_space<vmem_shared>> -> memref<16x128xf32, #tpu.memory_space<vmem_shared>>
      tpu.enqueue_dma source(%arg14 : memref<16x128xf32, #tpu.memory_space<vmem>>) target(%dma_start3A_1244 : memref<16x128xf32, #tpu.memory_space<vmem_shared>>) target_semaphore(%run_scoped3A_1240 : memref<!tpu.dma_semaphore, #tpu.memory_space<semaphore_mem>>)
      %dma_wait3A = arith.constant 0 : i32
      %dma_wait3A_1245 = tpu.memref_slice %arg15[%add3A_1035, %dma_wait3A] : memref<5248x128xf32, #tpu.memory_space<vmem_shared>> -> memref<16x128xf32, #tpu.memory_space<vmem_shared>>
      %dma_wait3A_1246 = arith.constant 0 : i32
      %dma_wait3A_1247 = tpu.memref_slice %arg15[%add3A_1035, %dma_wait3A_1246] : memref<5248x128xf32, #tpu.memory_space<vmem_shared>> -> memref<16x128xf32, #tpu.memory_space<vmem_shared>>
      tpu.wait_dma2 semaphore(%run_scoped3A_1240 : memref<!tpu.dma_semaphore, #tpu.memory_space<semaphore_mem>>) src(%arg14 : memref<16x128xf32, #tpu.memory_space<vmem>>) dst(%dma_wait3A_1247 : memref<16x128xf32, #tpu.memory_space<vmem_shared>>)
      tpu.yield
    }) : () -> ()
    %mul3A_1036 = arith.constant 328 : i32
    %mul3A_1037 = arith.muli %arg1, %mul3A_1036 : i32
    %add3A_1038 = arith.constant 48 : i32
    %add3A_1039 = arith.addi %mul3A_1037, %add3A_1038 : i32
    "tpu.region"() ({
      %run_scoped3A_1240 = tpu.sem_alloc : memref<!tpu.dma_semaphore, #tpu.memory_space<semaphore_mem>>
      %dma_start3A_1241 = arith.constant 0 : i32
      %dma_start3A_1242 = tpu.memref_slice %arg15[%add3A_1039, %dma_start3A_1241] : memref<5248x128xf32, #tpu.memory_space<vmem_shared>> -> memref<16x128xf32, #tpu.memory_space<vmem_shared>>
      %dma_start3A_1243 = arith.constant 0 : i32
      %dma_start3A_1244 = tpu.memref_slice %arg15[%add3A_1039, %dma_start3A_1243] : memref<5248x128xf32, #tpu.memory_space<vmem_shared>> -> memref<16x128xf32, #tpu.memory_space<vmem_shared>>
      tpu.enqueue_dma source(%arg14 : memref<16x128xf32, #tpu.memory_space<vmem>>) target(%dma_start3A_1244 : memref<16x128xf32, #tpu.memory_space<vmem_shared>>) target_semaphore(%run_scoped3A_1240 : memref<!tpu.dma_semaphore, #tpu.memory_space<semaphore_mem>>)
      %dma_wait3A = arith.constant 0 : i32
      %dma_wait3A_1245 = tpu.memref_slice %arg15[%add3A_1039, %dma_wait3A] : memref<5248x128xf32, #tpu.memory_space<vmem_shared>> -> memref<16x128xf32, #tpu.memory_space<vmem_shared>>
      %dma_wait3A_1246 = arith.constant 0 : i32
      %dma_wait3A_1247 = tpu.memref_slice %arg15[%add3A_1039, %dma_wait3A_1246] : memref<5248x128xf32, #tpu.memory_space<vmem_shared>> -> memref<16x128xf32, #tpu.memory_space<vmem_shared>>
      tpu.wait_dma2 semaphore(%run_scoped3A_1240 : memref<!tpu.dma_semaphore, #tpu.memory_space<semaphore_mem>>) src(%arg14 : memref<16x128xf32, #tpu.memory_space<vmem>>) dst(%dma_wait3A_1247 : memref<16x128xf32, #tpu.memory_space<vmem_shared>>)
      tpu.yield
    }) : () -> ()
    %mul3A_1040 = arith.constant 328 : i32
    %mul3A_1041 = arith.muli %arg1, %mul3A_1040 : i32
    %add3A_1042 = arith.constant 64 : i32
    %add3A_1043 = arith.addi %mul3A_1041, %add3A_1042 : i32
    "tpu.region"() ({
      %run_scoped3A_1240 = tpu.sem_alloc : memref<!tpu.dma_semaphore, #tpu.memory_space<semaphore_mem>>
      %dma_start3A_1241 = arith.constant 0 : i32
      %dma_start3A_1242 = tpu.memref_slice %arg15[%add3A_1043, %dma_start3A_1241] : memref<5248x128xf32, #tpu.memory_space<vmem_shared>> -> memref<16x128xf32, #tpu.memory_space<vmem_shared>>
      %dma_start3A_1243 = arith.constant 0 : i32
      %dma_start3A_1244 = tpu.memref_slice %arg15[%add3A_1043, %dma_start3A_1243] : memref<5248x128xf32, #tpu.memory_space<vmem_shared>> -> memref<16x128xf32, #tpu.memory_space<vmem_shared>>
      tpu.enqueue_dma source(%arg14 : memref<16x128xf32, #tpu.memory_space<vmem>>) target(%dma_start3A_1244 : memref<16x128xf32, #tpu.memory_space<vmem_shared>>) target_semaphore(%run_scoped3A_1240 : memref<!tpu.dma_semaphore, #tpu.memory_space<semaphore_mem>>)
      %dma_wait3A = arith.constant 0 : i32
      %dma_wait3A_1245 = tpu.memref_slice %arg15[%add3A_1043, %dma_wait3A] : memref<5248x128xf32, #tpu.memory_space<vmem_shared>> -> memref<16x128xf32, #tpu.memory_space<vmem_shared>>
      %dma_wait3A_1246 = arith.constant 0 : i32
      %dma_wait3A_1247 = tpu.memref_slice %arg15[%add3A_1043, %dma_wait3A_1246] : memref<5248x128xf32, #tpu.memory_space<vmem_shared>> -> memref<16x128xf32, #tpu.memory_space<vmem_shared>>
      tpu.wait_dma2 semaphore(%run_scoped3A_1240 : memref<!tpu.dma_semaphore, #tpu.memory_space<semaphore_mem>>) src(%arg14 : memref<16x128xf32, #tpu.memory_space<vmem>>) dst(%dma_wait3A_1247 : memref<16x128xf32, #tpu.memory_space<vmem_shared>>)
      tpu.yield
    }) : () -> ()
    %mul3A_1044 = arith.constant 328 : i32
    %mul3A_1045 = arith.muli %arg1, %mul3A_1044 : i32
    %add3A_1046 = arith.constant 80 : i32
    %add3A_1047 = arith.addi %mul3A_1045, %add3A_1046 : i32
    "tpu.region"() ({
      %run_scoped3A_1240 = tpu.sem_alloc : memref<!tpu.dma_semaphore, #tpu.memory_space<semaphore_mem>>
      %dma_start3A_1241 = arith.constant 0 : i32
      %dma_start3A_1242 = tpu.memref_slice %arg15[%add3A_1047, %dma_start3A_1241] : memref<5248x128xf32, #tpu.memory_space<vmem_shared>> -> memref<16x128xf32, #tpu.memory_space<vmem_shared>>
      %dma_start3A_1243 = arith.constant 0 : i32
      %dma_start3A_1244 = tpu.memref_slice %arg15[%add3A_1047, %dma_start3A_1243] : memref<5248x128xf32, #tpu.memory_space<vmem_shared>> -> memref<16x128xf32, #tpu.memory_space<vmem_shared>>
      tpu.enqueue_dma source(%arg14 : memref<16x128xf32, #tpu.memory_space<vmem>>) target(%dma_start3A_1244 : memref<16x128xf32, #tpu.memory_space<vmem_shared>>) target_semaphore(%run_scoped3A_1240 : memref<!tpu.dma_semaphore, #tpu.memory_space<semaphore_mem>>)
      %dma_wait3A = arith.constant 0 : i32
      %dma_wait3A_1245 = tpu.memref_slice %arg15[%add3A_1047, %dma_wait3A] : memref<5248x128xf32, #tpu.memory_space<vmem_shared>> -> memref<16x128xf32, #tpu.memory_space<vmem_shared>>
      %dma_wait3A_1246 = arith.constant 0 : i32
      %dma_wait3A_1247 = tpu.memref_slice %arg15[%add3A_1047, %dma_wait3A_1246] : memref<5248x128xf32, #tpu.memory_space<vmem_shared>> -> memref<16x128xf32, #tpu.memory_space<vmem_shared>>
      tpu.wait_dma2 semaphore(%run_scoped3A_1240 : memref<!tpu.dma_semaphore, #tpu.memory_space<semaphore_mem>>) src(%arg14 : memref<16x128xf32, #tpu.memory_space<vmem>>) dst(%dma_wait3A_1247 : memref<16x128xf32, #tpu.memory_space<vmem_shared>>)
      tpu.yield
    }) : () -> ()
    %mul3A_1048 = arith.constant 328 : i32
    %mul3A_1049 = arith.muli %arg1, %mul3A_1048 : i32
    %add3A_1050 = arith.constant 96 : i32
    %add3A_1051 = arith.addi %mul3A_1049, %add3A_1050 : i32
    "tpu.region"() ({
      %run_scoped3A_1240 = tpu.sem_alloc : memref<!tpu.dma_semaphore, #tpu.memory_space<semaphore_mem>>
      %dma_start3A_1241 = arith.constant 0 : i32
      %dma_start3A_1242 = tpu.memref_slice %arg15[%add3A_1051, %dma_start3A_1241] : memref<5248x128xf32, #tpu.memory_space<vmem_shared>> -> memref<16x128xf32, #tpu.memory_space<vmem_shared>>
      %dma_start3A_1243 = arith.constant 0 : i32
      %dma_start3A_1244 = tpu.memref_slice %arg15[%add3A_1051, %dma_start3A_1243] : memref<5248x128xf32, #tpu.memory_space<vmem_shared>> -> memref<16x128xf32, #tpu.memory_space<vmem_shared>>
      tpu.enqueue_dma source(%arg14 : memref<16x128xf32, #tpu.memory_space<vmem>>) target(%dma_start3A_1244 : memref<16x128xf32, #tpu.memory_space<vmem_shared>>) target_semaphore(%run_scoped3A_1240 : memref<!tpu.dma_semaphore, #tpu.memory_space<semaphore_mem>>)
      %dma_wait3A = arith.constant 0 : i32
      %dma_wait3A_1245 = tpu.memref_slice %arg15[%add3A_1051, %dma_wait3A] : memref<5248x128xf32, #tpu.memory_space<vmem_shared>> -> memref<16x128xf32, #tpu.memory_space<vmem_shared>>
      %dma_wait3A_1246 = arith.constant 0 : i32
      %dma_wait3A_1247 = tpu.memref_slice %arg15[%add3A_1051, %dma_wait3A_1246] : memref<5248x128xf32, #tpu.memory_space<vmem_shared>> -> memref<16x128xf32, #tpu.memory_space<vmem_shared>>
      tpu.wait_dma2 semaphore(%run_scoped3A_1240 : memref<!tpu.dma_semaphore, #tpu.memory_space<semaphore_mem>>) src(%arg14 : memref<16x128xf32, #tpu.memory_space<vmem>>) dst(%dma_wait3A_1247 : memref<16x128xf32, #tpu.memory_space<vmem_shared>>)
      tpu.yield
    }) : () -> ()
    %mul3A_1052 = arith.constant 328 : i32
    %mul3A_1053 = arith.muli %arg1, %mul3A_1052 : i32
    %add3A_1054 = arith.constant 112 : i32
    %add3A_1055 = arith.addi %mul3A_1053, %add3A_1054 : i32
    "tpu.region"() ({
      %run_scoped3A_1240 = tpu.sem_alloc : memref<!tpu.dma_semaphore, #tpu.memory_space<semaphore_mem>>
      %dma_start3A_1241 = arith.constant 0 : i32
      %dma_start3A_1242 = tpu.memref_slice %arg15[%add3A_1055, %dma_start3A_1241] : memref<5248x128xf32, #tpu.memory_space<vmem_shared>> -> memref<16x128xf32, #tpu.memory_space<vmem_shared>>
      %dma_start3A_1243 = arith.constant 0 : i32
      %dma_start3A_1244 = tpu.memref_slice %arg15[%add3A_1055, %dma_start3A_1243] : memref<5248x128xf32, #tpu.memory_space<vmem_shared>> -> memref<16x128xf32, #tpu.memory_space<vmem_shared>>
      tpu.enqueue_dma source(%arg14 : memref<16x128xf32, #tpu.memory_space<vmem>>) target(%dma_start3A_1244 : memref<16x128xf32, #tpu.memory_space<vmem_shared>>) target_semaphore(%run_scoped3A_1240 : memref<!tpu.dma_semaphore, #tpu.memory_space<semaphore_mem>>)
      %dma_wait3A = arith.constant 0 : i32
      %dma_wait3A_1245 = tpu.memref_slice %arg15[%add3A_1055, %dma_wait3A] : memref<5248x128xf32, #tpu.memory_space<vmem_shared>> -> memref<16x128xf32, #tpu.memory_space<vmem_shared>>
      %dma_wait3A_1246 = arith.constant 0 : i32
      %dma_wait3A_1247 = tpu.memref_slice %arg15[%add3A_1055, %dma_wait3A_1246] : memref<5248x128xf32, #tpu.memory_space<vmem_shared>> -> memref<16x128xf32, #tpu.memory_space<vmem_shared>>
      tpu.wait_dma2 semaphore(%run_scoped3A_1240 : memref<!tpu.dma_semaphore, #tpu.memory_space<semaphore_mem>>) src(%arg14 : memref<16x128xf32, #tpu.memory_space<vmem>>) dst(%dma_wait3A_1247 : memref<16x128xf32, #tpu.memory_space<vmem_shared>>)
      tpu.yield
    }) : () -> ()
    %mul3A_1056 = arith.constant 328 : i32
    %mul3A_1057 = arith.muli %arg1, %mul3A_1056 : i32
    %add3A_1058 = arith.constant 128 : i32
    %add3A_1059 = arith.addi %mul3A_1057, %add3A_1058 : i32
    "tpu.region"() ({
      %run_scoped3A_1240 = tpu.sem_alloc : memref<!tpu.dma_semaphore, #tpu.memory_space<semaphore_mem>>
      %dma_start3A_1241 = arith.constant 0 : i32
      %dma_start3A_1242 = tpu.memref_slice %arg15[%add3A_1059, %dma_start3A_1241] : memref<5248x128xf32, #tpu.memory_space<vmem_shared>> -> memref<16x128xf32, #tpu.memory_space<vmem_shared>>
      %dma_start3A_1243 = arith.constant 0 : i32
      %dma_start3A_1244 = tpu.memref_slice %arg15[%add3A_1059, %dma_start3A_1243] : memref<5248x128xf32, #tpu.memory_space<vmem_shared>> -> memref<16x128xf32, #tpu.memory_space<vmem_shared>>
      tpu.enqueue_dma source(%arg14 : memref<16x128xf32, #tpu.memory_space<vmem>>) target(%dma_start3A_1244 : memref<16x128xf32, #tpu.memory_space<vmem_shared>>) target_semaphore(%run_scoped3A_1240 : memref<!tpu.dma_semaphore, #tpu.memory_space<semaphore_mem>>)
      %dma_wait3A = arith.constant 0 : i32
      %dma_wait3A_1245 = tpu.memref_slice %arg15[%add3A_1059, %dma_wait3A] : memref<5248x128xf32, #tpu.memory_space<vmem_shared>> -> memref<16x128xf32, #tpu.memory_space<vmem_shared>>
      %dma_wait3A_1246 = arith.constant 0 : i32
      %dma_wait3A_1247 = tpu.memref_slice %arg15[%add3A_1059, %dma_wait3A_1246] : memref<5248x128xf32, #tpu.memory_space<vmem_shared>> -> memref<16x128xf32, #tpu.memory_space<vmem_shared>>
      tpu.wait_dma2 semaphore(%run_scoped3A_1240 : memref<!tpu.dma_semaphore, #tpu.memory_space<semaphore_mem>>) src(%arg14 : memref<16x128xf32, #tpu.memory_space<vmem>>) dst(%dma_wait3A_1247 : memref<16x128xf32, #tpu.memory_space<vmem_shared>>)
      tpu.yield
    }) : () -> ()
    %mul3A_1060 = arith.constant 328 : i32
    %mul3A_1061 = arith.muli %arg1, %mul3A_1060 : i32
    %add3A_1062 = arith.constant 144 : i32
    %add3A_1063 = arith.addi %mul3A_1061, %add3A_1062 : i32
    "tpu.region"() ({
      %run_scoped3A_1240 = tpu.sem_alloc : memref<!tpu.dma_semaphore, #tpu.memory_space<semaphore_mem>>
      %dma_start3A_1241 = arith.constant 0 : i32
      %dma_start3A_1242 = tpu.memref_slice %arg15[%add3A_1063, %dma_start3A_1241] : memref<5248x128xf32, #tpu.memory_space<vmem_shared>> -> memref<16x128xf32, #tpu.memory_space<vmem_shared>>
      %dma_start3A_1243 = arith.constant 0 : i32
      %dma_start3A_1244 = tpu.memref_slice %arg15[%add3A_1063, %dma_start3A_1243] : memref<5248x128xf32, #tpu.memory_space<vmem_shared>> -> memref<16x128xf32, #tpu.memory_space<vmem_shared>>
      tpu.enqueue_dma source(%arg14 : memref<16x128xf32, #tpu.memory_space<vmem>>) target(%dma_start3A_1244 : memref<16x128xf32, #tpu.memory_space<vmem_shared>>) target_semaphore(%run_scoped3A_1240 : memref<!tpu.dma_semaphore, #tpu.memory_space<semaphore_mem>>)
      %dma_wait3A = arith.constant 0 : i32
      %dma_wait3A_1245 = tpu.memref_slice %arg15[%add3A_1063, %dma_wait3A] : memref<5248x128xf32, #tpu.memory_space<vmem_shared>> -> memref<16x128xf32, #tpu.memory_space<vmem_shared>>
      %dma_wait3A_1246 = arith.constant 0 : i32
      %dma_wait3A_1247 = tpu.memref_slice %arg15[%add3A_1063, %dma_wait3A_1246] : memref<5248x128xf32, #tpu.memory_space<vmem_shared>> -> memref<16x128xf32, #tpu.memory_space<vmem_shared>>
      tpu.wait_dma2 semaphore(%run_scoped3A_1240 : memref<!tpu.dma_semaphore, #tpu.memory_space<semaphore_mem>>) src(%arg14 : memref<16x128xf32, #tpu.memory_space<vmem>>) dst(%dma_wait3A_1247 : memref<16x128xf32, #tpu.memory_space<vmem_shared>>)
      tpu.yield
    }) : () -> ()
    %mul3A_1064 = arith.constant 328 : i32
    %mul3A_1065 = arith.muli %arg1, %mul3A_1064 : i32
    %add3A_1066 = arith.constant 160 : i32
    %add3A_1067 = arith.addi %mul3A_1065, %add3A_1066 : i32
    "tpu.region"() ({
      %run_scoped3A_1240 = tpu.sem_alloc : memref<!tpu.dma_semaphore, #tpu.memory_space<semaphore_mem>>
      %dma_start3A_1241 = arith.constant 0 : i32
      %dma_start3A_1242 = tpu.memref_slice %arg15[%add3A_1067, %dma_start3A_1241] : memref<5248x128xf32, #tpu.memory_space<vmem_shared>> -> memref<16x128xf32, #tpu.memory_space<vmem_shared>>
      %dma_start3A_1243 = arith.constant 0 : i32
      %dma_start3A_1244 = tpu.memref_slice %arg15[%add3A_1067, %dma_start3A_1243] : memref<5248x128xf32, #tpu.memory_space<vmem_shared>> -> memref<16x128xf32, #tpu.memory_space<vmem_shared>>
      tpu.enqueue_dma source(%arg14 : memref<16x128xf32, #tpu.memory_space<vmem>>) target(%dma_start3A_1244 : memref<16x128xf32, #tpu.memory_space<vmem_shared>>) target_semaphore(%run_scoped3A_1240 : memref<!tpu.dma_semaphore, #tpu.memory_space<semaphore_mem>>)
      %dma_wait3A = arith.constant 0 : i32
      %dma_wait3A_1245 = tpu.memref_slice %arg15[%add3A_1067, %dma_wait3A] : memref<5248x128xf32, #tpu.memory_space<vmem_shared>> -> memref<16x128xf32, #tpu.memory_space<vmem_shared>>
      %dma_wait3A_1246 = arith.constant 0 : i32
      %dma_wait3A_1247 = tpu.memref_slice %arg15[%add3A_1067, %dma_wait3A_1246] : memref<5248x128xf32, #tpu.memory_space<vmem_shared>> -> memref<16x128xf32, #tpu.memory_space<vmem_shared>>
      tpu.wait_dma2 semaphore(%run_scoped3A_1240 : memref<!tpu.dma_semaphore, #tpu.memory_space<semaphore_mem>>) src(%arg14 : memref<16x128xf32, #tpu.memory_space<vmem>>) dst(%dma_wait3A_1247 : memref<16x128xf32, #tpu.memory_space<vmem_shared>>)
      tpu.yield
    }) : () -> ()
    %mul3A_1068 = arith.constant 328 : i32
    %mul3A_1069 = arith.muli %arg1, %mul3A_1068 : i32
    %add3A_1070 = arith.constant 176 : i32
    %add3A_1071 = arith.addi %mul3A_1069, %add3A_1070 : i32
    "tpu.region"() ({
      %run_scoped3A_1240 = tpu.sem_alloc : memref<!tpu.dma_semaphore, #tpu.memory_space<semaphore_mem>>
      %dma_start3A_1241 = arith.constant 0 : i32
      %dma_start3A_1242 = tpu.memref_slice %arg15[%add3A_1071, %dma_start3A_1241] : memref<5248x128xf32, #tpu.memory_space<vmem_shared>> -> memref<16x128xf32, #tpu.memory_space<vmem_shared>>
      %dma_start3A_1243 = arith.constant 0 : i32
      %dma_start3A_1244 = tpu.memref_slice %arg15[%add3A_1071, %dma_start3A_1243] : memref<5248x128xf32, #tpu.memory_space<vmem_shared>> -> memref<16x128xf32, #tpu.memory_space<vmem_shared>>
      tpu.enqueue_dma source(%arg14 : memref<16x128xf32, #tpu.memory_space<vmem>>) target(%dma_start3A_1244 : memref<16x128xf32, #tpu.memory_space<vmem_shared>>) target_semaphore(%run_scoped3A_1240 : memref<!tpu.dma_semaphore, #tpu.memory_space<semaphore_mem>>)
      %dma_wait3A = arith.constant 0 : i32
      %dma_wait3A_1245 = tpu.memref_slice %arg15[%add3A_1071, %dma_wait3A] : memref<5248x128xf32, #tpu.memory_space<vmem_shared>> -> memref<16x128xf32, #tpu.memory_space<vmem_shared>>
      %dma_wait3A_1246 = arith.constant 0 : i32
      %dma_wait3A_1247 = tpu.memref_slice %arg15[%add3A_1071, %dma_wait3A_1246] : memref<5248x128xf32, #tpu.memory_space<vmem_shared>> -> memref<16x128xf32, #tpu.memory_space<vmem_shared>>
      tpu.wait_dma2 semaphore(%run_scoped3A_1240 : memref<!tpu.dma_semaphore, #tpu.memory_space<semaphore_mem>>) src(%arg14 : memref<16x128xf32, #tpu.memory_space<vmem>>) dst(%dma_wait3A_1247 : memref<16x128xf32, #tpu.memory_space<vmem_shared>>)
      tpu.yield
    }) : () -> ()
    %mul3A_1072 = arith.constant 328 : i32
    %mul3A_1073 = arith.muli %arg1, %mul3A_1072 : i32
    %add3A_1074 = arith.constant 192 : i32
    %add3A_1075 = arith.addi %mul3A_1073, %add3A_1074 : i32
    "tpu.region"() ({
      %run_scoped3A_1240 = tpu.sem_alloc : memref<!tpu.dma_semaphore, #tpu.memory_space<semaphore_mem>>
      %dma_start3A_1241 = arith.constant 0 : i32
      %dma_start3A_1242 = tpu.memref_slice %arg15[%add3A_1075, %dma_start3A_1241] : memref<5248x128xf32, #tpu.memory_space<vmem_shared>> -> memref<16x128xf32, #tpu.memory_space<vmem_shared>>
      %dma_start3A_1243 = arith.constant 0 : i32
      %dma_start3A_1244 = tpu.memref_slice %arg15[%add3A_1075, %dma_start3A_1243] : memref<5248x128xf32, #tpu.memory_space<vmem_shared>> -> memref<16x128xf32, #tpu.memory_space<vmem_shared>>
      tpu.enqueue_dma source(%arg14 : memref<16x128xf32, #tpu.memory_space<vmem>>) target(%dma_start3A_1244 : memref<16x128xf32, #tpu.memory_space<vmem_shared>>) target_semaphore(%run_scoped3A_1240 : memref<!tpu.dma_semaphore, #tpu.memory_space<semaphore_mem>>)
      %dma_wait3A = arith.constant 0 : i32
      %dma_wait3A_1245 = tpu.memref_slice %arg15[%add3A_1075, %dma_wait3A] : memref<5248x128xf32, #tpu.memory_space<vmem_shared>> -> memref<16x128xf32, #tpu.memory_space<vmem_shared>>
      %dma_wait3A_1246 = arith.constant 0 : i32
      %dma_wait3A_1247 = tpu.memref_slice %arg15[%add3A_1075, %dma_wait3A_1246] : memref<5248x128xf32, #tpu.memory_space<vmem_shared>> -> memref<16x128xf32, #tpu.memory_space<vmem_shared>>
      tpu.wait_dma2 semaphore(%run_scoped3A_1240 : memref<!tpu.dma_semaphore, #tpu.memory_space<semaphore_mem>>) src(%arg14 : memref<16x128xf32, #tpu.memory_space<vmem>>) dst(%dma_wait3A_1247 : memref<16x128xf32, #tpu.memory_space<vmem_shared>>)
      tpu.yield
    }) : () -> ()
    %mul3A_1076 = arith.constant 328 : i32
    %mul3A_1077 = arith.muli %arg1, %mul3A_1076 : i32
    %add3A_1078 = arith.constant 208 : i32
    %add3A_1079 = arith.addi %mul3A_1077, %add3A_1078 : i32
    "tpu.region"() ({
      %run_scoped3A_1240 = tpu.sem_alloc : memref<!tpu.dma_semaphore, #tpu.memory_space<semaphore_mem>>
      %dma_start3A_1241 = arith.constant 0 : i32
      %dma_start3A_1242 = tpu.memref_slice %arg15[%add3A_1079, %dma_start3A_1241] : memref<5248x128xf32, #tpu.memory_space<vmem_shared>> -> memref<16x128xf32, #tpu.memory_space<vmem_shared>>
      %dma_start3A_1243 = arith.constant 0 : i32
      %dma_start3A_1244 = tpu.memref_slice %arg15[%add3A_1079, %dma_start3A_1243] : memref<5248x128xf32, #tpu.memory_space<vmem_shared>> -> memref<16x128xf32, #tpu.memory_space<vmem_shared>>
      tpu.enqueue_dma source(%arg14 : memref<16x128xf32, #tpu.memory_space<vmem>>) target(%dma_start3A_1244 : memref<16x128xf32, #tpu.memory_space<vmem_shared>>) target_semaphore(%run_scoped3A_1240 : memref<!tpu.dma_semaphore, #tpu.memory_space<semaphore_mem>>)
      %dma_wait3A = arith.constant 0 : i32
      %dma_wait3A_1245 = tpu.memref_slice %arg15[%add3A_1079, %dma_wait3A] : memref<5248x128xf32, #tpu.memory_space<vmem_shared>> -> memref<16x128xf32, #tpu.memory_space<vmem_shared>>
      %dma_wait3A_1246 = arith.constant 0 : i32
      %dma_wait3A_1247 = tpu.memref_slice %arg15[%add3A_1079, %dma_wait3A_1246] : memref<5248x128xf32, #tpu.memory_space<vmem_shared>> -> memref<16x128xf32, #tpu.memory_space<vmem_shared>>
      tpu.wait_dma2 semaphore(%run_scoped3A_1240 : memref<!tpu.dma_semaphore, #tpu.memory_space<semaphore_mem>>) src(%arg14 : memref<16x128xf32, #tpu.memory_space<vmem>>) dst(%dma_wait3A_1247 : memref<16x128xf32, #tpu.memory_space<vmem_shared>>)
      tpu.yield
    }) : () -> ()
    %mul3A_1080 = arith.constant 328 : i32
    %mul3A_1081 = arith.muli %arg1, %mul3A_1080 : i32
    %add3A_1082 = arith.constant 224 : i32
    %add3A_1083 = arith.addi %mul3A_1081, %add3A_1082 : i32
    "tpu.region"() ({
      %run_scoped3A_1240 = tpu.sem_alloc : memref<!tpu.dma_semaphore, #tpu.memory_space<semaphore_mem>>
      %dma_start3A_1241 = arith.constant 0 : i32
      %dma_start3A_1242 = tpu.memref_slice %arg15[%add3A_1083, %dma_start3A_1241] : memref<5248x128xf32, #tpu.memory_space<vmem_shared>> -> memref<16x128xf32, #tpu.memory_space<vmem_shared>>
      %dma_start3A_1243 = arith.constant 0 : i32
      %dma_start3A_1244 = tpu.memref_slice %arg15[%add3A_1083, %dma_start3A_1243] : memref<5248x128xf32, #tpu.memory_space<vmem_shared>> -> memref<16x128xf32, #tpu.memory_space<vmem_shared>>
      tpu.enqueue_dma source(%arg14 : memref<16x128xf32, #tpu.memory_space<vmem>>) target(%dma_start3A_1244 : memref<16x128xf32, #tpu.memory_space<vmem_shared>>) target_semaphore(%run_scoped3A_1240 : memref<!tpu.dma_semaphore, #tpu.memory_space<semaphore_mem>>)
      %dma_wait3A = arith.constant 0 : i32
      %dma_wait3A_1245 = tpu.memref_slice %arg15[%add3A_1083, %dma_wait3A] : memref<5248x128xf32, #tpu.memory_space<vmem_shared>> -> memref<16x128xf32, #tpu.memory_space<vmem_shared>>
      %dma_wait3A_1246 = arith.constant 0 : i32
      %dma_wait3A_1247 = tpu.memref_slice %arg15[%add3A_1083, %dma_wait3A_1246] : memref<5248x128xf32, #tpu.memory_space<vmem_shared>> -> memref<16x128xf32, #tpu.memory_space<vmem_shared>>
      tpu.wait_dma2 semaphore(%run_scoped3A_1240 : memref<!tpu.dma_semaphore, #tpu.memory_space<semaphore_mem>>) src(%arg14 : memref<16x128xf32, #tpu.memory_space<vmem>>) dst(%dma_wait3A_1247 : memref<16x128xf32, #tpu.memory_space<vmem_shared>>)
      tpu.yield
    }) : () -> ()
    %mul3A_1084 = arith.constant 328 : i32
    %mul3A_1085 = arith.muli %arg1, %mul3A_1084 : i32
    %add3A_1086 = arith.constant 240 : i32
    %add3A_1087 = arith.addi %mul3A_1085, %add3A_1086 : i32
    "tpu.region"() ({
      %run_scoped3A_1240 = tpu.sem_alloc : memref<!tpu.dma_semaphore, #tpu.memory_space<semaphore_mem>>
      %dma_start3A_1241 = arith.constant 0 : i32
      %dma_start3A_1242 = tpu.memref_slice %arg15[%add3A_1087, %dma_start3A_1241] : memref<5248x128xf32, #tpu.memory_space<vmem_shared>> -> memref<16x128xf32, #tpu.memory_space<vmem_shared>>
      %dma_start3A_1243 = arith.constant 0 : i32
      %dma_start3A_1244 = tpu.memref_slice %arg15[%add3A_1087, %dma_start3A_1243] : memref<5248x128xf32, #tpu.memory_space<vmem_shared>> -> memref<16x128xf32, #tpu.memory_space<vmem_shared>>
      tpu.enqueue_dma source(%arg14 : memref<16x128xf32, #tpu.memory_space<vmem>>) target(%dma_start3A_1244 : memref<16x128xf32, #tpu.memory_space<vmem_shared>>) target_semaphore(%run_scoped3A_1240 : memref<!tpu.dma_semaphore, #tpu.memory_space<semaphore_mem>>)
      %dma_wait3A = arith.constant 0 : i32
      %dma_wait3A_1245 = tpu.memref_slice %arg15[%add3A_1087, %dma_wait3A] : memref<5248x128xf32, #tpu.memory_space<vmem_shared>> -> memref<16x128xf32, #tpu.memory_space<vmem_shared>>
      %dma_wait3A_1246 = arith.constant 0 : i32
      %dma_wait3A_1247 = tpu.memref_slice %arg15[%add3A_1087, %dma_wait3A_1246] : memref<5248x128xf32, #tpu.memory_space<vmem_shared>> -> memref<16x128xf32, #tpu.memory_space<vmem_shared>>
      tpu.wait_dma2 semaphore(%run_scoped3A_1240 : memref<!tpu.dma_semaphore, #tpu.memory_space<semaphore_mem>>) src(%arg14 : memref<16x128xf32, #tpu.memory_space<vmem>>) dst(%dma_wait3A_1247 : memref<16x128xf32, #tpu.memory_space<vmem_shared>>)
      tpu.yield
    }) : () -> ()
    %mul3A_1088 = arith.constant 328 : i32
    %mul3A_1089 = arith.muli %arg1, %mul3A_1088 : i32
    %add3A_1090 = arith.constant 256 : i32
    %add3A_1091 = arith.addi %mul3A_1089, %add3A_1090 : i32
    "tpu.region"() ({
      %run_scoped3A_1240 = tpu.sem_alloc : memref<!tpu.dma_semaphore, #tpu.memory_space<semaphore_mem>>
      %dma_start3A_1241 = arith.constant 0 : i32
      %dma_start3A_1242 = tpu.memref_slice %arg15[%add3A_1091, %dma_start3A_1241] : memref<5248x128xf32, #tpu.memory_space<vmem_shared>> -> memref<16x128xf32, #tpu.memory_space<vmem_shared>>
      %dma_start3A_1243 = arith.constant 0 : i32
      %dma_start3A_1244 = tpu.memref_slice %arg15[%add3A_1091, %dma_start3A_1243] : memref<5248x128xf32, #tpu.memory_space<vmem_shared>> -> memref<16x128xf32, #tpu.memory_space<vmem_shared>>
      tpu.enqueue_dma source(%arg14 : memref<16x128xf32, #tpu.memory_space<vmem>>) target(%dma_start3A_1244 : memref<16x128xf32, #tpu.memory_space<vmem_shared>>) target_semaphore(%run_scoped3A_1240 : memref<!tpu.dma_semaphore, #tpu.memory_space<semaphore_mem>>)
      %dma_wait3A = arith.constant 0 : i32
      %dma_wait3A_1245 = tpu.memref_slice %arg15[%add3A_1091, %dma_wait3A] : memref<5248x128xf32, #tpu.memory_space<vmem_shared>> -> memref<16x128xf32, #tpu.memory_space<vmem_shared>>
      %dma_wait3A_1246 = arith.constant 0 : i32
      %dma_wait3A_1247 = tpu.memref_slice %arg15[%add3A_1091, %dma_wait3A_1246] : memref<5248x128xf32, #tpu.memory_space<vmem_shared>> -> memref<16x128xf32, #tpu.memory_space<vmem_shared>>
      tpu.wait_dma2 semaphore(%run_scoped3A_1240 : memref<!tpu.dma_semaphore, #tpu.memory_space<semaphore_mem>>) src(%arg14 : memref<16x128xf32, #tpu.memory_space<vmem>>) dst(%dma_wait3A_1247 : memref<16x128xf32, #tpu.memory_space<vmem_shared>>)
      tpu.yield
    }) : () -> ()
    %mul3A_1092 = arith.constant 328 : i32
    %mul3A_1093 = arith.muli %arg1, %mul3A_1092 : i32
    %add3A_1094 = arith.constant 272 : i32
    %add3A_1095 = arith.addi %mul3A_1093, %add3A_1094 : i32
    "tpu.region"() ({
      %run_scoped3A_1240 = tpu.sem_alloc : memref<!tpu.dma_semaphore, #tpu.memory_space<semaphore_mem>>
      %dma_start3A_1241 = arith.constant 0 : i32
      %dma_start3A_1242 = tpu.memref_slice %arg15[%add3A_1095, %dma_start3A_1241] : memref<5248x128xf32, #tpu.memory_space<vmem_shared>> -> memref<16x128xf32, #tpu.memory_space<vmem_shared>>
      %dma_start3A_1243 = arith.constant 0 : i32
      %dma_start3A_1244 = tpu.memref_slice %arg15[%add3A_1095, %dma_start3A_1243] : memref<5248x128xf32, #tpu.memory_space<vmem_shared>> -> memref<16x128xf32, #tpu.memory_space<vmem_shared>>
      tpu.enqueue_dma source(%arg14 : memref<16x128xf32, #tpu.memory_space<vmem>>) target(%dma_start3A_1244 : memref<16x128xf32, #tpu.memory_space<vmem_shared>>) target_semaphore(%run_scoped3A_1240 : memref<!tpu.dma_semaphore, #tpu.memory_space<semaphore_mem>>)
      %dma_wait3A = arith.constant 0 : i32
      %dma_wait3A_1245 = tpu.memref_slice %arg15[%add3A_1095, %dma_wait3A] : memref<5248x128xf32, #tpu.memory_space<vmem_shared>> -> memref<16x128xf32, #tpu.memory_space<vmem_shared>>
      %dma_wait3A_1246 = arith.constant 0 : i32
      %dma_wait3A_1247 = tpu.memref_slice %arg15[%add3A_1095, %dma_wait3A_1246] : memref<5248x128xf32, #tpu.memory_space<vmem_shared>> -> memref<16x128xf32, #tpu.memory_space<vmem_shared>>
      tpu.wait_dma2 semaphore(%run_scoped3A_1240 : memref<!tpu.dma_semaphore, #tpu.memory_space<semaphore_mem>>) src(%arg14 : memref<16x128xf32, #tpu.memory_space<vmem>>) dst(%dma_wait3A_1247 : memref<16x128xf32, #tpu.memory_space<vmem_shared>>)
      tpu.yield
    }) : () -> ()
    %mul3A_1096 = arith.constant 328 : i32
    %mul3A_1097 = arith.muli %arg1, %mul3A_1096 : i32
    %add3A_1098 = arith.constant 288 : i32
    %add3A_1099 = arith.addi %mul3A_1097, %add3A_1098 : i32
    "tpu.region"() ({
      %run_scoped3A_1240 = tpu.sem_alloc : memref<!tpu.dma_semaphore, #tpu.memory_space<semaphore_mem>>
      %dma_start3A_1241 = arith.constant 0 : i32
      %dma_start3A_1242 = tpu.memref_slice %arg15[%add3A_1099, %dma_start3A_1241] : memref<5248x128xf32, #tpu.memory_space<vmem_shared>> -> memref<16x128xf32, #tpu.memory_space<vmem_shared>>
      %dma_start3A_1243 = arith.constant 0 : i32
      %dma_start3A_1244 = tpu.memref_slice %arg15[%add3A_1099, %dma_start3A_1243] : memref<5248x128xf32, #tpu.memory_space<vmem_shared>> -> memref<16x128xf32, #tpu.memory_space<vmem_shared>>
      tpu.enqueue_dma source(%arg14 : memref<16x128xf32, #tpu.memory_space<vmem>>) target(%dma_start3A_1244 : memref<16x128xf32, #tpu.memory_space<vmem_shared>>) target_semaphore(%run_scoped3A_1240 : memref<!tpu.dma_semaphore, #tpu.memory_space<semaphore_mem>>)
      %dma_wait3A = arith.constant 0 : i32
      %dma_wait3A_1245 = tpu.memref_slice %arg15[%add3A_1099, %dma_wait3A] : memref<5248x128xf32, #tpu.memory_space<vmem_shared>> -> memref<16x128xf32, #tpu.memory_space<vmem_shared>>
      %dma_wait3A_1246 = arith.constant 0 : i32
      %dma_wait3A_1247 = tpu.memref_slice %arg15[%add3A_1099, %dma_wait3A_1246] : memref<5248x128xf32, #tpu.memory_space<vmem_shared>> -> memref<16x128xf32, #tpu.memory_space<vmem_shared>>
      tpu.wait_dma2 semaphore(%run_scoped3A_1240 : memref<!tpu.dma_semaphore, #tpu.memory_space<semaphore_mem>>) src(%arg14 : memref<16x128xf32, #tpu.memory_space<vmem>>) dst(%dma_wait3A_1247 : memref<16x128xf32, #tpu.memory_space<vmem_shared>>)
      tpu.yield
    }) : () -> ()
    %mul3A_1100 = arith.constant 328 : i32
    %mul3A_1101 = arith.muli %arg1, %mul3A_1100 : i32
    %add3A_1102 = arith.constant 304 : i32
    %add3A_1103 = arith.addi %mul3A_1101, %add3A_1102 : i32
    "tpu.region"() ({
      %run_scoped3A_1240 = tpu.sem_alloc : memref<!tpu.dma_semaphore, #tpu.memory_space<semaphore_mem>>
      %dma_start3A_1241 = arith.constant 0 : i32
      %dma_start3A_1242 = tpu.memref_slice %arg15[%add3A_1103, %dma_start3A_1241] : memref<5248x128xf32, #tpu.memory_space<vmem_shared>> -> memref<16x128xf32, #tpu.memory_space<vmem_shared>>
      %dma_start3A_1243 = arith.constant 0 : i32
      %dma_start3A_1244 = tpu.memref_slice %arg15[%add3A_1103, %dma_start3A_1243] : memref<5248x128xf32, #tpu.memory_space<vmem_shared>> -> memref<16x128xf32, #tpu.memory_space<vmem_shared>>
      tpu.enqueue_dma source(%arg14 : memref<16x128xf32, #tpu.memory_space<vmem>>) target(%dma_start3A_1244 : memref<16x128xf32, #tpu.memory_space<vmem_shared>>) target_semaphore(%run_scoped3A_1240 : memref<!tpu.dma_semaphore, #tpu.memory_space<semaphore_mem>>)
      %dma_wait3A = arith.constant 0 : i32
      %dma_wait3A_1245 = tpu.memref_slice %arg15[%add3A_1103, %dma_wait3A] : memref<5248x128xf32, #tpu.memory_space<vmem_shared>> -> memref<16x128xf32, #tpu.memory_space<vmem_shared>>
      %dma_wait3A_1246 = arith.constant 0 : i32
      %dma_wait3A_1247 = tpu.memref_slice %arg15[%add3A_1103, %dma_wait3A_1246] : memref<5248x128xf32, #tpu.memory_space<vmem_shared>> -> memref<16x128xf32, #tpu.memory_space<vmem_shared>>
      tpu.wait_dma2 semaphore(%run_scoped3A_1240 : memref<!tpu.dma_semaphore, #tpu.memory_space<semaphore_mem>>) src(%arg14 : memref<16x128xf32, #tpu.memory_space<vmem>>) dst(%dma_wait3A_1247 : memref<16x128xf32, #tpu.memory_space<vmem_shared>>)
      tpu.yield
    }) : () -> ()
    %barrier3A = arith.constant 0 : index
    tpu.barrier barrier_id(%barrier3A)
    %add3A_1104 = arith.constant 0 : i32
    %add3A_1105 = arith.addi %mul3A_2, %add3A_1104 : i32
    %dma_start3A = tpu.memref_slice %arg4[%add3A_1105] : memref<320000xi32, #tpu.memory_space<hbm>> -> memref<80xi32, #tpu.memory_space<hbm>>
    %dma_start3A_1106 = tpu.memref_slice %arg4[%add3A_1105] : memref<320000xi32, #tpu.memory_space<hbm>> -> memref<80xi32, #tpu.memory_space<hbm>>
    tpu.enqueue_dma source(%dma_start3A_1106 : memref<80xi32, #tpu.memory_space<hbm>>) target(%arg6 : memref<80xi32, #tpu.memory_space<vmem>>) target_semaphore(%arg16 : memref<!tpu.dma_semaphore, #tpu.memory_space<semaphore_mem>>)
    %dma_start3A_1107 = arith.constant 0 : i32
    %dma_start3A_1108 = tpu.memref_slice %arg2[%add3A_1105, %dma_start3A_1107] : memref<320000x128xf32, #tpu.memory_space<hbm>> -> memref<80x128xf32, #tpu.memory_space<hbm>>
    %dma_start3A_1109 = arith.constant 0 : i32
    %dma_start3A_1110 = tpu.memref_slice %arg2[%add3A_1105, %dma_start3A_1109] : memref<320000x128xf32, #tpu.memory_space<hbm>> -> memref<80x128xf32, #tpu.memory_space<hbm>>
    tpu.enqueue_dma source(%dma_start3A_1110 : memref<80x128xf32, #tpu.memory_space<hbm>>) target(%arg10 : memref<80x128xf32, #tpu.memory_space<vmem>>) target_semaphore(%arg20 : memref<!tpu.dma_semaphore, #tpu.memory_space<semaphore_mem>>)
    %add3A_1111 = arith.constant 80 : i32
    %add3A_1112 = arith.addi %mul3A_2, %add3A_1111 : i32
    %dma_start3A_1113 = tpu.memref_slice %arg4[%add3A_1112] : memref<320000xi32, #tpu.memory_space<hbm>> -> memref<80xi32, #tpu.memory_space<hbm>>
    %dma_start3A_1114 = tpu.memref_slice %arg4[%add3A_1112] : memref<320000xi32, #tpu.memory_space<hbm>> -> memref<80xi32, #tpu.memory_space<hbm>>
    tpu.enqueue_dma source(%dma_start3A_1114 : memref<80xi32, #tpu.memory_space<hbm>>) target(%arg7 : memref<80xi32, #tpu.memory_space<vmem>>) target_semaphore(%arg17 : memref<!tpu.dma_semaphore, #tpu.memory_space<semaphore_mem>>)
    %dma_start3A_1115 = arith.constant 0 : i32
    %dma_start3A_1116 = tpu.memref_slice %arg2[%add3A_1112, %dma_start3A_1115] : memref<320000x128xf32, #tpu.memory_space<hbm>> -> memref<80x128xf32, #tpu.memory_space<hbm>>
    %dma_start3A_1117 = arith.constant 0 : i32
    %dma_start3A_1118 = tpu.memref_slice %arg2[%add3A_1112, %dma_start3A_1117] : memref<320000x128xf32, #tpu.memory_space<hbm>> -> memref<80x128xf32, #tpu.memory_space<hbm>>
    tpu.enqueue_dma source(%dma_start3A_1118 : memref<80x128xf32, #tpu.memory_space<hbm>>) target(%arg11 : memref<80x128xf32, #tpu.memory_space<vmem>>) target_semaphore(%arg21 : memref<!tpu.dma_semaphore, #tpu.memory_space<semaphore_mem>>)
    %scan3A = arith.constant 0 : i32
    %scan3A_1119 = arith.constant 0 : i32
    %scan3A_1120 = arith.constant 125 : i32
    %scan3A_1121 = arith.addi %scan3A_1119, %scan3A_1120 : i32
    %scan3A_1122 = arith.constant 1 : i32
    scf.for %scan3A_1240 = %scan3A_1119 to %scan3A_1121 step %scan3A_1122  : i32 {
      %jit3A = arith.constant 2 : i32
      %eq3A = arith.constant 0 : i32
      %eq3A_1241 = arith.cmpi eq, %jit3A, %eq3A : i32
      %jit3A_1242 = arith.constant 1 : i32
      %select_n3A = arith.select %eq3A_1241, %jit3A_1242, %jit3A : i32
      %rem3A = arith.remsi %scan3A_1240, %select_n3A : i32
      %ne3A = arith.constant 0 : i32
      %ne3A_1243 = arith.cmpi ne, %rem3A, %ne3A : i32
      %lt3A = arith.constant 0 : i32
      %lt3A_1244 = arith.cmpi slt, %rem3A, %lt3A : i32
      %lt3A_1245 = arith.constant 0 : i32
      %lt3A_1246 = arith.cmpi slt, %select_n3A, %lt3A_1245 : i32
      %ne3A_1247 = arith.xori %lt3A_1244, %lt3A_1246 : i1
      %and3A = arith.andi %ne3A_1247, %ne3A_1243 : i1
      %add3A_1248 = arith.addi %rem3A, %select_n3A : i32
      %select_n3A_1249 = arith.select %and3A, %add3A_1248, %rem3A : i32
      %eq3A_1250 = arith.constant 0 : i32
      %eq3A_1251 = arith.cmpi eq, %select_n3A_1249, %eq3A_1250 : i32
      %convert_element_type3A = arith.extui %eq3A_1251 : i1 to i32
      %cond3A = arith.constant 0 : i32
      %cond3A_1252 = arith.cmpi ne, %convert_element_type3A, %cond3A : i32
      scf.if %cond3A_1252 {
        %mul3A_1274 = arith.constant 2 : i32
        %mul3A_1275 = arith.muli %scan3A_1240, %mul3A_1274 : i32
        %add3A_1276 = arith.constant 1 : i32
        %add3A_1277 = arith.addi %scan3A_1240, %add3A_1276 : i32
        %lt3A_1278 = arith.constant 125 : i32
        %lt3A_1279 = arith.cmpi slt, %add3A_1277, %lt3A_1278 : i32
        %convert_element_type3A_1280 = arith.extui %lt3A_1279 : i1 to i32
        %cond3A_1281 = arith.constant 0 : i32
        %cond3A_1282 = arith.cmpi ne, %convert_element_type3A_1280, %cond3A_1281 : i32
        scf.if %cond3A_1282 {
          %add3A_1314 = arith.constant 2 : i32
          %add3A_1315 = arith.addi %mul3A_1275, %add3A_1314 : i32
          %mul3A_1316 = arith.constant 80 : i32
          %mul3A_1317 = arith.muli %add3A_1315, %mul3A_1316 : i32
          %add3A_1318 = arith.addi %mul3A_2, %mul3A_1317 : i32
          %dma_start3A_1319 = tpu.memref_slice %arg4[%add3A_1318] : memref<320000xi32, #tpu.memory_space<hbm>> -> memref<80xi32, #tpu.memory_space<hbm>>
          %dma_start3A_1320 = tpu.memref_slice %arg4[%add3A_1318] : memref<320000xi32, #tpu.memory_space<hbm>> -> memref<80xi32, #tpu.memory_space<hbm>>
          tpu.enqueue_dma source(%dma_start3A_1320 : memref<80xi32, #tpu.memory_space<hbm>>) target(%arg8 : memref<80xi32, #tpu.memory_space<vmem>>) target_semaphore(%arg18 : memref<!tpu.dma_semaphore, #tpu.memory_space<semaphore_mem>>)
          %dma_start3A_1321 = arith.constant 0 : i32
          %dma_start3A_1322 = tpu.memref_slice %arg2[%add3A_1318, %dma_start3A_1321] : memref<320000x128xf32, #tpu.memory_space<hbm>> -> memref<80x128xf32, #tpu.memory_space<hbm>>
          %dma_start3A_1323 = arith.constant 0 : i32
          %dma_start3A_1324 = tpu.memref_slice %arg2[%add3A_1318, %dma_start3A_1323] : memref<320000x128xf32, #tpu.memory_space<hbm>> -> memref<80x128xf32, #tpu.memory_space<hbm>>
          tpu.enqueue_dma source(%dma_start3A_1324 : memref<80x128xf32, #tpu.memory_space<hbm>>) target(%arg12 : memref<80x128xf32, #tpu.memory_space<vmem>>) target_semaphore(%arg22 : memref<!tpu.dma_semaphore, #tpu.memory_space<semaphore_mem>>)
          %add3A_1325 = arith.constant 3 : i32
          %add3A_1326 = arith.addi %mul3A_1275, %add3A_1325 : i32
          %mul3A_1327 = arith.constant 80 : i32
          %mul3A_1328 = arith.muli %add3A_1326, %mul3A_1327 : i32
          %add3A_1329 = arith.addi %mul3A_2, %mul3A_1328 : i32
          %dma_start3A_1330 = tpu.memref_slice %arg4[%add3A_1329] : memref<320000xi32, #tpu.memory_space<hbm>> -> memref<80xi32, #tpu.memory_space<hbm>>
          %dma_start3A_1331 = tpu.memref_slice %arg4[%add3A_1329] : memref<320000xi32, #tpu.memory_space<hbm>> -> memref<80xi32, #tpu.memory_space<hbm>>
          tpu.enqueue_dma source(%dma_start3A_1331 : memref<80xi32, #tpu.memory_space<hbm>>) target(%arg9 : memref<80xi32, #tpu.memory_space<vmem>>) target_semaphore(%arg19 : memref<!tpu.dma_semaphore, #tpu.memory_space<semaphore_mem>>)
          %dma_start3A_1332 = arith.constant 0 : i32
          %dma_start3A_1333 = tpu.memref_slice %arg2[%add3A_1329, %dma_start3A_1332] : memref<320000x128xf32, #tpu.memory_space<hbm>> -> memref<80x128xf32, #tpu.memory_space<hbm>>
          %dma_start3A_1334 = arith.constant 0 : i32
          %dma_start3A_1335 = tpu.memref_slice %arg2[%add3A_1329, %dma_start3A_1334] : memref<320000x128xf32, #tpu.memory_space<hbm>> -> memref<80x128xf32, #tpu.memory_space<hbm>>
          tpu.enqueue_dma source(%dma_start3A_1335 : memref<80x128xf32, #tpu.memory_space<hbm>>) target(%arg13 : memref<80x128xf32, #tpu.memory_space<vmem>>) target_semaphore(%arg23 : memref<!tpu.dma_semaphore, #tpu.memory_space<semaphore_mem>>)
        } else {
        }
        %dma_wait3A = arith.constant 0 : i32
        %dma_wait3A_1283 = tpu.memref_slice %arg4[%dma_wait3A] : memref<320000xi32, #tpu.memory_space<hbm>> -> memref<80xi32, #tpu.memory_space<hbm>>
        %dma_wait3A_1284 = arith.constant 0 : i32
        %dma_wait3A_1285 = tpu.memref_slice %arg4[%dma_wait3A_1284] : memref<320000xi32, #tpu.memory_space<hbm>> -> memref<80xi32, #tpu.memory_space<hbm>>
        tpu.wait_dma2 semaphore(%arg16 : memref<!tpu.dma_semaphore, #tpu.memory_space<semaphore_mem>>) src(%dma_wait3A_1285 : memref<80xi32, #tpu.memory_space<hbm>>) dst(%arg6 : memref<80xi32, #tpu.memory_space<vmem>>)
        %dma_wait3A_1286 = arith.constant 0 : i32
        %dma_wait3A_1287 = arith.constant 0 : i32
        %dma_wait3A_1288 = tpu.memref_slice %arg2[%dma_wait3A_1286, %dma_wait3A_1287] : memref<320000x128xf32, #tpu.memory_space<hbm>> -> memref<80x128xf32, #tpu.memory_space<hbm>>
        %dma_wait3A_1289 = arith.constant 0 : i32
        %dma_wait3A_1290 = arith.constant 0 : i32
        %dma_wait3A_1291 = tpu.memref_slice %arg2[%dma_wait3A_1289, %dma_wait3A_1290] : memref<320000x128xf32, #tpu.memory_space<hbm>> -> memref<80x128xf32, #tpu.memory_space<hbm>>
        tpu.wait_dma2 semaphore(%arg20 : memref<!tpu.dma_semaphore, #tpu.memory_space<semaphore_mem>>) src(%dma_wait3A_1291 : memref<80x128xf32, #tpu.memory_space<hbm>>) dst(%arg10 : memref<80x128xf32, #tpu.memory_space<vmem>>)
        %scan3A_1292 = arith.constant 0 : i32
        %scan3A_1293 = arith.constant 0 : i32
        %scan3A_1294 = arith.constant 5 : i32
        %scan3A_1295 = arith.addi %scan3A_1293, %scan3A_1294 : i32
        %scan3A_1296 = arith.constant 1 : i32
        scf.for %scan3A_1314 = %scan3A_1293 to %scan3A_1295 step %scan3A_1296  : i32 {
          %mul3A_1315 = arith.constant 16 : i32
          %mul3A_1316 = arith.muli %scan3A_1314, %mul3A_1315 : i32
          %get3A = arith.index_cast %mul3A_1316 : i32 to index
          %get3A_1317 = tpu.vector_load %arg6[%get3A] {strides = array<i32>} : memref<80xi32, #tpu.memory_space<vmem>>, vector<16xi32>,
          %get3A_1318 = vector.shape_cast %get3A_1317 : vector<16xi32> to vector<16xi32>
          %sub3A = vector.broadcast %mul3A_0 : i32 to vector<16xi32>
          %sub3A_1319 = arith.subi %get3A_1318, %sub3A : vector<16xi32>
          %ge3A = arith.constant 0 : i32
          %ge3A_1320 = vector.broadcast %ge3A : i32 to vector<16xi32>
          %ge3A_1321 = arith.cmpi sge, %sub3A_1319, %ge3A_1320 : vector<16xi32>
          %lt3A_1322 = arith.constant 5120 : i32
          %lt3A_1323 = vector.broadcast %lt3A_1322 : i32 to vector<16xi32>
          %lt3A_1324 = arith.cmpi slt, %sub3A_1319, %lt3A_1323 : vector<16xi32>
          %and3A_1325 = arith.andi %ge3A_1321, %lt3A_1324 : vector<16xi1>
          %and3A_1326 = arith.constant 127 : i32
          %and3A_1327 = vector.broadcast %and3A_1326 : i32 to vector<16xi32>
          %and3A_1328 = arith.andi %get3A_1318, %and3A_1327 : vector<16xi32>
          %add3A_1329 = arith.constant 5120 : i32
          %add3A_1330 = vector.broadcast %add3A_1329 : i32 to vector<16xi32>
          %add3A_1331 = arith.addi %add3A_1330, %and3A_1328 : vector<16xi32>
          %select_n3A_1332 = arith.select %and3A_1325, %sub3A_1319, %add3A_1331 : vector<16xi1>, vector<16xi32>
          %mul3A_1333 = arith.constant 16 : i32
          %mul3A_1334 = arith.muli %scan3A_1314, %mul3A_1333 : i32
          %swap3A_1335 = arith.index_cast %mul3A_1334 : i32 to index
          %swap3A_1336 = tpu.vector_load %arg6[%swap3A_1335] {strides = array<i32>} : memref<80xi32, #tpu.memory_space<vmem>>, vector<16xi32>,
          %swap3A_1337 = vector.shape_cast %swap3A_1336 : vector<16xi32> to vector<16xi32>
          %swap3A_1338 = vector.shape_cast %select_n3A_1332 : vector<16xi32> to vector<16xi32>
          tpu.vector_store %arg6[%swap3A_1335], %swap3A_1338 {strides = array<i32>} : memref<80xi32, #tpu.memory_space<vmem>>, vector<16xi32>,
        }
        %scan3A_1297 = arith.constant 5 : i32
        "tpu.region"() ({
          %run_scoped3A_1314 = tpu.sem_alloc : memref<!tpu.dma_semaphore, #tpu.memory_space<semaphore_mem>>
          %dma_start3A_1315 = arith.constant 0 : i32
          %dma_start3A_1316 = arith.constant 0 : i32
          %dma_start3A_1317 = tpu.memref_slice %arg15[%dma_start3A_1315, %dma_start3A_1316] : memref<5248x128xf32, #tpu.memory_space<vmem_shared>> -> memref<5248x128xf32, #tpu.memory_space<vmem_shared>>
          tpu.enqueue_indirect_dma source(%arg10 : memref<80x128xf32, #tpu.memory_space<vmem>>) target(%dma_start3A_1317 : memref<5248x128xf32, #tpu.memory_space<vmem_shared>>) offsets(%arg6 : memref<80xi32, #tpu.memory_space<vmem>>) semaphore(%run_scoped3A_1314 : memref<!tpu.dma_semaphore, #tpu.memory_space<semaphore_mem>>) {add = true}
          %dma_wait3A_1318 = arith.constant 0 : i32
          %dma_wait3A_1319 = arith.constant 0 : i32
          %dma_wait3A_1320 = tpu.memref_slice %arg15[%dma_wait3A_1318, %dma_wait3A_1319] : memref<5248x128xf32, #tpu.memory_space<vmem_shared>> -> memref<5248x128xf32, #tpu.memory_space<vmem_shared>>
          tpu.wait_indirect_dma semaphore(%run_scoped3A_1314 : memref<!tpu.dma_semaphore, #tpu.memory_space<semaphore_mem>>) src(%arg10 : memref<80x128xf32, #tpu.memory_space<vmem>>) dst(%dma_wait3A_1320 : memref<5248x128xf32, #tpu.memory_space<vmem_shared>>)
          tpu.yield
        }) : () -> ()
        %dma_wait3A_1298 = arith.constant 0 : i32
        %dma_wait3A_1299 = tpu.memref_slice %arg4[%dma_wait3A_1298] : memref<320000xi32, #tpu.memory_space<hbm>> -> memref<80xi32, #tpu.memory_space<hbm>>
        %dma_wait3A_1300 = arith.constant 0 : i32
        %dma_wait3A_1301 = tpu.memref_slice %arg4[%dma_wait3A_1300] : memref<320000xi32, #tpu.memory_space<hbm>> -> memref<80xi32, #tpu.memory_space<hbm>>
        tpu.wait_dma2 semaphore(%arg17 : memref<!tpu.dma_semaphore, #tpu.memory_space<semaphore_mem>>) src(%dma_wait3A_1301 : memref<80xi32, #tpu.memory_space<hbm>>) dst(%arg7 : memref<80xi32, #tpu.memory_space<vmem>>)
        %dma_wait3A_1302 = arith.constant 0 : i32
        %dma_wait3A_1303 = arith.constant 0 : i32
        %dma_wait3A_1304 = tpu.memref_slice %arg2[%dma_wait3A_1302, %dma_wait3A_1303] : memref<320000x128xf32, #tpu.memory_space<hbm>> -> memref<80x128xf32, #tpu.memory_space<hbm>>
        %dma_wait3A_1305 = arith.constant 0 : i32
        %dma_wait3A_1306 = arith.constant 0 : i32
        %dma_wait3A_1307 = tpu.memref_slice %arg2[%dma_wait3A_1305, %dma_wait3A_1306] : memref<320000x128xf32, #tpu.memory_space<hbm>> -> memref<80x128xf32, #tpu.memory_space<hbm>>
        tpu.wait_dma2 semaphore(%arg21 : memref<!tpu.dma_semaphore, #tpu.memory_space<semaphore_mem>>) src(%dma_wait3A_1307 : memref<80x128xf32, #tpu.memory_space<hbm>>) dst(%arg11 : memref<80x128xf32, #tpu.memory_space<vmem>>)
        %scan3A_1308 = arith.constant 0 : i32
        %scan3A_1309 = arith.constant 0 : i32
        %scan3A_1310 = arith.constant 5 : i32
        %scan3A_1311 = arith.addi %scan3A_1309, %scan3A_1310 : i32
        %scan3A_1312 = arith.constant 1 : i32
        scf.for %scan3A_1314 = %scan3A_1309 to %scan3A_1311 step %scan3A_1312  : i32 {
          %mul3A_1315 = arith.constant 16 : i32
          %mul3A_1316 = arith.muli %scan3A_1314, %mul3A_1315 : i32
          %get3A = arith.index_cast %mul3A_1316 : i32 to index
          %get3A_1317 = tpu.vector_load %arg7[%get3A] {strides = array<i32>} : memref<80xi32, #tpu.memory_space<vmem>>, vector<16xi32>,
          %get3A_1318 = vector.shape_cast %get3A_1317 : vector<16xi32> to vector<16xi32>
          %sub3A = vector.broadcast %mul3A_0 : i32 to vector<16xi32>
          %sub3A_1319 = arith.subi %get3A_1318, %sub3A : vector<16xi32>
          %ge3A = arith.constant 0 : i32
          %ge3A_1320 = vector.broadcast %ge3A : i32 to vector<16xi32>
          %ge3A_1321 = arith.cmpi sge, %sub3A_1319, %ge3A_1320 : vector<16xi32>
          %lt3A_1322 = arith.constant 5120 : i32
          %lt3A_1323 = vector.broadcast %lt3A_1322 : i32 to vector<16xi32>
          %lt3A_1324 = arith.cmpi slt, %sub3A_1319, %lt3A_1323 : vector<16xi32>
          %and3A_1325 = arith.andi %ge3A_1321, %lt3A_1324 : vector<16xi1>
          %and3A_1326 = arith.constant 127 : i32
          %and3A_1327 = vector.broadcast %and3A_1326 : i32 to vector<16xi32>
          %and3A_1328 = arith.andi %get3A_1318, %and3A_1327 : vector<16xi32>
          %add3A_1329 = arith.constant 5120 : i32
          %add3A_1330 = vector.broadcast %add3A_1329 : i32 to vector<16xi32>
          %add3A_1331 = arith.addi %add3A_1330, %and3A_1328 : vector<16xi32>
          %select_n3A_1332 = arith.select %and3A_1325, %sub3A_1319, %add3A_1331 : vector<16xi1>, vector<16xi32>
          %mul3A_1333 = arith.constant 16 : i32
          %mul3A_1334 = arith.muli %scan3A_1314, %mul3A_1333 : i32
          %swap3A_1335 = arith.index_cast %mul3A_1334 : i32 to index
          %swap3A_1336 = tpu.vector_load %arg7[%swap3A_1335] {strides = array<i32>} : memref<80xi32, #tpu.memory_space<vmem>>, vector<16xi32>,
          %swap3A_1337 = vector.shape_cast %swap3A_1336 : vector<16xi32> to vector<16xi32>
          %swap3A_1338 = vector.shape_cast %select_n3A_1332 : vector<16xi32> to vector<16xi32>
          tpu.vector_store %arg7[%swap3A_1335], %swap3A_1338 {strides = array<i32>} : memref<80xi32, #tpu.memory_space<vmem>>, vector<16xi32>,
        }
        %scan3A_1313 = arith.constant 5 : i32
        "tpu.region"() ({
          %run_scoped3A_1314 = tpu.sem_alloc : memref<!tpu.dma_semaphore, #tpu.memory_space<semaphore_mem>>
          %dma_start3A_1315 = arith.constant 0 : i32
          %dma_start3A_1316 = arith.constant 0 : i32
          %dma_start3A_1317 = tpu.memref_slice %arg15[%dma_start3A_1315, %dma_start3A_1316] : memref<5248x128xf32, #tpu.memory_space<vmem_shared>> -> memref<5248x128xf32, #tpu.memory_space<vmem_shared>>
          tpu.enqueue_indirect_dma source(%arg11 : memref<80x128xf32, #tpu.memory_space<vmem>>) target(%dma_start3A_1317 : memref<5248x128xf32, #tpu.memory_space<vmem_shared>>) offsets(%arg7 : memref<80xi32, #tpu.memory_space<vmem>>) semaphore(%run_scoped3A_1314 : memref<!tpu.dma_semaphore, #tpu.memory_space<semaphore_mem>>) {add = true}
          %dma_wait3A_1318 = arith.constant 0 : i32
          %dma_wait3A_1319 = arith.constant 0 : i32
          %dma_wait3A_1320 = tpu.memref_slice %arg15[%dma_wait3A_1318, %dma_wait3A_1319] : memref<5248x128xf32, #tpu.memory_space<vmem_shared>> -> memref<5248x128xf32, #tpu.memory_space<vmem_shared>>
          tpu.wait_indirect_dma semaphore(%run_scoped3A_1314 : memref<!tpu.dma_semaphore, #tpu.memory_space<semaphore_mem>>) src(%arg11 : memref<80x128xf32, #tpu.memory_space<vmem>>) dst(%dma_wait3A_1320 : memref<5248x128xf32, #tpu.memory_space<vmem_shared>>)
          tpu.yield
        }) : () -> ()
      } else {
      }
      %jit3A_1253 = arith.constant 2 : i32
      %eq3A_1254 = arith.constant 0 : i32
      %eq3A_1255 = arith.cmpi eq, %jit3A_1253, %eq3A_1254 : i32
      %jit3A_1256 = arith.constant 1 : i32
      %select_n3A_1257 = arith.select %eq3A_1255, %jit3A_1256, %jit3A_1253 : i32
      %rem3A_1258 = arith.remsi %scan3A_1240, %select_n3A_1257 : i32
      %ne3A_1259 = arith.constant 0 : i32
      %ne3A_1260 = arith.cmpi ne, %rem3A_1258, %ne3A_1259 : i32
      %lt3A_1261 = arith.constant 0 : i32
      %lt3A_1262 = arith.cmpi slt, %rem3A_1258, %lt3A_1261 : i32
      %lt3A_1263 = arith.constant 0 : i32
      %lt3A_1264 = arith.cmpi slt, %select_n3A_1257, %lt3A_1263 : i32
      %ne3A_1265 = arith.xori %lt3A_1262, %lt3A_1264 : i1
      %and3A_1266 = arith.andi %ne3A_1265, %ne3A_1260 : i1
      %add3A_1267 = arith.addi %rem3A_1258, %select_n3A_1257 : i32
      %select_n3A_1268 = arith.select %and3A_1266, %add3A_1267, %rem3A_1258 : i32
      %eq3A_1269 = arith.constant 1 : i32
      %eq3A_1270 = arith.cmpi eq, %select_n3A_1268, %eq3A_1269 : i32
      %convert_element_type3A_1271 = arith.extui %eq3A_1270 : i1 to i32
      %cond3A_1272 = arith.constant 0 : i32
      %cond3A_1273 = arith.cmpi ne, %convert_element_type3A_1271, %cond3A_1272 : i32
      scf.if %cond3A_1273 {
        %mul3A_1274 = arith.constant 2 : i32
        %mul3A_1275 = arith.muli %scan3A_1240, %mul3A_1274 : i32
        %add3A_1276 = arith.constant 1 : i32
        %add3A_1277 = arith.addi %scan3A_1240, %add3A_1276 : i32
        %lt3A_1278 = arith.constant 125 : i32
        %lt3A_1279 = arith.cmpi slt, %add3A_1277, %lt3A_1278 : i32
        %convert_element_type3A_1280 = arith.extui %lt3A_1279 : i1 to i32
        %cond3A_1281 = arith.constant 0 : i32
        %cond3A_1282 = arith.cmpi ne, %convert_element_type3A_1280, %cond3A_1281 : i32
        scf.if %cond3A_1282 {
          %add3A_1314 = arith.constant 2 : i32
          %add3A_1315 = arith.addi %mul3A_1275, %add3A_1314 : i32
          %mul3A_1316 = arith.constant 80 : i32
          %mul3A_1317 = arith.muli %add3A_1315, %mul3A_1316 : i32
          %add3A_1318 = arith.addi %mul3A_2, %mul3A_1317 : i32
          %dma_start3A_1319 = tpu.memref_slice %arg4[%add3A_1318] : memref<320000xi32, #tpu.memory_space<hbm>> -> memref<80xi32, #tpu.memory_space<hbm>>
          %dma_start3A_1320 = tpu.memref_slice %arg4[%add3A_1318] : memref<320000xi32, #tpu.memory_space<hbm>> -> memref<80xi32, #tpu.memory_space<hbm>>
          tpu.enqueue_dma source(%dma_start3A_1320 : memref<80xi32, #tpu.memory_space<hbm>>) target(%arg6 : memref<80xi32, #tpu.memory_space<vmem>>) target_semaphore(%arg16 : memref<!tpu.dma_semaphore, #tpu.memory_space<semaphore_mem>>)
          %dma_start3A_1321 = arith.constant 0 : i32
          %dma_start3A_1322 = tpu.memref_slice %arg2[%add3A_1318, %dma_start3A_1321] : memref<320000x128xf32, #tpu.memory_space<hbm>> -> memref<80x128xf32, #tpu.memory_space<hbm>>
          %dma_start3A_1323 = arith.constant 0 : i32
          %dma_start3A_1324 = tpu.memref_slice %arg2[%add3A_1318, %dma_start3A_1323] : memref<320000x128xf32, #tpu.memory_space<hbm>> -> memref<80x128xf32, #tpu.memory_space<hbm>>
          tpu.enqueue_dma source(%dma_start3A_1324 : memref<80x128xf32, #tpu.memory_space<hbm>>) target(%arg10 : memref<80x128xf32, #tpu.memory_space<vmem>>) target_semaphore(%arg20 : memref<!tpu.dma_semaphore, #tpu.memory_space<semaphore_mem>>)
          %add3A_1325 = arith.constant 3 : i32
          %add3A_1326 = arith.addi %mul3A_1275, %add3A_1325 : i32
          %mul3A_1327 = arith.constant 80 : i32
          %mul3A_1328 = arith.muli %add3A_1326, %mul3A_1327 : i32
          %add3A_1329 = arith.addi %mul3A_2, %mul3A_1328 : i32
          %dma_start3A_1330 = tpu.memref_slice %arg4[%add3A_1329] : memref<320000xi32, #tpu.memory_space<hbm>> -> memref<80xi32, #tpu.memory_space<hbm>>
          %dma_start3A_1331 = tpu.memref_slice %arg4[%add3A_1329] : memref<320000xi32, #tpu.memory_space<hbm>> -> memref<80xi32, #tpu.memory_space<hbm>>
          tpu.enqueue_dma source(%dma_start3A_1331 : memref<80xi32, #tpu.memory_space<hbm>>) target(%arg7 : memref<80xi32, #tpu.memory_space<vmem>>) target_semaphore(%arg17 : memref<!tpu.dma_semaphore, #tpu.memory_space<semaphore_mem>>)
          %dma_start3A_1332 = arith.constant 0 : i32
          %dma_start3A_1333 = tpu.memref_slice %arg2[%add3A_1329, %dma_start3A_1332] : memref<320000x128xf32, #tpu.memory_space<hbm>> -> memref<80x128xf32, #tpu.memory_space<hbm>>
          %dma_start3A_1334 = arith.constant 0 : i32
          %dma_start3A_1335 = tpu.memref_slice %arg2[%add3A_1329, %dma_start3A_1334] : memref<320000x128xf32, #tpu.memory_space<hbm>> -> memref<80x128xf32, #tpu.memory_space<hbm>>
          tpu.enqueue_dma source(%dma_start3A_1335 : memref<80x128xf32, #tpu.memory_space<hbm>>) target(%arg11 : memref<80x128xf32, #tpu.memory_space<vmem>>) target_semaphore(%arg21 : memref<!tpu.dma_semaphore, #tpu.memory_space<semaphore_mem>>)
        } else {
        }
        %dma_wait3A = arith.constant 0 : i32
        %dma_wait3A_1283 = tpu.memref_slice %arg4[%dma_wait3A] : memref<320000xi32, #tpu.memory_space<hbm>> -> memref<80xi32, #tpu.memory_space<hbm>>
        %dma_wait3A_1284 = arith.constant 0 : i32
        %dma_wait3A_1285 = tpu.memref_slice %arg4[%dma_wait3A_1284] : memref<320000xi32, #tpu.memory_space<hbm>> -> memref<80xi32, #tpu.memory_space<hbm>>
        tpu.wait_dma2 semaphore(%arg18 : memref<!tpu.dma_semaphore, #tpu.memory_space<semaphore_mem>>) src(%dma_wait3A_1285 : memref<80xi32, #tpu.memory_space<hbm>>) dst(%arg8 : memref<80xi32, #tpu.memory_space<vmem>>)
        %dma_wait3A_1286 = arith.constant 0 : i32
        %dma_wait3A_1287 = arith.constant 0 : i32
        %dma_wait3A_1288 = tpu.memref_slice %arg2[%dma_wait3A_1286, %dma_wait3A_1287] : memref<320000x128xf32, #tpu.memory_space<hbm>> -> memref<80x128xf32, #tpu.memory_space<hbm>>
        %dma_wait3A_1289 = arith.constant 0 : i32
        %dma_wait3A_1290 = arith.constant 0 : i32
        %dma_wait3A_1291 = tpu.memref_slice %arg2[%dma_wait3A_1289, %dma_wait3A_1290] : memref<320000x128xf32, #tpu.memory_space<hbm>> -> memref<80x128xf32, #tpu.memory_space<hbm>>
        tpu.wait_dma2 semaphore(%arg22 : memref<!tpu.dma_semaphore, #tpu.memory_space<semaphore_mem>>) src(%dma_wait3A_1291 : memref<80x128xf32, #tpu.memory_space<hbm>>) dst(%arg12 : memref<80x128xf32, #tpu.memory_space<vmem>>)
        %scan3A_1292 = arith.constant 0 : i32
        %scan3A_1293 = arith.constant 0 : i32
        %scan3A_1294 = arith.constant 5 : i32
        %scan3A_1295 = arith.addi %scan3A_1293, %scan3A_1294 : i32
        %scan3A_1296 = arith.constant 1 : i32
        scf.for %scan3A_1314 = %scan3A_1293 to %scan3A_1295 step %scan3A_1296  : i32 {
          %mul3A_1315 = arith.constant 16 : i32
          %mul3A_1316 = arith.muli %scan3A_1314, %mul3A_1315 : i32
          %get3A = arith.index_cast %mul3A_1316 : i32 to index
          %get3A_1317 = tpu.vector_load %arg8[%get3A] {strides = array<i32>} : memref<80xi32, #tpu.memory_space<vmem>>, vector<16xi32>,
          %get3A_1318 = vector.shape_cast %get3A_1317 : vector<16xi32> to vector<16xi32>
          %sub3A = vector.broadcast %mul3A_0 : i32 to vector<16xi32>
          %sub3A_1319 = arith.subi %get3A_1318, %sub3A : vector<16xi32>
          %ge3A = arith.constant 0 : i32
          %ge3A_1320 = vector.broadcast %ge3A : i32 to vector<16xi32>
          %ge3A_1321 = arith.cmpi sge, %sub3A_1319, %ge3A_1320 : vector<16xi32>
          %lt3A_1322 = arith.constant 5120 : i32
          %lt3A_1323 = vector.broadcast %lt3A_1322 : i32 to vector<16xi32>
          %lt3A_1324 = arith.cmpi slt, %sub3A_1319, %lt3A_1323 : vector<16xi32>
          %and3A_1325 = arith.andi %ge3A_1321, %lt3A_1324 : vector<16xi1>
          %and3A_1326 = arith.constant 127 : i32
          %and3A_1327 = vector.broadcast %and3A_1326 : i32 to vector<16xi32>
          %and3A_1328 = arith.andi %get3A_1318, %and3A_1327 : vector<16xi32>
          %add3A_1329 = arith.constant 5120 : i32
          %add3A_1330 = vector.broadcast %add3A_1329 : i32 to vector<16xi32>
          %add3A_1331 = arith.addi %add3A_1330, %and3A_1328 : vector<16xi32>
          %select_n3A_1332 = arith.select %and3A_1325, %sub3A_1319, %add3A_1331 : vector<16xi1>, vector<16xi32>
          %mul3A_1333 = arith.constant 16 : i32
          %mul3A_1334 = arith.muli %scan3A_1314, %mul3A_1333 : i32
          %swap3A_1335 = arith.index_cast %mul3A_1334 : i32 to index
          %swap3A_1336 = tpu.vector_load %arg8[%swap3A_1335] {strides = array<i32>} : memref<80xi32, #tpu.memory_space<vmem>>, vector<16xi32>,
          %swap3A_1337 = vector.shape_cast %swap3A_1336 : vector<16xi32> to vector<16xi32>
          %swap3A_1338 = vector.shape_cast %select_n3A_1332 : vector<16xi32> to vector<16xi32>
          tpu.vector_store %arg8[%swap3A_1335], %swap3A_1338 {strides = array<i32>} : memref<80xi32, #tpu.memory_space<vmem>>, vector<16xi32>,
        }
        %scan3A_1297 = arith.constant 5 : i32
        "tpu.region"() ({
          %run_scoped3A_1314 = tpu.sem_alloc : memref<!tpu.dma_semaphore, #tpu.memory_space<semaphore_mem>>
          %dma_start3A_1315 = arith.constant 0 : i32
          %dma_start3A_1316 = arith.constant 0 : i32
          %dma_start3A_1317 = tpu.memref_slice %arg15[%dma_start3A_1315, %dma_start3A_1316] : memref<5248x128xf32, #tpu.memory_space<vmem_shared>> -> memref<5248x128xf32, #tpu.memory_space<vmem_shared>>
          tpu.enqueue_indirect_dma source(%arg12 : memref<80x128xf32, #tpu.memory_space<vmem>>) target(%dma_start3A_1317 : memref<5248x128xf32, #tpu.memory_space<vmem_shared>>) offsets(%arg8 : memref<80xi32, #tpu.memory_space<vmem>>) semaphore(%run_scoped3A_1314 : memref<!tpu.dma_semaphore, #tpu.memory_space<semaphore_mem>>) {add = true}
          %dma_wait3A_1318 = arith.constant 0 : i32
          %dma_wait3A_1319 = arith.constant 0 : i32
          %dma_wait3A_1320 = tpu.memref_slice %arg15[%dma_wait3A_1318, %dma_wait3A_1319] : memref<5248x128xf32, #tpu.memory_space<vmem_shared>> -> memref<5248x128xf32, #tpu.memory_space<vmem_shared>>
          tpu.wait_indirect_dma semaphore(%run_scoped3A_1314 : memref<!tpu.dma_semaphore, #tpu.memory_space<semaphore_mem>>) src(%arg12 : memref<80x128xf32, #tpu.memory_space<vmem>>) dst(%dma_wait3A_1320 : memref<5248x128xf32, #tpu.memory_space<vmem_shared>>)
          tpu.yield
        }) : () -> ()
        %dma_wait3A_1298 = arith.constant 0 : i32
        %dma_wait3A_1299 = tpu.memref_slice %arg4[%dma_wait3A_1298] : memref<320000xi32, #tpu.memory_space<hbm>> -> memref<80xi32, #tpu.memory_space<hbm>>
        %dma_wait3A_1300 = arith.constant 0 : i32
        %dma_wait3A_1301 = tpu.memref_slice %arg4[%dma_wait3A_1300] : memref<320000xi32, #tpu.memory_space<hbm>> -> memref<80xi32, #tpu.memory_space<hbm>>
        tpu.wait_dma2 semaphore(%arg19 : memref<!tpu.dma_semaphore, #tpu.memory_space<semaphore_mem>>) src(%dma_wait3A_1301 : memref<80xi32, #tpu.memory_space<hbm>>) dst(%arg9 : memref<80xi32, #tpu.memory_space<vmem>>)
        %dma_wait3A_1302 = arith.constant 0 : i32
        %dma_wait3A_1303 = arith.constant 0 : i32
        %dma_wait3A_1304 = tpu.memref_slice %arg2[%dma_wait3A_1302, %dma_wait3A_1303] : memref<320000x128xf32, #tpu.memory_space<hbm>> -> memref<80x128xf32, #tpu.memory_space<hbm>>
        %dma_wait3A_1305 = arith.constant 0 : i32
        %dma_wait3A_1306 = arith.constant 0 : i32
        %dma_wait3A_1307 = tpu.memref_slice %arg2[%dma_wait3A_1305, %dma_wait3A_1306] : memref<320000x128xf32, #tpu.memory_space<hbm>> -> memref<80x128xf32, #tpu.memory_space<hbm>>
        tpu.wait_dma2 semaphore(%arg23 : memref<!tpu.dma_semaphore, #tpu.memory_space<semaphore_mem>>) src(%dma_wait3A_1307 : memref<80x128xf32, #tpu.memory_space<hbm>>) dst(%arg13 : memref<80x128xf32, #tpu.memory_space<vmem>>)
        %scan3A_1308 = arith.constant 0 : i32
        %scan3A_1309 = arith.constant 0 : i32
        %scan3A_1310 = arith.constant 5 : i32
        %scan3A_1311 = arith.addi %scan3A_1309, %scan3A_1310 : i32
        %scan3A_1312 = arith.constant 1 : i32
        scf.for %scan3A_1314 = %scan3A_1309 to %scan3A_1311 step %scan3A_1312  : i32 {
          %mul3A_1315 = arith.constant 16 : i32
          %mul3A_1316 = arith.muli %scan3A_1314, %mul3A_1315 : i32
          %get3A = arith.index_cast %mul3A_1316 : i32 to index
          %get3A_1317 = tpu.vector_load %arg9[%get3A] {strides = array<i32>} : memref<80xi32, #tpu.memory_space<vmem>>, vector<16xi32>,
          %get3A_1318 = vector.shape_cast %get3A_1317 : vector<16xi32> to vector<16xi32>
          %sub3A = vector.broadcast %mul3A_0 : i32 to vector<16xi32>
          %sub3A_1319 = arith.subi %get3A_1318, %sub3A : vector<16xi32>
          %ge3A = arith.constant 0 : i32
          %ge3A_1320 = vector.broadcast %ge3A : i32 to vector<16xi32>
          %ge3A_1321 = arith.cmpi sge, %sub3A_1319, %ge3A_1320 : vector<16xi32>
          %lt3A_1322 = arith.constant 5120 : i32
          %lt3A_1323 = vector.broadcast %lt3A_1322 : i32 to vector<16xi32>
          %lt3A_1324 = arith.cmpi slt, %sub3A_1319, %lt3A_1323 : vector<16xi32>
          %and3A_1325 = arith.andi %ge3A_1321, %lt3A_1324 : vector<16xi1>
          %and3A_1326 = arith.constant 127 : i32
          %and3A_1327 = vector.broadcast %and3A_1326 : i32 to vector<16xi32>
          %and3A_1328 = arith.andi %get3A_1318, %and3A_1327 : vector<16xi32>
          %add3A_1329 = arith.constant 5120 : i32
          %add3A_1330 = vector.broadcast %add3A_1329 : i32 to vector<16xi32>
          %add3A_1331 = arith.addi %add3A_1330, %and3A_1328 : vector<16xi32>
          %select_n3A_1332 = arith.select %and3A_1325, %sub3A_1319, %add3A_1331 : vector<16xi1>, vector<16xi32>
          %mul3A_1333 = arith.constant 16 : i32
          %mul3A_1334 = arith.muli %scan3A_1314, %mul3A_1333 : i32
          %swap3A_1335 = arith.index_cast %mul3A_1334 : i32 to index
          %swap3A_1336 = tpu.vector_load %arg9[%swap3A_1335] {strides = array<i32>} : memref<80xi32, #tpu.memory_space<vmem>>, vector<16xi32>,
          %swap3A_1337 = vector.shape_cast %swap3A_1336 : vector<16xi32> to vector<16xi32>
          %swap3A_1338 = vector.shape_cast %select_n3A_1332 : vector<16xi32> to vector<16xi32>
          tpu.vector_store %arg9[%swap3A_1335], %swap3A_1338 {strides = array<i32>} : memref<80xi32, #tpu.memory_space<vmem>>, vector<16xi32>,
        }
        %scan3A_1313 = arith.constant 5 : i32
        "tpu.region"() ({
          %run_scoped3A_1314 = tpu.sem_alloc : memref<!tpu.dma_semaphore, #tpu.memory_space<semaphore_mem>>
          %dma_start3A_1315 = arith.constant 0 : i32
          %dma_start3A_1316 = arith.constant 0 : i32
          %dma_start3A_1317 = tpu.memref_slice %arg15[%dma_start3A_1315, %dma_start3A_1316] : memref<5248x128xf32, #tpu.memory_space<vmem_shared>> -> memref<5248x128xf32, #tpu.memory_space<vmem_shared>>
          tpu.enqueue_indirect_dma source(%arg13 : memref<80x128xf32, #tpu.memory_space<vmem>>) target(%dma_start3A_1317 : memref<5248x128xf32, #tpu.memory_space<vmem_shared>>) offsets(%arg9 : memref<80xi32, #tpu.memory_space<vmem>>) semaphore(%run_scoped3A_1314 : memref<!tpu.dma_semaphore, #tpu.memory_space<semaphore_mem>>) {add = true}
          %dma_wait3A_1318 = arith.constant 0 : i32
          %dma_wait3A_1319 = arith.constant 0 : i32
          %dma_wait3A_1320 = tpu.memref_slice %arg15[%dma_wait3A_1318, %dma_wait3A_1319] : memref<5248x128xf32, #tpu.memory_space<vmem_shared>> -> memref<5248x128xf32, #tpu.memory_space<vmem_shared>>
          tpu.wait_indirect_dma semaphore(%run_scoped3A_1314 : memref<!tpu.dma_semaphore, #tpu.memory_space<semaphore_mem>>) src(%arg13 : memref<80x128xf32, #tpu.memory_space<vmem>>) dst(%dma_wait3A_1320 : memref<5248x128xf32, #tpu.memory_space<vmem_shared>>)
          tpu.yield
        }) : () -> ()
      } else {
      }
    }
    %scan3A_1123 = arith.constant 125 : i32
    %barrier3A_1124 = arith.constant 0 : index
    tpu.barrier barrier_id(%barrier3A_1124)
    %mul3A_1125 = arith.constant 328 : i32
    %mul3A_1126 = arith.muli %arg1, %mul3A_1125 : i32
    %mul3A_1127 = arith.constant 328 : i32
    %mul3A_1128 = arith.muli %arg1, %mul3A_1127 : i32
    %run_scoped3A = arith.constant 0 : i32
    "tpu.region"() ({
      %run_scoped3A_1240 = tpu.sem_alloc : memref<!tpu.dma_semaphore, #tpu.memory_space<semaphore_mem>>
      %dma_start3A_1241 = arith.constant 0 : i32
      %dma_start3A_1242 = tpu.memref_slice %arg5[%arg0, %run_scoped3A, %mul3A_1128, %dma_start3A_1241] : memref<2x2x5248x128xf32, #tpu.memory_space<hbm>> -> memref<1x1x328x128xf32, #tpu.memory_space<hbm>>
      %dma_start3A_1243 = tpu.memref_squeeze %dma_start3A_1242 : memref<1x1x328x128xf32, #tpu.memory_space<hbm>> -> memref<328x128xf32, #tpu.memory_space<hbm>>
      %dma_start3A_1244 = arith.constant 0 : i32
      %dma_start3A_1245 = tpu.memref_slice %arg15[%mul3A_1126, %dma_start3A_1244] : memref<5248x128xf32, #tpu.memory_space<vmem_shared>> -> memref<328x128xf32, #tpu.memory_space<vmem_shared>>
      tpu.enqueue_dma source(%dma_start3A_1245 : memref<328x128xf32, #tpu.memory_space<vmem_shared>>) target(%dma_start3A_1243 : memref<328x128xf32, #tpu.memory_space<hbm>>) target_semaphore(%run_scoped3A_1240 : memref<!tpu.dma_semaphore, #tpu.memory_space<semaphore_mem>>)
      %dma_wait3A = arith.constant 0 : i32
      %dma_wait3A_1246 = tpu.memref_slice %arg5[%arg0, %run_scoped3A, %mul3A_1128, %dma_wait3A] : memref<2x2x5248x128xf32, #tpu.memory_space<hbm>> -> memref<1x1x328x128xf32, #tpu.memory_space<hbm>>
      %dma_wait3A_1247 = tpu.memref_squeeze %dma_wait3A_1246 : memref<1x1x328x128xf32, #tpu.memory_space<hbm>> -> memref<328x128xf32, #tpu.memory_space<hbm>>
      %dma_wait3A_1248 = arith.constant 0 : i32
      %dma_wait3A_1249 = tpu.memref_slice %arg15[%mul3A_1126, %dma_wait3A_1248] : memref<5248x128xf32, #tpu.memory_space<vmem_shared>> -> memref<328x128xf32, #tpu.memory_space<vmem_shared>>
      tpu.wait_dma2 semaphore(%run_scoped3A_1240 : memref<!tpu.dma_semaphore, #tpu.memory_space<semaphore_mem>>) src(%dma_wait3A_1249 : memref<328x128xf32, #tpu.memory_space<vmem_shared>>) dst(%dma_wait3A_1247 : memref<328x128xf32, #tpu.memory_space<hbm>>)
      tpu.yield
    }) : () -> ()
    %barrier3A_1129 = arith.constant 0 : index
    tpu.barrier barrier_id(%barrier3A_1129)
    %mul3A_1130 = arith.constant 328 : i32
    %mul3A_1131 = arith.muli %arg1, %mul3A_1130 : i32
    %add3A_1132 = arith.constant 0 : i32
    %add3A_1133 = arith.addi %mul3A_1131, %add3A_1132 : i32
    "tpu.region"() ({
      %run_scoped3A_1240 = tpu.sem_alloc : memref<!tpu.dma_semaphore, #tpu.memory_space<semaphore_mem>>
      %dma_start3A_1241 = arith.constant 0 : i32
      %dma_start3A_1242 = tpu.memref_slice %arg15[%add3A_1133, %dma_start3A_1241] : memref<5248x128xf32, #tpu.memory_space<vmem_shared>> -> memref<16x128xf32, #tpu.memory_space<vmem_shared>>
      %dma_start3A_1243 = arith.constant 0 : i32
      %dma_start3A_1244 = tpu.memref_slice %arg15[%add3A_1133, %dma_start3A_1243] : memref<5248x128xf32, #tpu.memory_space<vmem_shared>> -> memref<16x128xf32, #tpu.memory_space<vmem_shared>>
      tpu.enqueue_dma source(%arg14 : memref<16x128xf32, #tpu.memory_space<vmem>>) target(%dma_start3A_1244 : memref<16x128xf32, #tpu.memory_space<vmem_shared>>) target_semaphore(%run_scoped3A_1240 : memref<!tpu.dma_semaphore, #tpu.memory_space<semaphore_mem>>)
      %dma_wait3A = arith.constant 0 : i32
      %dma_wait3A_1245 = tpu.memref_slice %arg15[%add3A_1133, %dma_wait3A] : memref<5248x128xf32, #tpu.memory_space<vmem_shared>> -> memref<16x128xf32, #tpu.memory_space<vmem_shared>>
      %dma_wait3A_1246 = arith.constant 0 : i32
      %dma_wait3A_1247 = tpu.memref_slice %arg15[%add3A_1133, %dma_wait3A_1246] : memref<5248x128xf32, #tpu.memory_space<vmem_shared>> -> memref<16x128xf32, #tpu.memory_space<vmem_shared>>
      tpu.wait_dma2 semaphore(%run_scoped3A_1240 : memref<!tpu.dma_semaphore, #tpu.memory_space<semaphore_mem>>) src(%arg14 : memref<16x128xf32, #tpu.memory_space<vmem>>) dst(%dma_wait3A_1247 : memref<16x128xf32, #tpu.memory_space<vmem_shared>>)
      tpu.yield
    }) : () -> ()
    %mul3A_1134 = arith.constant 328 : i32
    %mul3A_1135 = arith.muli %arg1, %mul3A_1134 : i32
    %add3A_1136 = arith.constant 16 : i32
    %add3A_1137 = arith.addi %mul3A_1135, %add3A_1136 : i32
    "tpu.region"() ({
      %run_scoped3A_1240 = tpu.sem_alloc : memref<!tpu.dma_semaphore, #tpu.memory_space<semaphore_mem>>
      %dma_start3A_1241 = arith.constant 0 : i32
      %dma_start3A_1242 = tpu.memref_slice %arg15[%add3A_1137, %dma_start3A_1241] : memref<5248x128xf32, #tpu.memory_space<vmem_shared>> -> memref<16x128xf32, #tpu.memory_space<vmem_shared>>
      %dma_start3A_1243 = arith.constant 0 : i32
      %dma_start3A_1244 = tpu.memref_slice %arg15[%add3A_1137, %dma_start3A_1243] : memref<5248x128xf32, #tpu.memory_space<vmem_shared>> -> memref<16x128xf32, #tpu.memory_space<vmem_shared>>
      tpu.enqueue_dma source(%arg14 : memref<16x128xf32, #tpu.memory_space<vmem>>) target(%dma_start3A_1244 : memref<16x128xf32, #tpu.memory_space<vmem_shared>>) target_semaphore(%run_scoped3A_1240 : memref<!tpu.dma_semaphore, #tpu.memory_space<semaphore_mem>>)
      %dma_wait3A = arith.constant 0 : i32
      %dma_wait3A_1245 = tpu.memref_slice %arg15[%add3A_1137, %dma_wait3A] : memref<5248x128xf32, #tpu.memory_space<vmem_shared>> -> memref<16x128xf32, #tpu.memory_space<vmem_shared>>
      %dma_wait3A_1246 = arith.constant 0 : i32
      %dma_wait3A_1247 = tpu.memref_slice %arg15[%add3A_1137, %dma_wait3A_1246] : memref<5248x128xf32, #tpu.memory_space<vmem_shared>> -> memref<16x128xf32, #tpu.memory_space<vmem_shared>>
      tpu.wait_dma2 semaphore(%run_scoped3A_1240 : memref<!tpu.dma_semaphore, #tpu.memory_space<semaphore_mem>>) src(%arg14 : memref<16x128xf32, #tpu.memory_space<vmem>>) dst(%dma_wait3A_1247 : memref<16x128xf32, #tpu.memory_space<vmem_shared>>)
      tpu.yield
    }) : () -> ()
    %mul3A_1138 = arith.constant 328 : i32
    %mul3A_1139 = arith.muli %arg1, %mul3A_1138 : i32
    %add3A_1140 = arith.constant 32 : i32
    %add3A_1141 = arith.addi %mul3A_1139, %add3A_1140 : i32
    "tpu.region"() ({
      %run_scoped3A_1240 = tpu.sem_alloc : memref<!tpu.dma_semaphore, #tpu.memory_space<semaphore_mem>>
      %dma_start3A_1241 = arith.constant 0 : i32
      %dma_start3A_1242 = tpu.memref_slice %arg15[%add3A_1141, %dma_start3A_1241] : memref<5248x128xf32, #tpu.memory_space<vmem_shared>> -> memref<16x128xf32, #tpu.memory_space<vmem_shared>>
      %dma_start3A_1243 = arith.constant 0 : i32
      %dma_start3A_1244 = tpu.memref_slice %arg15[%add3A_1141, %dma_start3A_1243] : memref<5248x128xf32, #tpu.memory_space<vmem_shared>> -> memref<16x128xf32, #tpu.memory_space<vmem_shared>>
      tpu.enqueue_dma source(%arg14 : memref<16x128xf32, #tpu.memory_space<vmem>>) target(%dma_start3A_1244 : memref<16x128xf32, #tpu.memory_space<vmem_shared>>) target_semaphore(%run_scoped3A_1240 : memref<!tpu.dma_semaphore, #tpu.memory_space<semaphore_mem>>)
      %dma_wait3A = arith.constant 0 : i32
      %dma_wait3A_1245 = tpu.memref_slice %arg15[%add3A_1141, %dma_wait3A] : memref<5248x128xf32, #tpu.memory_space<vmem_shared>> -> memref<16x128xf32, #tpu.memory_space<vmem_shared>>
      %dma_wait3A_1246 = arith.constant 0 : i32
      %dma_wait3A_1247 = tpu.memref_slice %arg15[%add3A_1141, %dma_wait3A_1246] : memref<5248x128xf32, #tpu.memory_space<vmem_shared>> -> memref<16x128xf32, #tpu.memory_space<vmem_shared>>
      tpu.wait_dma2 semaphore(%run_scoped3A_1240 : memref<!tpu.dma_semaphore, #tpu.memory_space<semaphore_mem>>) src(%arg14 : memref<16x128xf32, #tpu.memory_space<vmem>>) dst(%dma_wait3A_1247 : memref<16x128xf32, #tpu.memory_space<vmem_shared>>)
      tpu.yield
    }) : () -> ()
    %mul3A_1142 = arith.constant 328 : i32
    %mul3A_1143 = arith.muli %arg1, %mul3A_1142 : i32
    %add3A_1144 = arith.constant 48 : i32
    %add3A_1145 = arith.addi %mul3A_1143, %add3A_1144 : i32
    "tpu.region"() ({
      %run_scoped3A_1240 = tpu.sem_alloc : memref<!tpu.dma_semaphore, #tpu.memory_space<semaphore_mem>>
      %dma_start3A_1241 = arith.constant 0 : i32
      %dma_start3A_1242 = tpu.memref_slice %arg15[%add3A_1145, %dma_start3A_1241] : memref<5248x128xf32, #tpu.memory_space<vmem_shared>> -> memref<16x128xf32, #tpu.memory_space<vmem_shared>>
      %dma_start3A_1243 = arith.constant 0 : i32
      %dma_start3A_1244 = tpu.memref_slice %arg15[%add3A_1145, %dma_start3A_1243] : memref<5248x128xf32, #tpu.memory_space<vmem_shared>> -> memref<16x128xf32, #tpu.memory_space<vmem_shared>>
      tpu.enqueue_dma source(%arg14 : memref<16x128xf32, #tpu.memory_space<vmem>>) target(%dma_start3A_1244 : memref<16x128xf32, #tpu.memory_space<vmem_shared>>) target_semaphore(%run_scoped3A_1240 : memref<!tpu.dma_semaphore, #tpu.memory_space<semaphore_mem>>)
      %dma_wait3A = arith.constant 0 : i32
      %dma_wait3A_1245 = tpu.memref_slice %arg15[%add3A_1145, %dma_wait3A] : memref<5248x128xf32, #tpu.memory_space<vmem_shared>> -> memref<16x128xf32, #tpu.memory_space<vmem_shared>>
      %dma_wait3A_1246 = arith.constant 0 : i32
      %dma_wait3A_1247 = tpu.memref_slice %arg15[%add3A_1145, %dma_wait3A_1246] : memref<5248x128xf32, #tpu.memory_space<vmem_shared>> -> memref<16x128xf32, #tpu.memory_space<vmem_shared>>
      tpu.wait_dma2 semaphore(%run_scoped3A_1240 : memref<!tpu.dma_semaphore, #tpu.memory_space<semaphore_mem>>) src(%arg14 : memref<16x128xf32, #tpu.memory_space<vmem>>) dst(%dma_wait3A_1247 : memref<16x128xf32, #tpu.memory_space<vmem_shared>>)
      tpu.yield
    }) : () -> ()
    %mul3A_1146 = arith.constant 328 : i32
    %mul3A_1147 = arith.muli %arg1, %mul3A_1146 : i32
    %add3A_1148 = arith.constant 64 : i32
    %add3A_1149 = arith.addi %mul3A_1147, %add3A_1148 : i32
    "tpu.region"() ({
      %run_scoped3A_1240 = tpu.sem_alloc : memref<!tpu.dma_semaphore, #tpu.memory_space<semaphore_mem>>
      %dma_start3A_1241 = arith.constant 0 : i32
      %dma_start3A_1242 = tpu.memref_slice %arg15[%add3A_1149, %dma_start3A_1241] : memref<5248x128xf32, #tpu.memory_space<vmem_shared>> -> memref<16x128xf32, #tpu.memory_space<vmem_shared>>
      %dma_start3A_1243 = arith.constant 0 : i32
      %dma_start3A_1244 = tpu.memref_slice %arg15[%add3A_1149, %dma_start3A_1243] : memref<5248x128xf32, #tpu.memory_space<vmem_shared>> -> memref<16x128xf32, #tpu.memory_space<vmem_shared>>
      tpu.enqueue_dma source(%arg14 : memref<16x128xf32, #tpu.memory_space<vmem>>) target(%dma_start3A_1244 : memref<16x128xf32, #tpu.memory_space<vmem_shared>>) target_semaphore(%run_scoped3A_1240 : memref<!tpu.dma_semaphore, #tpu.memory_space<semaphore_mem>>)
      %dma_wait3A = arith.constant 0 : i32
      %dma_wait3A_1245 = tpu.memref_slice %arg15[%add3A_1149, %dma_wait3A] : memref<5248x128xf32, #tpu.memory_space<vmem_shared>> -> memref<16x128xf32, #tpu.memory_space<vmem_shared>>
      %dma_wait3A_1246 = arith.constant 0 : i32
      %dma_wait3A_1247 = tpu.memref_slice %arg15[%add3A_1149, %dma_wait3A_1246] : memref<5248x128xf32, #tpu.memory_space<vmem_shared>> -> memref<16x128xf32, #tpu.memory_space<vmem_shared>>
      tpu.wait_dma2 semaphore(%run_scoped3A_1240 : memref<!tpu.dma_semaphore, #tpu.memory_space<semaphore_mem>>) src(%arg14 : memref<16x128xf32, #tpu.memory_space<vmem>>) dst(%dma_wait3A_1247 : memref<16x128xf32, #tpu.memory_space<vmem_shared>>)
      tpu.yield
    }) : () -> ()
    %mul3A_1150 = arith.constant 328 : i32
    %mul3A_1151 = arith.muli %arg1, %mul3A_1150 : i32
    %add3A_1152 = arith.constant 80 : i32
    %add3A_1153 = arith.addi %mul3A_1151, %add3A_1152 : i32
    "tpu.region"() ({
      %run_scoped3A_1240 = tpu.sem_alloc : memref<!tpu.dma_semaphore, #tpu.memory_space<semaphore_mem>>
      %dma_start3A_1241 = arith.constant 0 : i32
      %dma_start3A_1242 = tpu.memref_slice %arg15[%add3A_1153, %dma_start3A_1241] : memref<5248x128xf32, #tpu.memory_space<vmem_shared>> -> memref<16x128xf32, #tpu.memory_space<vmem_shared>>
      %dma_start3A_1243 = arith.constant 0 : i32
      %dma_start3A_1244 = tpu.memref_slice %arg15[%add3A_1153, %dma_start3A_1243] : memref<5248x128xf32, #tpu.memory_space<vmem_shared>> -> memref<16x128xf32, #tpu.memory_space<vmem_shared>>
      tpu.enqueue_dma source(%arg14 : memref<16x128xf32, #tpu.memory_space<vmem>>) target(%dma_start3A_1244 : memref<16x128xf32, #tpu.memory_space<vmem_shared>>) target_semaphore(%run_scoped3A_1240 : memref<!tpu.dma_semaphore, #tpu.memory_space<semaphore_mem>>)
      %dma_wait3A = arith.constant 0 : i32
      %dma_wait3A_1245 = tpu.memref_slice %arg15[%add3A_1153, %dma_wait3A] : memref<5248x128xf32, #tpu.memory_space<vmem_shared>> -> memref<16x128xf32, #tpu.memory_space<vmem_shared>>
      %dma_wait3A_1246 = arith.constant 0 : i32
      %dma_wait3A_1247 = tpu.memref_slice %arg15[%add3A_1153, %dma_wait3A_1246] : memref<5248x128xf32, #tpu.memory_space<vmem_shared>> -> memref<16x128xf32, #tpu.memory_space<vmem_shared>>
      tpu.wait_dma2 semaphore(%run_scoped3A_1240 : memref<!tpu.dma_semaphore, #tpu.memory_space<semaphore_mem>>) src(%arg14 : memref<16x128xf32, #tpu.memory_space<vmem>>) dst(%dma_wait3A_1247 : memref<16x128xf32, #tpu.memory_space<vmem_shared>>)
      tpu.yield
    }) : () -> ()
    %mul3A_1154 = arith.constant 328 : i32
    %mul3A_1155 = arith.muli %arg1, %mul3A_1154 : i32
    %add3A_1156 = arith.constant 96 : i32
    %add3A_1157 = arith.addi %mul3A_1155, %add3A_1156 : i32
    "tpu.region"() ({
      %run_scoped3A_1240 = tpu.sem_alloc : memref<!tpu.dma_semaphore, #tpu.memory_space<semaphore_mem>>
      %dma_start3A_1241 = arith.constant 0 : i32
      %dma_start3A_1242 = tpu.memref_slice %arg15[%add3A_1157, %dma_start3A_1241] : memref<5248x128xf32, #tpu.memory_space<vmem_shared>> -> memref<16x128xf32, #tpu.memory_space<vmem_shared>>
      %dma_start3A_1243 = arith.constant 0 : i32
      %dma_start3A_1244 = tpu.memref_slice %arg15[%add3A_1157, %dma_start3A_1243] : memref<5248x128xf32, #tpu.memory_space<vmem_shared>> -> memref<16x128xf32, #tpu.memory_space<vmem_shared>>
      tpu.enqueue_dma source(%arg14 : memref<16x128xf32, #tpu.memory_space<vmem>>) target(%dma_start3A_1244 : memref<16x128xf32, #tpu.memory_space<vmem_shared>>) target_semaphore(%run_scoped3A_1240 : memref<!tpu.dma_semaphore, #tpu.memory_space<semaphore_mem>>)
      %dma_wait3A = arith.constant 0 : i32
      %dma_wait3A_1245 = tpu.memref_slice %arg15[%add3A_1157, %dma_wait3A] : memref<5248x128xf32, #tpu.memory_space<vmem_shared>> -> memref<16x128xf32, #tpu.memory_space<vmem_shared>>
      %dma_wait3A_1246 = arith.constant 0 : i32
      %dma_wait3A_1247 = tpu.memref_slice %arg15[%add3A_1157, %dma_wait3A_1246] : memref<5248x128xf32, #tpu.memory_space<vmem_shared>> -> memref<16x128xf32, #tpu.memory_space<vmem_shared>>
      tpu.wait_dma2 semaphore(%run_scoped3A_1240 : memref<!tpu.dma_semaphore, #tpu.memory_space<semaphore_mem>>) src(%arg14 : memref<16x128xf32, #tpu.memory_space<vmem>>) dst(%dma_wait3A_1247 : memref<16x128xf32, #tpu.memory_space<vmem_shared>>)
      tpu.yield
    }) : () -> ()
    %mul3A_1158 = arith.constant 328 : i32
    %mul3A_1159 = arith.muli %arg1, %mul3A_1158 : i32
    %add3A_1160 = arith.constant 112 : i32
    %add3A_1161 = arith.addi %mul3A_1159, %add3A_1160 : i32
    "tpu.region"() ({
      %run_scoped3A_1240 = tpu.sem_alloc : memref<!tpu.dma_semaphore, #tpu.memory_space<semaphore_mem>>
      %dma_start3A_1241 = arith.constant 0 : i32
      %dma_start3A_1242 = tpu.memref_slice %arg15[%add3A_1161, %dma_start3A_1241] : memref<5248x128xf32, #tpu.memory_space<vmem_shared>> -> memref<16x128xf32, #tpu.memory_space<vmem_shared>>
      %dma_start3A_1243 = arith.constant 0 : i32
      %dma_start3A_1244 = tpu.memref_slice %arg15[%add3A_1161, %dma_start3A_1243] : memref<5248x128xf32, #tpu.memory_space<vmem_shared>> -> memref<16x128xf32, #tpu.memory_space<vmem_shared>>
      tpu.enqueue_dma source(%arg14 : memref<16x128xf32, #tpu.memory_space<vmem>>) target(%dma_start3A_1244 : memref<16x128xf32, #tpu.memory_space<vmem_shared>>) target_semaphore(%run_scoped3A_1240 : memref<!tpu.dma_semaphore, #tpu.memory_space<semaphore_mem>>)
      %dma_wait3A = arith.constant 0 : i32
      %dma_wait3A_1245 = tpu.memref_slice %arg15[%add3A_1161, %dma_wait3A] : memref<5248x128xf32, #tpu.memory_space<vmem_shared>> -> memref<16x128xf32, #tpu.memory_space<vmem_shared>>
      %dma_wait3A_1246 = arith.constant 0 : i32
      %dma_wait3A_1247 = tpu.memref_slice %arg15[%add3A_1161, %dma_wait3A_1246] : memref<5248x128xf32, #tpu.memory_space<vmem_shared>> -> memref<16x128xf32, #tpu.memory_space<vmem_shared>>
      tpu.wait_dma2 semaphore(%run_scoped3A_1240 : memref<!tpu.dma_semaphore, #tpu.memory_space<semaphore_mem>>) src(%arg14 : memref<16x128xf32, #tpu.memory_space<vmem>>) dst(%dma_wait3A_1247 : memref<16x128xf32, #tpu.memory_space<vmem_shared>>)
      tpu.yield
    }) : () -> ()
    %mul3A_1162 = arith.constant 328 : i32
    %mul3A_1163 = arith.muli %arg1, %mul3A_1162 : i32
    %add3A_1164 = arith.constant 128 : i32
    %add3A_1165 = arith.addi %mul3A_1163, %add3A_1164 : i32
    "tpu.region"() ({
      %run_scoped3A_1240 = tpu.sem_alloc : memref<!tpu.dma_semaphore, #tpu.memory_space<semaphore_mem>>
      %dma_start3A_1241 = arith.constant 0 : i32
      %dma_start3A_1242 = tpu.memref_slice %arg15[%add3A_1165, %dma_start3A_1241] : memref<5248x128xf32, #tpu.memory_space<vmem_shared>> -> memref<16x128xf32, #tpu.memory_space<vmem_shared>>
      %dma_start3A_1243 = arith.constant 0 : i32
      %dma_start3A_1244 = tpu.memref_slice %arg15[%add3A_1165, %dma_start3A_1243] : memref<5248x128xf32, #tpu.memory_space<vmem_shared>> -> memref<16x128xf32, #tpu.memory_space<vmem_shared>>
      tpu.enqueue_dma source(%arg14 : memref<16x128xf32, #tpu.memory_space<vmem>>) target(%dma_start3A_1244 : memref<16x128xf32, #tpu.memory_space<vmem_shared>>) target_semaphore(%run_scoped3A_1240 : memref<!tpu.dma_semaphore, #tpu.memory_space<semaphore_mem>>)
      %dma_wait3A = arith.constant 0 : i32
      %dma_wait3A_1245 = tpu.memref_slice %arg15[%add3A_1165, %dma_wait3A] : memref<5248x128xf32, #tpu.memory_space<vmem_shared>> -> memref<16x128xf32, #tpu.memory_space<vmem_shared>>
      %dma_wait3A_1246 = arith.constant 0 : i32
      %dma_wait3A_1247 = tpu.memref_slice %arg15[%add3A_1165, %dma_wait3A_1246] : memref<5248x128xf32, #tpu.memory_space<vmem_shared>> -> memref<16x128xf32, #tpu.memory_space<vmem_shared>>
      tpu.wait_dma2 semaphore(%run_scoped3A_1240 : memref<!tpu.dma_semaphore, #tpu.memory_space<semaphore_mem>>) src(%arg14 : memref<16x128xf32, #tpu.memory_space<vmem>>) dst(%dma_wait3A_1247 : memref<16x128xf32, #tpu.memory_space<vmem_shared>>)
      tpu.yield
    }) : () -> ()
    %mul3A_1166 = arith.constant 328 : i32
    %mul3A_1167 = arith.muli %arg1, %mul3A_1166 : i32
    %add3A_1168 = arith.constant 144 : i32
    %add3A_1169 = arith.addi %mul3A_1167, %add3A_1168 : i32
    "tpu.region"() ({
      %run_scoped3A_1240 = tpu.sem_alloc : memref<!tpu.dma_semaphore, #tpu.memory_space<semaphore_mem>>
      %dma_start3A_1241 = arith.constant 0 : i32
      %dma_start3A_1242 = tpu.memref_slice %arg15[%add3A_1169, %dma_start3A_1241] : memref<5248x128xf32, #tpu.memory_space<vmem_shared>> -> memref<16x128xf32, #tpu.memory_space<vmem_shared>>
      %dma_start3A_1243 = arith.constant 0 : i32
      %dma_start3A_1244 = tpu.memref_slice %arg15[%add3A_1169, %dma_start3A_1243] : memref<5248x128xf32, #tpu.memory_space<vmem_shared>> -> memref<16x128xf32, #tpu.memory_space<vmem_shared>>
      tpu.enqueue_dma source(%arg14 : memref<16x128xf32, #tpu.memory_space<vmem>>) target(%dma_start3A_1244 : memref<16x128xf32, #tpu.memory_space<vmem_shared>>) target_semaphore(%run_scoped3A_1240 : memref<!tpu.dma_semaphore, #tpu.memory_space<semaphore_mem>>)
      %dma_wait3A = arith.constant 0 : i32
      %dma_wait3A_1245 = tpu.memref_slice %arg15[%add3A_1169, %dma_wait3A] : memref<5248x128xf32, #tpu.memory_space<vmem_shared>> -> memref<16x128xf32, #tpu.memory_space<vmem_shared>>
      %dma_wait3A_1246 = arith.constant 0 : i32
      %dma_wait3A_1247 = tpu.memref_slice %arg15[%add3A_1169, %dma_wait3A_1246] : memref<5248x128xf32, #tpu.memory_space<vmem_shared>> -> memref<16x128xf32, #tpu.memory_space<vmem_shared>>
      tpu.wait_dma2 semaphore(%run_scoped3A_1240 : memref<!tpu.dma_semaphore, #tpu.memory_space<semaphore_mem>>) src(%arg14 : memref<16x128xf32, #tpu.memory_space<vmem>>) dst(%dma_wait3A_1247 : memref<16x128xf32, #tpu.memory_space<vmem_shared>>)
      tpu.yield
    }) : () -> ()
    %mul3A_1170 = arith.constant 328 : i32
    %mul3A_1171 = arith.muli %arg1, %mul3A_1170 : i32
    %add3A_1172 = arith.constant 160 : i32
    %add3A_1173 = arith.addi %mul3A_1171, %add3A_1172 : i32
    "tpu.region"() ({
      %run_scoped3A_1240 = tpu.sem_alloc : memref<!tpu.dma_semaphore, #tpu.memory_space<semaphore_mem>>
      %dma_start3A_1241 = arith.constant 0 : i32
      %dma_start3A_1242 = tpu.memref_slice %arg15[%add3A_1173, %dma_start3A_1241] : memref<5248x128xf32, #tpu.memory_space<vmem_shared>> -> memref<16x128xf32, #tpu.memory_space<vmem_shared>>
      %dma_start3A_1243 = arith.constant 0 : i32
      %dma_start3A_1244 = tpu.memref_slice %arg15[%add3A_1173, %dma_start3A_1243] : memref<5248x128xf32, #tpu.memory_space<vmem_shared>> -> memref<16x128xf32, #tpu.memory_space<vmem_shared>>
      tpu.enqueue_dma source(%arg14 : memref<16x128xf32, #tpu.memory_space<vmem>>) target(%dma_start3A_1244 : memref<16x128xf32, #tpu.memory_space<vmem_shared>>) target_semaphore(%run_scoped3A_1240 : memref<!tpu.dma_semaphore, #tpu.memory_space<semaphore_mem>>)
      %dma_wait3A = arith.constant 0 : i32
      %dma_wait3A_1245 = tpu.memref_slice %arg15[%add3A_1173, %dma_wait3A] : memref<5248x128xf32, #tpu.memory_space<vmem_shared>> -> memref<16x128xf32, #tpu.memory_space<vmem_shared>>
      %dma_wait3A_1246 = arith.constant 0 : i32
      %dma_wait3A_1247 = tpu.memref_slice %arg15[%add3A_1173, %dma_wait3A_1246] : memref<5248x128xf32, #tpu.memory_space<vmem_shared>> -> memref<16x128xf32, #tpu.memory_space<vmem_shared>>
      tpu.wait_dma2 semaphore(%run_scoped3A_1240 : memref<!tpu.dma_semaphore, #tpu.memory_space<semaphore_mem>>) src(%arg14 : memref<16x128xf32, #tpu.memory_space<vmem>>) dst(%dma_wait3A_1247 : memref<16x128xf32, #tpu.memory_space<vmem_shared>>)
      tpu.yield
    }) : () -> ()
    %mul3A_1174 = arith.constant 328 : i32
    %mul3A_1175 = arith.muli %arg1, %mul3A_1174 : i32
    %add3A_1176 = arith.constant 176 : i32
    %add3A_1177 = arith.addi %mul3A_1175, %add3A_1176 : i32
    "tpu.region"() ({
      %run_scoped3A_1240 = tpu.sem_alloc : memref<!tpu.dma_semaphore, #tpu.memory_space<semaphore_mem>>
      %dma_start3A_1241 = arith.constant 0 : i32
      %dma_start3A_1242 = tpu.memref_slice %arg15[%add3A_1177, %dma_start3A_1241] : memref<5248x128xf32, #tpu.memory_space<vmem_shared>> -> memref<16x128xf32, #tpu.memory_space<vmem_shared>>
      %dma_start3A_1243 = arith.constant 0 : i32
      %dma_start3A_1244 = tpu.memref_slice %arg15[%add3A_1177, %dma_start3A_1243] : memref<5248x128xf32, #tpu.memory_space<vmem_shared>> -> memref<16x128xf32, #tpu.memory_space<vmem_shared>>
      tpu.enqueue_dma source(%arg14 : memref<16x128xf32, #tpu.memory_space<vmem>>) target(%dma_start3A_1244 : memref<16x128xf32, #tpu.memory_space<vmem_shared>>) target_semaphore(%run_scoped3A_1240 : memref<!tpu.dma_semaphore, #tpu.memory_space<semaphore_mem>>)
      %dma_wait3A = arith.constant 0 : i32
      %dma_wait3A_1245 = tpu.memref_slice %arg15[%add3A_1177, %dma_wait3A] : memref<5248x128xf32, #tpu.memory_space<vmem_shared>> -> memref<16x128xf32, #tpu.memory_space<vmem_shared>>
      %dma_wait3A_1246 = arith.constant 0 : i32
      %dma_wait3A_1247 = tpu.memref_slice %arg15[%add3A_1177, %dma_wait3A_1246] : memref<5248x128xf32, #tpu.memory_space<vmem_shared>> -> memref<16x128xf32, #tpu.memory_space<vmem_shared>>
      tpu.wait_dma2 semaphore(%run_scoped3A_1240 : memref<!tpu.dma_semaphore, #tpu.memory_space<semaphore_mem>>) src(%arg14 : memref<16x128xf32, #tpu.memory_space<vmem>>) dst(%dma_wait3A_1247 : memref<16x128xf32, #tpu.memory_space<vmem_shared>>)
      tpu.yield
    }) : () -> ()
    %mul3A_1178 = arith.constant 328 : i32
    %mul3A_1179 = arith.muli %arg1, %mul3A_1178 : i32
    %add3A_1180 = arith.constant 192 : i32
    %add3A_1181 = arith.addi %mul3A_1179, %add3A_1180 : i32
    "tpu.region"() ({
      %run_scoped3A_1240 = tpu.sem_alloc : memref<!tpu.dma_semaphore, #tpu.memory_space<semaphore_mem>>
      %dma_start3A_1241 = arith.constant 0 : i32
      %dma_start3A_1242 = tpu.memref_slice %arg15[%add3A_1181, %dma_start3A_1241] : memref<5248x128xf32, #tpu.memory_space<vmem_shared>> -> memref<16x128xf32, #tpu.memory_space<vmem_shared>>
      %dma_start3A_1243 = arith.constant 0 : i32
      %dma_start3A_1244 = tpu.memref_slice %arg15[%add3A_1181, %dma_start3A_1243] : memref<5248x128xf32, #tpu.memory_space<vmem_shared>> -> memref<16x128xf32, #tpu.memory_space<vmem_shared>>
      tpu.enqueue_dma source(%arg14 : memref<16x128xf32, #tpu.memory_space<vmem>>) target(%dma_start3A_1244 : memref<16x128xf32, #tpu.memory_space<vmem_shared>>) target_semaphore(%run_scoped3A_1240 : memref<!tpu.dma_semaphore, #tpu.memory_space<semaphore_mem>>)
      %dma_wait3A = arith.constant 0 : i32
      %dma_wait3A_1245 = tpu.memref_slice %arg15[%add3A_1181, %dma_wait3A] : memref<5248x128xf32, #tpu.memory_space<vmem_shared>> -> memref<16x128xf32, #tpu.memory_space<vmem_shared>>
      %dma_wait3A_1246 = arith.constant 0 : i32
      %dma_wait3A_1247 = tpu.memref_slice %arg15[%add3A_1181, %dma_wait3A_1246] : memref<5248x128xf32, #tpu.memory_space<vmem_shared>> -> memref<16x128xf32, #tpu.memory_space<vmem_shared>>
      tpu.wait_dma2 semaphore(%run_scoped3A_1240 : memref<!tpu.dma_semaphore, #tpu.memory_space<semaphore_mem>>) src(%arg14 : memref<16x128xf32, #tpu.memory_space<vmem>>) dst(%dma_wait3A_1247 : memref<16x128xf32, #tpu.memory_space<vmem_shared>>)
      tpu.yield
    }) : () -> ()
    %mul3A_1182 = arith.constant 328 : i32
    %mul3A_1183 = arith.muli %arg1, %mul3A_1182 : i32
    %add3A_1184 = arith.constant 208 : i32
    %add3A_1185 = arith.addi %mul3A_1183, %add3A_1184 : i32
    "tpu.region"() ({
      %run_scoped3A_1240 = tpu.sem_alloc : memref<!tpu.dma_semaphore, #tpu.memory_space<semaphore_mem>>
      %dma_start3A_1241 = arith.constant 0 : i32
      %dma_start3A_1242 = tpu.memref_slice %arg15[%add3A_1185, %dma_start3A_1241] : memref<5248x128xf32, #tpu.memory_space<vmem_shared>> -> memref<16x128xf32, #tpu.memory_space<vmem_shared>>
      %dma_start3A_1243 = arith.constant 0 : i32
      %dma_start3A_1244 = tpu.memref_slice %arg15[%add3A_1185, %dma_start3A_1243] : memref<5248x128xf32, #tpu.memory_space<vmem_shared>> -> memref<16x128xf32, #tpu.memory_space<vmem_shared>>
      tpu.enqueue_dma source(%arg14 : memref<16x128xf32, #tpu.memory_space<vmem>>) target(%dma_start3A_1244 : memref<16x128xf32, #tpu.memory_space<vmem_shared>>) target_semaphore(%run_scoped3A_1240 : memref<!tpu.dma_semaphore, #tpu.memory_space<semaphore_mem>>)
      %dma_wait3A = arith.constant 0 : i32
      %dma_wait3A_1245 = tpu.memref_slice %arg15[%add3A_1185, %dma_wait3A] : memref<5248x128xf32, #tpu.memory_space<vmem_shared>> -> memref<16x128xf32, #tpu.memory_space<vmem_shared>>
      %dma_wait3A_1246 = arith.constant 0 : i32
      %dma_wait3A_1247 = tpu.memref_slice %arg15[%add3A_1185, %dma_wait3A_1246] : memref<5248x128xf32, #tpu.memory_space<vmem_shared>> -> memref<16x128xf32, #tpu.memory_space<vmem_shared>>
      tpu.wait_dma2 semaphore(%run_scoped3A_1240 : memref<!tpu.dma_semaphore, #tpu.memory_space<semaphore_mem>>) src(%arg14 : memref<16x128xf32, #tpu.memory_space<vmem>>) dst(%dma_wait3A_1247 : memref<16x128xf32, #tpu.memory_space<vmem_shared>>)
      tpu.yield
    }) : () -> ()
    %mul3A_1186 = arith.constant 328 : i32
    %mul3A_1187 = arith.muli %arg1, %mul3A_1186 : i32
    %add3A_1188 = arith.constant 224 : i32
    %add3A_1189 = arith.addi %mul3A_1187, %add3A_1188 : i32
    "tpu.region"() ({
      %run_scoped3A_1240 = tpu.sem_alloc : memref<!tpu.dma_semaphore, #tpu.memory_space<semaphore_mem>>
      %dma_start3A_1241 = arith.constant 0 : i32
      %dma_start3A_1242 = tpu.memref_slice %arg15[%add3A_1189, %dma_start3A_1241] : memref<5248x128xf32, #tpu.memory_space<vmem_shared>> -> memref<16x128xf32, #tpu.memory_space<vmem_shared>>
      %dma_start3A_1243 = arith.constant 0 : i32
      %dma_start3A_1244 = tpu.memref_slice %arg15[%add3A_1189, %dma_start3A_1243] : memref<5248x128xf32, #tpu.memory_space<vmem_shared>> -> memref<16x128xf32, #tpu.memory_space<vmem_shared>>
      tpu.enqueue_dma source(%arg14 : memref<16x128xf32, #tpu.memory_space<vmem>>) target(%dma_start3A_1244 : memref<16x128xf32, #tpu.memory_space<vmem_shared>>) target_semaphore(%run_scoped3A_1240 : memref<!tpu.dma_semaphore, #tpu.memory_space<semaphore_mem>>)
      %dma_wait3A = arith.constant 0 : i32
      %dma_wait3A_1245 = tpu.memref_slice %arg15[%add3A_1189, %dma_wait3A] : memref<5248x128xf32, #tpu.memory_space<vmem_shared>> -> memref<16x128xf32, #tpu.memory_space<vmem_shared>>
      %dma_wait3A_1246 = arith.constant 0 : i32
      %dma_wait3A_1247 = tpu.memref_slice %arg15[%add3A_1189, %dma_wait3A_1246] : memref<5248x128xf32, #tpu.memory_space<vmem_shared>> -> memref<16x128xf32, #tpu.memory_space<vmem_shared>>
      tpu.wait_dma2 semaphore(%run_scoped3A_1240 : memref<!tpu.dma_semaphore, #tpu.memory_space<semaphore_mem>>) src(%arg14 : memref<16x128xf32, #tpu.memory_space<vmem>>) dst(%dma_wait3A_1247 : memref<16x128xf32, #tpu.memory_space<vmem_shared>>)
      tpu.yield
    }) : () -> ()
    %mul3A_1190 = arith.constant 328 : i32
    %mul3A_1191 = arith.muli %arg1, %mul3A_1190 : i32
    %add3A_1192 = arith.constant 240 : i32
    %add3A_1193 = arith.addi %mul3A_1191, %add3A_1192 : i32
    "tpu.region"() ({
      %run_scoped3A_1240 = tpu.sem_alloc : memref<!tpu.dma_semaphore, #tpu.memory_space<semaphore_mem>>
      %dma_start3A_1241 = arith.constant 0 : i32
      %dma_start3A_1242 = tpu.memref_slice %arg15[%add3A_1193, %dma_start3A_1241] : memref<5248x128xf32, #tpu.memory_space<vmem_shared>> -> memref<16x128xf32, #tpu.memory_space<vmem_shared>>
      %dma_start3A_1243 = arith.constant 0 : i32
      %dma_start3A_1244 = tpu.memref_slice %arg15[%add3A_1193, %dma_start3A_1243] : memref<5248x128xf32, #tpu.memory_space<vmem_shared>> -> memref<16x128xf32, #tpu.memory_space<vmem_shared>>
      tpu.enqueue_dma source(%arg14 : memref<16x128xf32, #tpu.memory_space<vmem>>) target(%dma_start3A_1244 : memref<16x128xf32, #tpu.memory_space<vmem_shared>>) target_semaphore(%run_scoped3A_1240 : memref<!tpu.dma_semaphore, #tpu.memory_space<semaphore_mem>>)
      %dma_wait3A = arith.constant 0 : i32
      %dma_wait3A_1245 = tpu.memref_slice %arg15[%add3A_1193, %dma_wait3A] : memref<5248x128xf32, #tpu.memory_space<vmem_shared>> -> memref<16x128xf32, #tpu.memory_space<vmem_shared>>
      %dma_wait3A_1246 = arith.constant 0 : i32
      %dma_wait3A_1247 = tpu.memref_slice %arg15[%add3A_1193, %dma_wait3A_1246] : memref<5248x128xf32, #tpu.memory_space<vmem_shared>> -> memref<16x128xf32, #tpu.memory_space<vmem_shared>>
      tpu.wait_dma2 semaphore(%run_scoped3A_1240 : memref<!tpu.dma_semaphore, #tpu.memory_space<semaphore_mem>>) src(%arg14 : memref<16x128xf32, #tpu.memory_space<vmem>>) dst(%dma_wait3A_1247 : memref<16x128xf32, #tpu.memory_space<vmem_shared>>)
      tpu.yield
    }) : () -> ()
    %mul3A_1194 = arith.constant 328 : i32
    %mul3A_1195 = arith.muli %arg1, %mul3A_1194 : i32
    %add3A_1196 = arith.constant 256 : i32
    %add3A_1197 = arith.addi %mul3A_1195, %add3A_1196 : i32
    "tpu.region"() ({
      %run_scoped3A_1240 = tpu.sem_alloc : memref<!tpu.dma_semaphore, #tpu.memory_space<semaphore_mem>>
      %dma_start3A_1241 = arith.constant 0 : i32
      %dma_start3A_1242 = tpu.memref_slice %arg15[%add3A_1197, %dma_start3A_1241] : memref<5248x128xf32, #tpu.memory_space<vmem_shared>> -> memref<16x128xf32, #tpu.memory_space<vmem_shared>>
      %dma_start3A_1243 = arith.constant 0 : i32
      %dma_start3A_1244 = tpu.memref_slice %arg15[%add3A_1197, %dma_start3A_1243] : memref<5248x128xf32, #tpu.memory_space<vmem_shared>> -> memref<16x128xf32, #tpu.memory_space<vmem_shared>>
      tpu.enqueue_dma source(%arg14 : memref<16x128xf32, #tpu.memory_space<vmem>>) target(%dma_start3A_1244 : memref<16x128xf32, #tpu.memory_space<vmem_shared>>) target_semaphore(%run_scoped3A_1240 : memref<!tpu.dma_semaphore, #tpu.memory_space<semaphore_mem>>)
      %dma_wait3A = arith.constant 0 : i32
      %dma_wait3A_1245 = tpu.memref_slice %arg15[%add3A_1197, %dma_wait3A] : memref<5248x128xf32, #tpu.memory_space<vmem_shared>> -> memref<16x128xf32, #tpu.memory_space<vmem_shared>>
      %dma_wait3A_1246 = arith.constant 0 : i32
      %dma_wait3A_1247 = tpu.memref_slice %arg15[%add3A_1197, %dma_wait3A_1246] : memref<5248x128xf32, #tpu.memory_space<vmem_shared>> -> memref<16x128xf32, #tpu.memory_space<vmem_shared>>
      tpu.wait_dma2 semaphore(%run_scoped3A_1240 : memref<!tpu.dma_semaphore, #tpu.memory_space<semaphore_mem>>) src(%arg14 : memref<16x128xf32, #tpu.memory_space<vmem>>) dst(%dma_wait3A_1247 : memref<16x128xf32, #tpu.memory_space<vmem_shared>>)
      tpu.yield
    }) : () -> ()
    %mul3A_1198 = arith.constant 328 : i32
    %mul3A_1199 = arith.muli %arg1, %mul3A_1198 : i32
    %add3A_1200 = arith.constant 272 : i32
    %add3A_1201 = arith.addi %mul3A_1199, %add3A_1200 : i32
    "tpu.region"() ({
      %run_scoped3A_1240 = tpu.sem_alloc : memref<!tpu.dma_semaphore, #tpu.memory_space<semaphore_mem>>
      %dma_start3A_1241 = arith.constant 0 : i32
      %dma_start3A_1242 = tpu.memref_slice %arg15[%add3A_1201, %dma_start3A_1241] : memref<5248x128xf32, #tpu.memory_space<vmem_shared>> -> memref<16x128xf32, #tpu.memory_space<vmem_shared>>
      %dma_start3A_1243 = arith.constant 0 : i32
      %dma_start3A_1244 = tpu.memref_slice %arg15[%add3A_1201, %dma_start3A_1243] : memref<5248x128xf32, #tpu.memory_space<vmem_shared>> -> memref<16x128xf32, #tpu.memory_space<vmem_shared>>
      tpu.enqueue_dma source(%arg14 : memref<16x128xf32, #tpu.memory_space<vmem>>) target(%dma_start3A_1244 : memref<16x128xf32, #tpu.memory_space<vmem_shared>>) target_semaphore(%run_scoped3A_1240 : memref<!tpu.dma_semaphore, #tpu.memory_space<semaphore_mem>>)
      %dma_wait3A = arith.constant 0 : i32
      %dma_wait3A_1245 = tpu.memref_slice %arg15[%add3A_1201, %dma_wait3A] : memref<5248x128xf32, #tpu.memory_space<vmem_shared>> -> memref<16x128xf32, #tpu.memory_space<vmem_shared>>
      %dma_wait3A_1246 = arith.constant 0 : i32
      %dma_wait3A_1247 = tpu.memref_slice %arg15[%add3A_1201, %dma_wait3A_1246] : memref<5248x128xf32, #tpu.memory_space<vmem_shared>> -> memref<16x128xf32, #tpu.memory_space<vmem_shared>>
      tpu.wait_dma2 semaphore(%run_scoped3A_1240 : memref<!tpu.dma_semaphore, #tpu.memory_space<semaphore_mem>>) src(%arg14 : memref<16x128xf32, #tpu.memory_space<vmem>>) dst(%dma_wait3A_1247 : memref<16x128xf32, #tpu.memory_space<vmem_shared>>)
      tpu.yield
    }) : () -> ()
    %mul3A_1202 = arith.constant 328 : i32
    %mul3A_1203 = arith.muli %arg1, %mul3A_1202 : i32
    %add3A_1204 = arith.constant 288 : i32
    %add3A_1205 = arith.addi %mul3A_1203, %add3A_1204 : i32
    "tpu.region"() ({
      %run_scoped3A_1240 = tpu.sem_alloc : memref<!tpu.dma_semaphore, #tpu.memory_space<semaphore_mem>>
      %dma_start3A_1241 = arith.constant 0 : i32
      %dma_start3A_1242 = tpu.memref_slice %arg15[%add3A_1205, %dma_start3A_1241] : memref<5248x128xf32, #tpu.memory_space<vmem_shared>> -> memref<16x128xf32, #tpu.memory_space<vmem_shared>>
      %dma_start3A_1243 = arith.constant 0 : i32
      %dma_start3A_1244 = tpu.memref_slice %arg15[%add3A_1205, %dma_start3A_1243] : memref<5248x128xf32, #tpu.memory_space<vmem_shared>> -> memref<16x128xf32, #tpu.memory_space<vmem_shared>>
      tpu.enqueue_dma source(%arg14 : memref<16x128xf32, #tpu.memory_space<vmem>>) target(%dma_start3A_1244 : memref<16x128xf32, #tpu.memory_space<vmem_shared>>) target_semaphore(%run_scoped3A_1240 : memref<!tpu.dma_semaphore, #tpu.memory_space<semaphore_mem>>)
      %dma_wait3A = arith.constant 0 : i32
      %dma_wait3A_1245 = tpu.memref_slice %arg15[%add3A_1205, %dma_wait3A] : memref<5248x128xf32, #tpu.memory_space<vmem_shared>> -> memref<16x128xf32, #tpu.memory_space<vmem_shared>>
      %dma_wait3A_1246 = arith.constant 0 : i32
      %dma_wait3A_1247 = tpu.memref_slice %arg15[%add3A_1205, %dma_wait3A_1246] : memref<5248x128xf32, #tpu.memory_space<vmem_shared>> -> memref<16x128xf32, #tpu.memory_space<vmem_shared>>
      tpu.wait_dma2 semaphore(%run_scoped3A_1240 : memref<!tpu.dma_semaphore, #tpu.memory_space<semaphore_mem>>) src(%arg14 : memref<16x128xf32, #tpu.memory_space<vmem>>) dst(%dma_wait3A_1247 : memref<16x128xf32, #tpu.memory_space<vmem_shared>>)
      tpu.yield
    }) : () -> ()
    %mul3A_1206 = arith.constant 328 : i32
    %mul3A_1207 = arith.muli %arg1, %mul3A_1206 : i32
    %add3A_1208 = arith.constant 304 : i32
    %add3A_1209 = arith.addi %mul3A_1207, %add3A_1208 : i32
    "tpu.region"() ({
      %run_scoped3A_1240 = tpu.sem_alloc : memref<!tpu.dma_semaphore, #tpu.memory_space<semaphore_mem>>
      %dma_start3A_1241 = arith.constant 0 : i32
      %dma_start3A_1242 = tpu.memref_slice %arg15[%add3A_1209, %dma_start3A_1241] : memref<5248x128xf32, #tpu.memory_space<vmem_shared>> -> memref<16x128xf32, #tpu.memory_space<vmem_shared>>
      %dma_start3A_1243 = arith.constant 0 : i32
      %dma_start3A_1244 = tpu.memref_slice %arg15[%add3A_1209, %dma_start3A_1243] : memref<5248x128xf32, #tpu.memory_space<vmem_shared>> -> memref<16x128xf32, #tpu.memory_space<vmem_shared>>
      tpu.enqueue_dma source(%arg14 : memref<16x128xf32, #tpu.memory_space<vmem>>) target(%dma_start3A_1244 : memref<16x128xf32, #tpu.memory_space<vmem_shared>>) target_semaphore(%run_scoped3A_1240 : memref<!tpu.dma_semaphore, #tpu.memory_space<semaphore_mem>>)
      %dma_wait3A = arith.constant 0 : i32
      %dma_wait3A_1245 = tpu.memref_slice %arg15[%add3A_1209, %dma_wait3A] : memref<5248x128xf32, #tpu.memory_space<vmem_shared>> -> memref<16x128xf32, #tpu.memory_space<vmem_shared>>
      %dma_wait3A_1246 = arith.constant 0 : i32
      %dma_wait3A_1247 = tpu.memref_slice %arg15[%add3A_1209, %dma_wait3A_1246] : memref<5248x128xf32, #tpu.memory_space<vmem_shared>> -> memref<16x128xf32, #tpu.memory_space<vmem_shared>>
      tpu.wait_dma2 semaphore(%run_scoped3A_1240 : memref<!tpu.dma_semaphore, #tpu.memory_space<semaphore_mem>>) src(%arg14 : memref<16x128xf32, #tpu.memory_space<vmem>>) dst(%dma_wait3A_1247 : memref<16x128xf32, #tpu.memory_space<vmem_shared>>)
      tpu.yield
    }) : () -> ()
    %barrier3A_1210 = arith.constant 0 : index
    tpu.barrier barrier_id(%barrier3A_1210)
    %add3A_1211 = arith.constant 0 : i32
    %add3A_1212 = arith.addi %mul3A_2, %add3A_1211 : i32
    %dma_start3A_1213 = tpu.memref_slice %arg4[%add3A_1212] : memref<320000xi32, #tpu.memory_space<hbm>> -> memref<80xi32, #tpu.memory_space<hbm>>
    %dma_start3A_1214 = tpu.memref_slice %arg4[%add3A_1212] : memref<320000xi32, #tpu.memory_space<hbm>> -> memref<80xi32, #tpu.memory_space<hbm>>
    tpu.enqueue_dma source(%dma_start3A_1214 : memref<80xi32, #tpu.memory_space<hbm>>) target(%arg6 : memref<80xi32, #tpu.memory_space<vmem>>) target_semaphore(%arg16 : memref<!tpu.dma_semaphore, #tpu.memory_space<semaphore_mem>>)
    %dma_start3A_1215 = arith.constant 0 : i32
    %dma_start3A_1216 = tpu.memref_slice %arg3[%add3A_1212, %dma_start3A_1215] : memref<320000x128xf32, #tpu.memory_space<hbm>> -> memref<80x128xf32, #tpu.memory_space<hbm>>
    %dma_start3A_1217 = arith.constant 0 : i32
    %dma_start3A_1218 = tpu.memref_slice %arg3[%add3A_1212, %dma_start3A_1217] : memref<320000x128xf32, #tpu.memory_space<hbm>> -> memref<80x128xf32, #tpu.memory_space<hbm>>
    tpu.enqueue_dma source(%dma_start3A_1218 : memref<80x128xf32, #tpu.memory_space<hbm>>) target(%arg10 : memref<80x128xf32, #tpu.memory_space<vmem>>) target_semaphore(%arg20 : memref<!tpu.dma_semaphore, #tpu.memory_space<semaphore_mem>>)
    %add3A_1219 = arith.constant 80 : i32
    %add3A_1220 = arith.addi %mul3A_2, %add3A_1219 : i32
    %dma_start3A_1221 = tpu.memref_slice %arg4[%add3A_1220] : memref<320000xi32, #tpu.memory_space<hbm>> -> memref<80xi32, #tpu.memory_space<hbm>>
    %dma_start3A_1222 = tpu.memref_slice %arg4[%add3A_1220] : memref<320000xi32, #tpu.memory_space<hbm>> -> memref<80xi32, #tpu.memory_space<hbm>>
    tpu.enqueue_dma source(%dma_start3A_1222 : memref<80xi32, #tpu.memory_space<hbm>>) target(%arg7 : memref<80xi32, #tpu.memory_space<vmem>>) target_semaphore(%arg17 : memref<!tpu.dma_semaphore, #tpu.memory_space<semaphore_mem>>)
    %dma_start3A_1223 = arith.constant 0 : i32
    %dma_start3A_1224 = tpu.memref_slice %arg3[%add3A_1220, %dma_start3A_1223] : memref<320000x128xf32, #tpu.memory_space<hbm>> -> memref<80x128xf32, #tpu.memory_space<hbm>>
    %dma_start3A_1225 = arith.constant 0 : i32
    %dma_start3A_1226 = tpu.memref_slice %arg3[%add3A_1220, %dma_start3A_1225] : memref<320000x128xf32, #tpu.memory_space<hbm>> -> memref<80x128xf32, #tpu.memory_space<hbm>>
    tpu.enqueue_dma source(%dma_start3A_1226 : memref<80x128xf32, #tpu.memory_space<hbm>>) target(%arg11 : memref<80x128xf32, #tpu.memory_space<vmem>>) target_semaphore(%arg21 : memref<!tpu.dma_semaphore, #tpu.memory_space<semaphore_mem>>)
    %scan3A_1227 = arith.constant 0 : i32
    %scan3A_1228 = arith.constant 0 : i32
    %scan3A_1229 = arith.constant 125 : i32
    %scan3A_1230 = arith.addi %scan3A_1228, %scan3A_1229 : i32
    %scan3A_1231 = arith.constant 1 : i32
    scf.for %scan3A_1240 = %scan3A_1228 to %scan3A_1230 step %scan3A_1231  : i32 {
      %jit3A = arith.constant 2 : i32
      %eq3A = arith.constant 0 : i32
      %eq3A_1241 = arith.cmpi eq, %jit3A, %eq3A : i32
      %jit3A_1242 = arith.constant 1 : i32
      %select_n3A = arith.select %eq3A_1241, %jit3A_1242, %jit3A : i32
      %rem3A = arith.remsi %scan3A_1240, %select_n3A : i32
      %ne3A = arith.constant 0 : i32
      %ne3A_1243 = arith.cmpi ne, %rem3A, %ne3A : i32
      %lt3A = arith.constant 0 : i32
      %lt3A_1244 = arith.cmpi slt, %rem3A, %lt3A : i32
      %lt3A_1245 = arith.constant 0 : i32
      %lt3A_1246 = arith.cmpi slt, %select_n3A, %lt3A_1245 : i32
      %ne3A_1247 = arith.xori %lt3A_1244, %lt3A_1246 : i1
      %and3A = arith.andi %ne3A_1247, %ne3A_1243 : i1
      %add3A_1248 = arith.addi %rem3A, %select_n3A : i32
      %select_n3A_1249 = arith.select %and3A, %add3A_1248, %rem3A : i32
      %eq3A_1250 = arith.constant 0 : i32
      %eq3A_1251 = arith.cmpi eq, %select_n3A_1249, %eq3A_1250 : i32
      %convert_element_type3A = arith.extui %eq3A_1251 : i1 to i32
      %cond3A = arith.constant 0 : i32
      %cond3A_1252 = arith.cmpi ne, %convert_element_type3A, %cond3A : i32
      scf.if %cond3A_1252 {
        %mul3A_1274 = arith.constant 2 : i32
        %mul3A_1275 = arith.muli %scan3A_1240, %mul3A_1274 : i32
        %add3A_1276 = arith.constant 1 : i32
        %add3A_1277 = arith.addi %scan3A_1240, %add3A_1276 : i32
        %lt3A_1278 = arith.constant 125 : i32
        %lt3A_1279 = arith.cmpi slt, %add3A_1277, %lt3A_1278 : i32
        %convert_element_type3A_1280 = arith.extui %lt3A_1279 : i1 to i32
        %cond3A_1281 = arith.constant 0 : i32
        %cond3A_1282 = arith.cmpi ne, %convert_element_type3A_1280, %cond3A_1281 : i32
        scf.if %cond3A_1282 {
          %add3A_1314 = arith.constant 2 : i32
          %add3A_1315 = arith.addi %mul3A_1275, %add3A_1314 : i32
          %mul3A_1316 = arith.constant 80 : i32
          %mul3A_1317 = arith.muli %add3A_1315, %mul3A_1316 : i32
          %add3A_1318 = arith.addi %mul3A_2, %mul3A_1317 : i32
          %dma_start3A_1319 = tpu.memref_slice %arg4[%add3A_1318] : memref<320000xi32, #tpu.memory_space<hbm>> -> memref<80xi32, #tpu.memory_space<hbm>>
          %dma_start3A_1320 = tpu.memref_slice %arg4[%add3A_1318] : memref<320000xi32, #tpu.memory_space<hbm>> -> memref<80xi32, #tpu.memory_space<hbm>>
          tpu.enqueue_dma source(%dma_start3A_1320 : memref<80xi32, #tpu.memory_space<hbm>>) target(%arg8 : memref<80xi32, #tpu.memory_space<vmem>>) target_semaphore(%arg18 : memref<!tpu.dma_semaphore, #tpu.memory_space<semaphore_mem>>)
          %dma_start3A_1321 = arith.constant 0 : i32
          %dma_start3A_1322 = tpu.memref_slice %arg3[%add3A_1318, %dma_start3A_1321] : memref<320000x128xf32, #tpu.memory_space<hbm>> -> memref<80x128xf32, #tpu.memory_space<hbm>>
          %dma_start3A_1323 = arith.constant 0 : i32
          %dma_start3A_1324 = tpu.memref_slice %arg3[%add3A_1318, %dma_start3A_1323] : memref<320000x128xf32, #tpu.memory_space<hbm>> -> memref<80x128xf32, #tpu.memory_space<hbm>>
          tpu.enqueue_dma source(%dma_start3A_1324 : memref<80x128xf32, #tpu.memory_space<hbm>>) target(%arg12 : memref<80x128xf32, #tpu.memory_space<vmem>>) target_semaphore(%arg22 : memref<!tpu.dma_semaphore, #tpu.memory_space<semaphore_mem>>)
          %add3A_1325 = arith.constant 3 : i32
          %add3A_1326 = arith.addi %mul3A_1275, %add3A_1325 : i32
          %mul3A_1327 = arith.constant 80 : i32
          %mul3A_1328 = arith.muli %add3A_1326, %mul3A_1327 : i32
          %add3A_1329 = arith.addi %mul3A_2, %mul3A_1328 : i32
          %dma_start3A_1330 = tpu.memref_slice %arg4[%add3A_1329] : memref<320000xi32, #tpu.memory_space<hbm>> -> memref<80xi32, #tpu.memory_space<hbm>>
          %dma_start3A_1331 = tpu.memref_slice %arg4[%add3A_1329] : memref<320000xi32, #tpu.memory_space<hbm>> -> memref<80xi32, #tpu.memory_space<hbm>>
          tpu.enqueue_dma source(%dma_start3A_1331 : memref<80xi32, #tpu.memory_space<hbm>>) target(%arg9 : memref<80xi32, #tpu.memory_space<vmem>>) target_semaphore(%arg19 : memref<!tpu.dma_semaphore, #tpu.memory_space<semaphore_mem>>)
          %dma_start3A_1332 = arith.constant 0 : i32
          %dma_start3A_1333 = tpu.memref_slice %arg3[%add3A_1329, %dma_start3A_1332] : memref<320000x128xf32, #tpu.memory_space<hbm>> -> memref<80x128xf32, #tpu.memory_space<hbm>>
          %dma_start3A_1334 = arith.constant 0 : i32
          %dma_start3A_1335 = tpu.memref_slice %arg3[%add3A_1329, %dma_start3A_1334] : memref<320000x128xf32, #tpu.memory_space<hbm>> -> memref<80x128xf32, #tpu.memory_space<hbm>>
          tpu.enqueue_dma source(%dma_start3A_1335 : memref<80x128xf32, #tpu.memory_space<hbm>>) target(%arg13 : memref<80x128xf32, #tpu.memory_space<vmem>>) target_semaphore(%arg23 : memref<!tpu.dma_semaphore, #tpu.memory_space<semaphore_mem>>)
        } else {
        }
        %dma_wait3A = arith.constant 0 : i32
        %dma_wait3A_1283 = tpu.memref_slice %arg4[%dma_wait3A] : memref<320000xi32, #tpu.memory_space<hbm>> -> memref<80xi32, #tpu.memory_space<hbm>>
        %dma_wait3A_1284 = arith.constant 0 : i32
        %dma_wait3A_1285 = tpu.memref_slice %arg4[%dma_wait3A_1284] : memref<320000xi32, #tpu.memory_space<hbm>> -> memref<80xi32, #tpu.memory_space<hbm>>
        tpu.wait_dma2 semaphore(%arg16 : memref<!tpu.dma_semaphore, #tpu.memory_space<semaphore_mem>>) src(%dma_wait3A_1285 : memref<80xi32, #tpu.memory_space<hbm>>) dst(%arg6 : memref<80xi32, #tpu.memory_space<vmem>>)
        %dma_wait3A_1286 = arith.constant 0 : i32
        %dma_wait3A_1287 = arith.constant 0 : i32
        %dma_wait3A_1288 = tpu.memref_slice %arg3[%dma_wait3A_1286, %dma_wait3A_1287] : memref<320000x128xf32, #tpu.memory_space<hbm>> -> memref<80x128xf32, #tpu.memory_space<hbm>>
        %dma_wait3A_1289 = arith.constant 0 : i32
        %dma_wait3A_1290 = arith.constant 0 : i32
        %dma_wait3A_1291 = tpu.memref_slice %arg3[%dma_wait3A_1289, %dma_wait3A_1290] : memref<320000x128xf32, #tpu.memory_space<hbm>> -> memref<80x128xf32, #tpu.memory_space<hbm>>
        tpu.wait_dma2 semaphore(%arg20 : memref<!tpu.dma_semaphore, #tpu.memory_space<semaphore_mem>>) src(%dma_wait3A_1291 : memref<80x128xf32, #tpu.memory_space<hbm>>) dst(%arg10 : memref<80x128xf32, #tpu.memory_space<vmem>>)
        %scan3A_1292 = arith.constant 0 : i32
        %scan3A_1293 = arith.constant 0 : i32
        %scan3A_1294 = arith.constant 5 : i32
        %scan3A_1295 = arith.addi %scan3A_1293, %scan3A_1294 : i32
        %scan3A_1296 = arith.constant 1 : i32
        scf.for %scan3A_1314 = %scan3A_1293 to %scan3A_1295 step %scan3A_1296  : i32 {
          %mul3A_1315 = arith.constant 16 : i32
          %mul3A_1316 = arith.muli %scan3A_1314, %mul3A_1315 : i32
          %get3A = arith.index_cast %mul3A_1316 : i32 to index
          %get3A_1317 = tpu.vector_load %arg6[%get3A] {strides = array<i32>} : memref<80xi32, #tpu.memory_space<vmem>>, vector<16xi32>,
          %get3A_1318 = vector.shape_cast %get3A_1317 : vector<16xi32> to vector<16xi32>
          %sub3A = vector.broadcast %mul3A_0 : i32 to vector<16xi32>
          %sub3A_1319 = arith.subi %get3A_1318, %sub3A : vector<16xi32>
          %ge3A = arith.constant 0 : i32
          %ge3A_1320 = vector.broadcast %ge3A : i32 to vector<16xi32>
          %ge3A_1321 = arith.cmpi sge, %sub3A_1319, %ge3A_1320 : vector<16xi32>
          %lt3A_1322 = arith.constant 5120 : i32
          %lt3A_1323 = vector.broadcast %lt3A_1322 : i32 to vector<16xi32>
          %lt3A_1324 = arith.cmpi slt, %sub3A_1319, %lt3A_1323 : vector<16xi32>
          %and3A_1325 = arith.andi %ge3A_1321, %lt3A_1324 : vector<16xi1>
          %and3A_1326 = arith.constant 127 : i32
          %and3A_1327 = vector.broadcast %and3A_1326 : i32 to vector<16xi32>
          %and3A_1328 = arith.andi %get3A_1318, %and3A_1327 : vector<16xi32>
          %add3A_1329 = arith.constant 5120 : i32
          %add3A_1330 = vector.broadcast %add3A_1329 : i32 to vector<16xi32>
          %add3A_1331 = arith.addi %add3A_1330, %and3A_1328 : vector<16xi32>
          %select_n3A_1332 = arith.select %and3A_1325, %sub3A_1319, %add3A_1331 : vector<16xi1>, vector<16xi32>
          %mul3A_1333 = arith.constant 16 : i32
          %mul3A_1334 = arith.muli %scan3A_1314, %mul3A_1333 : i32
          %swap3A_1335 = arith.index_cast %mul3A_1334 : i32 to index
          %swap3A_1336 = tpu.vector_load %arg6[%swap3A_1335] {strides = array<i32>} : memref<80xi32, #tpu.memory_space<vmem>>, vector<16xi32>,
          %swap3A_1337 = vector.shape_cast %swap3A_1336 : vector<16xi32> to vector<16xi32>
          %swap3A_1338 = vector.shape_cast %select_n3A_1332 : vector<16xi32> to vector<16xi32>
          tpu.vector_store %arg6[%swap3A_1335], %swap3A_1338 {strides = array<i32>} : memref<80xi32, #tpu.memory_space<vmem>>, vector<16xi32>,
        }
        %scan3A_1297 = arith.constant 5 : i32
        "tpu.region"() ({
          %run_scoped3A_1314 = tpu.sem_alloc : memref<!tpu.dma_semaphore, #tpu.memory_space<semaphore_mem>>
          %dma_start3A_1315 = arith.constant 0 : i32
          %dma_start3A_1316 = arith.constant 0 : i32
          %dma_start3A_1317 = tpu.memref_slice %arg15[%dma_start3A_1315, %dma_start3A_1316] : memref<5248x128xf32, #tpu.memory_space<vmem_shared>> -> memref<5248x128xf32, #tpu.memory_space<vmem_shared>>
          tpu.enqueue_indirect_dma source(%arg10 : memref<80x128xf32, #tpu.memory_space<vmem>>) target(%dma_start3A_1317 : memref<5248x128xf32, #tpu.memory_space<vmem_shared>>) offsets(%arg6 : memref<80xi32, #tpu.memory_space<vmem>>) semaphore(%run_scoped3A_1314 : memref<!tpu.dma_semaphore, #tpu.memory_space<semaphore_mem>>) {add = true}
          %dma_wait3A_1318 = arith.constant 0 : i32
          %dma_wait3A_1319 = arith.constant 0 : i32
          %dma_wait3A_1320 = tpu.memref_slice %arg15[%dma_wait3A_1318, %dma_wait3A_1319] : memref<5248x128xf32, #tpu.memory_space<vmem_shared>> -> memref<5248x128xf32, #tpu.memory_space<vmem_shared>>
          tpu.wait_indirect_dma semaphore(%run_scoped3A_1314 : memref<!tpu.dma_semaphore, #tpu.memory_space<semaphore_mem>>) src(%arg10 : memref<80x128xf32, #tpu.memory_space<vmem>>) dst(%dma_wait3A_1320 : memref<5248x128xf32, #tpu.memory_space<vmem_shared>>)
          tpu.yield
        }) : () -> ()
        %dma_wait3A_1298 = arith.constant 0 : i32
        %dma_wait3A_1299 = tpu.memref_slice %arg4[%dma_wait3A_1298] : memref<320000xi32, #tpu.memory_space<hbm>> -> memref<80xi32, #tpu.memory_space<hbm>>
        %dma_wait3A_1300 = arith.constant 0 : i32
        %dma_wait3A_1301 = tpu.memref_slice %arg4[%dma_wait3A_1300] : memref<320000xi32, #tpu.memory_space<hbm>> -> memref<80xi32, #tpu.memory_space<hbm>>
        tpu.wait_dma2 semaphore(%arg17 : memref<!tpu.dma_semaphore, #tpu.memory_space<semaphore_mem>>) src(%dma_wait3A_1301 : memref<80xi32, #tpu.memory_space<hbm>>) dst(%arg7 : memref<80xi32, #tpu.memory_space<vmem>>)
        %dma_wait3A_1302 = arith.constant 0 : i32
        %dma_wait3A_1303 = arith.constant 0 : i32
        %dma_wait3A_1304 = tpu.memref_slice %arg3[%dma_wait3A_1302, %dma_wait3A_1303] : memref<320000x128xf32, #tpu.memory_space<hbm>> -> memref<80x128xf32, #tpu.memory_space<hbm>>
        %dma_wait3A_1305 = arith.constant 0 : i32
        %dma_wait3A_1306 = arith.constant 0 : i32
        %dma_wait3A_1307 = tpu.memref_slice %arg3[%dma_wait3A_1305, %dma_wait3A_1306] : memref<320000x128xf32, #tpu.memory_space<hbm>> -> memref<80x128xf32, #tpu.memory_space<hbm>>
        tpu.wait_dma2 semaphore(%arg21 : memref<!tpu.dma_semaphore, #tpu.memory_space<semaphore_mem>>) src(%dma_wait3A_1307 : memref<80x128xf32, #tpu.memory_space<hbm>>) dst(%arg11 : memref<80x128xf32, #tpu.memory_space<vmem>>)
        %scan3A_1308 = arith.constant 0 : i32
        %scan3A_1309 = arith.constant 0 : i32
        %scan3A_1310 = arith.constant 5 : i32
        %scan3A_1311 = arith.addi %scan3A_1309, %scan3A_1310 : i32
        %scan3A_1312 = arith.constant 1 : i32
        scf.for %scan3A_1314 = %scan3A_1309 to %scan3A_1311 step %scan3A_1312  : i32 {
          %mul3A_1315 = arith.constant 16 : i32
          %mul3A_1316 = arith.muli %scan3A_1314, %mul3A_1315 : i32
          %get3A = arith.index_cast %mul3A_1316 : i32 to index
          %get3A_1317 = tpu.vector_load %arg7[%get3A] {strides = array<i32>} : memref<80xi32, #tpu.memory_space<vmem>>, vector<16xi32>,
          %get3A_1318 = vector.shape_cast %get3A_1317 : vector<16xi32> to vector<16xi32>
          %sub3A = vector.broadcast %mul3A_0 : i32 to vector<16xi32>
          %sub3A_1319 = arith.subi %get3A_1318, %sub3A : vector<16xi32>
          %ge3A = arith.constant 0 : i32
          %ge3A_1320 = vector.broadcast %ge3A : i32 to vector<16xi32>
          %ge3A_1321 = arith.cmpi sge, %sub3A_1319, %ge3A_1320 : vector<16xi32>
          %lt3A_1322 = arith.constant 5120 : i32
          %lt3A_1323 = vector.broadcast %lt3A_1322 : i32 to vector<16xi32>
          %lt3A_1324 = arith.cmpi slt, %sub3A_1319, %lt3A_1323 : vector<16xi32>
          %and3A_1325 = arith.andi %ge3A_1321, %lt3A_1324 : vector<16xi1>
          %and3A_1326 = arith.constant 127 : i32
          %and3A_1327 = vector.broadcast %and3A_1326 : i32 to vector<16xi32>
          %and3A_1328 = arith.andi %get3A_1318, %and3A_1327 : vector<16xi32>
          %add3A_1329 = arith.constant 5120 : i32
          %add3A_1330 = vector.broadcast %add3A_1329 : i32 to vector<16xi32>
          %add3A_1331 = arith.addi %add3A_1330, %and3A_1328 : vector<16xi32>
          %select_n3A_1332 = arith.select %and3A_1325, %sub3A_1319, %add3A_1331 : vector<16xi1>, vector<16xi32>
          %mul3A_1333 = arith.constant 16 : i32
          %mul3A_1334 = arith.muli %scan3A_1314, %mul3A_1333 : i32
          %swap3A_1335 = arith.index_cast %mul3A_1334 : i32 to index
          %swap3A_1336 = tpu.vector_load %arg7[%swap3A_1335] {strides = array<i32>} : memref<80xi32, #tpu.memory_space<vmem>>, vector<16xi32>,
          %swap3A_1337 = vector.shape_cast %swap3A_1336 : vector<16xi32> to vector<16xi32>
          %swap3A_1338 = vector.shape_cast %select_n3A_1332 : vector<16xi32> to vector<16xi32>
          tpu.vector_store %arg7[%swap3A_1335], %swap3A_1338 {strides = array<i32>} : memref<80xi32, #tpu.memory_space<vmem>>, vector<16xi32>,
        }
        %scan3A_1313 = arith.constant 5 : i32
        "tpu.region"() ({
          %run_scoped3A_1314 = tpu.sem_alloc : memref<!tpu.dma_semaphore, #tpu.memory_space<semaphore_mem>>
          %dma_start3A_1315 = arith.constant 0 : i32
          %dma_start3A_1316 = arith.constant 0 : i32
          %dma_start3A_1317 = tpu.memref_slice %arg15[%dma_start3A_1315, %dma_start3A_1316] : memref<5248x128xf32, #tpu.memory_space<vmem_shared>> -> memref<5248x128xf32, #tpu.memory_space<vmem_shared>>
          tpu.enqueue_indirect_dma source(%arg11 : memref<80x128xf32, #tpu.memory_space<vmem>>) target(%dma_start3A_1317 : memref<5248x128xf32, #tpu.memory_space<vmem_shared>>) offsets(%arg7 : memref<80xi32, #tpu.memory_space<vmem>>) semaphore(%run_scoped3A_1314 : memref<!tpu.dma_semaphore, #tpu.memory_space<semaphore_mem>>) {add = true}
          %dma_wait3A_1318 = arith.constant 0 : i32
          %dma_wait3A_1319 = arith.constant 0 : i32
          %dma_wait3A_1320 = tpu.memref_slice %arg15[%dma_wait3A_1318, %dma_wait3A_1319] : memref<5248x128xf32, #tpu.memory_space<vmem_shared>> -> memref<5248x128xf32, #tpu.memory_space<vmem_shared>>
          tpu.wait_indirect_dma semaphore(%run_scoped3A_1314 : memref<!tpu.dma_semaphore, #tpu.memory_space<semaphore_mem>>) src(%arg11 : memref<80x128xf32, #tpu.memory_space<vmem>>) dst(%dma_wait3A_1320 : memref<5248x128xf32, #tpu.memory_space<vmem_shared>>)
          tpu.yield
        }) : () -> ()
      } else {
      }
      %jit3A_1253 = arith.constant 2 : i32
      %eq3A_1254 = arith.constant 0 : i32
      %eq3A_1255 = arith.cmpi eq, %jit3A_1253, %eq3A_1254 : i32
      %jit3A_1256 = arith.constant 1 : i32
      %select_n3A_1257 = arith.select %eq3A_1255, %jit3A_1256, %jit3A_1253 : i32
      %rem3A_1258 = arith.remsi %scan3A_1240, %select_n3A_1257 : i32
      %ne3A_1259 = arith.constant 0 : i32
      %ne3A_1260 = arith.cmpi ne, %rem3A_1258, %ne3A_1259 : i32
      %lt3A_1261 = arith.constant 0 : i32
      %lt3A_1262 = arith.cmpi slt, %rem3A_1258, %lt3A_1261 : i32
      %lt3A_1263 = arith.constant 0 : i32
      %lt3A_1264 = arith.cmpi slt, %select_n3A_1257, %lt3A_1263 : i32
      %ne3A_1265 = arith.xori %lt3A_1262, %lt3A_1264 : i1
      %and3A_1266 = arith.andi %ne3A_1265, %ne3A_1260 : i1
      %add3A_1267 = arith.addi %rem3A_1258, %select_n3A_1257 : i32
      %select_n3A_1268 = arith.select %and3A_1266, %add3A_1267, %rem3A_1258 : i32
      %eq3A_1269 = arith.constant 1 : i32
      %eq3A_1270 = arith.cmpi eq, %select_n3A_1268, %eq3A_1269 : i32
      %convert_element_type3A_1271 = arith.extui %eq3A_1270 : i1 to i32
      %cond3A_1272 = arith.constant 0 : i32
      %cond3A_1273 = arith.cmpi ne, %convert_element_type3A_1271, %cond3A_1272 : i32
      scf.if %cond3A_1273 {
        %mul3A_1274 = arith.constant 2 : i32
        %mul3A_1275 = arith.muli %scan3A_1240, %mul3A_1274 : i32
        %add3A_1276 = arith.constant 1 : i32
        %add3A_1277 = arith.addi %scan3A_1240, %add3A_1276 : i32
        %lt3A_1278 = arith.constant 125 : i32
        %lt3A_1279 = arith.cmpi slt, %add3A_1277, %lt3A_1278 : i32
        %convert_element_type3A_1280 = arith.extui %lt3A_1279 : i1 to i32
        %cond3A_1281 = arith.constant 0 : i32
        %cond3A_1282 = arith.cmpi ne, %convert_element_type3A_1280, %cond3A_1281 : i32
        scf.if %cond3A_1282 {
          %add3A_1314 = arith.constant 2 : i32
          %add3A_1315 = arith.addi %mul3A_1275, %add3A_1314 : i32
          %mul3A_1316 = arith.constant 80 : i32
          %mul3A_1317 = arith.muli %add3A_1315, %mul3A_1316 : i32
          %add3A_1318 = arith.addi %mul3A_2, %mul3A_1317 : i32
          %dma_start3A_1319 = tpu.memref_slice %arg4[%add3A_1318] : memref<320000xi32, #tpu.memory_space<hbm>> -> memref<80xi32, #tpu.memory_space<hbm>>
          %dma_start3A_1320 = tpu.memref_slice %arg4[%add3A_1318] : memref<320000xi32, #tpu.memory_space<hbm>> -> memref<80xi32, #tpu.memory_space<hbm>>
          tpu.enqueue_dma source(%dma_start3A_1320 : memref<80xi32, #tpu.memory_space<hbm>>) target(%arg6 : memref<80xi32, #tpu.memory_space<vmem>>) target_semaphore(%arg16 : memref<!tpu.dma_semaphore, #tpu.memory_space<semaphore_mem>>)
          %dma_start3A_1321 = arith.constant 0 : i32
          %dma_start3A_1322 = tpu.memref_slice %arg3[%add3A_1318, %dma_start3A_1321] : memref<320000x128xf32, #tpu.memory_space<hbm>> -> memref<80x128xf32, #tpu.memory_space<hbm>>
          %dma_start3A_1323 = arith.constant 0 : i32
          %dma_start3A_1324 = tpu.memref_slice %arg3[%add3A_1318, %dma_start3A_1323] : memref<320000x128xf32, #tpu.memory_space<hbm>> -> memref<80x128xf32, #tpu.memory_space<hbm>>
          tpu.enqueue_dma source(%dma_start3A_1324 : memref<80x128xf32, #tpu.memory_space<hbm>>) target(%arg10 : memref<80x128xf32, #tpu.memory_space<vmem>>) target_semaphore(%arg20 : memref<!tpu.dma_semaphore, #tpu.memory_space<semaphore_mem>>)
          %add3A_1325 = arith.constant 3 : i32
          %add3A_1326 = arith.addi %mul3A_1275, %add3A_1325 : i32
          %mul3A_1327 = arith.constant 80 : i32
          %mul3A_1328 = arith.muli %add3A_1326, %mul3A_1327 : i32
          %add3A_1329 = arith.addi %mul3A_2, %mul3A_1328 : i32
          %dma_start3A_1330 = tpu.memref_slice %arg4[%add3A_1329] : memref<320000xi32, #tpu.memory_space<hbm>> -> memref<80xi32, #tpu.memory_space<hbm>>
          %dma_start3A_1331 = tpu.memref_slice %arg4[%add3A_1329] : memref<320000xi32, #tpu.memory_space<hbm>> -> memref<80xi32, #tpu.memory_space<hbm>>
          tpu.enqueue_dma source(%dma_start3A_1331 : memref<80xi32, #tpu.memory_space<hbm>>) target(%arg7 : memref<80xi32, #tpu.memory_space<vmem>>) target_semaphore(%arg17 : memref<!tpu.dma_semaphore, #tpu.memory_space<semaphore_mem>>)
          %dma_start3A_1332 = arith.constant 0 : i32
          %dma_start3A_1333 = tpu.memref_slice %arg3[%add3A_1329, %dma_start3A_1332] : memref<320000x128xf32, #tpu.memory_space<hbm>> -> memref<80x128xf32, #tpu.memory_space<hbm>>
          %dma_start3A_1334 = arith.constant 0 : i32
          %dma_start3A_1335 = tpu.memref_slice %arg3[%add3A_1329, %dma_start3A_1334] : memref<320000x128xf32, #tpu.memory_space<hbm>> -> memref<80x128xf32, #tpu.memory_space<hbm>>
          tpu.enqueue_dma source(%dma_start3A_1335 : memref<80x128xf32, #tpu.memory_space<hbm>>) target(%arg11 : memref<80x128xf32, #tpu.memory_space<vmem>>) target_semaphore(%arg21 : memref<!tpu.dma_semaphore, #tpu.memory_space<semaphore_mem>>)
        } else {
        }
        %dma_wait3A = arith.constant 0 : i32
        %dma_wait3A_1283 = tpu.memref_slice %arg4[%dma_wait3A] : memref<320000xi32, #tpu.memory_space<hbm>> -> memref<80xi32, #tpu.memory_space<hbm>>
        %dma_wait3A_1284 = arith.constant 0 : i32
        %dma_wait3A_1285 = tpu.memref_slice %arg4[%dma_wait3A_1284] : memref<320000xi32, #tpu.memory_space<hbm>> -> memref<80xi32, #tpu.memory_space<hbm>>
        tpu.wait_dma2 semaphore(%arg18 : memref<!tpu.dma_semaphore, #tpu.memory_space<semaphore_mem>>) src(%dma_wait3A_1285 : memref<80xi32, #tpu.memory_space<hbm>>) dst(%arg8 : memref<80xi32, #tpu.memory_space<vmem>>)
        %dma_wait3A_1286 = arith.constant 0 : i32
        %dma_wait3A_1287 = arith.constant 0 : i32
        %dma_wait3A_1288 = tpu.memref_slice %arg3[%dma_wait3A_1286, %dma_wait3A_1287] : memref<320000x128xf32, #tpu.memory_space<hbm>> -> memref<80x128xf32, #tpu.memory_space<hbm>>
        %dma_wait3A_1289 = arith.constant 0 : i32
        %dma_wait3A_1290 = arith.constant 0 : i32
        %dma_wait3A_1291 = tpu.memref_slice %arg3[%dma_wait3A_1289, %dma_wait3A_1290] : memref<320000x128xf32, #tpu.memory_space<hbm>> -> memref<80x128xf32, #tpu.memory_space<hbm>>
        tpu.wait_dma2 semaphore(%arg22 : memref<!tpu.dma_semaphore, #tpu.memory_space<semaphore_mem>>) src(%dma_wait3A_1291 : memref<80x128xf32, #tpu.memory_space<hbm>>) dst(%arg12 : memref<80x128xf32, #tpu.memory_space<vmem>>)
        %scan3A_1292 = arith.constant 0 : i32
        %scan3A_1293 = arith.constant 0 : i32
        %scan3A_1294 = arith.constant 5 : i32
        %scan3A_1295 = arith.addi %scan3A_1293, %scan3A_1294 : i32
        %scan3A_1296 = arith.constant 1 : i32
        scf.for %scan3A_1314 = %scan3A_1293 to %scan3A_1295 step %scan3A_1296  : i32 {
          %mul3A_1315 = arith.constant 16 : i32
          %mul3A_1316 = arith.muli %scan3A_1314, %mul3A_1315 : i32
          %get3A = arith.index_cast %mul3A_1316 : i32 to index
          %get3A_1317 = tpu.vector_load %arg8[%get3A] {strides = array<i32>} : memref<80xi32, #tpu.memory_space<vmem>>, vector<16xi32>,
          %get3A_1318 = vector.shape_cast %get3A_1317 : vector<16xi32> to vector<16xi32>
          %sub3A = vector.broadcast %mul3A_0 : i32 to vector<16xi32>
          %sub3A_1319 = arith.subi %get3A_1318, %sub3A : vector<16xi32>
          %ge3A = arith.constant 0 : i32
          %ge3A_1320 = vector.broadcast %ge3A : i32 to vector<16xi32>
          %ge3A_1321 = arith.cmpi sge, %sub3A_1319, %ge3A_1320 : vector<16xi32>
          %lt3A_1322 = arith.constant 5120 : i32
          %lt3A_1323 = vector.broadcast %lt3A_1322 : i32 to vector<16xi32>
          %lt3A_1324 = arith.cmpi slt, %sub3A_1319, %lt3A_1323 : vector<16xi32>
          %and3A_1325 = arith.andi %ge3A_1321, %lt3A_1324 : vector<16xi1>
          %and3A_1326 = arith.constant 127 : i32
          %and3A_1327 = vector.broadcast %and3A_1326 : i32 to vector<16xi32>
          %and3A_1328 = arith.andi %get3A_1318, %and3A_1327 : vector<16xi32>
          %add3A_1329 = arith.constant 5120 : i32
          %add3A_1330 = vector.broadcast %add3A_1329 : i32 to vector<16xi32>
          %add3A_1331 = arith.addi %add3A_1330, %and3A_1328 : vector<16xi32>
          %select_n3A_1332 = arith.select %and3A_1325, %sub3A_1319, %add3A_1331 : vector<16xi1>, vector<16xi32>
          %mul3A_1333 = arith.constant 16 : i32
          %mul3A_1334 = arith.muli %scan3A_1314, %mul3A_1333 : i32
          %swap3A_1335 = arith.index_cast %mul3A_1334 : i32 to index
          %swap3A_1336 = tpu.vector_load %arg8[%swap3A_1335] {strides = array<i32>} : memref<80xi32, #tpu.memory_space<vmem>>, vector<16xi32>,
          %swap3A_1337 = vector.shape_cast %swap3A_1336 : vector<16xi32> to vector<16xi32>
          %swap3A_1338 = vector.shape_cast %select_n3A_1332 : vector<16xi32> to vector<16xi32>
          tpu.vector_store %arg8[%swap3A_1335], %swap3A_1338 {strides = array<i32>} : memref<80xi32, #tpu.memory_space<vmem>>, vector<16xi32>,
        }
        %scan3A_1297 = arith.constant 5 : i32
        "tpu.region"() ({
          %run_scoped3A_1314 = tpu.sem_alloc : memref<!tpu.dma_semaphore, #tpu.memory_space<semaphore_mem>>
          %dma_start3A_1315 = arith.constant 0 : i32
          %dma_start3A_1316 = arith.constant 0 : i32
          %dma_start3A_1317 = tpu.memref_slice %arg15[%dma_start3A_1315, %dma_start3A_1316] : memref<5248x128xf32, #tpu.memory_space<vmem_shared>> -> memref<5248x128xf32, #tpu.memory_space<vmem_shared>>
          tpu.enqueue_indirect_dma source(%arg12 : memref<80x128xf32, #tpu.memory_space<vmem>>) target(%dma_start3A_1317 : memref<5248x128xf32, #tpu.memory_space<vmem_shared>>) offsets(%arg8 : memref<80xi32, #tpu.memory_space<vmem>>) semaphore(%run_scoped3A_1314 : memref<!tpu.dma_semaphore, #tpu.memory_space<semaphore_mem>>) {add = true}
          %dma_wait3A_1318 = arith.constant 0 : i32
          %dma_wait3A_1319 = arith.constant 0 : i32
          %dma_wait3A_1320 = tpu.memref_slice %arg15[%dma_wait3A_1318, %dma_wait3A_1319] : memref<5248x128xf32, #tpu.memory_space<vmem_shared>> -> memref<5248x128xf32, #tpu.memory_space<vmem_shared>>
          tpu.wait_indirect_dma semaphore(%run_scoped3A_1314 : memref<!tpu.dma_semaphore, #tpu.memory_space<semaphore_mem>>) src(%arg12 : memref<80x128xf32, #tpu.memory_space<vmem>>) dst(%dma_wait3A_1320 : memref<5248x128xf32, #tpu.memory_space<vmem_shared>>)
          tpu.yield
        }) : () -> ()
        %dma_wait3A_1298 = arith.constant 0 : i32
        %dma_wait3A_1299 = tpu.memref_slice %arg4[%dma_wait3A_1298] : memref<320000xi32, #tpu.memory_space<hbm>> -> memref<80xi32, #tpu.memory_space<hbm>>
        %dma_wait3A_1300 = arith.constant 0 : i32
        %dma_wait3A_1301 = tpu.memref_slice %arg4[%dma_wait3A_1300] : memref<320000xi32, #tpu.memory_space<hbm>> -> memref<80xi32, #tpu.memory_space<hbm>>
        tpu.wait_dma2 semaphore(%arg19 : memref<!tpu.dma_semaphore, #tpu.memory_space<semaphore_mem>>) src(%dma_wait3A_1301 : memref<80xi32, #tpu.memory_space<hbm>>) dst(%arg9 : memref<80xi32, #tpu.memory_space<vmem>>)
        %dma_wait3A_1302 = arith.constant 0 : i32
        %dma_wait3A_1303 = arith.constant 0 : i32
        %dma_wait3A_1304 = tpu.memref_slice %arg3[%dma_wait3A_1302, %dma_wait3A_1303] : memref<320000x128xf32, #tpu.memory_space<hbm>> -> memref<80x128xf32, #tpu.memory_space<hbm>>
        %dma_wait3A_1305 = arith.constant 0 : i32
        %dma_wait3A_1306 = arith.constant 0 : i32
        %dma_wait3A_1307 = tpu.memref_slice %arg3[%dma_wait3A_1305, %dma_wait3A_1306] : memref<320000x128xf32, #tpu.memory_space<hbm>> -> memref<80x128xf32, #tpu.memory_space<hbm>>
        tpu.wait_dma2 semaphore(%arg23 : memref<!tpu.dma_semaphore, #tpu.memory_space<semaphore_mem>>) src(%dma_wait3A_1307 : memref<80x128xf32, #tpu.memory_space<hbm>>) dst(%arg13 : memref<80x128xf32, #tpu.memory_space<vmem>>)
        %scan3A_1308 = arith.constant 0 : i32
        %scan3A_1309 = arith.constant 0 : i32
        %scan3A_1310 = arith.constant 5 : i32
        %scan3A_1311 = arith.addi %scan3A_1309, %scan3A_1310 : i32
        %scan3A_1312 = arith.constant 1 : i32
        scf.for %scan3A_1314 = %scan3A_1309 to %scan3A_1311 step %scan3A_1312  : i32 {
          %mul3A_1315 = arith.constant 16 : i32
          %mul3A_1316 = arith.muli %scan3A_1314, %mul3A_1315 : i32
          %get3A = arith.index_cast %mul3A_1316 : i32 to index
          %get3A_1317 = tpu.vector_load %arg9[%get3A] {strides = array<i32>} : memref<80xi32, #tpu.memory_space<vmem>>, vector<16xi32>,
          %get3A_1318 = vector.shape_cast %get3A_1317 : vector<16xi32> to vector<16xi32>
          %sub3A = vector.broadcast %mul3A_0 : i32 to vector<16xi32>
          %sub3A_1319 = arith.subi %get3A_1318, %sub3A : vector<16xi32>
          %ge3A = arith.constant 0 : i32
          %ge3A_1320 = vector.broadcast %ge3A : i32 to vector<16xi32>
          %ge3A_1321 = arith.cmpi sge, %sub3A_1319, %ge3A_1320 : vector<16xi32>
          %lt3A_1322 = arith.constant 5120 : i32
          %lt3A_1323 = vector.broadcast %lt3A_1322 : i32 to vector<16xi32>
          %lt3A_1324 = arith.cmpi slt, %sub3A_1319, %lt3A_1323 : vector<16xi32>
          %and3A_1325 = arith.andi %ge3A_1321, %lt3A_1324 : vector<16xi1>
          %and3A_1326 = arith.constant 127 : i32
          %and3A_1327 = vector.broadcast %and3A_1326 : i32 to vector<16xi32>
          %and3A_1328 = arith.andi %get3A_1318, %and3A_1327 : vector<16xi32>
          %add3A_1329 = arith.constant 5120 : i32
          %add3A_1330 = vector.broadcast %add3A_1329 : i32 to vector<16xi32>
          %add3A_1331 = arith.addi %add3A_1330, %and3A_1328 : vector<16xi32>
          %select_n3A_1332 = arith.select %and3A_1325, %sub3A_1319, %add3A_1331 : vector<16xi1>, vector<16xi32>
          %mul3A_1333 = arith.constant 16 : i32
          %mul3A_1334 = arith.muli %scan3A_1314, %mul3A_1333 : i32
          %swap3A_1335 = arith.index_cast %mul3A_1334 : i32 to index
          %swap3A_1336 = tpu.vector_load %arg9[%swap3A_1335] {strides = array<i32>} : memref<80xi32, #tpu.memory_space<vmem>>, vector<16xi32>,
          %swap3A_1337 = vector.shape_cast %swap3A_1336 : vector<16xi32> to vector<16xi32>
          %swap3A_1338 = vector.shape_cast %select_n3A_1332 : vector<16xi32> to vector<16xi32>
          tpu.vector_store %arg9[%swap3A_1335], %swap3A_1338 {strides = array<i32>} : memref<80xi32, #tpu.memory_space<vmem>>, vector<16xi32>,
        }
        %scan3A_1313 = arith.constant 5 : i32
        "tpu.region"() ({
          %run_scoped3A_1314 = tpu.sem_alloc : memref<!tpu.dma_semaphore, #tpu.memory_space<semaphore_mem>>
          %dma_start3A_1315 = arith.constant 0 : i32
          %dma_start3A_1316 = arith.constant 0 : i32
          %dma_start3A_1317 = tpu.memref_slice %arg15[%dma_start3A_1315, %dma_start3A_1316] : memref<5248x128xf32, #tpu.memory_space<vmem_shared>> -> memref<5248x128xf32, #tpu.memory_space<vmem_shared>>
          tpu.enqueue_indirect_dma source(%arg13 : memref<80x128xf32, #tpu.memory_space<vmem>>) target(%dma_start3A_1317 : memref<5248x128xf32, #tpu.memory_space<vmem_shared>>) offsets(%arg9 : memref<80xi32, #tpu.memory_space<vmem>>) semaphore(%run_scoped3A_1314 : memref<!tpu.dma_semaphore, #tpu.memory_space<semaphore_mem>>) {add = true}
          %dma_wait3A_1318 = arith.constant 0 : i32
          %dma_wait3A_1319 = arith.constant 0 : i32
          %dma_wait3A_1320 = tpu.memref_slice %arg15[%dma_wait3A_1318, %dma_wait3A_1319] : memref<5248x128xf32, #tpu.memory_space<vmem_shared>> -> memref<5248x128xf32, #tpu.memory_space<vmem_shared>>
          tpu.wait_indirect_dma semaphore(%run_scoped3A_1314 : memref<!tpu.dma_semaphore, #tpu.memory_space<semaphore_mem>>) src(%arg13 : memref<80x128xf32, #tpu.memory_space<vmem>>) dst(%dma_wait3A_1320 : memref<5248x128xf32, #tpu.memory_space<vmem_shared>>)
          tpu.yield
        }) : () -> ()
      } else {
      }
    }
    %scan3A_1232 = arith.constant 125 : i32
    %barrier3A_1233 = arith.constant 0 : index
    tpu.barrier barrier_id(%barrier3A_1233)
    %mul3A_1234 = arith.constant 328 : i32
    %mul3A_1235 = arith.muli %arg1, %mul3A_1234 : i32
    %mul3A_1236 = arith.constant 328 : i32
    %mul3A_1237 = arith.muli %arg1, %mul3A_1236 : i32
    %run_scoped3A_1238 = arith.constant 1 : i32
    "tpu.region"() ({
      %run_scoped3A_1240 = tpu.sem_alloc : memref<!tpu.dma_semaphore, #tpu.memory_space<semaphore_mem>>
      %dma_start3A_1241 = arith.constant 0 : i32
      %dma_start3A_1242 = tpu.memref_slice %arg5[%arg0, %run_scoped3A_1238, %mul3A_1237, %dma_start3A_1241] : memref<2x2x5248x128xf32, #tpu.memory_space<hbm>> -> memref<1x1x328x128xf32, #tpu.memory_space<hbm>>
      %dma_start3A_1243 = tpu.memref_squeeze %dma_start3A_1242 : memref<1x1x328x128xf32, #tpu.memory_space<hbm>> -> memref<328x128xf32, #tpu.memory_space<hbm>>
      %dma_start3A_1244 = arith.constant 0 : i32
      %dma_start3A_1245 = tpu.memref_slice %arg15[%mul3A_1235, %dma_start3A_1244] : memref<5248x128xf32, #tpu.memory_space<vmem_shared>> -> memref<328x128xf32, #tpu.memory_space<vmem_shared>>
      tpu.enqueue_dma source(%dma_start3A_1245 : memref<328x128xf32, #tpu.memory_space<vmem_shared>>) target(%dma_start3A_1243 : memref<328x128xf32, #tpu.memory_space<hbm>>) target_semaphore(%run_scoped3A_1240 : memref<!tpu.dma_semaphore, #tpu.memory_space<semaphore_mem>>)
      %dma_wait3A = arith.constant 0 : i32
      %dma_wait3A_1246 = tpu.memref_slice %arg5[%arg0, %run_scoped3A_1238, %mul3A_1237, %dma_wait3A] : memref<2x2x5248x128xf32, #tpu.memory_space<hbm>> -> memref<1x1x328x128xf32, #tpu.memory_space<hbm>>
      %dma_wait3A_1247 = tpu.memref_squeeze %dma_wait3A_1246 : memref<1x1x328x128xf32, #tpu.memory_space<hbm>> -> memref<328x128xf32, #tpu.memory_space<hbm>>
      %dma_wait3A_1248 = arith.constant 0 : i32
      %dma_wait3A_1249 = tpu.memref_slice %arg15[%mul3A_1235, %dma_wait3A_1248] : memref<5248x128xf32, #tpu.memory_space<vmem_shared>> -> memref<328x128xf32, #tpu.memory_space<vmem_shared>>
      tpu.wait_dma2 semaphore(%run_scoped3A_1240 : memref<!tpu.dma_semaphore, #tpu.memory_space<semaphore_mem>>) src(%dma_wait3A_1249 : memref<328x128xf32, #tpu.memory_space<vmem_shared>>) dst(%dma_wait3A_1247 : memref<328x128xf32, #tpu.memory_space<hbm>>)
      tpu.yield
    }) : () -> ()
    %barrier3A_1239 = arith.constant 0 : index
    tpu.barrier barrier_id(%barrier3A_1239)
    return
  }
}

#map = affine_map<(d0, d1) -> (0, 0)>
#map1 = affine_map<(d0, d1) -> (0)>
module attributes {stable_mosaic.version = 14 : i64} {
  func.func @gather_k(%arg0: i32, %arg1: i32, %arg2: memref<10000x128xi32, #tpu.memory_space<hbm>>, %arg3: memref<320000xi32, #tpu.memory_space<hbm>>, %arg4: memref<320000x128xi32, #tpu.memory_space<hbm>>, %arg5: memref<200xi32, #tpu.memory_space<vmem>>, %arg6: memref<200xi32, #tpu.memory_space<vmem>>, %arg7: memref<200x128xi32, #tpu.memory_space<vmem>>, %arg8: memref<200x128xi32, #tpu.memory_space<vmem>>, %arg9: memref<!tpu.dma_semaphore, #tpu.memory_space<semaphore_mem>>, %arg10: memref<!tpu.dma_semaphore, #tpu.memory_space<semaphore_mem>>, %arg11: memref<!tpu.dma_semaphore, #tpu.memory_space<semaphore_mem>>, %arg12: memref<!tpu.dma_semaphore, #tpu.memory_space<semaphore_mem>>, %arg13: memref<!tpu.dma_semaphore, #tpu.memory_space<semaphore_mem>>, %arg14: memref<!tpu.dma_semaphore, #tpu.memory_space<semaphore_mem>>) attributes {dimension_semantics = [#tpu.dimension_semantics<core_parallel>, #tpu.dimension_semantics<subcore_parallel>], iteration_bounds = array<i64: 2, 16>, scalar_prefetch = 0 : i64, scratch_operands = 10 : i64, tpu.core_type = #tpu.core_type<sc_vector_subcore>, window_params = [{transform_indices = #map}, {transform_indices = #map1}, {transform_indices = #map}]} {
    %mul3A = arith.constant 2 : i32
    %mul3A_0 = arith.muli %arg1, %mul3A : i32
    %add3A = arith.addi %mul3A_0, %arg0 : i32
    %mul3A_1 = arith.constant 10000 : i32
    %mul3A_2 = arith.muli %add3A, %mul3A_1 : i32
    %add3A_3 = arith.constant 0 : i32
    %add3A_4 = arith.addi %mul3A_2, %add3A_3 : i32
    %dma_start3A = tpu.memref_slice %arg3[%add3A_4] : memref<320000xi32, #tpu.memory_space<hbm>> -> memref<200xi32, #tpu.memory_space<hbm>>
    %dma_start3A_5 = tpu.memref_slice %arg3[%add3A_4] : memref<320000xi32, #tpu.memory_space<hbm>> -> memref<200xi32, #tpu.memory_space<hbm>>
    tpu.enqueue_dma source(%dma_start3A_5 : memref<200xi32, #tpu.memory_space<hbm>>) target(%arg5 : memref<200xi32, #tpu.memory_space<vmem>>) target_semaphore(%arg9 : memref<!tpu.dma_semaphore, #tpu.memory_space<semaphore_mem>>)
    %add3A_6 = arith.constant 200 : i32
    %add3A_7 = arith.addi %mul3A_2, %add3A_6 : i32
    %dma_start3A_8 = tpu.memref_slice %arg3[%add3A_7] : memref<320000xi32, #tpu.memory_space<hbm>> -> memref<200xi32, #tpu.memory_space<hbm>>
    %dma_start3A_9 = tpu.memref_slice %arg3[%add3A_7] : memref<320000xi32, #tpu.memory_space<hbm>> -> memref<200xi32, #tpu.memory_space<hbm>>
    tpu.enqueue_dma source(%dma_start3A_9 : memref<200xi32, #tpu.memory_space<hbm>>) target(%arg6 : memref<200xi32, #tpu.memory_space<vmem>>) target_semaphore(%arg10 : memref<!tpu.dma_semaphore, #tpu.memory_space<semaphore_mem>>)
    %scan3A = arith.constant 0 : i32
    %scan3A_10 = arith.constant 0 : i32
    %scan3A_11 = arith.constant 25 : i32
    %scan3A_12 = arith.addi %scan3A_10, %scan3A_11 : i32
    %scan3A_13 = arith.constant 1 : i32
    scf.for %scan3A_26 = %scan3A_10 to %scan3A_12 step %scan3A_13  : i32 {
      %mul3A_27 = arith.constant 2 : i32
      %mul3A_28 = arith.muli %scan3A_26, %mul3A_27 : i32
      %add3A_29 = arith.constant 0 : i32
      %add3A_30 = arith.addi %mul3A_28, %add3A_29 : i32
      %ge3A = arith.constant 2 : i32
      %ge3A_31 = arith.cmpi sge, %add3A_30, %ge3A : i32
      %convert_element_type3A = arith.extui %ge3A_31 : i1 to i32
      %cond3A = arith.constant 0 : i32
      %cond3A_32 = arith.cmpi ne, %convert_element_type3A, %cond3A : i32
      scf.if %cond3A_32 {
        %dma_wait3A_89 = arith.constant 0 : i32
        %dma_wait3A_90 = arith.constant 0 : i32
        %dma_wait3A_91 = tpu.memref_slice %arg4[%dma_wait3A_89, %dma_wait3A_90] : memref<320000x128xi32, #tpu.memory_space<hbm>> -> memref<200x128xi32, #tpu.memory_space<hbm>>
        %dma_wait3A_92 = arith.constant 0 : i32
        %dma_wait3A_93 = arith.constant 0 : i32
        %dma_wait3A_94 = tpu.memref_slice %arg4[%dma_wait3A_92, %dma_wait3A_93] : memref<320000x128xi32, #tpu.memory_space<hbm>> -> memref<200x128xi32, #tpu.memory_space<hbm>>
        tpu.wait_dma2 semaphore(%arg13 : memref<!tpu.dma_semaphore, #tpu.memory_space<semaphore_mem>>) src(%arg7 : memref<200x128xi32, #tpu.memory_space<vmem>>) dst(%dma_wait3A_94 : memref<200x128xi32, #tpu.memory_space<hbm>>)
      } else {
      }
      %dma_wait3A_33 = arith.constant 0 : i32
      %dma_wait3A_34 = tpu.memref_slice %arg3[%dma_wait3A_33] : memref<320000xi32, #tpu.memory_space<hbm>> -> memref<200xi32, #tpu.memory_space<hbm>>
      %dma_wait3A_35 = arith.constant 0 : i32
      %dma_wait3A_36 = tpu.memref_slice %arg3[%dma_wait3A_35] : memref<320000xi32, #tpu.memory_space<hbm>> -> memref<200xi32, #tpu.memory_space<hbm>>
      tpu.wait_dma2 semaphore(%arg9 : memref<!tpu.dma_semaphore, #tpu.memory_space<semaphore_mem>>) src(%dma_wait3A_36 : memref<200xi32, #tpu.memory_space<hbm>>) dst(%arg5 : memref<200xi32, #tpu.memory_space<vmem>>)
      %dma_start3A_37 = arith.constant 0 : i32
      %dma_start3A_38 = arith.constant 0 : i32
      %dma_start3A_39 = tpu.memref_slice %arg2[%dma_start3A_37, %dma_start3A_38] : memref<10000x128xi32, #tpu.memory_space<hbm>> -> memref<10000x128xi32, #tpu.memory_space<hbm>>
      tpu.enqueue_indirect_dma source(%dma_start3A_39 : memref<10000x128xi32, #tpu.memory_space<hbm>>) target(%arg7 : memref<200x128xi32, #tpu.memory_space<vmem>>) offsets(%arg5 : memref<200xi32, #tpu.memory_space<vmem>>) semaphore(%arg11 : memref<!tpu.dma_semaphore, #tpu.memory_space<semaphore_mem>>)
      %dma_wait3A_40 = arith.constant 0 : i32
      %dma_wait3A_41 = arith.constant 0 : i32
      %dma_wait3A_42 = tpu.memref_slice %arg2[%dma_wait3A_40, %dma_wait3A_41] : memref<10000x128xi32, #tpu.memory_space<hbm>> -> memref<10000x128xi32, #tpu.memory_space<hbm>>
      tpu.wait_indirect_dma semaphore(%arg11 : memref<!tpu.dma_semaphore, #tpu.memory_space<semaphore_mem>>) src(%dma_wait3A_42 : memref<10000x128xi32, #tpu.memory_space<hbm>>) dst(%arg7 : memref<200x128xi32, #tpu.memory_space<vmem>>)
      %add3A_43 = arith.constant 2 : i32
      %add3A_44 = arith.addi %add3A_30, %add3A_43 : i32
      %lt3A = arith.constant 50 : i32
      %lt3A_45 = arith.cmpi slt, %add3A_44, %lt3A : i32
      %convert_element_type3A_46 = arith.extui %lt3A_45 : i1 to i32
      %cond3A_47 = arith.constant 0 : i32
      %cond3A_48 = arith.cmpi ne, %convert_element_type3A_46, %cond3A_47 : i32
      scf.if %cond3A_48 {
        %add3A_89 = arith.constant 2 : i32
        %add3A_90 = arith.addi %add3A_30, %add3A_89 : i32
        %mul3A_91 = arith.constant 200 : i32
        %mul3A_92 = arith.muli %add3A_90, %mul3A_91 : i32
        %add3A_93 = arith.addi %mul3A_2, %mul3A_92 : i32
        %dma_start3A_94 = tpu.memref_slice %arg3[%add3A_93] : memref<320000xi32, #tpu.memory_space<hbm>> -> memref<200xi32, #tpu.memory_space<hbm>>
        %dma_start3A_95 = tpu.memref_slice %arg3[%add3A_93] : memref<320000xi32, #tpu.memory_space<hbm>> -> memref<200xi32, #tpu.memory_space<hbm>>
        tpu.enqueue_dma source(%dma_start3A_95 : memref<200xi32, #tpu.memory_space<hbm>>) target(%arg5 : memref<200xi32, #tpu.memory_space<vmem>>) target_semaphore(%arg9 : memref<!tpu.dma_semaphore, #tpu.memory_space<semaphore_mem>>)
      } else {
      }
      %mul3A_49 = arith.constant 200 : i32
      %mul3A_50 = arith.muli %add3A_30, %mul3A_49 : i32
      %add3A_51 = arith.addi %mul3A_2, %mul3A_50 : i32
      %dma_start3A_52 = arith.constant 0 : i32
      %dma_start3A_53 = tpu.memref_slice %arg4[%add3A_51, %dma_start3A_52] : memref<320000x128xi32, #tpu.memory_space<hbm>> -> memref<200x128xi32, #tpu.memory_space<hbm>>
      %dma_start3A_54 = arith.constant 0 : i32
      %dma_start3A_55 = tpu.memref_slice %arg4[%add3A_51, %dma_start3A_54] : memref<320000x128xi32, #tpu.memory_space<hbm>> -> memref<200x128xi32, #tpu.memory_space<hbm>>
      tpu.enqueue_dma source(%arg7 : memref<200x128xi32, #tpu.memory_space<vmem>>) target(%dma_start3A_55 : memref<200x128xi32, #tpu.memory_space<hbm>>) target_semaphore(%arg13 : memref<!tpu.dma_semaphore, #tpu.memory_space<semaphore_mem>>)
      %mul3A_56 = arith.constant 2 : i32
      %mul3A_57 = arith.muli %scan3A_26, %mul3A_56 : i32
      %add3A_58 = arith.constant 1 : i32
      %add3A_59 = arith.addi %mul3A_57, %add3A_58 : i32
      %ge3A_60 = arith.constant 2 : i32
      %ge3A_61 = arith.cmpi sge, %add3A_59, %ge3A_60 : i32
      %convert_element_type3A_62 = arith.extui %ge3A_61 : i1 to i32
      %cond3A_63 = arith.constant 0 : i32
      %cond3A_64 = arith.cmpi ne, %convert_element_type3A_62, %cond3A_63 : i32
      scf.if %cond3A_64 {
        %dma_wait3A_89 = arith.constant 0 : i32
        %dma_wait3A_90 = arith.constant 0 : i32
        %dma_wait3A_91 = tpu.memref_slice %arg4[%dma_wait3A_89, %dma_wait3A_90] : memref<320000x128xi32, #tpu.memory_space<hbm>> -> memref<200x128xi32, #tpu.memory_space<hbm>>
        %dma_wait3A_92 = arith.constant 0 : i32
        %dma_wait3A_93 = arith.constant 0 : i32
        %dma_wait3A_94 = tpu.memref_slice %arg4[%dma_wait3A_92, %dma_wait3A_93] : memref<320000x128xi32, #tpu.memory_space<hbm>> -> memref<200x128xi32, #tpu.memory_space<hbm>>
        tpu.wait_dma2 semaphore(%arg14 : memref<!tpu.dma_semaphore, #tpu.memory_space<semaphore_mem>>) src(%arg8 : memref<200x128xi32, #tpu.memory_space<vmem>>) dst(%dma_wait3A_94 : memref<200x128xi32, #tpu.memory_space<hbm>>)
      } else {
      }
      %dma_wait3A_65 = arith.constant 0 : i32
      %dma_wait3A_66 = tpu.memref_slice %arg3[%dma_wait3A_65] : memref<320000xi32, #tpu.memory_space<hbm>> -> memref<200xi32, #tpu.memory_space<hbm>>
      %dma_wait3A_67 = arith.constant 0 : i32
      %dma_wait3A_68 = tpu.memref_slice %arg3[%dma_wait3A_67] : memref<320000xi32, #tpu.memory_space<hbm>> -> memref<200xi32, #tpu.memory_space<hbm>>
      tpu.wait_dma2 semaphore(%arg10 : memref<!tpu.dma_semaphore, #tpu.memory_space<semaphore_mem>>) src(%dma_wait3A_68 : memref<200xi32, #tpu.memory_space<hbm>>) dst(%arg6 : memref<200xi32, #tpu.memory_space<vmem>>)
      %dma_start3A_69 = arith.constant 0 : i32
      %dma_start3A_70 = arith.constant 0 : i32
      %dma_start3A_71 = tpu.memref_slice %arg2[%dma_start3A_69, %dma_start3A_70] : memref<10000x128xi32, #tpu.memory_space<hbm>> -> memref<10000x128xi32, #tpu.memory_space<hbm>>
      tpu.enqueue_indirect_dma source(%dma_start3A_71 : memref<10000x128xi32, #tpu.memory_space<hbm>>) target(%arg8 : memref<200x128xi32, #tpu.memory_space<vmem>>) offsets(%arg6 : memref<200xi32, #tpu.memory_space<vmem>>) semaphore(%arg12 : memref<!tpu.dma_semaphore, #tpu.memory_space<semaphore_mem>>)
      %dma_wait3A_72 = arith.constant 0 : i32
      %dma_wait3A_73 = arith.constant 0 : i32
      %dma_wait3A_74 = tpu.memref_slice %arg2[%dma_wait3A_72, %dma_wait3A_73] : memref<10000x128xi32, #tpu.memory_space<hbm>> -> memref<10000x128xi32, #tpu.memory_space<hbm>>
      tpu.wait_indirect_dma semaphore(%arg12 : memref<!tpu.dma_semaphore, #tpu.memory_space<semaphore_mem>>) src(%dma_wait3A_74 : memref<10000x128xi32, #tpu.memory_space<hbm>>) dst(%arg8 : memref<200x128xi32, #tpu.memory_space<vmem>>)
      %add3A_75 = arith.constant 2 : i32
      %add3A_76 = arith.addi %add3A_59, %add3A_75 : i32
      %lt3A_77 = arith.constant 50 : i32
      %lt3A_78 = arith.cmpi slt, %add3A_76, %lt3A_77 : i32
      %convert_element_type3A_79 = arith.extui %lt3A_78 : i1 to i32
      %cond3A_80 = arith.constant 0 : i32
      %cond3A_81 = arith.cmpi ne, %convert_element_type3A_79, %cond3A_80 : i32
      scf.if %cond3A_81 {
        %add3A_89 = arith.constant 2 : i32
        %add3A_90 = arith.addi %add3A_59, %add3A_89 : i32
        %mul3A_91 = arith.constant 200 : i32
        %mul3A_92 = arith.muli %add3A_90, %mul3A_91 : i32
        %add3A_93 = arith.addi %mul3A_2, %mul3A_92 : i32
        %dma_start3A_94 = tpu.memref_slice %arg3[%add3A_93] : memref<320000xi32, #tpu.memory_space<hbm>> -> memref<200xi32, #tpu.memory_space<hbm>>
        %dma_start3A_95 = tpu.memref_slice %arg3[%add3A_93] : memref<320000xi32, #tpu.memory_space<hbm>> -> memref<200xi32, #tpu.memory_space<hbm>>
        tpu.enqueue_dma source(%dma_start3A_95 : memref<200xi32, #tpu.memory_space<hbm>>) target(%arg6 : memref<200xi32, #tpu.memory_space<vmem>>) target_semaphore(%arg10 : memref<!tpu.dma_semaphore, #tpu.memory_space<semaphore_mem>>)
      } else {
      }
      %mul3A_82 = arith.constant 200 : i32
      %mul3A_83 = arith.muli %add3A_59, %mul3A_82 : i32
      %add3A_84 = arith.addi %mul3A_2, %mul3A_83 : i32
      %dma_start3A_85 = arith.constant 0 : i32
      %dma_start3A_86 = tpu.memref_slice %arg4[%add3A_84, %dma_start3A_85] : memref<320000x128xi32, #tpu.memory_space<hbm>> -> memref<200x128xi32, #tpu.memory_space<hbm>>
      %dma_start3A_87 = arith.constant 0 : i32
      %dma_start3A_88 = tpu.memref_slice %arg4[%add3A_84, %dma_start3A_87] : memref<320000x128xi32, #tpu.memory_space<hbm>> -> memref<200x128xi32, #tpu.memory_space<hbm>>
      tpu.enqueue_dma source(%arg8 : memref<200x128xi32, #tpu.memory_space<vmem>>) target(%dma_start3A_88 : memref<200x128xi32, #tpu.memory_space<hbm>>) target_semaphore(%arg14 : memref<!tpu.dma_semaphore, #tpu.memory_space<semaphore_mem>>)
    }
    %scan3A_14 = arith.constant 25 : i32
    %dma_wait3A = arith.constant 0 : i32
    %dma_wait3A_15 = arith.constant 0 : i32
    %dma_wait3A_16 = tpu.memref_slice %arg4[%dma_wait3A, %dma_wait3A_15] : memref<320000x128xi32, #tpu.memory_space<hbm>> -> memref<200x128xi32, #tpu.memory_space<hbm>>
    %dma_wait3A_17 = arith.constant 0 : i32
    %dma_wait3A_18 = arith.constant 0 : i32
    %dma_wait3A_19 = tpu.memref_slice %arg4[%dma_wait3A_17, %dma_wait3A_18] : memref<320000x128xi32, #tpu.memory_space<hbm>> -> memref<200x128xi32, #tpu.memory_space<hbm>>
    tpu.wait_dma2 semaphore(%arg13 : memref<!tpu.dma_semaphore, #tpu.memory_space<semaphore_mem>>) src(%arg7 : memref<200x128xi32, #tpu.memory_space<vmem>>) dst(%dma_wait3A_19 : memref<200x128xi32, #tpu.memory_space<hbm>>)
    %dma_wait3A_20 = arith.constant 0 : i32
    %dma_wait3A_21 = arith.constant 0 : i32
    %dma_wait3A_22 = tpu.memref_slice %arg4[%dma_wait3A_20, %dma_wait3A_21] : memref<320000x128xi32, #tpu.memory_space<hbm>> -> memref<200x128xi32, #tpu.memory_space<hbm>>
    %dma_wait3A_23 = arith.constant 0 : i32
    %dma_wait3A_24 = arith.constant 0 : i32
    %dma_wait3A_25 = tpu.memref_slice %arg4[%dma_wait3A_23, %dma_wait3A_24] : memref<320000x128xi32, #tpu.memory_space<hbm>> -> memref<200x128xi32, #tpu.memory_space<hbm>>
    tpu.wait_dma2 semaphore(%arg14 : memref<!tpu.dma_semaphore, #tpu.memory_space<semaphore_mem>>) src(%arg8 : memref<200x128xi32, #tpu.memory_space<vmem>>) dst(%dma_wait3A_25 : memref<200x128xi32, #tpu.memory_space<hbm>>)
    return
  }
}

module attributes {stable_mosaic.version = 14 : i64} {
  func.func @_qkv_body(%arg0: i32, %arg1: memref<1000x128xf32, #tpu.memory_space<vmem>>, %arg2: memref<1x128xf32, #tpu.memory_space<vmem>>, %arg3: memref<1x128xf32, #tpu.memory_space<vmem>>, %arg4: memref<128x128xf32, #tpu.memory_space<vmem>>, %arg5: memref<1x128xf32, #tpu.memory_space<vmem>>, %arg6: memref<128x128xf32, #tpu.memory_space<vmem>>, %arg7: memref<1x128xf32, #tpu.memory_space<vmem>>, %arg8: memref<128x128xf32, #tpu.memory_space<vmem>>, %arg9: memref<1x128xf32, #tpu.memory_space<vmem>>, %arg10: memref<1000x128xf32, #tpu.memory_space<vmem>>, %arg11: memref<1000x128xi32, #tpu.memory_space<vmem>>) attributes {dimension_semantics = [#tpu.dimension_semantics<arbitrary>], iteration_bounds = array<i64: 10>, scalar_prefetch = 0 : i64, scratch_operands = 0 : i64, tpu.core_type = #tpu.core_type<tc>, window_params = [{transform_indices = @transform_0, window_bounds = array<i64: 1000, 128>}, {pipeline_mode = #tpu.pipeline_mode<synchronous>, transform_indices = @transform_1, window_bounds = array<i64: 1, 128>}, {pipeline_mode = #tpu.pipeline_mode<synchronous>, transform_indices = @transform_2, window_bounds = array<i64: 1, 128>}, {pipeline_mode = #tpu.pipeline_mode<synchronous>, transform_indices = @transform_3, window_bounds = array<i64: 128, 128>}, {pipeline_mode = #tpu.pipeline_mode<synchronous>, transform_indices = @transform_4, window_bounds = array<i64: 1, 128>}, {pipeline_mode = #tpu.pipeline_mode<synchronous>, transform_indices = @transform_5, window_bounds = array<i64: 128, 128>}, {pipeline_mode = #tpu.pipeline_mode<synchronous>, transform_indices = @transform_6, window_bounds = array<i64: 1, 128>}, {pipeline_mode = #tpu.pipeline_mode<synchronous>, transform_indices = @transform_7, window_bounds = array<i64: 128, 128>}, {pipeline_mode = #tpu.pipeline_mode<synchronous>, transform_indices = @transform_8, window_bounds = array<i64: 1, 128>}, {transform_indices = @transform_9, window_bounds = array<i64: 1000, 128>}, {transform_indices = @transform_10, window_bounds = array<i64: 1000, 128>}]} {
    %get3A = arith.constant 0 : index
    %get3A_0 = arith.constant 0 : index
    %get3A_1 = vector.load %arg1[%get3A, %get3A_0] : memref<1000x128xf32, #tpu.memory_space<vmem>>, vector<1000x128xf32>
    %get3A_2 = arith.constant 0 : index
    %get3A_3 = arith.constant 0 : index
    %get3A_4 = vector.load %arg2[%get3A_2, %get3A_3] : memref<1x128xf32, #tpu.memory_space<vmem>>, vector<1x128xf32>
    %get3A_5 = arith.constant 0 : index
    %get3A_6 = arith.constant 0 : index
    %get3A_7 = vector.load %arg3[%get3A_5, %get3A_6] : memref<1x128xf32, #tpu.memory_space<vmem>>, vector<1x128xf32>
    %reduce_sum3A = arith.constant dense<0.000000e+00> : vector<1000xf32>
    %reduce_sum3A_8 = vector.multi_reduction <add>, %get3A_1, %reduce_sum3A [1] : vector<1000x128xf32> to vector<1000xf32>
    %broadcast_in_dim3A = vector.shape_cast %reduce_sum3A_8 : vector<1000xf32> to vector<1000x1xf32>
    %div3A = arith.constant 1.280000e+02 : f32
    %div3A_9 = vector.broadcast %div3A : f32 to vector<1000x1xf32>
    %div3A_10 = arith.divf %broadcast_in_dim3A, %div3A_9 : vector<1000x1xf32>
    %sub3A = vector.broadcast %div3A_10 : vector<1000x1xf32> to vector<1000x128xf32>
    %sub3A_11 = arith.subf %get3A_1, %sub3A : vector<1000x128xf32>
    %mul3A = arith.mulf %sub3A_11, %sub3A_11 : vector<1000x128xf32>
    %reduce_sum3A_12 = arith.constant dense<0.000000e+00> : vector<1000xf32>
    %reduce_sum3A_13 = vector.multi_reduction <add>, %mul3A, %reduce_sum3A_12 [1] : vector<1000x128xf32> to vector<1000xf32>
    %broadcast_in_dim3A_14 = vector.shape_cast %reduce_sum3A_13 : vector<1000xf32> to vector<1000x1xf32>
    %div3A_15 = arith.constant 1.280000e+02 : f32
    %div3A_16 = vector.broadcast %div3A_15 : f32 to vector<1000x1xf32>
    %div3A_17 = arith.divf %broadcast_in_dim3A_14, %div3A_16 : vector<1000x1xf32>
    %add3A = arith.constant 9.99999974E-6 : f32
    %add3A_18 = vector.broadcast %add3A : f32 to vector<1000x1xf32>
    %add3A_19 = arith.addf %div3A_17, %add3A_18 : vector<1000x1xf32>
    %rsqrt3A = math.rsqrt %add3A_19 : vector<1000x1xf32>
    %mul3A_20 = vector.broadcast %rsqrt3A : vector<1000x1xf32> to vector<1000x128xf32>
    %mul3A_21 = arith.mulf %sub3A_11, %mul3A_20 : vector<1000x128xf32>
    %mul3A_22 = vector.broadcast %get3A_4 : vector<1x128xf32> to vector<1000x128xf32>
    %mul3A_23 = arith.mulf %mul3A_21, %mul3A_22 : vector<1000x128xf32>
    %add3A_24 = vector.broadcast %get3A_7 : vector<1x128xf32> to vector<1000x128xf32>
    %add3A_25 = arith.addf %mul3A_23, %add3A_24 : vector<1000x128xf32>
    %get3A_26 = arith.constant 0 : index
    %get3A_27 = arith.constant 0 : index
    %get3A_28 = vector.load %arg4[%get3A_26, %get3A_27] : memref<128x128xf32, #tpu.memory_space<vmem>>, vector<128x128xf32>
    %dot_general3A = arith.constant dense<0.000000e+00> : vector<1000x128xf32>
    %dot_general3A_29 = tpu.matmul %add3A_25, %get3A_28, %dot_general3A {dimension_numbers = #tpu.dot_dimension_numbers<[1], [0], [0], [1], [0, 0, 1, 1], [], []>, transpose_lhs_hint = false} : vector<1000x128xf32>, vector<128x128xf32>, vector<1000x128xf32> -> vector<1000x128xf32>
    %get3A_30 = arith.constant 0 : index
    %get3A_31 = arith.constant 0 : index
    %get3A_32 = vector.load %arg5[%get3A_30, %get3A_31] : memref<1x128xf32, #tpu.memory_space<vmem>>, vector<1x128xf32>
    %add3A_33 = vector.broadcast %get3A_32 : vector<1x128xf32> to vector<1000x128xf32>
    %add3A_34 = arith.addf %dot_general3A_29, %add3A_33 : vector<1000x128xf32>
    %swap3A = arith.constant 0 : index
    %swap3A_35 = arith.constant 0 : index
    %swap3A_36 = vector.load %arg10[%swap3A, %swap3A_35] : memref<1000x128xf32, #tpu.memory_space<vmem>>, vector<1000x128xf32>
    tpu.vector_store %arg10[%swap3A, %swap3A_35], %add3A_34 {strides = array<i32>} : memref<1000x128xf32, #tpu.memory_space<vmem>>, vector<1000x128xf32>,
    %get3A_37 = arith.constant 0 : index
    %get3A_38 = arith.constant 0 : index
    %get3A_39 = vector.load %arg6[%get3A_37, %get3A_38] : memref<128x128xf32, #tpu.memory_space<vmem>>, vector<128x128xf32>
    %dot_general3A_40 = arith.constant dense<0.000000e+00> : vector<1000x128xf32>
    %dot_general3A_41 = tpu.matmul %add3A_25, %get3A_39, %dot_general3A_40 {dimension_numbers = #tpu.dot_dimension_numbers<[1], [0], [0], [1], [0, 0, 1, 1], [], []>, transpose_lhs_hint = false} : vector<1000x128xf32>, vector<128x128xf32>, vector<1000x128xf32> -> vector<1000x128xf32>
    %get3A_42 = arith.constant 0 : index
    %get3A_43 = arith.constant 0 : index
    %get3A_44 = vector.load %arg7[%get3A_42, %get3A_43] : memref<1x128xf32, #tpu.memory_space<vmem>>, vector<1x128xf32>
    %add3A_45 = vector.broadcast %get3A_44 : vector<1x128xf32> to vector<1000x128xf32>
    %add3A_46 = arith.addf %dot_general3A_41, %add3A_45 : vector<1000x128xf32>
    %convert_element_type3A = arith.truncf %add3A_46 : vector<1000x128xf32> to vector<1000x128xbf16>
    %bitcast_convert_type3A = tpu.bitcast %convert_element_type3A : vector<1000x128xbf16> -> vector<1000x128xi16>
    %get3A_47 = arith.constant 0 : index
    %get3A_48 = arith.constant 0 : index
    %get3A_49 = vector.load %arg8[%get3A_47, %get3A_48] : memref<128x128xf32, #tpu.memory_space<vmem>>, vector<128x128xf32>
    %dot_general3A_50 = arith.constant dense<0.000000e+00> : vector<1000x128xf32>
    %dot_general3A_51 = tpu.matmul %add3A_25, %get3A_49, %dot_general3A_50 {dimension_numbers = #tpu.dot_dimension_numbers<[1], [0], [0], [1], [0, 0, 1, 1], [], []>, transpose_lhs_hint = false} : vector<1000x128xf32>, vector<128x128xf32>, vector<1000x128xf32> -> vector<1000x128xf32>
    %get3A_52 = arith.constant 0 : index
    %get3A_53 = arith.constant 0 : index
    %get3A_54 = vector.load %arg9[%get3A_52, %get3A_53] : memref<1x128xf32, #tpu.memory_space<vmem>>, vector<1x128xf32>
    %add3A_55 = vector.broadcast %get3A_54 : vector<1x128xf32> to vector<1000x128xf32>
    %add3A_56 = arith.addf %dot_general3A_51, %add3A_55 : vector<1000x128xf32>
    %convert_element_type3A_57 = arith.truncf %add3A_56 : vector<1000x128xf32> to vector<1000x128xbf16>
    %bitcast_convert_type3A_58 = tpu.bitcast %convert_element_type3A_57 : vector<1000x128xbf16> -> vector<1000x128xi16>
    %convert_element_type3A_59 = arith.extui %bitcast_convert_type3A : vector<1000x128xi16> to vector<1000x128xi32>
    %shift_left3A = arith.constant 16 : i32
    %shift_left3A_60 = vector.broadcast %shift_left3A : i32 to vector<1000x128xi32>
    %shift_left3A_61 = arith.shli %convert_element_type3A_59, %shift_left3A_60 : vector<1000x128xi32>
    %convert_element_type3A_62 = arith.extui %bitcast_convert_type3A_58 : vector<1000x128xi16> to vector<1000x128xi32>
    %or3A = arith.ori %shift_left3A_61, %convert_element_type3A_62 : vector<1000x128xi32>
    %swap3A_63 = arith.constant 0 : index
    %swap3A_64 = arith.constant 0 : index
    %swap3A_65 = vector.load %arg11[%swap3A_63, %swap3A_64] : memref<1000x128xi32, #tpu.memory_space<vmem>>, vector<1000x128xi32>
    tpu.vector_store %arg11[%swap3A_63, %swap3A_64], %or3A {strides = array<i32>} : memref<1000x128xi32, #tpu.memory_space<vmem>>, vector<1000x128xi32>,
    return
  }
  func.func @transform_0(%arg0: i32) -> (i32, i32) {
    %c0_i32 = arith.constant 0 : i32
    %c0_i32_0 = arith.constant 0 : i32
    return %arg0, %c0_i32 : i32, i32
  }
  func.func @transform_1(%arg0: i32) -> (i32, i32) {
    %c0_i32 = arith.constant 0 : i32
    %c0_i32_0 = arith.constant 0 : i32
    %c0_i32_1 = arith.constant 0 : i32
    return %c0_i32, %c0_i32_0 : i32, i32
  }
  func.func @transform_2(%arg0: i32) -> (i32, i32) {
    %c0_i32 = arith.constant 0 : i32
    %c0_i32_0 = arith.constant 0 : i32
    %c0_i32_1 = arith.constant 0 : i32
    return %c0_i32, %c0_i32_0 : i32, i32
  }
  func.func @transform_3(%arg0: i32) -> (i32, i32) {
    %c0_i32 = arith.constant 0 : i32
    %c0_i32_0 = arith.constant 0 : i32
    %c0_i32_1 = arith.constant 0 : i32
    return %c0_i32, %c0_i32_0 : i32, i32
  }
  func.func @transform_4(%arg0: i32) -> (i32, i32) {
    %c0_i32 = arith.constant 0 : i32
    %c0_i32_0 = arith.constant 0 : i32
    %c0_i32_1 = arith.constant 0 : i32
    return %c0_i32, %c0_i32_0 : i32, i32
  }
  func.func @transform_5(%arg0: i32) -> (i32, i32) {
    %c0_i32 = arith.constant 0 : i32
    %c0_i32_0 = arith.constant 0 : i32
    %c0_i32_1 = arith.constant 0 : i32
    return %c0_i32, %c0_i32_0 : i32, i32
  }
  func.func @transform_6(%arg0: i32) -> (i32, i32) {
    %c0_i32 = arith.constant 0 : i32
    %c0_i32_0 = arith.constant 0 : i32
    %c0_i32_1 = arith.constant 0 : i32
    return %c0_i32, %c0_i32_0 : i32, i32
  }
  func.func @transform_7(%arg0: i32) -> (i32, i32) {
    %c0_i32 = arith.constant 0 : i32
    %c0_i32_0 = arith.constant 0 : i32
    %c0_i32_1 = arith.constant 0 : i32
    return %c0_i32, %c0_i32_0 : i32, i32
  }
  func.func @transform_8(%arg0: i32) -> (i32, i32) {
    %c0_i32 = arith.constant 0 : i32
    %c0_i32_0 = arith.constant 0 : i32
    %c0_i32_1 = arith.constant 0 : i32
    return %c0_i32, %c0_i32_0 : i32, i32
  }
  func.func @transform_9(%arg0: i32) -> (i32, i32) {
    %c0_i32 = arith.constant 0 : i32
    %c0_i32_0 = arith.constant 0 : i32
    return %arg0, %c0_i32 : i32, i32
  }
  func.func @transform_10(%arg0: i32) -> (i32, i32) {
    %c0_i32 = arith.constant 0 : i32
    %c0_i32_0 = arith.constant 0 : i32
    return %arg0, %c0_i32 : i32, i32
  }
}

module attributes {stable_mosaic.version = 14 : i64} {
  func.func @_edge_body(%arg0: i32, %arg1: memref<4000x128xf32, #tpu.memory_space<vmem>>, %arg2: memref<4000x128xi32, #tpu.memory_space<vmem>>, %arg3: memref<4000x128xf32, #tpu.memory_space<vmem>>, %arg4: memref<128x8xf32, #tpu.memory_space<vmem>>, %arg5: memref<1x8xf32, #tpu.memory_space<vmem>>, %arg6: memref<128x8xf32, #tpu.memory_space<vmem>>, %arg7: memref<8x128xf32, #tpu.memory_space<vmem>>, %arg8: memref<4000x128xf32, #tpu.memory_space<vmem>>, %arg9: memref<4000x128xf32, #tpu.memory_space<vmem>>) attributes {dimension_semantics = [#tpu.dimension_semantics<arbitrary>], iteration_bounds = array<i64: 80>, scalar_prefetch = 0 : i64, scratch_operands = 0 : i64, tpu.core_type = #tpu.core_type<tc>, window_params = [{transform_indices = @transform_0, window_bounds = array<i64: 4000, 128>}, {transform_indices = @transform_1, window_bounds = array<i64: 4000, 128>}, {transform_indices = @transform_2, window_bounds = array<i64: 4000, 128>}, {pipeline_mode = #tpu.pipeline_mode<synchronous>, transform_indices = @transform_3, window_bounds = array<i64: 128, 8>}, {pipeline_mode = #tpu.pipeline_mode<synchronous>, transform_indices = @transform_4, window_bounds = array<i64: 1, 8>}, {pipeline_mode = #tpu.pipeline_mode<synchronous>, transform_indices = @transform_5, window_bounds = array<i64: 128, 8>}, {pipeline_mode = #tpu.pipeline_mode<synchronous>, transform_indices = @transform_6, window_bounds = array<i64: 8, 128>}, {transform_indices = @transform_7, window_bounds = array<i64: 4000, 128>}, {transform_indices = @transform_8, window_bounds = array<i64: 4000, 128>}]} {
    %get3A = arith.constant 0 : index
    %get3A_0 = arith.constant 0 : index
    %get3A_1 = vector.load %arg1[%get3A, %get3A_0] : memref<4000x128xf32, #tpu.memory_space<vmem>>, vector<4000x128xf32>
    %get3A_2 = arith.constant 0 : index
    %get3A_3 = arith.constant 0 : index
    %get3A_4 = vector.load %arg2[%get3A_2, %get3A_3] : memref<4000x128xi32, #tpu.memory_space<vmem>>, vector<4000x128xi32>
    %and3A = arith.constant -65536 : i32
    %and3A_5 = vector.broadcast %and3A : i32 to vector<4000x128xi32>
    %and3A_6 = arith.andi %get3A_4, %and3A_5 : vector<4000x128xi32>
    %bitcast_convert_type3A = tpu.bitcast %and3A_6 : vector<4000x128xi32> -> vector<4000x128xf32>
    %shift_left3A = arith.constant 16 : i32
    %shift_left3A_7 = vector.broadcast %shift_left3A : i32 to vector<4000x128xi32>
    %shift_left3A_8 = arith.shli %get3A_4, %shift_left3A_7 : vector<4000x128xi32>
    %bitcast_convert_type3A_9 = tpu.bitcast %shift_left3A_8 : vector<4000x128xi32> -> vector<4000x128xf32>
    %mul3A = arith.mulf %get3A_1, %bitcast_convert_type3A : vector<4000x128xf32>
    %get3A_10 = arith.constant 0 : index
    %get3A_11 = arith.constant 0 : index
    %get3A_12 = vector.load %arg6[%get3A_10, %get3A_11] : memref<128x8xf32, #tpu.memory_space<vmem>>, vector<128x8xf32>
    %dot_general3A = arith.constant dense<0.000000e+00> : vector<4000x8xf32>
    %dot_general3A_13 = tpu.matmul %mul3A, %get3A_12, %dot_general3A {dimension_numbers = #tpu.dot_dimension_numbers<[1], [0], [0], [1], [0, 0, 1, 1], [], []>, transpose_lhs_hint = false} : vector<4000x128xf32>, vector<128x8xf32>, vector<4000x8xf32> -> vector<4000x8xf32>
    %mul3A_14 = arith.constant 2.500000e-01 : f32
    %mul3A_15 = vector.broadcast %mul3A_14 : f32 to vector<4000x8xf32>
    %mul3A_16 = arith.mulf %dot_general3A_13, %mul3A_15 : vector<4000x8xf32>
    %get3A_17 = arith.constant 0 : index
    %get3A_18 = arith.constant 0 : index
    %get3A_19 = vector.load %arg3[%get3A_17, %get3A_18] : memref<4000x128xf32, #tpu.memory_space<vmem>>, vector<4000x128xf32>
    %get3A_20 = arith.constant 0 : index
    %get3A_21 = arith.constant 0 : index
    %get3A_22 = vector.load %arg4[%get3A_20, %get3A_21] : memref<128x8xf32, #tpu.memory_space<vmem>>, vector<128x8xf32>
    %dot_general3A_23 = arith.constant dense<0.000000e+00> : vector<4000x8xf32>
    %dot_general3A_24 = tpu.matmul %get3A_19, %get3A_22, %dot_general3A_23 {dimension_numbers = #tpu.dot_dimension_numbers<[1], [0], [0], [1], [0, 0, 1, 1], [], []>, transpose_lhs_hint = false} : vector<4000x128xf32>, vector<128x8xf32>, vector<4000x8xf32> -> vector<4000x8xf32>
    %add3A = arith.addf %mul3A_16, %dot_general3A_24 : vector<4000x8xf32>
    %get3A_25 = arith.constant 0 : index
    %get3A_26 = arith.constant 0 : index
    %get3A_27 = vector.load %arg5[%get3A_25, %get3A_26] : memref<1x8xf32, #tpu.memory_space<vmem>>, vector<1x8xf32>
    %add3A_28 = vector.broadcast %get3A_27 : vector<1x8xf32> to vector<4000x8xf32>
    %add3A_29 = arith.addf %add3A, %add3A_28 : vector<4000x8xf32>
    %exp3A = math.exp %add3A_29 : vector<4000x8xf32>
    %get3A_30 = arith.constant 0 : index
    %get3A_31 = arith.constant 0 : index
    %get3A_32 = vector.load %arg7[%get3A_30, %get3A_31] : memref<8x128xf32, #tpu.memory_space<vmem>>, vector<8x128xf32>
    %dot_general3A_33 = arith.constant dense<0.000000e+00> : vector<4000x128xf32>
    %dot_general3A_34 = tpu.matmul %exp3A, %get3A_32, %dot_general3A_33 {dimension_numbers = #tpu.dot_dimension_numbers<[1], [0], [0], [1], [0, 0, 1, 1], [], []>, transpose_lhs_hint = false} : vector<4000x8xf32>, vector<8x128xf32>, vector<4000x128xf32> -> vector<4000x128xf32>
    %mul3A_35 = arith.mulf %bitcast_convert_type3A_9, %dot_general3A_34 : vector<4000x128xf32>
    %swap3A = arith.constant 0 : index
    %swap3A_36 = arith.constant 0 : index
    %swap3A_37 = vector.load %arg8[%swap3A, %swap3A_36] : memref<4000x128xf32, #tpu.memory_space<vmem>>, vector<4000x128xf32>
    tpu.vector_store %arg8[%swap3A, %swap3A_36], %mul3A_35 {strides = array<i32>} : memref<4000x128xf32, #tpu.memory_space<vmem>>, vector<4000x128xf32>,
    %swap3A_38 = arith.constant 0 : index
    %swap3A_39 = arith.constant 0 : index
    %swap3A_40 = vector.load %arg9[%swap3A_38, %swap3A_39] : memref<4000x128xf32, #tpu.memory_space<vmem>>, vector<4000x128xf32>
    tpu.vector_store %arg9[%swap3A_38, %swap3A_39], %dot_general3A_34 {strides = array<i32>} : memref<4000x128xf32, #tpu.memory_space<vmem>>, vector<4000x128xf32>,
    return
  }
  func.func @transform_0(%arg0: i32) -> (i32, i32) {
    %c0_i32 = arith.constant 0 : i32
    %c0_i32_0 = arith.constant 0 : i32
    return %arg0, %c0_i32 : i32, i32
  }
  func.func @transform_1(%arg0: i32) -> (i32, i32) {
    %c0_i32 = arith.constant 0 : i32
    %c0_i32_0 = arith.constant 0 : i32
    return %arg0, %c0_i32 : i32, i32
  }
  func.func @transform_2(%arg0: i32) -> (i32, i32) {
    %c0_i32 = arith.constant 0 : i32
    %c0_i32_0 = arith.constant 0 : i32
    return %arg0, %c0_i32 : i32, i32
  }
  func.func @transform_3(%arg0: i32) -> (i32, i32) {
    %c0_i32 = arith.constant 0 : i32
    %c0_i32_0 = arith.constant 0 : i32
    %c0_i32_1 = arith.constant 0 : i32
    return %c0_i32, %c0_i32_0 : i32, i32
  }
  func.func @transform_4(%arg0: i32) -> (i32, i32) {
    %c0_i32 = arith.constant 0 : i32
    %c0_i32_0 = arith.constant 0 : i32
    %c0_i32_1 = arith.constant 0 : i32
    return %c0_i32, %c0_i32_0 : i32, i32
  }
  func.func @transform_5(%arg0: i32) -> (i32, i32) {
    %c0_i32 = arith.constant 0 : i32
    %c0_i32_0 = arith.constant 0 : i32
    %c0_i32_1 = arith.constant 0 : i32
    return %c0_i32, %c0_i32_0 : i32, i32
  }
  func.func @transform_6(%arg0: i32) -> (i32, i32) {
    %c0_i32 = arith.constant 0 : i32
    %c0_i32_0 = arith.constant 0 : i32
    %c0_i32_1 = arith.constant 0 : i32
    return %c0_i32, %c0_i32_0 : i32, i32
  }
  func.func @transform_7(%arg0: i32) -> (i32, i32) {
    %c0_i32 = arith.constant 0 : i32
    %c0_i32_0 = arith.constant 0 : i32
    return %arg0, %c0_i32 : i32, i32
  }
  func.func @transform_8(%arg0: i32) -> (i32, i32) {
    %c0_i32 = arith.constant 0 : i32
    %c0_i32_0 = arith.constant 0 : i32
    return %arg0, %c0_i32 : i32, i32
  }
}

module attributes {stable_mosaic.version = 14 : i64} {
  func.func @_final_body(%arg0: i32, %arg1: memref<1000x128xf32, #tpu.memory_space<vmem>>, %arg2: memref<1000x128xf32, #tpu.memory_space<vmem>>, %arg3: memref<1000x128xf32, #tpu.memory_space<vmem>>, %arg4: memref<128x128xf32, #tpu.memory_space<vmem>>, %arg5: memref<1x128xf32, #tpu.memory_space<vmem>>, %arg6: memref<1x128xf32, #tpu.memory_space<vmem>>, %arg7: memref<1x128xf32, #tpu.memory_space<vmem>>, %arg8: memref<128x512xf32, #tpu.memory_space<vmem>>, %arg9: memref<1x512xf32, #tpu.memory_space<vmem>>, %arg10: memref<512x128xf32, #tpu.memory_space<vmem>>, %arg11: memref<1x128xf32, #tpu.memory_space<vmem>>, %arg12: memref<1000x128xf32, #tpu.memory_space<vmem>>) attributes {dimension_semantics = [#tpu.dimension_semantics<arbitrary>], iteration_bounds = array<i64: 10>, scalar_prefetch = 0 : i64, scratch_operands = 0 : i64, tpu.core_type = #tpu.core_type<tc>, window_params = [{transform_indices = @transform_0, window_bounds = array<i64: 1000, 128>}, {transform_indices = @transform_1, window_bounds = array<i64: 1000, 128>}, {transform_indices = @transform_2, window_bounds = array<i64: 1000, 128>}, {pipeline_mode = #tpu.pipeline_mode<synchronous>, transform_indices = @transform_3, window_bounds = array<i64: 128, 128>}, {pipeline_mode = #tpu.pipeline_mode<synchronous>, transform_indices = @transform_4, window_bounds = array<i64: 1, 128>}, {pipeline_mode = #tpu.pipeline_mode<synchronous>, transform_indices = @transform_5, window_bounds = array<i64: 1, 128>}, {pipeline_mode = #tpu.pipeline_mode<synchronous>, transform_indices = @transform_6, window_bounds = array<i64: 1, 128>}, {pipeline_mode = #tpu.pipeline_mode<synchronous>, transform_indices = @transform_7, window_bounds = array<i64: 128, 512>}, {pipeline_mode = #tpu.pipeline_mode<synchronous>, transform_indices = @transform_8, window_bounds = array<i64: 1, 512>}, {pipeline_mode = #tpu.pipeline_mode<synchronous>, transform_indices = @transform_9, window_bounds = array<i64: 512, 128>}, {pipeline_mode = #tpu.pipeline_mode<synchronous>, transform_indices = @transform_10, window_bounds = array<i64: 1, 128>}, {transform_indices = @transform_11, window_bounds = array<i64: 1000, 128>}]} {
    %get3A = arith.constant 0 : index
    %get3A_0 = arith.constant 0 : index
    %get3A_1 = vector.load %arg1[%get3A, %get3A_0] : memref<1000x128xf32, #tpu.memory_space<vmem>>, vector<1000x128xf32>
    %get3A_2 = arith.constant 0 : index
    %get3A_3 = arith.constant 0 : index
    %get3A_4 = vector.load %arg2[%get3A_2, %get3A_3] : memref<1000x128xf32, #tpu.memory_space<vmem>>, vector<1000x128xf32>
    %div3A = arith.divf %get3A_1, %get3A_4 : vector<1000x128xf32>
    %get3A_5 = arith.constant 0 : index
    %get3A_6 = arith.constant 0 : index
    %get3A_7 = vector.load %arg4[%get3A_5, %get3A_6] : memref<128x128xf32, #tpu.memory_space<vmem>>, vector<128x128xf32>
    %dot_general3A = arith.constant dense<0.000000e+00> : vector<1000x128xf32>
    %dot_general3A_8 = tpu.matmul %div3A, %get3A_7, %dot_general3A {dimension_numbers = #tpu.dot_dimension_numbers<[1], [0], [0], [1], [0, 0, 1, 1], [], []>, transpose_lhs_hint = false} : vector<1000x128xf32>, vector<128x128xf32>, vector<1000x128xf32> -> vector<1000x128xf32>
    %get3A_9 = arith.constant 0 : index
    %get3A_10 = arith.constant 0 : index
    %get3A_11 = vector.load %arg5[%get3A_9, %get3A_10] : memref<1x128xf32, #tpu.memory_space<vmem>>, vector<1x128xf32>
    %add3A = vector.broadcast %get3A_11 : vector<1x128xf32> to vector<1000x128xf32>
    %add3A_12 = arith.addf %dot_general3A_8, %add3A : vector<1000x128xf32>
    %get3A_13 = arith.constant 0 : index
    %get3A_14 = arith.constant 0 : index
    %get3A_15 = vector.load %arg3[%get3A_13, %get3A_14] : memref<1000x128xf32, #tpu.memory_space<vmem>>, vector<1000x128xf32>
    %add3A_16 = arith.addf %add3A_12, %get3A_15 : vector<1000x128xf32>
    %get3A_17 = arith.constant 0 : index
    %get3A_18 = arith.constant 0 : index
    %get3A_19 = vector.load %arg6[%get3A_17, %get3A_18] : memref<1x128xf32, #tpu.memory_space<vmem>>, vector<1x128xf32>
    %get3A_20 = arith.constant 0 : index
    %get3A_21 = arith.constant 0 : index
    %get3A_22 = vector.load %arg7[%get3A_20, %get3A_21] : memref<1x128xf32, #tpu.memory_space<vmem>>, vector<1x128xf32>
    %reduce_sum3A = arith.constant dense<0.000000e+00> : vector<1000xf32>
    %reduce_sum3A_23 = vector.multi_reduction <add>, %add3A_16, %reduce_sum3A [1] : vector<1000x128xf32> to vector<1000xf32>
    %broadcast_in_dim3A = vector.shape_cast %reduce_sum3A_23 : vector<1000xf32> to vector<1000x1xf32>
    %div3A_24 = arith.constant 1.280000e+02 : f32
    %div3A_25 = vector.broadcast %div3A_24 : f32 to vector<1000x1xf32>
    %div3A_26 = arith.divf %broadcast_in_dim3A, %div3A_25 : vector<1000x1xf32>
    %sub3A = vector.broadcast %div3A_26 : vector<1000x1xf32> to vector<1000x128xf32>
    %sub3A_27 = arith.subf %add3A_16, %sub3A : vector<1000x128xf32>
    %mul3A = arith.mulf %sub3A_27, %sub3A_27 : vector<1000x128xf32>
    %reduce_sum3A_28 = arith.constant dense<0.000000e+00> : vector<1000xf32>
    %reduce_sum3A_29 = vector.multi_reduction <add>, %mul3A, %reduce_sum3A_28 [1] : vector<1000x128xf32> to vector<1000xf32>
    %broadcast_in_dim3A_30 = vector.shape_cast %reduce_sum3A_29 : vector<1000xf32> to vector<1000x1xf32>
    %div3A_31 = arith.constant 1.280000e+02 : f32
    %div3A_32 = vector.broadcast %div3A_31 : f32 to vector<1000x1xf32>
    %div3A_33 = arith.divf %broadcast_in_dim3A_30, %div3A_32 : vector<1000x1xf32>
    %add3A_34 = arith.constant 9.99999974E-6 : f32
    %add3A_35 = vector.broadcast %add3A_34 : f32 to vector<1000x1xf32>
    %add3A_36 = arith.addf %div3A_33, %add3A_35 : vector<1000x1xf32>
    %rsqrt3A = math.rsqrt %add3A_36 : vector<1000x1xf32>
    %mul3A_37 = vector.broadcast %rsqrt3A : vector<1000x1xf32> to vector<1000x128xf32>
    %mul3A_38 = arith.mulf %sub3A_27, %mul3A_37 : vector<1000x128xf32>
    %mul3A_39 = vector.broadcast %get3A_19 : vector<1x128xf32> to vector<1000x128xf32>
    %mul3A_40 = arith.mulf %mul3A_38, %mul3A_39 : vector<1000x128xf32>
    %add3A_41 = vector.broadcast %get3A_22 : vector<1x128xf32> to vector<1000x128xf32>
    %add3A_42 = arith.addf %mul3A_40, %add3A_41 : vector<1000x128xf32>
    %get3A_43 = arith.constant 0 : index
    %get3A_44 = arith.constant 0 : index
    %get3A_45 = vector.load %arg8[%get3A_43, %get3A_44] : memref<128x512xf32, #tpu.memory_space<vmem>>, vector<128x512xf32>
    %dot_general3A_46 = arith.constant dense<0.000000e+00> : vector<1000x512xf32>
    %dot_general3A_47 = tpu.matmul %add3A_42, %get3A_45, %dot_general3A_46 {dimension_numbers = #tpu.dot_dimension_numbers<[1], [0], [0], [1], [0, 0, 1, 1], [], []>, transpose_lhs_hint = false} : vector<1000x128xf32>, vector<128x512xf32>, vector<1000x512xf32> -> vector<1000x512xf32>
    %get3A_48 = arith.constant 0 : index
    %get3A_49 = arith.constant 0 : index
    %get3A_50 = vector.load %arg9[%get3A_48, %get3A_49] : memref<1x512xf32, #tpu.memory_space<vmem>>, vector<1x512xf32>
    %add3A_51 = vector.broadcast %get3A_50 : vector<1x512xf32> to vector<1000x512xf32>
    %add3A_52 = arith.addf %dot_general3A_47, %add3A_51 : vector<1000x512xf32>
    %mul3A_53 = arith.constant 5.000000e-01 : f32
    %mul3A_54 = vector.broadcast %mul3A_53 : f32 to vector<1000x512xf32>
    %mul3A_55 = arith.mulf %mul3A_54, %add3A_52 : vector<1000x512xf32>
    %mul3A_56 = arith.constant 0.707106769 : f32
    %mul3A_57 = vector.broadcast %mul3A_56 : f32 to vector<1000x512xf32>
    %mul3A_58 = arith.mulf %add3A_52, %mul3A_57 : vector<1000x512xf32>
    %erf3A = math.erf %mul3A_58 : vector<1000x512xf32>
    %add3A_59 = arith.constant 1.000000e+00 : f32
    %add3A_60 = vector.broadcast %add3A_59 : f32 to vector<1000x512xf32>
    %add3A_61 = arith.addf %add3A_60, %erf3A : vector<1000x512xf32>
    %mul3A_62 = arith.mulf %mul3A_55, %add3A_61 : vector<1000x512xf32>
    %get3A_63 = arith.constant 0 : index
    %get3A_64 = arith.constant 0 : index
    %get3A_65 = vector.load %arg10[%get3A_63, %get3A_64] : memref<512x128xf32, #tpu.memory_space<vmem>>, vector<512x128xf32>
    %dot_general3A_66 = arith.constant dense<0.000000e+00> : vector<1000x128xf32>
    %dot_general3A_67 = tpu.matmul %mul3A_62, %get3A_65, %dot_general3A_66 {dimension_numbers = #tpu.dot_dimension_numbers<[1], [0], [0], [1], [0, 0, 1, 1], [], []>, transpose_lhs_hint = false} : vector<1000x512xf32>, vector<512x128xf32>, vector<1000x128xf32> -> vector<1000x128xf32>
    %get3A_68 = arith.constant 0 : index
    %get3A_69 = arith.constant 0 : index
    %get3A_70 = vector.load %arg11[%get3A_68, %get3A_69] : memref<1x128xf32, #tpu.memory_space<vmem>>, vector<1x128xf32>
    %add3A_71 = vector.broadcast %get3A_70 : vector<1x128xf32> to vector<1000x128xf32>
    %add3A_72 = arith.addf %dot_general3A_67, %add3A_71 : vector<1000x128xf32>
    %add3A_73 = arith.addf %add3A_72, %add3A_16 : vector<1000x128xf32>
    %swap3A = arith.constant 0 : index
    %swap3A_74 = arith.constant 0 : index
    %swap3A_75 = vector.load %arg12[%swap3A, %swap3A_74] : memref<1000x128xf32, #tpu.memory_space<vmem>>, vector<1000x128xf32>
    tpu.vector_store %arg12[%swap3A, %swap3A_74], %add3A_73 {strides = array<i32>} : memref<1000x128xf32, #tpu.memory_space<vmem>>, vector<1000x128xf32>,
    return
  }
  func.func @transform_0(%arg0: i32) -> (i32, i32) {
    %c0_i32 = arith.constant 0 : i32
    %c0_i32_0 = arith.constant 0 : i32
    return %arg0, %c0_i32 : i32, i32
  }
  func.func @transform_1(%arg0: i32) -> (i32, i32) {
    %c0_i32 = arith.constant 0 : i32
    %c0_i32_0 = arith.constant 0 : i32
    return %arg0, %c0_i32 : i32, i32
  }
  func.func @transform_2(%arg0: i32) -> (i32, i32) {
    %c0_i32 = arith.constant 0 : i32
    %c0_i32_0 = arith.constant 0 : i32
    return %arg0, %c0_i32 : i32, i32
  }
  func.func @transform_3(%arg0: i32) -> (i32, i32) {
    %c0_i32 = arith.constant 0 : i32
    %c0_i32_0 = arith.constant 0 : i32
    %c0_i32_1 = arith.constant 0 : i32
    return %c0_i32, %c0_i32_0 : i32, i32
  }
  func.func @transform_4(%arg0: i32) -> (i32, i32) {
    %c0_i32 = arith.constant 0 : i32
    %c0_i32_0 = arith.constant 0 : i32
    %c0_i32_1 = arith.constant 0 : i32
    return %c0_i32, %c0_i32_0 : i32, i32
  }
  func.func @transform_5(%arg0: i32) -> (i32, i32) {
    %c0_i32 = arith.constant 0 : i32
    %c0_i32_0 = arith.constant 0 : i32
    %c0_i32_1 = arith.constant 0 : i32
    return %c0_i32, %c0_i32_0 : i32, i32
  }
  func.func @transform_6(%arg0: i32) -> (i32, i32) {
    %c0_i32 = arith.constant 0 : i32
    %c0_i32_0 = arith.constant 0 : i32
    %c0_i32_1 = arith.constant 0 : i32
    return %c0_i32, %c0_i32_0 : i32, i32
  }
  func.func @transform_7(%arg0: i32) -> (i32, i32) {
    %c0_i32 = arith.constant 0 : i32
    %c0_i32_0 = arith.constant 0 : i32
    %c0_i32_1 = arith.constant 0 : i32
    return %c0_i32, %c0_i32_0 : i32, i32
  }
  func.func @transform_8(%arg0: i32) -> (i32, i32) {
    %c0_i32 = arith.constant 0 : i32
    %c0_i32_0 = arith.constant 0 : i32
    %c0_i32_1 = arith.constant 0 : i32
    return %c0_i32, %c0_i32_0 : i32, i32
  }
  func.func @transform_9(%arg0: i32) -> (i32, i32) {
    %c0_i32 = arith.constant 0 : i32
    %c0_i32_0 = arith.constant 0 : i32
    %c0_i32_1 = arith.constant 0 : i32
    return %c0_i32, %c0_i32_0 : i32, i32
  }
  func.func @transform_10(%arg0: i32) -> (i32, i32) {
    %c0_i32 = arith.constant 0 : i32
    %c0_i32_0 = arith.constant 0 : i32
    %c0_i32_1 = arith.constant 0 : i32
    return %c0_i32, %c0_i32_0 : i32, i32
  }
  func.func @transform_11(%arg0: i32) -> (i32, i32) {
    %c0_i32 = arith.constant 0 : i32
    %c0_i32_0 = arith.constant 0 : i32
    return %arg0, %c0_i32 : i32, i32
  }
}

</mosaic_0001>

<sc_bundles>
// kernel: kernel.11.cloned.1.call-start
scs
__scs_entry_jumppad:
0x0: {  	(pc) =	sbr.rel $0x88, $3  }
0x1: {  	(tag) =	ssettag $0x0;
	lr =	simm.s32 $0x1  }
0x2: {  	[smem:$0x3F8C] =	sst lr;
	_ =	strace $0xD0000000  }
0x3: {  	_ = 	snop  }
0x4: {  	_ = 	snop  }
0x5: {  	_ = 	snop  }
0x6: {  	_ = 	snop  }
0x7: {  	_ = 	snop  }
__scs_overlays_trampoline_lowered:
0x8: {  	[smem:$0x3F9B] =	sst s0  }
0x9: {  	[smem:$0x3F9C] =	sst s1  }
0xa: {  	[smem:$0x3F9D] =	sst s2  }
0xb: {  	[smem:$0x3F9E] =	sst s3  }
0xc: {  	[smem:$0x3F9F] =	sst s4  }
0xd: {  	[smem:$0x3FA0] =	sst s5  }
0xe: {  	[smem:$0x3FA1] =	sst s6  }
0xf: {  	[smem:$0x3FA2] =	sst s7  }
0x10: {  	[smem:$0x3FA3] =	sst s8  }
0x11: {  	[smem:$0x3FA4] =	sst s9;
	s0 =	simm.s32 @!p0 $0x0  }
0x12: {  	s1 =	sld [smem:$0x3F8A];
	s0 =	simm.s32 @p0 $0x1  }
0x13: {  	[smem:$0x3FA5] =	sst s0;
	s0 =	simm.s32 @!p1 $0x0  }
0x14: {  	s2 =	sld [smem:$0x3F89];
	s0 =	simm.s32 @p1 $0x1  }
0x15: {  	[smem:$0x3FA6] =	sst s0;
	s0 =	simm.s32 @!p2 $0x0  }
0x16: {  	s3 =	sld [smem:$0x3FDB];
	s0 =	simm.s32 @p2 $0x1  }
0x17: {  	s4 =	simm.s32 $0x1BF5;
	[smem:$0x3FA8] =	sst s0  }
0x18: {  	s0 =	sld [smem:$0x3F8B];
	_ =	swait.ge [sflag:s4], $0x0  }
0x19: {  	s7 =	sld [smem:$0x3F8C]  }
0x1a: {  	s8 =	sadd.s32 $0xFFFFE003, lr  }
0x1b: {  	s9 =	sadd.s32 $0xFFFFFEF7, lr;
	s5 =	simm.s32 $0xFFFFFFFF;
	p2 =	slt.u32 s8, $0xFFFFF086  }
0x1c: {  	p1 =	slt.u32 s9, $0xF7A;
	s5 =	simm.s32 @!p2 $0x0  }
0x1d: {  	s5 =	simm.s32 @p1 $0x1;
	p0 =	seq.s32 s7, s2  }
0x1e: {  	s7 =	smul.u32 @!p0 $0xF7A, s2;
	p2 =	seq.s32 @!p0 s5, $0x0  }
0x1f: {  	s9 =	smul.u32 $0xF7A, s1;
	s8 =	simm.s32 @!p0 $0x1BF5;
	p2 =	por !p2, p0  }
0x20: {  	[sflag:s8] =	ssyncset.s32 @!p0 $0xFFFFF086;
	s6 =	sadd.s32 @!p0 s3, s7;
	s7 =	simm.s32 @!p0 $0x108  }
0x21: {  	s3 =	sadd.s32 s3, s9;
	s6 =	sadd.s32 @!p0 $0x88, s6;
	s7 =	simm.s32 @p2 $0x1082  }
0x22: {  	[simem:s7], [sflag:s8] =	dma.local @!p0 [hbm:s6], $0xF7A  }
0x23: {  	s9 =	sor.u32 $0xD0000000, s2;
	s6 =	simm.s32 $0x108;
	_ =	swait.ge @!p0 [sflag:s8], $0x0  }
0x24: {  	s3 =	sadd.s32 $0x88, s3;
	s6 =	simm.s32 @!p1 $0x1082;
	[sflag:s4] =	ssyncset.s32 $0xFFFFF086  }
0x25: {  	[simem:s6], [sflag:s4] =	dma.local [hbm:s3], $0xF7A  }
0x26: {  	[smem:$0x3F8C] =	sst s1;
	(tag) =	ssettag s2;
	_ =	strace s9  }
0x27: {  	s1 =	sld [smem:$0x3F9C]  }
0x28: {  	s2 =	sld [smem:$0x3F9D]  }
0x29: {  	s4 =	sld [smem:$0x3F9F]  }
0x2a: {  	p0 =	seq.s32 s5, $0x0;
	s5 =	sld [smem:$0x3FA0]  }
0x2b: {  	s6 =	sld [smem:$0x3FA1]  }
0x2c: {  	s7 =	sld [smem:$0x3FA2]  }
0x2d: {  	s3 =	simm.s32 $0x108;
	s8 =	sld [smem:$0x3FA3]  }
0x2e: {  	s3 =	simm.s32 @!p0 $0x1082;
	s9 =	sld [smem:$0x3FA4]  }
0x2f: {  	lr =	sadd.s32 s0, s3;
	s0 =	sld [smem:$0x3F9B]  }
0x30: {  	s3 =	sld [smem:$0x3F9E]  }
0x31: {  	[smem:$0x3FA7] =	sst s10  }
0x32: {  	s10 =	sld [smem:$0x3FA5];
	_ =	sdelay $0x3  }
0x33: {  	p0 =	seq.s32 s10, $0x1;
	s10 =	sld [smem:$0x3FA7];
	_ =	sdelay $0x3  }
0x34: {  	[smem:$0x3FA7] =	sst s10  }
0x35: {  	s10 =	sld [smem:$0x3FA6];
	_ =	sdelay $0x3  }
0x36: {  	p1 =	seq.s32 s10, $0x1;
	s10 =	sld [smem:$0x3FA7];
	_ =	sdelay $0x3  }
0x37: {  	[smem:$0x3FA7] =	sst s10  }
0x38: {  	s10 =	sld [smem:$0x3FA8]  }
0x39: {  	_ = 	snop;
	(pc) =	sbr.ind lr, $3  }
0x3a: {  	_ = 	snop  }
0x3b: {  	_ = 	snop  }
0x3c: {  	p2 =	seq.s32 s10, $0x1;
	s10 =	sld [smem:$0x3FA7]  }
0x3d: {  	_ =	shalt  }
0x3e: {  	_ =	shalt  }
0x3f: {  	_ =	shalt  }
0x40: {  	_ =	shalt  }
0x41: {  	_ =	shalt  }
0x42: {  	_ =	shalt  }
0x43: {  	_ =	shalt  }
0x44: {  	_ =	shalt  }
0x45: {  	_ =	shalt  }
0x46: {  	_ =	shalt  }
0x47: {  	_ =	shalt  }
0x48: {  	_ =	shalt  }
0x49: {  	_ =	shalt  }
0x4a: {  	_ =	shalt  }
0x4b: {  	_ =	shalt  }
0x4c: {  	_ =	shalt  }
0x4d: {  	_ =	shalt  }
0x4e: {  	_ =	shalt  }
0x4f: {  	_ =	shalt  }
0x50: {  	_ =	shalt  }
0x51: {  	_ =	shalt  }
0x52: {  	_ =	shalt  }
0x53: {  	_ =	shalt  }
0x54: {  	_ =	shalt  }
0x55: {  	_ =	shalt  }
0x56: {  	_ =	shalt  }
0x57: {  	_ =	shalt  }
0x58: {  	_ =	shalt  }
0x59: {  	_ =	shalt  }
0x5a: {  	_ =	shalt  }
0x5b: {  	_ =	shalt  }
0x5c: {  	_ =	shalt  }
0x5d: {  	_ =	shalt  }
0x5e: {  	_ =	shalt  }
0x5f: {  	_ =	shalt  }
0x60: {  	_ =	shalt  }
0x61: {  	_ =	shalt  }
0x62: {  	_ =	shalt  }
0x63: {  	_ =	shalt  }
0x64: {  	_ =	shalt  }
0x65: {  	_ =	shalt  }
0x66: {  	_ =	shalt  }
0x67: {  	_ =	shalt  }
0x68: {  	_ =	shalt  }
0x69: {  	_ =	shalt  }
0x6a: {  	_ =	shalt  }
0x6b: {  	_ =	shalt  }
0x6c: {  	_ =	shalt  }
0x6d: {  	_ =	shalt  }
0x6e: {  	_ =	shalt  }
0x6f: {  	_ =	shalt  }
0x70: {  	_ =	shalt  }
0x71: {  	_ =	shalt  }
0x72: {  	_ =	shalt  }
0x73: {  	_ =	shalt  }
0x74: {  	_ =	shalt  }
0x75: {  	_ =	shalt  }
0x76: {  	_ =	shalt  }
0x77: {  	_ =	shalt  }
0x78: {  	_ =	shalt  }
0x79: {  	_ =	shalt  }
0x7a: {  	_ =	shalt  }
0x7b: {  	_ =	shalt  }
0x7c: {  	_ =	shalt  }
0x7d: {  	_ =	shalt  }
0x7e: {  	_ =	shalt  }
0x7f: {  	_ =	shalt  }
0x80: {  	_ =	shalt  }
0x81: {  	_ =	shalt  }
0x82: {  	_ =	shalt  }
0x83: {  	_ =	shalt  }
0x84: {  	_ =	shalt  }
0x85: {  	_ =	shalt  }
0x86: {  	_ =	shalt  }
0x87: {  	_ =	shalt  }
.Lfunc_end0:
.L_simem_size_0:
called_computation.1_lowered:
.L_overlay_start_0:
0x88: {  	s2 =	sld [smem:$0x3FD9]  }
0x89: {  	s3 =	sld [smem:$0x3FFE];
	_ =	sdelay $0x1  }
0x8a: {  	s1 =	srdreg.scid  }
0x8b: {  	s0 =	sand.u32 $0x1, s1  }
0x8c: {  	s17 =	sshll.u32 s0, $0xA;
	s2 =	sadd.s32 s3, s2  }
0x8d: {  	s2 =	sadd.s32 s2, s17  }
0x8e: {  	[smem:$0x3FB3] =	sst s2  }
0x8f: {  	_ = 	snop  }
0x90: {  	(tm) =	ssettm $0x1  }
0x91: {  	s18 =	sld [smem:$0x3FFB];
	_ =	sdelay $0x3  }
0x92: {  	_ =	strace s18  }
0x93: {  	s2 =	sld [smem:$0x3FFC];
	_ =	sdelay $0x3  }
0x94: {  	_ =	strace s2  }
0x95: {  	s2 =	sld [smem:$0x3FFD];
	_ =	sdelay $0x3  }
0x96: {  	_ =	strace s2  }
0x97: {  	_ =	strace $0x8FFFFFFF  }
0x98: {  	s19 =	sld [smem:$0x3FDB];
	_ =	sdelay $0x1  }
0x99: {  	s20 =	simm.s32 $_scs_section_size  }
0x9a: {  	s4 =	simm.s32 $_size__tile_overlayer_lowered;
	s5 =	simm.s32 $_tile_overlayer_lowered  }
0x9b: {  	s6 =	simm.s32 $0x1BFF;
	s21 =	sshll.u32 s5, $0x1;
	s3 =	sadd.s32 s20, s19  }
0x9c: {  	s22 =	simm.s32 $0x0;
	s4 =	sshll.u32 s4, $0x1;
	s5 =	sadd.s32 s21, s3  }
0x9d: {  	[timem:s22], [sflag:s6] =	dma.local [hbm:s5], s4  }
0x9e: {  	_ =	swait.ge [sflag:s6], s4  }
0x9f: {  	s4 =	ssub.s32 $0x0, s4;
	[sflag:s6] =	ssyncset.done $0x0  }
0xa0: {  	[sflag:s6] =	ssyncadd.s32 s4;
	_ =	sdelay $0x1  }
0xa1: {  	s23 =	simm.s32 $0x1B8B  }
0xa2: {  	_ =	swait.ge [sflag:s23], $0x1  }
0xa3: {  	[sflag:s23] =	ssyncset.done $0x0  }
0xa4: {  	[sflag:s23] =	ssyncadd.s32 $0xFFFFFFFF  }
0xa5: {  	s4 =	sld [smem:$0x0]  }
0xa6: {  	s5 =	sand.u32 $0xFFFFFFFE, s1  }
0xa7: {  	p0 =	sne.s32 s1, s5  }
0xa8: {  	s5 =	sshll.u32 @p0 s5, $0xE  }
0xa9: {  	s5 =	sadd.s32 @p0 $0x11B8D, s5;
	s6 =	sshll.u32 @p0 s4, $0x11  }
0xaa: {  	s5 =	sor.u32 @p0 s6, s5  }
0xab: {  	[sflag:s5] =	ssyncadd.remote.s32 @p0 $0x1;
	_ =	sdelay $0x1  }
0xac: {  	s5 =	simm.s32 @p0 $0x1B8D  }
0xad: {  	_ =	swait.eq @p0 [sflag:s5], $0x1  }
0xae: {  	[sflag:s5] =	ssyncadd.s32 @p0 $0xFFFFFFFF  }
0xaf: {  	s6 =	sshll.u32 @!p0 s1, $0xE  }
0xb0: {  	s6 =	sor.u32 @!p0 $0x4000, s6;
	s5 =	simm.s32 @!p0 $0x1B8D  }
0xb1: {  	s4 =	sshll.u32 @!p0 s4, $0x11;
	s6 =	sadd.s32 @!p0 $0x11B8D, s6;
	_ =	swait.eq @!p0 [sflag:s5], $0x1  }
0xb2: {  	s4 =	sor.u32 @!p0 s4, s6;
	[sflag:s5] =	ssyncadd.s32 @!p0 $0xFFFFFFFF  }
0xb3: {  	s25 =	simm.s32 $0x1B8E;
	s24 =	sld [smem:$0x3FFE];
	[sflag:s4] =	ssyncadd.remote.s32 @!p0 $0x1  }
0xb4: {  	s26 =	simm.s32 $execute0_lowered;
	[smem:$0x3FD2] =	sst s25  }
0xb5: {  	s5 =	sshll.u32 s26, $0x1;
	_ =	strace $0x80000049;
	[dreg:$0x1] =	wrdreg $0xFFFFFFFF  }
0xb6: {  	s28 =	simm.s32 $_size_execute0_lowered;
	s3 =	sadd.s32 s3, s5;
	[dreg:$0x0] =	wrdreg $0x0  }
0xb7: {  	s5 =	sshll.u32 s28, $0x1;
	[dreg:$0x2] =	wrdreg s3  }
0xb8: {  	[dreg:$0x3] =	wrdreg s5  }
0xb9: {  	[dreg:$0x4] =	wrdreg $0xC0  }
0xba: {  	_ =	task [dreg:s22], $0x5FFFF  }
0xbb: {  	[dreg:$0x1] =	wrdreg $0xFFFFFFFF  }
0xbc: {  	[dreg:$0x0] =	wrdreg $0x60  }
0xbd: {  	[dreg:$0x2] =	wrdreg s24  }
0xbe: {  	[dreg:$0x3] =	wrdreg $0xA  }
0xbf: {  	_ =	task.clear_ibuf [dreg:s22], $0x4FFFF;
	_ =	strace $0x90000049  }
0xc0: {  	s29 =	simm.s32 $0xA;
	_ =	strace $0x8000004B  }
0xc1: {  	_ =	swait.ge [sflag:s29], $0x1  }
0xc2: {  	[sflag:s29] =	ssyncadd.s32 $0xFFFFFFFF  }
0xc3: {  	_ =	strace $0x9000004B  }
0xc4: {  	_ =	sfence  }
0xc5: {  	s30 =	sld [smem:$0x0];
	_ =	sdelay $0x2  }
0xc6: {  	s31 =	sshll.u32 s1, $0xD;
	s1 =	sshrl.u32 s1, $0x2  }
0xc7: {  	s4 =	sand.u32 $0x4000, s31;
	s1 =	sadd.s32 s1, s30  }
0xc8: {  	s0 =	sor.u32 s4, s0;
	s1 =	sshll.u32 s1, $0x11  }
0xc9: {  	s0 =	sor.u32 s1, s0  }
0xca: {  	s0 =	sadd.s32 $0x8F2B, s0  }
0xcb: {  	[sflag:s0] =	ssyncadd.remote.s32 $0x1  }
0xcc: {  	_ =	sfence.sel $0xFFFF  }
0xcd: {  	[dreg:$0x0] =	wrdreg $0xFFFFFFFF;
	(pc) =	sbr.abs _section_cstart, $3  }
0xce: {  	[dreg:$0x1] =	wrdreg $0xFFFFFFFF  }
0xcf: {  	_ =	task.clear_ibuf [dreg:s22], $0x2FFFF;
	_ =	strace $0x9FFFFFFF  }
0xd0: {  	(tm) =	ssettm $0x7FFFFFFF  }
0xd1: {  	_ =	shalt  }
tec
execute0_lowered:
.L_overlay_start_1:
0x0: {  	(tag) =	ssettag $0x1  }
0x1: {  	s4 =	rddreg [dreg:$0x0];
	s2 =	simm.s32 $0x0;
	s3 =	srdreg.scid  }
0x2: {  	s1 =	stileid.u32;
	s19 =	simm.s32 $0x200;
	s20 =	simm.s32 $0x3  }
0x3: {  	s21 =	simm.s32 $0x2;
	s22 =	simm.s32 $0x6600;
	s23 =	simm.s32 $0x4  }
0x4: {  	[smem:$0x7FF] =	sst s2;
	s12 =	sand.u32 $0x1, s3;
	s14 =	smul.u32 $0x4E20, s1  }
0x5: {  	s24 =	sshll.u32 s1, $0x1;
	s3 =	sadd.s32 $0x17C00, s4;
	s17 =	smul.u32 $0x4E200, s1  }
0x6: {  	s15 =	sadd.s32 $0x4000, s4;
	s13 =	sadd.s32 $0x520E00, s4;
	s16 =	smul.u32 $0x2710, s12  }
0x7: {  	s5 =	sor.u32 s12, s24;
	s6 =	ssub.s32 $0x2, s12;
	s18 =	smul.u32 $0x27100, s12  }
0x8: {  	_ =	strace $0x8000004A;
	s7 =	smul.u32 $0x2710, s5;
	s25 =	sshrl.u32 s6, $0x1  }
0x9: {  	s24 =	simm.s32 $0x5;
	s10 =	smul.u32 $0x27100, s5;
	s6 =	ssub.s32 s6, s25  }
0xa: {  	s14 =	sadd.s32 s16, s14;
	s25 =	simm.s32 $0x6;
	s26 =	sshrl.u32 s7, $0x3  }
0xb: {  	s9 =	sadd.s32 $0xC8, s7;
	s11 =	sadd.s32 $0x258, s7;
	s6 =	smax.u32 s6, $0x1  }
0xc: {  	s16 =	sadd.s32 $0x3E8, s14;
	s30 =	sadd.s32 $0x320, s14;
	s4 =	sadd.s32 s15, s26  }
0xd: {  	s8 =	sshrl.u32 s9, $0x3;
	s28 =	sshrl.u32 s11, $0x3;
	s29 =	sshll.u32 s9, $0x4  }
0xe: {  	s16 =	sshrl.u32 s16, $0x3;
	s31 =	sshrl.u32 s30, $0x3;
	s26 =	simm.s32 $0x0  }
0xf: {  	s5 =	sadd.s32 s15, s8;
	s7 =	sadd.s32 $0x32, s4;
	s8 =	sadd.s32 s13, s10  }
0x10: {  	s9 =	sadd.s32 s15, s28;
	s10 =	sadd.s32 s13, s29;
	s13 =	sadd.s32 s17, s13  }
0x11: {  	s14 =	sadd.s32 s16, s15;
	s15 =	sadd.s32 s31, s15;
	s16 =	simm.s32 $0x100  }
0x12: {  	s17 =	simm.s32 $0x1;
	s11 =	sadd.s32 $0x25800, s8;
	s13 =	sadd.s32 s18, s13  }
0x13: {  	s12 =	sadd.s32 $0x26480, s8;
	s18 =	simm.s32 $0xC8;
	s13 =	sadd.s32 $0x2580, s13  }
.LBB2_1:
0x14: {  	[tilespmem:s2], [sflag:$0x1] =	stream.linear.gather [hbm4b:s4+s2], $0xC8, $0x38;
	[tilespmem:$0xCA00] =	vst v63  }
0x15: {  	_ = 	snop  }
0x16: {  	[tilespmem:s16], [sflag:$0x2] =	stream.linear.gather [hbm4b:s5+s2], $0xC8, $0x38;
	[tilespmem:$0xCA00] =	vst v63  }
0x17: {  	_ =	swait.ge [sflag:s17], $0xC8  }
0x18: {  	[sflag:s17] =	ssyncset.done $0x0  }
0x19: {  	[sflag:s17] =	ssyncadd.s32 $0xFFFFFF38  }
0x1a: {  	[tilespmem:s19], [sflag:$0x3] =	stream.indirect.gather [hbm4b:s3+s18], $0x80, s2, s18, $0xb8;
	[tilespmem:$0xCA00] =	vst v63  }
0x1b: {  	_ =	swait.ge [sflag:s20], $0x6400  }
0x1c: {  	[sflag:s20] =	ssyncset.done $0x0  }
0x1d: {  	[sflag:s20] =	ssyncadd.s32 $0xFFFF9C00  }
0x1e: {  	[tilespmem:s2], [sflag:$0x1] =	stream.linear.gather [hbm4b:s7+s2], $0xC8, $0x38;
	[tilespmem:$0xCA00] =	vst v63  }
0x1f: {  	_ = 	snop  }
0x20: {  	[hbm4b:s8+s2] =	stream.linear.scatter [tilespmem:s19], [sflag:$0x5], $0x6400, $0x38;
	[tilespmem:$0xCA00] =	vst v63  }
0x21: {  	_ =	swait.ge [sflag:s21], $0xC8  }
0x22: {  	[sflag:s21] =	ssyncset.done $0x0  }
0x23: {  	[sflag:s21] =	ssyncadd.s32 $0xFFFFFF38  }
0x24: {  	[tilespmem:s22], [sflag:$0x4] =	stream.indirect.gather [hbm4b:s3+s18], $0x80, s16, s18, $0xb8;
	[tilespmem:$0xCA00] =	vst v63  }
0x25: {  	_ =	swait.ge [sflag:s23], $0x6400  }
0x26: {  	[sflag:s23] =	ssyncset.done $0x0  }
0x27: {  	[sflag:s23] =	ssyncadd.s32 $0xFFFF9C00  }
0x28: {  	[tilespmem:s16], [sflag:$0x2] =	stream.linear.gather [hbm4b:s9+s2], $0xC8, $0x38;
	[tilespmem:$0xCA00] =	vst v63  }
0x29: {  	_ = 	snop  }
0x2a: {  	[hbm4b:s10+s2] =	stream.linear.scatter [tilespmem:s22], [sflag:$0x6], $0x6400, $0x38;
	[tilespmem:$0xCA00] =	vst v63  }
0x2b: {  	_ =	swait.ge [sflag:s24], $0x6400  }
0x2c: {  	[sflag:s24] =	ssyncset.done $0x0  }
0x2d: {  	[sflag:s24] =	ssyncadd.s32 $0xFFFF9C00  }
0x2e: {  	_ =	swait.ge [sflag:s17], $0xC8  }
0x2f: {  	[sflag:s17] =	ssyncset.done $0x0  }
0x30: {  	[sflag:s17] =	ssyncadd.s32 $0xFFFFFF38  }
0x31: {  	[tilespmem:s19], [sflag:$0x3] =	stream.indirect.gather [hbm4b:s3+s18], $0x80, s2, s18, $0xb8;
	[tilespmem:$0xCA00] =	vst v63  }
0x32: {  	_ =	swait.ge [sflag:s20], $0x6400  }
0x33: {  	[sflag:s20] =	ssyncset.done $0x0  }
0x34: {  	s28 =	sadd.s32 $0x0, s15;
	[sflag:s20] =	ssyncadd.s32 $0xFFFF9C00  }
0x35: {  	[tilespmem:s2], [sflag:$0x1] =	stream.linear.gather [hbm4b:s28+s2], $0xC8, $0x38;
	[tilespmem:$0xCA00] =	vst v63  }
0x36: {  	s28 =	sadd.s32 $0xFFFFF380, s13  }
0x37: {  	[hbm4b:s28+s2] =	stream.linear.scatter [tilespmem:s19], [sflag:$0x5], $0x6400, $0x38;
	[tilespmem:$0xCA00] =	vst v63  }
0x38: {  	_ =	swait.ge [sflag:s25], $0x6400  }
0x39: {  	[sflag:s25] =	ssyncset.done $0x0  }
0x3a: {  	[sflag:s25] =	ssyncadd.s32 $0xFFFF9C00  }
0x3b: {  	_ =	swait.ge [sflag:s21], $0xC8  }
0x3c: {  	[sflag:s21] =	ssyncset.done $0x0  }
0x3d: {  	[sflag:s21] =	ssyncadd.s32 $0xFFFFFF38  }
0x3e: {  	[tilespmem:s22], [sflag:$0x4] =	stream.indirect.gather [hbm4b:s3+s18], $0x80, s16, s18, $0xb8;
	[tilespmem:$0xCA00] =	vst v63  }
0x3f: {  	_ =	swait.ge [sflag:s23], $0x6400  }
0x40: {  	[sflag:s23] =	ssyncset.done $0x0  }
0x41: {  	s28 =	sadd.s32 $0x0, s14;
	[sflag:s23] =	ssyncadd.s32 $0xFFFF9C00  }
0x42: {  	[tilespmem:s16], [sflag:$0x2] =	stream.linear.gather [hbm4b:s28+s2], $0xC8, $0x38;
	[tilespmem:$0xCA00] =	vst v63  }
0x43: {  	s29 =	sadd.s32 $0x1900, s13;
	s30 =	smov.u32 s13;
	s28 =	simm.s32 $0x32  }
.LBB2_2:
0x44: {  	[hbm4b:s30+s2] =	stream.linear.scatter [tilespmem:s22], [sflag:$0x6], $0x6400, $0x38;
	[tilespmem:$0xCA00] =	vst v63  }
0x45: {  	s31 =	smov.u32 s28;
	s30 =	smov.u32 s29  }
0x46: {  	p0 =	sne.s32 s28, $0x44C;
	s28 =	sadd.s32 $0x32, s28;
	_ =	swait.ge [sflag:s24], $0x6400  }
0x47: {  	[sflag:s24] =	ssyncset.done $0x0  }
0x48: {  	[sflag:s24] =	ssyncadd.s32 $0xFFFF9C00  }
0x49: {  	_ =	swait.ge [sflag:s17], $0xC8  }
0x4a: {  	[sflag:s17] =	ssyncset.done $0x0  }
0x4b: {  	[sflag:s17] =	ssyncadd.s32 $0xFFFFFF38  }
0x4c: {  	[tilespmem:s19], [sflag:$0x3] =	stream.indirect.gather [hbm4b:s3+s18], $0x80, s2, s18, $0xb8;
	[tilespmem:$0xCA00] =	vst v63  }
0x4d: {  	_ =	swait.ge [sflag:s20], $0x6400  }
0x4e: {  	[sflag:s20] =	ssyncset.done $0x0  }
0x4f: {  	s0 =	sadd.s32 s31, s15;
	[sflag:s20] =	ssyncadd.s32 $0xFFFF9C00  }
0x50: {  	[tilespmem:s2], [sflag:$0x1] =	stream.linear.gather [hbm4b:s0+s2], $0xC8, $0x38;
	[tilespmem:$0xCA00] =	vst v63  }
0x51: {  	s0 =	sadd.s32 $0xFFFFF380, s29  }
0x52: {  	[hbm4b:s0+s2] =	stream.linear.scatter [tilespmem:s19], [sflag:$0x5], $0x6400, $0x38;
	[tilespmem:$0xCA00] =	vst v63  }
0x53: {  	_ =	swait.ge [sflag:s25], $0x6400  }
0x54: {  	[sflag:s25] =	ssyncset.done $0x0  }
0x55: {  	[sflag:s25] =	ssyncadd.s32 $0xFFFF9C00  }
0x56: {  	_ =	swait.ge [sflag:s21], $0xC8  }
0x57: {  	[sflag:s21] =	ssyncset.done $0x0  }
0x58: {  	[sflag:s21] =	ssyncadd.s32 $0xFFFFFF38  }
0x59: {  	[tilespmem:s22], [sflag:$0x4] =	stream.indirect.gather [hbm4b:s3+s18], $0x80, s16, s18, $0xb8;
	[tilespmem:$0xCA00] =	vst v63  }
.Ltmp0:
0x5a: {  	_ =	swait.ge [sflag:s23], $0x6400;
	(pc) =	sbr.rel @p0 .LBB2_2-.Ltmp0, $4  }
0x5b: {  	[sflag:s23] =	ssyncset.done $0x0  }
0x5c: {  	s0 =	sadd.s32 s31, s14;
	[sflag:s23] =	ssyncadd.s32 $0xFFFF9C00  }
0x5d: {  	[tilespmem:s16], [sflag:$0x2] =	stream.linear.gather [hbm4b:s0+s2], $0xC8, $0x38;
	[tilespmem:$0xCA00] =	vst v63  }
0x5e: {  	s29 =	sadd.s32 $0x1900, s29  }
0x5f: {  	[hbm4b:s30+s2] =	stream.linear.scatter [tilespmem:s22], [sflag:$0x6], $0x6400, $0x38;
	[tilespmem:$0xCA00] =	vst v63  }
0x60: {  	_ =	swait.ge [sflag:s24], $0x6400  }
0x61: {  	[sflag:s24] =	ssyncset.done $0x0  }
0x62: {  	[sflag:s24] =	ssyncadd.s32 $0xFFFF9C00  }
0x63: {  	_ =	swait.ge [sflag:s17], $0xC8  }
0x64: {  	[sflag:s17] =	ssyncset.done $0x0  }
0x65: {  	[sflag:s17] =	ssyncadd.s32 $0xFFFFFF38  }
0x66: {  	[tilespmem:s19], [sflag:$0x3] =	stream.indirect.gather [hbm4b:s3+s18], $0x80, s2, s18, $0xb8;
	[tilespmem:$0xCA00] =	vst v63  }
0x67: {  	_ =	swait.ge [sflag:s20], $0x6400  }
0x68: {  	[sflag:s20] =	ssyncset.done $0x0  }
0x69: {  	[sflag:s20] =	ssyncadd.s32 $0xFFFF9C00  }
0x6a: {  	[hbm4b:s11+s2] =	stream.linear.scatter [tilespmem:s19], [sflag:$0x5], $0x6400, $0x38;
	[tilespmem:$0xCA00] =	vst v63  }
0x6b: {  	_ =	swait.ge [sflag:s25], $0x6400  }
0x6c: {  	[sflag:s25] =	ssyncset.done $0x0  }
0x6d: {  	[sflag:s25] =	ssyncadd.s32 $0xFFFF9C00  }
0x6e: {  	_ =	swait.ge [sflag:s21], $0xC8  }
0x6f: {  	[sflag:s21] =	ssyncset.done $0x0  }
0x70: {  	[sflag:s21] =	ssyncadd.s32 $0xFFFFFF38  }
0x71: {  	[tilespmem:s22], [sflag:$0x4] =	stream.indirect.gather [hbm4b:s3+s18], $0x80, s16, s18, $0xb8;
	[tilespmem:$0xCA00] =	vst v63  }
0x72: {  	_ =	swait.ge [sflag:s23], $0x6400  }
0x73: {  	[sflag:s23] =	ssyncset.done $0x0  }
0x74: {  	s26 =	sadd.s32 $0x1, s26;
	[sflag:s23] =	ssyncadd.s32 $0xFFFF9C00  }
0x75: {  	[hbm4b:s12+s2] =	stream.linear.scatter [tilespmem:s22], [sflag:$0x6], $0x6400, $0x38;
	[tilespmem:$0xCA00] =	vst v63  }
0x76: {  	p0 =	sne.s32 s26, s6;
	_ =	swait.ge [sflag:s24], $0x6400  }
.Ltmp1:
0x77: {  	[sflag:s24] =	ssyncset.done $0x0;
	(pc) =	sbr.rel @p0 .LBB2_1-.Ltmp1, $4  }
0x78: {  	[sflag:s24] =	ssyncadd.s32 $0xFFFF9C00  }
0x79: {  	_ =	swait.ge [sflag:s25], $0x6400  }
0x7a: {  	[sflag:s25] =	ssyncset.done $0x0  }
0x7b: {  	[sflag:s25] =	ssyncadd.s32 $0xFFFF9C00  }
0x7c: {  	_ =	sfence.sel $0x180000  }
0x7d: {  	[bflag:$0x0] =	sbarrier.arrive $0xFFFF  }
0x7e: {  	_ =	strace $0x9000004A  }
0x7f: {  	[bflag:$0x2] =	sbarrier.arrive $0xFFFF  }
0x80: {  	p0 =	sne.s32 s1, $0x0;
	s0 =	rddreg [dreg:$0x1]  }
0x81: {  	s0 =	sadd.s32 @!p0 $0x100000, s0  }
0x82: {  	[sflag:s0] =	ssyncadd.tile.s32 @!p0 $0x1;
	_ =	shalt  }
.Lfunc_end2:
_tile_overlayer_lowered:
.L_overlay_start_2:
0x83: {  	(tag) =	ssettag $0x2  }
0x84: {  	s0 =	rddreg [dreg:$0x0];
	s2 =	stileid.u32  }
0x85: {  	s1 =	rddreg [dreg:$0x1];
	p0 =	sne.s32 s2, $0x0  }
0x86: {  	s3 =	rddreg [dreg:$0x2];
	[bflag:$0x3] =	sbarrier.arrive $0xFFFF;
	s2 =	simm.s32 @!p0 $0x1C07  }
0x87: {  	[timem:s3], [sflag:s2] =	dma.local @!p0 [hbm:s0], s1  }
0x88: {  	s0 =	simm.s32 @!p0 $0x7  }
0x89: {  	_ =	swait.ge @!p0 [sflag:s0], s1  }
0x8a: {  	s1 =	ssub.s32 @!p0 $0x0, s1;
	[sflag:s0] =	ssyncset.done @!p0 $0x0  }
0x8b: {  	[sflag:s0] =	ssyncadd.s32 @!p0 s1  }
0x8c: {  	[bflag:$0x3] =	sbarrier.arrive $0xFFFF  }
0x8d: {  	_ =	shalt  }

// kernel: kernel.14.cloned.1.call-start
scs
__scs_entry_jumppad:
0x0: {  	(pc) =	sbr.rel $0x88, $3  }
0x1: {  	(tag) =	ssettag $0x0;
	lr =	simm.s32 $0x1  }
0x2: {  	[smem:$0x3F8C] =	sst lr;
	_ =	strace $0xD0000000  }
0x3: {  	_ = 	snop  }
0x4: {  	_ = 	snop  }
0x5: {  	_ = 	snop  }
0x6: {  	_ = 	snop  }
0x7: {  	_ = 	snop  }
__scs_overlays_trampoline_lowered:
0x8: {  	[smem:$0x3F9B] =	sst s0  }
0x9: {  	[smem:$0x3F9C] =	sst s1  }
0xa: {  	[smem:$0x3F9D] =	sst s2  }
0xb: {  	[smem:$0x3F9E] =	sst s3  }
0xc: {  	[smem:$0x3F9F] =	sst s4  }
0xd: {  	[smem:$0x3FA0] =	sst s5  }
0xe: {  	[smem:$0x3FA1] =	sst s6  }
0xf: {  	[smem:$0x3FA2] =	sst s7  }
0x10: {  	[smem:$0x3FA3] =	sst s8  }
0x11: {  	[smem:$0x3FA4] =	sst s9;
	s0 =	simm.s32 @!p0 $0x0  }
0x12: {  	s1 =	sld [smem:$0x3F8A];
	s0 =	simm.s32 @p0 $0x1  }
0x13: {  	[smem:$0x3FA5] =	sst s0;
	s0 =	simm.s32 @!p1 $0x0  }
0x14: {  	s2 =	sld [smem:$0x3F89];
	s0 =	simm.s32 @p1 $0x1  }
0x15: {  	[smem:$0x3FA6] =	sst s0;
	s0 =	simm.s32 @!p2 $0x0  }
0x16: {  	s3 =	sld [smem:$0x3FDB];
	s0 =	simm.s32 @p2 $0x1  }
0x17: {  	s4 =	simm.s32 $0x1BF5;
	[smem:$0x3FA8] =	sst s0  }
0x18: {  	s0 =	sld [smem:$0x3F8B];
	_ =	swait.ge [sflag:s4], $0x0  }
0x19: {  	s7 =	sld [smem:$0x3F8C]  }
0x1a: {  	s8 =	sadd.s32 $0xFFFFE003, lr  }
0x1b: {  	s9 =	sadd.s32 $0xFFFFFEF7, lr;
	s5 =	simm.s32 $0xFFFFFFFF;
	p2 =	slt.u32 s8, $0xFFFFF086  }
0x1c: {  	p1 =	slt.u32 s9, $0xF7A;
	s5 =	simm.s32 @!p2 $0x0  }
0x1d: {  	s5 =	simm.s32 @p1 $0x1;
	p0 =	seq.s32 s7, s2  }
0x1e: {  	s7 =	smul.u32 @!p0 $0xF7A, s2;
	p2 =	seq.s32 @!p0 s5, $0x0  }
0x1f: {  	s9 =	smul.u32 $0xF7A, s1;
	s8 =	simm.s32 @!p0 $0x1BF5;
	p2 =	por !p2, p0  }
0x20: {  	[sflag:s8] =	ssyncset.s32 @!p0 $0xFFFFF086;
	s6 =	sadd.s32 @!p0 s3, s7;
	s7 =	simm.s32 @!p0 $0x108  }
0x21: {  	s3 =	sadd.s32 s3, s9;
	s6 =	sadd.s32 @!p0 $0x88, s6;
	s7 =	simm.s32 @p2 $0x1082  }
0x22: {  	[simem:s7], [sflag:s8] =	dma.local @!p0 [hbm:s6], $0xF7A  }
0x23: {  	s9 =	sor.u32 $0xD0000000, s2;
	s6 =	simm.s32 $0x108;
	_ =	swait.ge @!p0 [sflag:s8], $0x0  }
0x24: {  	s3 =	sadd.s32 $0x88, s3;
	s6 =	simm.s32 @!p1 $0x1082;
	[sflag:s4] =	ssyncset.s32 $0xFFFFF086  }
0x25: {  	[simem:s6], [sflag:s4] =	dma.local [hbm:s3], $0xF7A  }
0x26: {  	[smem:$0x3F8C] =	sst s1;
	(tag) =	ssettag s2;
	_ =	strace s9  }
0x27: {  	s1 =	sld [smem:$0x3F9C]  }
0x28: {  	s2 =	sld [smem:$0x3F9D]  }
0x29: {  	s4 =	sld [smem:$0x3F9F]  }
0x2a: {  	p0 =	seq.s32 s5, $0x0;
	s5 =	sld [smem:$0x3FA0]  }
0x2b: {  	s6 =	sld [smem:$0x3FA1]  }
0x2c: {  	s7 =	sld [smem:$0x3FA2]  }
0x2d: {  	s3 =	simm.s32 $0x108;
	s8 =	sld [smem:$0x3FA3]  }
0x2e: {  	s3 =	simm.s32 @!p0 $0x1082;
	s9 =	sld [smem:$0x3FA4]  }
0x2f: {  	lr =	sadd.s32 s0, s3;
	s0 =	sld [smem:$0x3F9B]  }
0x30: {  	s3 =	sld [smem:$0x3F9E]  }
0x31: {  	[smem:$0x3FA7] =	sst s10  }
0x32: {  	s10 =	sld [smem:$0x3FA5];
	_ =	sdelay $0x3  }
0x33: {  	p0 =	seq.s32 s10, $0x1;
	s10 =	sld [smem:$0x3FA7];
	_ =	sdelay $0x3  }
0x34: {  	[smem:$0x3FA7] =	sst s10  }
0x35: {  	s10 =	sld [smem:$0x3FA6];
	_ =	sdelay $0x3  }
0x36: {  	p1 =	seq.s32 s10, $0x1;
	s10 =	sld [smem:$0x3FA7];
	_ =	sdelay $0x3  }
0x37: {  	[smem:$0x3FA7] =	sst s10  }
0x38: {  	s10 =	sld [smem:$0x3FA8]  }
0x39: {  	_ = 	snop;
	(pc) =	sbr.ind lr, $3  }
0x3a: {  	_ = 	snop  }
0x3b: {  	_ = 	snop  }
0x3c: {  	p2 =	seq.s32 s10, $0x1;
	s10 =	sld [smem:$0x3FA7]  }
0x3d: {  	_ =	shalt  }
0x3e: {  	_ =	shalt  }
0x3f: {  	_ =	shalt  }
0x40: {  	_ =	shalt  }
0x41: {  	_ =	shalt  }
0x42: {  	_ =	shalt  }
0x43: {  	_ =	shalt  }
0x44: {  	_ =	shalt  }
0x45: {  	_ =	shalt  }
0x46: {  	_ =	shalt  }
0x47: {  	_ =	shalt  }
0x48: {  	_ =	shalt  }
0x49: {  	_ =	shalt  }
0x4a: {  	_ =	shalt  }
0x4b: {  	_ =	shalt  }
0x4c: {  	_ =	shalt  }
0x4d: {  	_ =	shalt  }
0x4e: {  	_ =	shalt  }
0x4f: {  	_ =	shalt  }
0x50: {  	_ =	shalt  }
0x51: {  	_ =	shalt  }
0x52: {  	_ =	shalt  }
0x53: {  	_ =	shalt  }
0x54: {  	_ =	shalt  }
0x55: {  	_ =	shalt  }
0x56: {  	_ =	shalt  }
0x57: {  	_ =	shalt  }
0x58: {  	_ =	shalt  }
0x59: {  	_ =	shalt  }
0x5a: {  	_ =	shalt  }
0x5b: {  	_ =	shalt  }
0x5c: {  	_ =	shalt  }
0x5d: {  	_ =	shalt  }
0x5e: {  	_ =	shalt  }
0x5f: {  	_ =	shalt  }
0x60: {  	_ =	shalt  }
0x61: {  	_ =	shalt  }
0x62: {  	_ =	shalt  }
0x63: {  	_ =	shalt  }
0x64: {  	_ =	shalt  }
0x65: {  	_ =	shalt  }
0x66: {  	_ =	shalt  }
0x67: {  	_ =	shalt  }
0x68: {  	_ =	shalt  }
0x69: {  	_ =	shalt  }
0x6a: {  	_ =	shalt  }
0x6b: {  	_ =	shalt  }
0x6c: {  	_ =	shalt  }
0x6d: {  	_ =	shalt  }
0x6e: {  	_ =	shalt  }
0x6f: {  	_ =	shalt  }
0x70: {  	_ =	shalt  }
0x71: {  	_ =	shalt  }
0x72: {  	_ =	shalt  }
0x73: {  	_ =	shalt  }
0x74: {  	_ =	shalt  }
0x75: {  	_ =	shalt  }
0x76: {  	_ =	shalt  }
0x77: {  	_ =	shalt  }
0x78: {  	_ =	shalt  }
0x79: {  	_ =	shalt  }
0x7a: {  	_ =	shalt  }
0x7b: {  	_ =	shalt  }
0x7c: {  	_ =	shalt  }
0x7d: {  	_ =	shalt  }
0x7e: {  	_ =	shalt  }
0x7f: {  	_ =	shalt  }
0x80: {  	_ =	shalt  }
0x81: {  	_ =	shalt  }
0x82: {  	_ =	shalt  }
0x83: {  	_ =	shalt  }
0x84: {  	_ =	shalt  }
0x85: {  	_ =	shalt  }
0x86: {  	_ =	shalt  }
0x87: {  	_ =	shalt  }
.Lfunc_end0:
.L_simem_size_0:
called_computation.2_lowered:
.L_overlay_start_0:
0x88: {  	s2 =	sld [smem:$0x3FD9]  }
0x89: {  	s3 =	sld [smem:$0x3FFE];
	_ =	sdelay $0x1  }
0x8a: {  	s1 =	srdreg.scid  }
0x8b: {  	s0 =	sand.u32 $0x1, s1  }
0x8c: {  	s16 =	sshll.u32 s0, $0xA;
	s2 =	sadd.s32 s3, s2  }
0x8d: {  	s2 =	sadd.s32 s2, s16  }
0x8e: {  	[smem:$0x3FB3] =	sst s2  }
0x8f: {  	_ = 	snop  }
0x90: {  	(tm) =	ssettm $0x1  }
0x91: {  	s17 =	sld [smem:$0x3FFB];
	_ =	sdelay $0x3  }
0x92: {  	_ =	strace s17  }
0x93: {  	s2 =	sld [smem:$0x3FFC];
	_ =	sdelay $0x3  }
0x94: {  	_ =	strace s2  }
0x95: {  	s2 =	sld [smem:$0x3FFD];
	_ =	sdelay $0x3  }
0x96: {  	_ =	strace s2  }
0x97: {  	_ =	strace $0x8FFFFFFF  }
0x98: {  	s18 =	sld [smem:$0x3FDB];
	_ =	sdelay $0x1  }
0x99: {  	s19 =	simm.s32 $_scs_section_size  }
0x9a: {  	s4 =	simm.s32 $_size__tile_overlayer_lowered;
	s5 =	simm.s32 $_tile_overlayer_lowered  }
0x9b: {  	s22 =	simm.s32 $0x1BFF;
	s21 =	sshll.u32 s5, $0x1;
	s2 =	sadd.s32 s19, s18  }
0x9c: {  	s6 =	simm.s32 $0x0;
	s20 =	sshll.u32 s4, $0x1;
	s4 =	sadd.s32 s21, s2  }
0x9d: {  	[timem:s6], [sflag:s22] =	dma.local [hbm:s4], s20  }
0x9e: {  	_ =	swait.ge [sflag:s22], s20  }
0x9f: {  	s3 =	ssub.s32 $0x0, s20;
	[sflag:s22] =	ssyncset.done $0x0  }
0xa0: {  	[sflag:s22] =	ssyncadd.s32 s3;
	_ =	sdelay $0x1  }
0xa1: {  	s23 =	simm.s32 $0x1B8B  }
0xa2: {  	_ =	swait.ge [sflag:s23], $0x1  }
0xa3: {  	[sflag:s23] =	ssyncset.done $0x0  }
0xa4: {  	s25 =	simm.s32 $0x1B8E;
	s24 =	sld [smem:$0x3FFE];
	[sflag:s23] =	ssyncadd.s32 $0xFFFFFFFF  }
0xa5: {  	s26 =	simm.s32 $execute0_lowered;
	[smem:$0x3FD2] =	sst s25  }
0xa6: {  	s4 =	sshll.u32 s26, $0x1;
	_ =	strace $0x8000004C;
	[dreg:$0x1] =	wrdreg $0xFFFFFFFF  }
0xa7: {  	s28 =	simm.s32 $_size_execute0_lowered;
	s2 =	sadd.s32 s2, s4;
	[dreg:$0x0] =	wrdreg $0x0  }
0xa8: {  	s4 =	sshll.u32 s28, $0x1;
	[dreg:$0x2] =	wrdreg s2  }
0xa9: {  	[dreg:$0x3] =	wrdreg s4  }
0xaa: {  	[dreg:$0x4] =	wrdreg $0xC0  }
0xab: {  	_ =	task [dreg:s6], $0x5FFFF  }
0xac: {  	[dreg:$0x1] =	wrdreg $0xFFFFFFFF  }
0xad: {  	[dreg:$0x0] =	wrdreg $0x60  }
0xae: {  	[dreg:$0x2] =	wrdreg s24  }
0xaf: {  	[dreg:$0x3] =	wrdreg $0xAA000  }
0xb0: {  	[dreg:$0x4] =	wrdreg $0x9  }
0xb1: {  	_ =	task.clear_ibuf [dreg:s6], $0x5FFFF;
	_ =	strace $0x9000004C  }
0xb2: {  	s29 =	simm.s32 $0x9;
	_ =	strace $0x8000004E  }
0xb3: {  	_ =	swait.ge [sflag:s29], $0x1  }
0xb4: {  	[sflag:s29] =	ssyncadd.s32 $0xFFFFFFFF  }
0xb5: {  	_ =	strace $0x9000004E  }
0xb6: {  	_ =	sfence  }
0xb7: {  	s30 =	sld [smem:$0x0];
	_ =	sdelay $0x2  }
0xb8: {  	s31 =	sshll.u32 s1, $0xD;
	s1 =	sshrl.u32 s1, $0x2  }
0xb9: {  	s3 =	sand.u32 $0x4000, s31;
	s1 =	sadd.s32 s1, s30  }
0xba: {  	s0 =	sor.u32 s3, s0;
	s1 =	sshll.u32 s1, $0x11  }
0xbb: {  	s0 =	sor.u32 s1, s0  }
0xbc: {  	s0 =	sadd.s32 $0x8F2B, s0  }
0xbd: {  	[sflag:s0] =	ssyncadd.remote.s32 $0x1  }
0xbe: {  	_ =	sfence.sel $0xFFFF  }
0xbf: {  	[dreg:$0x0] =	wrdreg $0xFFFFFFFF;
	(pc) =	sbr.abs _section_cstart, $3  }
0xc0: {  	[dreg:$0x1] =	wrdreg $0xFFFFFFFF  }
0xc1: {  	_ =	task.clear_ibuf [dreg:s6], $0x2FFFF;
	_ =	strace $0x9FFFFFFF  }
0xc2: {  	(tm) =	ssettm $0x7FFFFFFF  }
0xc3: {  	_ =	shalt  }
tec
execute0_lowered:
.L_overlay_start_1:
0x0: {  	(tag) =	ssettag $0x1  }
0x1: {  	s0 =	rddreg [dreg:$0x0]  }
0x2: {  	s1 =	rddreg [dreg:$0x1];
	s13 =	stileid.u32  }
0x3: {  	s2 =	srdreg.scid;
	s5 =	smul.u32 $0xA400, s13  }
0x4: {  	s3 =	simm.s32 $0x0;
	s2 =	sand.u32 $0x1, s2;
	s16 =	smul.u32 $0x29000, s13  }
0x5: {  	[smem:$0x7FF] =	sst s3;
	s6 =	sadd.s32 $0xA02E00, s0;
	s18 =	smul.u32 $0x4E20, s13  }
0x6: {  	s7 =	sadd.s32 $0xEE4E00, s0;
	s4 =	smul.u32 $0x148000, s2;
	s9 =	ssub.s32 $0x2, s2  }
0x7: {  	s8 =	sadd.s32 $0xDE00, s0;
	_ =	strace $0x8000004D;
	s17 =	sshrl.u32 s9, $0x1  }
0x8: {  	s11 =	sadd.s32 $0x50, s18;
	s4 =	sadd.s32 s5, s4;
	s5 =	sshrl.u32 s16, $0x2  }
0x9: {  	s9 =	ssub.s32 s9, s17;
	s26 =	sshll.u32 s11, $0x4;
	s4 =	sshrl.u32 s4, $0x3  }
0xa: {  	s30 =	sadd.s32 s7, s26;
	s0 =	sadd.s32 s4, s0;
	s4 =	sadd.s32 s5, s1  }
0xb: {  	[dreg:$0xe] =	wrdreg s30;
	s5 =	sshrl.u32 s18, $0x3;
	s18 =	smax.u32 s9, $0x1  }
0xc: {  	[dreg:$0x14] =	wrdreg s18  }
0xd: {  	s10 =	sadd.s32 $0x800, s4;
	[dreg:$0x3] =	wrdreg s4  }
0xe: {  	s19 =	sadd.s32 $0x1000, s4;
	[dreg:$0x4] =	wrdreg s10  }
0xf: {  	s20 =	sadd.s32 $0x1800, s4;
	[dreg:$0x5] =	wrdreg s19  }
0x10: {  	s21 =	sadd.s32 $0x2000, s4;
	[dreg:$0x6] =	wrdreg s20  }
0x11: {  	s22 =	sadd.s32 $0x2800, s4;
	[dreg:$0x7] =	wrdreg s21  }
0x12: {  	s23 =	sadd.s32 $0x3000, s4;
	[dreg:$0x8] =	wrdreg s22  }
0x13: {  	s12 =	sadd.s32 $0x3800, s4;
	[dreg:$0x9] =	wrdreg s23  }
0x14: {  	s25 =	sadd.s32 $0x4000, s4;
	[dreg:$0xa] =	wrdreg s12  }
0x15: {  	s28 =	simm.s32 $0x7A00;
	s14 =	sadd.s32 $0x4800, s4;
	[dreg:$0xb] =	wrdreg s25  }
0x16: {  	s29 =	simm.s32 $0x0;
	s5 =	sadd.s32 s8, s5;
	[dreg:$0xc] =	wrdreg s14  }
0x17: {  	s24 =	smul.u32 $0x4E200, s13;
	s17 =	sadd.s32 $0x17C00, s0;
	[dreg:$0x10] =	wrdreg s5  }
0x18: {  	s31 =	smul.u32 $0x9C4, s13;
	s0 =	sadd.s32 $0x2C400, s0;
	[dreg:$0x12] =	wrdreg s17  }
0x19: {  	s2 =	smul.u32 $0x1400, s2;
	s30 =	sadd.s32 $0x9000, s4;
	[dreg:$0x13] =	wrdreg s0  }
0x1a: {  	s15 =	sadd.s32 s31, s8;
	s31 =	sadd.s32 $0x9800, s4;
	[dreg:$0x1d] =	wrdreg s30  }
0x1b: {  	s14 =	sadd.s32 s6, s24;
	s6 =	sadd.s32 s6, s26;
	[dreg:$0x1e] =	wrdreg s31  }
0x1c: {  	s16 =	sadd.s32 s7, s24;
	s10 =	sadd.s32 $0x5000, s4;
	[dreg:$0xd] =	wrdreg s6  }
0x1d: {  	s7 =	simm.s32 $0x5;
	s19 =	sadd.s32 $0x1E, s15;
	[dreg:$0xf] =	wrdreg s10  }
0x1e: {  	s9 =	simm.s32 $0x2;
	s20 =	sadd.s32 $0x5800, s4;
	[dreg:$0x15] =	wrdreg s19  }
0x1f: {  	s18 =	simm.s32 $0x5200;
	s21 =	sadd.s32 $0x6000, s4;
	[dreg:$0x16] =	wrdreg s20  }
0x20: {  	s12 =	sshrl.u32 s11, $0x3;
	s22 =	sadd.s32 $0x6800, s4;
	[dreg:$0x17] =	wrdreg s21  }
0x21: {  	s23 =	sadd.s32 $0x7000, s4;
	s24 =	sadd.s32 $0x7800, s4;
	[dreg:$0x18] =	wrdreg s22  }
0x22: {  	s25 =	sadd.s32 $0x8000, s4;
	s26 =	sadd.s32 $0x8800, s4;
	[dreg:$0x19] =	wrdreg s23  }
0x23: {  	s17 =	simm.s32 $0xA200;
	s5 =	simm.s32 $0x2A00;
	[dreg:$0x1a] =	wrdreg s24  }
0x24: {  	s11 =	simm.s32 $0x3;
	s13 =	sadd.s32 s8, s12;
	[dreg:$0x1b] =	wrdreg s25  }
.Ltmp0:
0x25: {  	[dreg:$0x1c] =	wrdreg s26;
	s21 =	simm.s32 $0x9;
	(pc) =	sbr.rel .LBB2_1-.Ltmp0, $4  }
0x26: {  	s22 =	simm.s32 $0x200;
	s23 =	simm.s32 $0x80;
	s6 =	simm.s32 $0x1  }
0x27: {  	s8 =	simm.s32 $0x50;
	s10 =	simm.s32 $0x6;
	s12 =	simm.s32 $0x7  }
0x28: {  	s19 =	simm.s32 $0xA;
	s20 =	simm.s32 $0x4;
	s25 =	simm.s32 $0x8  }
0x29: {  	v1 =	vimm.f32 $0.0e+00;
	v0 =	vmov s2;
	s26 =	simm.s32 $0x180;
	[dreg:$0x11] =	wrdreg s13;
	s13 =	simm.s32 $0x100  }
.LBB2_11:
0x2a: {  	[bflag:$0x0] =	sbarrier.arrive $0xFFFF  }
0x2b: {  	s4 =	sld [smem:$0x7FD]  }
0x2c: {  	s0 =	rddreg [dreg:$0x13]  }
0x2d: {  	s2 =	rddreg [dreg:$0x1f]  }
0x2e: {  	[hbm:s0], [sflag:s2] =	dma.local [spmem:s4], $0x1480  }
0x2f: {  	_ =	swait.ge [sflag:s21], $0x1480  }
0x30: {  	s29 =	sadd.s32 $0x1, s29;
	s31 =	rddreg [dreg:$0x14]  }
0x31: {  	p0 =	sne.s32 s29, s31  }
.Ltmp1:
0x32: {  	_ = 	snop;
	(pc) =	sbr.rel @!p0 .LBB2_12-.Ltmp1, $3  }
0x33: {  	[sflag:s21] =	ssyncset.done $0x0  }
0x34: {  	[sflag:s21] =	ssyncadd.s32 $0xFFFFEB80  }
0x35: {  	[bflag:$0x0] =	sbarrier.arrive $0xFFFF;
	_ =	sdelay $0x1  }
.LBB2_1:
0x36: {  	[tilespmem:$0xA200] =	vst v1  }
0x37: {  	[tilespmem:$0xA210] =	vst v1  }
0x38: {  	[tilespmem:$0xA220] =	vst v1  }
0x39: {  	[tilespmem:$0xA230] =	vst v1  }
0x3a: {  	[tilespmem:$0xA240] =	vst v1  }
0x3b: {  	[tilespmem:$0xA250] =	vst v1  }
0x3c: {  	[tilespmem:$0xA260] =	vst v1  }
0x3d: {  	[tilespmem:$0xA270] =	vst v1  }
0x3e: {  	[tilespmem:$0xA280] =	vst v1  }
0x3f: {  	[tilespmem:$0xA290] =	vst v1  }
0x40: {  	[tilespmem:$0xA2A0] =	vst v1  }
0x41: {  	[tilespmem:$0xA2B0] =	vst v1  }
0x42: {  	[tilespmem:$0xA2C0] =	vst v1  }
0x43: {  	[tilespmem:$0xA2D0] =	vst v1  }
0x44: {  	[tilespmem:$0xA2E0] =	vst v1  }
0x45: {  	[tilespmem:$0xA2F0] =	vst v1  }
0x46: {  	[tilespmem:$0xA300] =	vst v1  }
0x47: {  	[tilespmem:$0xA310] =	vst v1  }
0x48: {  	[tilespmem:$0xA320] =	vst v1  }
0x49: {  	[tilespmem:$0xA330] =	vst v1  }
0x4a: {  	[tilespmem:$0xA340] =	vst v1  }
0x4b: {  	[tilespmem:$0xA350] =	vst v1  }
0x4c: {  	[tilespmem:$0xA360] =	vst v1  }
0x4d: {  	[tilespmem:$0xA370] =	vst v1  }
0x4e: {  	[tilespmem:$0xA380] =	vst v1  }
0x4f: {  	[tilespmem:$0xA390] =	vst v1  }
0x50: {  	[tilespmem:$0xA3A0] =	vst v1  }
0x51: {  	[tilespmem:$0xA3B0] =	vst v1  }
0x52: {  	[tilespmem:$0xA3C0] =	vst v1  }
0x53: {  	[tilespmem:$0xA3D0] =	vst v1  }
0x54: {  	[tilespmem:$0xA3E0] =	vst v1  }
0x55: {  	[tilespmem:$0xA3F0] =	vst v1  }
0x56: {  	[tilespmem:$0xA400] =	vst v1  }
0x57: {  	[tilespmem:$0xA410] =	vst v1  }
0x58: {  	[tilespmem:$0xA420] =	vst v1  }
0x59: {  	[tilespmem:$0xA430] =	vst v1  }
0x5a: {  	[tilespmem:$0xA440] =	vst v1  }
0x5b: {  	[tilespmem:$0xA450] =	vst v1  }
0x5c: {  	[tilespmem:$0xA460] =	vst v1  }
0x5d: {  	[tilespmem:$0xA470] =	vst v1  }
0x5e: {  	[tilespmem:$0xA480] =	vst v1  }
0x5f: {  	[tilespmem:$0xA490] =	vst v1  }
0x60: {  	[tilespmem:$0xA4A0] =	vst v1  }
0x61: {  	[tilespmem:$0xA4B0] =	vst v1  }
0x62: {  	[tilespmem:$0xA4C0] =	vst v1  }
0x63: {  	[tilespmem:$0xA4D0] =	vst v1  }
0x64: {  	[tilespmem:$0xA4E0] =	vst v1  }
0x65: {  	[tilespmem:$0xA4F0] =	vst v1  }
0x66: {  	[tilespmem:$0xA500] =	vst v1  }
0x67: {  	[tilespmem:$0xA510] =	vst v1  }
0x68: {  	[tilespmem:$0xA520] =	vst v1  }
0x69: {  	[tilespmem:$0xA530] =	vst v1  }
0x6a: {  	[tilespmem:$0xA540] =	vst v1  }
0x6b: {  	[tilespmem:$0xA550] =	vst v1  }
0x6c: {  	[tilespmem:$0xA560] =	vst v1  }
0x6d: {  	[tilespmem:$0xA570] =	vst v1  }
0x6e: {  	[tilespmem:$0xA580] =	vst v1  }
0x6f: {  	[tilespmem:$0xA590] =	vst v1  }
0x70: {  	[tilespmem:$0xA5A0] =	vst v1  }
0x71: {  	[tilespmem:$0xA5B0] =	vst v1  }
0x72: {  	[tilespmem:$0xA5C0] =	vst v1  }
0x73: {  	[tilespmem:$0xA5D0] =	vst v1  }
0x74: {  	[tilespmem:$0xA5E0] =	vst v1  }
0x75: {  	[tilespmem:$0xA5F0] =	vst v1  }
0x76: {  	[tilespmem:$0xA600] =	vst v1  }
0x77: {  	[tilespmem:$0xA610] =	vst v1  }
0x78: {  	[tilespmem:$0xA620] =	vst v1  }
0x79: {  	[tilespmem:$0xA630] =	vst v1  }
0x7a: {  	[tilespmem:$0xA640] =	vst v1  }
0x7b: {  	[tilespmem:$0xA650] =	vst v1  }
0x7c: {  	[tilespmem:$0xA660] =	vst v1  }
0x7d: {  	[tilespmem:$0xA670] =	vst v1  }
0x7e: {  	[tilespmem:$0xA680] =	vst v1  }
0x7f: {  	[tilespmem:$0xA690] =	vst v1  }
0x80: {  	[tilespmem:$0xA6A0] =	vst v1  }
0x81: {  	[tilespmem:$0xA6B0] =	vst v1  }
0x82: {  	[tilespmem:$0xA6C0] =	vst v1  }
0x83: {  	[tilespmem:$0xA6D0] =	vst v1  }
0x84: {  	[tilespmem:$0xA6E0] =	vst v1  }
0x85: {  	[tilespmem:$0xA6F0] =	vst v1  }
0x86: {  	[tilespmem:$0xA700] =	vst v1  }
0x87: {  	[tilespmem:$0xA710] =	vst v1  }
0x88: {  	[tilespmem:$0xA720] =	vst v1  }
0x89: {  	[tilespmem:$0xA730] =	vst v1  }
0x8a: {  	[tilespmem:$0xA740] =	vst v1  }
0x8b: {  	[tilespmem:$0xA750] =	vst v1  }
0x8c: {  	[tilespmem:$0xA760] =	vst v1  }
0x8d: {  	[tilespmem:$0xA770] =	vst v1  }
0x8e: {  	[tilespmem:$0xA780] =	vst v1  }
0x8f: {  	[tilespmem:$0xA790] =	vst v1  }
0x90: {  	[tilespmem:$0xA7A0] =	vst v1  }
0x91: {  	[tilespmem:$0xA7B0] =	vst v1  }
0x92: {  	[tilespmem:$0xA7C0] =	vst v1  }
0x93: {  	[tilespmem:$0xA7D0] =	vst v1  }
0x94: {  	[tilespmem:$0xA7E0] =	vst v1  }
0x95: {  	[tilespmem:$0xA7F0] =	vst v1  }
0x96: {  	[tilespmem:$0xA800] =	vst v1  }
0x97: {  	[tilespmem:$0xA810] =	vst v1  }
0x98: {  	[tilespmem:$0xA820] =	vst v1  }
0x99: {  	[tilespmem:$0xA830] =	vst v1  }
0x9a: {  	[tilespmem:$0xA840] =	vst v1  }
0x9b: {  	[tilespmem:$0xA850] =	vst v1  }
0x9c: {  	[tilespmem:$0xA860] =	vst v1  }
0x9d: {  	[tilespmem:$0xA870] =	vst v1  }
0x9e: {  	[tilespmem:$0xA880] =	vst v1  }
0x9f: {  	[tilespmem:$0xA890] =	vst v1  }
0xa0: {  	[tilespmem:$0xA8A0] =	vst v1  }
0xa1: {  	[tilespmem:$0xA8B0] =	vst v1  }
0xa2: {  	[tilespmem:$0xA8C0] =	vst v1  }
0xa3: {  	[tilespmem:$0xA8D0] =	vst v1  }
0xa4: {  	[tilespmem:$0xA8E0] =	vst v1  }
0xa5: {  	[tilespmem:$0xA8F0] =	vst v1  }
0xa6: {  	[tilespmem:$0xA900] =	vst v1  }
0xa7: {  	[tilespmem:$0xA910] =	vst v1  }
0xa8: {  	[tilespmem:$0xA920] =	vst v1  }
0xa9: {  	[tilespmem:$0xA930] =	vst v1  }
0xaa: {  	[tilespmem:$0xA940] =	vst v1  }
0xab: {  	[tilespmem:$0xA950] =	vst v1  }
0xac: {  	[tilespmem:$0xA960] =	vst v1  }
0xad: {  	[tilespmem:$0xA970] =	vst v1  }
0xae: {  	[tilespmem:$0xA980] =	vst v1  }
0xaf: {  	[tilespmem:$0xA990] =	vst v1  }
0xb0: {  	[tilespmem:$0xA9A0] =	vst v1  }
0xb1: {  	[tilespmem:$0xA9B0] =	vst v1  }
0xb2: {  	[tilespmem:$0xA9C0] =	vst v1  }
0xb3: {  	[tilespmem:$0xA9D0] =	vst v1  }
0xb4: {  	[tilespmem:$0xA9E0] =	vst v1  }
0xb5: {  	[tilespmem:$0xA9F0] =	vst v1;
	s0 =	rddreg [dreg:$0x3]  }
0xb6: {  	[spmem:s0] =	stream.linear.scatter [tilespmem:s17], [sflag:$0x9], $0x800, $0x38;
	[tilespmem:$0x14E00] =	vst v63  }
0xb7: {  	_ =	swait.ge [sflag:s21], $0x800  }
0xb8: {  	[sflag:s21] =	ssyncset.done $0x0  }
0xb9: {  	s24 =	rddreg [dreg:$0x4];
	[sflag:s21] =	ssyncadd.s32 $0xFFFFF800  }
0xba: {  	[spmem:s24] =	stream.linear.scatter [tilespmem:s17], [sflag:$0x9], $0x800, $0x38;
	[tilespmem:$0x14E00] =	vst v63  }
0xbb: {  	_ =	swait.ge [sflag:s21], $0x800  }
0xbc: {  	[sflag:s21] =	ssyncset.done $0x0  }
0xbd: {  	s31 =	rddreg [dreg:$0x5];
	[sflag:s21] =	ssyncadd.s32 $0xFFFFF800  }
0xbe: {  	[spmem:s31] =	stream.linear.scatter [tilespmem:s17], [sflag:$0x9], $0x800, $0x38;
	[tilespmem:$0x14E00] =	vst v63  }
0xbf: {  	_ =	swait.ge [sflag:s21], $0x800  }
0xc0: {  	[sflag:s21] =	ssyncset.done $0x0  }
0xc1: {  	s2 =	rddreg [dreg:$0x6];
	[sflag:s21] =	ssyncadd.s32 $0xFFFFF800  }
0xc2: {  	[spmem:s2] =	stream.linear.scatter [tilespmem:s17], [sflag:$0x9], $0x800, $0x38;
	[tilespmem:$0x14E00] =	vst v63  }
0xc3: {  	_ =	swait.ge [sflag:s21], $0x800  }
0xc4: {  	[sflag:s21] =	ssyncset.done $0x0  }
0xc5: {  	s4 =	rddreg [dreg:$0x7];
	[sflag:s21] =	ssyncadd.s32 $0xFFFFF800  }
0xc6: {  	[spmem:s4] =	stream.linear.scatter [tilespmem:s17], [sflag:$0x9], $0x800, $0x38;
	[tilespmem:$0x14E00] =	vst v63  }
0xc7: {  	_ =	swait.ge [sflag:s21], $0x800  }
0xc8: {  	[sflag:s21] =	ssyncset.done $0x0  }
0xc9: {  	s15 =	rddreg [dreg:$0x8];
	[sflag:s21] =	ssyncadd.s32 $0xFFFFF800  }
0xca: {  	[spmem:s15] =	stream.linear.scatter [tilespmem:s17], [sflag:$0x9], $0x800, $0x38;
	[tilespmem:$0x14E00] =	vst v63  }
0xcb: {  	_ =	swait.ge [sflag:s21], $0x800  }
0xcc: {  	[sflag:s21] =	ssyncset.done $0x0  }
0xcd: {  	s24 =	rddreg [dreg:$0x9];
	[sflag:s21] =	ssyncadd.s32 $0xFFFFF800  }
0xce: {  	[spmem:s24] =	stream.linear.scatter [tilespmem:s17], [sflag:$0x9], $0x800, $0x38;
	[tilespmem:$0x14E00] =	vst v63  }
0xcf: {  	_ =	swait.ge [sflag:s21], $0x800  }
0xd0: {  	[sflag:s21] =	ssyncset.done $0x0  }
0xd1: {  	s31 =	rddreg [dreg:$0xa];
	[sflag:s21] =	ssyncadd.s32 $0xFFFFF800  }
0xd2: {  	[spmem:s31] =	stream.linear.scatter [tilespmem:s17], [sflag:$0x9], $0x800, $0x38;
	[tilespmem:$0x14E00] =	vst v63  }
0xd3: {  	_ =	swait.ge [sflag:s21], $0x800  }
0xd4: {  	[sflag:s21] =	ssyncset.done $0x0  }
0xd5: {  	s2 =	rddreg [dreg:$0xb];
	[sflag:s21] =	ssyncadd.s32 $0xFFFFF800  }
0xd6: {  	[spmem:s2] =	stream.linear.scatter [tilespmem:s17], [sflag:$0x9], $0x800, $0x38;
	[tilespmem:$0x14E00] =	vst v63  }
0xd7: {  	_ =	swait.ge [sflag:s21], $0x800  }
0xd8: {  	[sflag:s21] =	ssyncset.done $0x0  }
0xd9: {  	s4 =	rddreg [dreg:$0xc];
	[sflag:s21] =	ssyncadd.s32 $0xFFFFF800  }
0xda: {  	[spmem:s4] =	stream.linear.scatter [tilespmem:s17], [sflag:$0x9], $0x800, $0x38;
	[tilespmem:$0x14E00] =	vst v63  }
0xdb: {  	_ =	swait.ge [sflag:s21], $0x800  }
0xdc: {  	[sflag:s21] =	ssyncset.done $0x0  }
0xdd: {  	s15 =	rddreg [dreg:$0xf];
	[sflag:s21] =	ssyncadd.s32 $0xFFFFF800  }
0xde: {  	[spmem:s15] =	stream.linear.scatter [tilespmem:s17], [sflag:$0x9], $0x800, $0x38;
	[tilespmem:$0x14E00] =	vst v63  }
0xdf: {  	_ =	swait.ge [sflag:s21], $0x800  }
0xe0: {  	[sflag:s21] =	ssyncset.done $0x0  }
0xe1: {  	s24 =	rddreg [dreg:$0x16];
	[sflag:s21] =	ssyncadd.s32 $0xFFFFF800  }
0xe2: {  	[spmem:s24] =	stream.linear.scatter [tilespmem:s17], [sflag:$0x9], $0x800, $0x38;
	[tilespmem:$0x14E00] =	vst v63  }
0xe3: {  	_ =	swait.ge [sflag:s21], $0x800  }
0xe4: {  	[sflag:s21] =	ssyncset.done $0x0  }
0xe5: {  	s31 =	rddreg [dreg:$0x17];
	[sflag:s21] =	ssyncadd.s32 $0xFFFFF800  }
0xe6: {  	[spmem:s31] =	stream.linear.scatter [tilespmem:s17], [sflag:$0x9], $0x800, $0x38;
	[tilespmem:$0x14E00] =	vst v63  }
0xe7: {  	_ =	swait.ge [sflag:s21], $0x800  }
0xe8: {  	[sflag:s21] =	ssyncset.done $0x0  }
0xe9: {  	s2 =	rddreg [dreg:$0x18];
	[sflag:s21] =	ssyncadd.s32 $0xFFFFF800  }
0xea: {  	[spmem:s2] =	stream.linear.scatter [tilespmem:s17], [sflag:$0x9], $0x800, $0x38;
	[tilespmem:$0x14E00] =	vst v63  }
0xeb: {  	_ =	swait.ge [sflag:s21], $0x800  }
0xec: {  	[sflag:s21] =	ssyncset.done $0x0  }
0xed: {  	s4 =	rddreg [dreg:$0x19];
	[sflag:s21] =	ssyncadd.s32 $0xFFFFF800  }
0xee: {  	[spmem:s4] =	stream.linear.scatter [tilespmem:s17], [sflag:$0x9], $0x800, $0x38;
	[tilespmem:$0x14E00] =	vst v63  }
0xef: {  	_ =	swait.ge [sflag:s21], $0x800  }
0xf0: {  	[sflag:s21] =	ssyncset.done $0x0  }
0xf1: {  	s15 =	rddreg [dreg:$0x1a];
	[sflag:s21] =	ssyncadd.s32 $0xFFFFF800  }
0xf2: {  	[spmem:s15] =	stream.linear.scatter [tilespmem:s17], [sflag:$0x9], $0x800, $0x38;
	[tilespmem:$0x14E00] =	vst v63  }
0xf3: {  	_ =	swait.ge [sflag:s21], $0x800  }
0xf4: {  	[sflag:s21] =	ssyncset.done $0x0  }
0xf5: {  	s24 =	rddreg [dreg:$0x1b];
	[sflag:s21] =	ssyncadd.s32 $0xFFFFF800  }
0xf6: {  	[spmem:s24] =	stream.linear.scatter [tilespmem:s17], [sflag:$0x9], $0x800, $0x38;
	[tilespmem:$0x14E00] =	vst v63  }
0xf7: {  	_ =	swait.ge [sflag:s21], $0x800  }
0xf8: {  	[sflag:s21] =	ssyncset.done $0x0  }
0xf9: {  	s31 =	rddreg [dreg:$0x1c];
	[sflag:s21] =	ssyncadd.s32 $0xFFFFF800  }
0xfa: {  	[spmem:s31] =	stream.linear.scatter [tilespmem:s17], [sflag:$0x9], $0x800, $0x38;
	[tilespmem:$0x14E00] =	vst v63  }
0xfb: {  	_ =	swait.ge [sflag:s21], $0x800  }
0xfc: {  	[sflag:s21] =	ssyncset.done $0x0  }
0xfd: {  	s2 =	rddreg [dreg:$0x1d];
	[sflag:s21] =	ssyncadd.s32 $0xFFFFF800  }
0xfe: {  	[spmem:s2] =	stream.linear.scatter [tilespmem:s17], [sflag:$0x9], $0x800, $0x38;
	[tilespmem:$0x14E00] =	vst v63  }
0xff: {  	_ =	swait.ge [sflag:s21], $0x800  }
0x100: {  	[sflag:s21] =	ssyncset.done $0x0  }
0x101: {  	s4 =	rddreg [dreg:$0x1e];
	[sflag:s21] =	ssyncadd.s32 $0xFFFFF800  }
0x102: {  	[spmem:s4] =	stream.linear.scatter [tilespmem:s17], [sflag:$0x9], $0x800, $0x38;
	[tilespmem:$0x14E00] =	vst v63  }
0x103: {  	_ =	swait.ge [sflag:s21], $0x800  }
0x104: {  	[sflag:s21] =	ssyncset.done $0x0  }
0x105: {  	[sflag:s21] =	ssyncadd.s32 $0xFFFFF800  }
0x106: {  	[bflag:$0x0] =	sbarrier.arrive $0xFFFF  }
0x107: {  	s15 =	rddreg [dreg:$0x10]  }
0x108: {  	[tilespmem:s3], [sflag:$0x1] =	stream.linear.gather [hbm4b:s15+s3], $0x50, $0x38;
	[tilespmem:$0x14E00] =	vst v63  }
0x109: {  	_ = 	snop  }
0x10a: {  	[tilespmem:s22], [sflag:$0x5] =	stream.linear.gather [hbm4b:s14+s3], $0x2800, $0x38;
	[tilespmem:$0x14E00] =	vst v63  }
.Ltmp2:
0x10b: {  	s24 =	rddreg [dreg:$0x11];
	(pc) =	sbr.rel .LBB2_2-.Ltmp2, $4  }
0x10c: {  	s31 =	rddreg [dreg:$0xd]  }
0x10d: {  	[tilespmem:s23], [sflag:$0x2] =	stream.linear.gather [hbm4b:s24+s3], $0x50, $0x38;
	[tilespmem:$0x14E00] =	vst v63  }
0x10e: {  	s30 =	simm.s32 $0x0;
	s0 =	rddreg [dreg:$0x15];
	s24 =	simm.s32 $0x0  }
0x10f: {  	[tilespmem:s5], [sflag:$0x6] =	stream.linear.gather [hbm4b:s31+s3], $0x2800, $0x38;
	[tilespmem:$0x14E00] =	vst v63  }
.LBB2_4:
0x110: {  	s2 =	sadd.s32 $0xFFFFFFF6, s0;
	s31 =	sadd.s32 s30, s14  }
0x111: {  	[tilespmem:s3], [sflag:$0x1] =	stream.linear.gather [hbm4b:s2+s3], $0x50, $0x38;
	[tilespmem:$0x14E00] =	vst v63  }
0x112: {  	s4 =	sadd.s32 $0xA00, s31  }
0x113: {  	[tilespmem:s22], [sflag:$0x5] =	stream.linear.gather [hbm4b:s4+s3], $0x2800, $0x38;
	[tilespmem:$0x14E00] =	vst v63  }
0x114: {  	_ = 	snop  }
0x115: {  	[tilespmem:s23], [sflag:$0x2] =	stream.linear.gather [hbm4b:s0+s3], $0x50, $0x38;
	[tilespmem:$0x14E00] =	vst v63  }
0x116: {  	s2 =	sadd.s32 $0xF00, s31  }
0x117: {  	[tilespmem:s5], [sflag:$0x6] =	stream.linear.gather [hbm4b:s2+s3], $0x2800, $0x38;
	[tilespmem:$0x14E00] =	vst v63  }
0x118: {  	_ =	swait.ge [sflag:s11], $0x50  }
0x119: {  	[sflag:s11] =	ssyncset.done $0x0  }
0x11a: {  	[sflag:s11] =	ssyncadd.s32 $0xFFFFFFB0  }
0x11b: {  	_ =	swait.ge [sflag:s12], $0x2800  }
0x11c: {  	[sflag:s12] =	ssyncset.done $0x0  }
0x11d: {  	[sflag:s12] =	ssyncadd.s32 $0xFFFFD800  }
0x11e: {  	v2 =	vld [tilespmem:$0x100]  }
0x11f: {  	v3 =	vld [tilespmem:$0x110]  }
0x120: {  	v4 =	vld [tilespmem:$0x120]  }
0x121: {  	v6 =	vld [tilespmem:$0x130]  }
0x122: {  	v8 =	vld [tilespmem:$0x140];
	_ =	sdelay $0x2  }
0x123: {  	v5 =	vsub.s32 v2, v0;
	v2 =	vand.u32 $0x7F, v2;
	v7 =	vsub.s32 v3, v0  }
0x124: {  	v3 =	vand.u32 $0x7F, v3;
	v49 =	vsub.s32 v4, v0;
	v4 =	vand.u32 $0x7F, v4  }
0x125: {  	v50 =	vsub.s32 v6, v0;
	v51 =	vand.u32 $0x7F, v6;
	v52 =	vsub.s32 v8, v0  }
0x126: {  	v53 =	vand.u32 $0x7F, v8;
	vm0 =	vlt.u32 v5, $0x1400;
	v2 =	vor.u32 $0x1400, v2  }
0x127: {  	vm7 =	vlt.u32 v7, $0x1400;
	v3 =	vor.u32 $0x1400, v3;
	v2 =	vsel vm0, v5, v2  }
0x128: {  	vm8 =	vlt.u32 v49, $0x1400;
	v4 =	vor.u32 $0x1400, v4;
	v3 =	vsel vm7, v7, v3;
	[tilespmem:$0x100] =	vst v2  }
0x129: {  	vm9 =	vlt.u32 v50, $0x1400;
	v2 =	vsel vm8, v49, v4;
	[tilespmem:$0x110] =	vst v3;
	v3 =	vor.u32 $0x1400, v51  }
0x12a: {  	vm10 =	vlt.u32 v52, $0x1400;
	[tilespmem:$0x120] =	vst v2;
	v2 =	vsel vm9, v50, v3;
	v3 =	vor.u32 $0x1400, v53  }
0x12b: {  	[tilespmem:$0x130] =	vst v2;
	v2 =	vsel vm10, v52, v3  }
0x12c: {  	[tilespmem:$0x140] =	vst v2  }
0x12d: {  	[spmem:s1] =	stream.indirect.scatter.add.f32 [tilespmem:s18], [sflag:$0xA], $0x80, s13, s8, $0xb8;
	[tilespmem:$0x14E00] =	vst v63  }
0x12e: {  	_ =	swait.ge [sflag:s19], $0x2800  }
0x12f: {  	[sflag:s19] =	ssyncset.done $0x0  }
0x130: {  	[sflag:s19] =	ssyncadd.s32 $0xFFFFD800  }
0x131: {  	_ =	swait.ge [sflag:s20], $0x50  }
0x132: {  	[sflag:s20] =	ssyncset.done $0x0  }
0x133: {  	[sflag:s20] =	ssyncadd.s32 $0xFFFFFFB0  }
0x134: {  	_ =	swait.ge [sflag:s25], $0x2800  }
0x135: {  	[sflag:s25] =	ssyncset.done $0x0  }
0x136: {  	[sflag:s25] =	ssyncadd.s32 $0xFFFFD800  }
0x137: {  	v2 =	vld [tilespmem:$0x180]  }
0x138: {  	v3 =	vld [tilespmem:$0x190]  }
0x139: {  	v54 =	vld [tilespmem:$0x1A0]  }
0x13a: {  	v56 =	vld [tilespmem:$0x1B0]  }
0x13b: {  	v58 =	vld [tilespmem:$0x1C0];
	_ =	sdelay $0x2  }
0x13c: {  	v55 =	vsub.s32 v2, v0;
	v2 =	vand.u32 $0x7F, v2;
	v57 =	vsub.s32 v3, v0  }
0x13d: {  	v3 =	vand.u32 $0x7F, v3;
	v59 =	vsub.s32 v54, v0;
	v4 =	vand.u32 $0x7F, v54  }
0x13e: {  	v60 =	vsub.s32 v56, v0;
	v61 =	vand.u32 $0x7F, v56;
	v62 =	vsub.s32 v58, v0  }
0x13f: {  	v63 =	vand.u32 $0x7F, v58;
	vm11 =	vlt.u32 v55, $0x1400;
	v2 =	vor.u32 $0x1400, v2  }
0x140: {  	vm12 =	vlt.u32 v57, $0x1400;
	v3 =	vor.u32 $0x1400, v3;
	v2 =	vsel vm11, v55, v2  }
0x141: {  	vm13 =	vlt.u32 v59, $0x1400;
	v4 =	vor.u32 $0x1400, v4;
	v3 =	vsel vm12, v57, v3;
	[tilespmem:$0x180] =	vst v2  }
0x142: {  	vm14 =	vlt.u32 v60, $0x1400;
	v2 =	vsel vm13, v59, v4;
	[tilespmem:$0x190] =	vst v3;
	v3 =	vor.u32 $0x1400, v61  }
0x143: {  	vm15 =	vlt.u32 v62, $0x1400;
	[tilespmem:$0x1A0] =	vst v2;
	v2 =	vsel vm14, v60, v3;
	v3 =	vor.u32 $0x1400, v63  }
0x144: {  	[tilespmem:$0x1B0] =	vst v2;
	v2 =	vsel vm15, v62, v3  }
0x145: {  	s2 =	simm.s32 $0x9;
	[tilespmem:$0x1C0] =	vst v2  }
0x146: {  	[spmem:s1] =	stream.indirect.scatter.add.f32 [tilespmem:s28], [sflag:$0x9], $0x80, s26, s8, $0xb8;
	[tilespmem:$0x14E00] =	vst v63  }
.LBB2_5:
0x147: {  	s30 =	sadd.s32 $0xA00, s30  }
0x148: {  	p0 =	sne.s32 s30, $0x4E200  }
.Ltmp3:
0x149: {  	_ = 	snop;
	(pc) =	sbr.rel @!p0 .LBB2_6-.Ltmp3, $4  }
0x14a: {  	_ = 	snop  }
0x14b: {  	_ =	swait.ge [sflag:s2], $0x2800  }
0x14c: {  	[sflag:s2] =	ssyncset.done $0x0  }
0x14d: {  	s24 =	sadd.s32 $0x1, s24;
	s0 =	sadd.s32 $0x14, s0;
	[sflag:s2] =	ssyncadd.s32 $0xFFFFD800  }
.LBB2_2:
0x14e: {  	s2 =	sand.u32 $0x1, s24  }
0x14f: {  	p0 =	seq.s32 s2, $0x1  }
.Ltmp4:
0x150: {  	_ = 	snop;
	(pc) =	sbr.rel @p0 .LBB2_4-.Ltmp4, $1  }
0x151: {  	_ =	sdelay $0x3  }
0x152: {  	p0 =	seq.s32 s30, $0x4D800  }
0x153: {  	s2 =	sadd.s32 @!p0 $0xFFFFFFF6, s0;
	s15 =	simm.s32 @!p0 $0x0;
	s31 =	simm.s32 @!p0 $0x100  }
0x154: {  	[tilespmem:s31], [sflag:$0x3] =	stream.linear.gather @!p0 [hbm4b:s2+s15], $0x50, $0x38;
	[tilespmem:$0x14E00] =	vst v63  }
0x155: {  	s2 =	sadd.s32 @!p0 s30, s14  }
0x156: {  	s4 =	simm.s32 @!p0 $0x5200;
	s31 =	sadd.s32 @!p0 $0xA00, s2  }
0x157: {  	[tilespmem:s4], [sflag:$0x7] =	stream.linear.gather @!p0 [hbm4b:s31+s15], $0x2800, $0x38;
	[tilespmem:$0x14E00] =	vst v63  }
0x158: {  	s4 =	simm.s32 @!p0 $0x180  }
0x159: {  	[tilespmem:s4], [sflag:$0x4] =	stream.linear.gather @!p0 [hbm4b:s0+s15], $0x50, $0x38;
	[tilespmem:$0x14E00] =	vst v63  }
0x15a: {  	s2 =	sadd.s32 @!p0 $0xF00, s2;
	s4 =	simm.s32 @!p0 $0x7A00  }
0x15b: {  	[tilespmem:s4], [sflag:$0x8] =	stream.linear.gather @!p0 [hbm4b:s2+s15], $0x2800, $0x38;
	[tilespmem:$0x14E00] =	vst v63  }
0x15c: {  	_ =	swait.ge [sflag:s6], $0x50  }
0x15d: {  	[sflag:s6] =	ssyncset.done $0x0  }
0x15e: {  	[sflag:s6] =	ssyncadd.s32 $0xFFFFFFB0  }
0x15f: {  	_ =	swait.ge [sflag:s7], $0x2800  }
0x160: {  	[sflag:s7] =	ssyncset.done $0x0  }
0x161: {  	[sflag:s7] =	ssyncadd.s32 $0xFFFFD800  }
0x162: {  	v2 =	vld [tilespmem:$0x0]  }
0x163: {  	v3 =	vld [tilespmem:$0x10]  }
0x164: {  	v4 =	vld [tilespmem:$0x20]  }
0x165: {  	v6 =	vld [tilespmem:$0x30]  }
0x166: {  	v8 =	vld [tilespmem:$0x40];
	_ =	sdelay $0x2  }
0x167: {  	v5 =	vsub.s32 v2, v0;
	v2 =	vand.u32 $0x7F, v2;
	v7 =	vsub.s32 v3, v0  }
0x168: {  	v3 =	vand.u32 $0x7F, v3;
	v49 =	vsub.s32 v4, v0;
	v4 =	vand.u32 $0x7F, v4  }
0x169: {  	v50 =	vsub.s32 v6, v0;
	v51 =	vand.u32 $0x7F, v6;
	v52 =	vsub.s32 v8, v0  }
0x16a: {  	v53 =	vand.u32 $0x7F, v8;
	vm0 =	vlt.u32 v5, $0x1400;
	v2 =	vor.u32 $0x1400, v2  }
0x16b: {  	vm7 =	vlt.u32 v7, $0x1400;
	v3 =	vor.u32 $0x1400, v3;
	v2 =	vsel vm0, v5, v2  }
0x16c: {  	vm8 =	vlt.u32 v49, $0x1400;
	v4 =	vor.u32 $0x1400, v4;
	v3 =	vsel vm7, v7, v3;
	[tilespmem:$0x0] =	vst v2  }
0x16d: {  	vm9 =	vlt.u32 v50, $0x1400;
	v2 =	vsel vm8, v49, v4;
	[tilespmem:$0x10] =	vst v3;
	v3 =	vor.u32 $0x1400, v51  }
0x16e: {  	vm10 =	vlt.u32 v52, $0x1400;
	[tilespmem:$0x20] =	vst v2;
	v2 =	vsel vm9, v50, v3;
	v3 =	vor.u32 $0x1400, v53  }
0x16f: {  	[tilespmem:$0x30] =	vst v2;
	v2 =	vsel vm10, v52, v3  }
0x170: {  	s2 =	simm.s32 $0xA;
	[tilespmem:$0x40] =	vst v2  }
0x171: {  	[spmem:s1] =	stream.indirect.scatter.add.f32 [tilespmem:s22], [sflag:$0xA], $0x80, s3, s8, $0xb8;
	[tilespmem:$0x14E00] =	vst v63  }
0x172: {  	_ =	swait.ge [sflag:s2], $0x2800  }
0x173: {  	[sflag:s2] =	ssyncset.done $0x0  }
0x174: {  	[sflag:s2] =	ssyncadd.s32 $0xFFFFD800  }
0x175: {  	_ =	swait.ge [sflag:s9], $0x50  }
0x176: {  	[sflag:s9] =	ssyncset.done $0x0  }
0x177: {  	[sflag:s9] =	ssyncadd.s32 $0xFFFFFFB0  }
0x178: {  	_ =	swait.ge [sflag:s10], $0x2800  }
0x179: {  	[sflag:s10] =	ssyncset.done $0x0  }
0x17a: {  	[sflag:s10] =	ssyncadd.s32 $0xFFFFD800  }
0x17b: {  	v2 =	vld [tilespmem:$0x80]  }
0x17c: {  	v3 =	vld [tilespmem:$0x90]  }
0x17d: {  	v54 =	vld [tilespmem:$0xA0]  }
0x17e: {  	v56 =	vld [tilespmem:$0xB0]  }
0x17f: {  	v58 =	vld [tilespmem:$0xC0];
	_ =	sdelay $0x2  }
0x180: {  	v55 =	vsub.s32 v2, v0;
	v2 =	vand.u32 $0x7F, v2;
	v57 =	vsub.s32 v3, v0  }
0x181: {  	v3 =	vand.u32 $0x7F, v3;
	v59 =	vsub.s32 v54, v0;
	v4 =	vand.u32 $0x7F, v54  }
0x182: {  	v60 =	vsub.s32 v56, v0;
	v61 =	vand.u32 $0x7F, v56;
	v62 =	vsub.s32 v58, v0  }
0x183: {  	v63 =	vand.u32 $0x7F, v58;
	vm11 =	vlt.u32 v55, $0x1400;
	v2 =	vor.u32 $0x1400, v2  }
0x184: {  	vm12 =	vlt.u32 v57, $0x1400;
	v3 =	vor.u32 $0x1400, v3;
	v2 =	vsel vm11, v55, v2  }
0x185: {  	vm13 =	vlt.u32 v59, $0x1400;
	v4 =	vor.u32 $0x1400, v4;
	v3 =	vsel vm12, v57, v3;
	[tilespmem:$0x80] =	vst v2  }
.Ltmp5:
0x186: {  	vm14 =	vlt.u32 v60, $0x1400;
	v2 =	vsel vm13, v59, v4;
	[tilespmem:$0x90] =	vst v3;
	v3 =	vor.u32 $0x1400, v61;
	(pc) =	sbr.rel .LBB2_5-.Ltmp5, $4  }
0x187: {  	vm15 =	vlt.u32 v62, $0x1400;
	[tilespmem:$0xA0] =	vst v2;
	v2 =	vsel vm14, v60, v3;
	v3 =	vor.u32 $0x1400, v63  }
0x188: {  	[tilespmem:$0xB0] =	vst v2;
	v2 =	vsel vm15, v62, v3  }
0x189: {  	[tilespmem:$0xC0] =	vst v2  }
0x18a: {  	[spmem:s1] =	stream.indirect.scatter.add.f32 [tilespmem:s5], [sflag:$0xA], $0x80, s23, s8, $0xb8;
	[tilespmem:$0x14E00] =	vst v63  }
.LBB2_6:
0x18b: {  	s0 =	stileid.u32;
	[bflag:$0x0] =	sbarrier.arrive $0xFFFF  }
0x18c: {  	s0 =	sshll.u32 s0, $0x6;
	s31 =	rddreg [dreg:$0x3]  }
0x18d: {  	s2 =	rddreg [dreg:$0x12];
	s4 =	sor.u32 $0x1C09, s0  }
0x18e: {  	s15 =	sshrl.u32 s31, $0x3;
	[dreg:$0x1f] =	wrdreg s4  }
0x18f: {  	[smem:$0x7FD] =	sst s15  }
0x190: {  	[hbm:s2], [sflag:s4] =	dma.local [spmem:s15], $0x1480  }
0x191: {  	_ =	swait.ge [sflag:s21], $0x1480  }
0x192: {  	[sflag:s21] =	ssyncset.done $0x0  }
0x193: {  	[sflag:s21] =	ssyncadd.s32 $0xFFFFEB80  }
0x194: {  	[bflag:$0x0] =	sbarrier.arrive $0xFFFF  }
0x195: {  	[spmem:s31] =	stream.linear.scatter [tilespmem:s17], [sflag:$0x9], $0x800, $0x38;
	[tilespmem:$0x14E00] =	vst v63  }
0x196: {  	_ =	swait.ge [sflag:s21], $0x800  }
0x197: {  	[sflag:s21] =	ssyncset.done $0x0  }
0x198: {  	s15 =	rddreg [dreg:$0x4];
	[sflag:s21] =	ssyncadd.s32 $0xFFFFF800  }
0x199: {  	[spmem:s15] =	stream.linear.scatter [tilespmem:s17], [sflag:$0x9], $0x800, $0x38;
	[tilespmem:$0x14E00] =	vst v63  }
0x19a: {  	_ =	swait.ge [sflag:s21], $0x800  }
0x19b: {  	[sflag:s21] =	ssyncset.done $0x0  }
0x19c: {  	s24 =	rddreg [dreg:$0x5];
	[sflag:s21] =	ssyncadd.s32 $0xFFFFF800  }
0x19d: {  	[spmem:s24] =	stream.linear.scatter [tilespmem:s17], [sflag:$0x9], $0x800, $0x38;
	[tilespmem:$0x14E00] =	vst v63  }
0x19e: {  	_ =	swait.ge [sflag:s21], $0x800  }
0x19f: {  	[sflag:s21] =	ssyncset.done $0x0  }
0x1a0: {  	s30 =	rddreg [dreg:$0x6];
	[sflag:s21] =	ssyncadd.s32 $0xFFFFF800  }
0x1a1: {  	[spmem:s30] =	stream.linear.scatter [tilespmem:s17], [sflag:$0x9], $0x800, $0x38;
	[tilespmem:$0x14E00] =	vst v63  }
0x1a2: {  	_ =	swait.ge [sflag:s21], $0x800  }
0x1a3: {  	[sflag:s21] =	ssyncset.done $0x0  }
0x1a4: {  	s31 =	rddreg [dreg:$0x7];
	[sflag:s21] =	ssyncadd.s32 $0xFFFFF800  }
0x1a5: {  	[spmem:s31] =	stream.linear.scatter [tilespmem:s17], [sflag:$0x9], $0x800, $0x38;
	[tilespmem:$0x14E00] =	vst v63  }
0x1a6: {  	_ =	swait.ge [sflag:s21], $0x800  }
0x1a7: {  	[sflag:s21] =	ssyncset.done $0x0  }
0x1a8: {  	s2 =	rddreg [dreg:$0x8];
	[sflag:s21] =	ssyncadd.s32 $0xFFFFF800  }
0x1a9: {  	[spmem:s2] =	stream.linear.scatter [tilespmem:s17], [sflag:$0x9], $0x800, $0x38;
	[tilespmem:$0x14E00] =	vst v63  }
0x1aa: {  	_ =	swait.ge [sflag:s21], $0x800  }
0x1ab: {  	[sflag:s21] =	ssyncset.done $0x0  }
0x1ac: {  	s4 =	rddreg [dreg:$0x9];
	[sflag:s21] =	ssyncadd.s32 $0xFFFFF800  }
0x1ad: {  	[spmem:s4] =	stream.linear.scatter [tilespmem:s17], [sflag:$0x9], $0x800, $0x38;
	[tilespmem:$0x14E00] =	vst v63  }
0x1ae: {  	_ =	swait.ge [sflag:s21], $0x800  }
0x1af: {  	[sflag:s21] =	ssyncset.done $0x0  }
0x1b0: {  	s15 =	rddreg [dreg:$0xa];
	[sflag:s21] =	ssyncadd.s32 $0xFFFFF800  }
0x1b1: {  	[spmem:s15] =	stream.linear.scatter [tilespmem:s17], [sflag:$0x9], $0x800, $0x38;
	[tilespmem:$0x14E00] =	vst v63  }
0x1b2: {  	_ =	swait.ge [sflag:s21], $0x800  }
0x1b3: {  	[sflag:s21] =	ssyncset.done $0x0  }
0x1b4: {  	s24 =	rddreg [dreg:$0xb];
	[sflag:s21] =	ssyncadd.s32 $0xFFFFF800  }
0x1b5: {  	[spmem:s24] =	stream.linear.scatter [tilespmem:s17], [sflag:$0x9], $0x800, $0x38;
	[tilespmem:$0x14E00] =	vst v63  }
0x1b6: {  	_ =	swait.ge [sflag:s21], $0x800  }
0x1b7: {  	[sflag:s21] =	ssyncset.done $0x0  }
0x1b8: {  	s30 =	rddreg [dreg:$0xc];
	[sflag:s21] =	ssyncadd.s32 $0xFFFFF800  }
0x1b9: {  	[spmem:s30] =	stream.linear.scatter [tilespmem:s17], [sflag:$0x9], $0x800, $0x38;
	[tilespmem:$0x14E00] =	vst v63  }
0x1ba: {  	_ =	swait.ge [sflag:s21], $0x800  }
0x1bb: {  	[sflag:s21] =	ssyncset.done $0x0  }
0x1bc: {  	s31 =	rddreg [dreg:$0xf];
	[sflag:s21] =	ssyncadd.s32 $0xFFFFF800  }
0x1bd: {  	[spmem:s31] =	stream.linear.scatter [tilespmem:s17], [sflag:$0x9], $0x800, $0x38;
	[tilespmem:$0x14E00] =	vst v63  }
0x1be: {  	_ =	swait.ge [sflag:s21], $0x800  }
0x1bf: {  	[sflag:s21] =	ssyncset.done $0x0  }
0x1c0: {  	s2 =	rddreg [dreg:$0x16];
	[sflag:s21] =	ssyncadd.s32 $0xFFFFF800  }
0x1c1: {  	[spmem:s2] =	stream.linear.scatter [tilespmem:s17], [sflag:$0x9], $0x800, $0x38;
	[tilespmem:$0x14E00] =	vst v63  }
0x1c2: {  	_ =	swait.ge [sflag:s21], $0x800  }
0x1c3: {  	[sflag:s21] =	ssyncset.done $0x0  }
0x1c4: {  	s4 =	rddreg [dreg:$0x17];
	[sflag:s21] =	ssyncadd.s32 $0xFFFFF800  }
0x1c5: {  	[spmem:s4] =	stream.linear.scatter [tilespmem:s17], [sflag:$0x9], $0x800, $0x38;
	[tilespmem:$0x14E00] =	vst v63  }
0x1c6: {  	_ =	swait.ge [sflag:s21], $0x800  }
0x1c7: {  	[sflag:s21] =	ssyncset.done $0x0  }
0x1c8: {  	s15 =	rddreg [dreg:$0x18];
	[sflag:s21] =	ssyncadd.s32 $0xFFFFF800  }
0x1c9: {  	[spmem:s15] =	stream.linear.scatter [tilespmem:s17], [sflag:$0x9], $0x800, $0x38;
	[tilespmem:$0x14E00] =	vst v63  }
0x1ca: {  	_ =	swait.ge [sflag:s21], $0x800  }
0x1cb: {  	[sflag:s21] =	ssyncset.done $0x0  }
0x1cc: {  	s24 =	rddreg [dreg:$0x19];
	[sflag:s21] =	ssyncadd.s32 $0xFFFFF800  }
0x1cd: {  	[spmem:s24] =	stream.linear.scatter [tilespmem:s17], [sflag:$0x9], $0x800, $0x38;
	[tilespmem:$0x14E00] =	vst v63  }
0x1ce: {  	_ =	swait.ge [sflag:s21], $0x800  }
0x1cf: {  	[sflag:s21] =	ssyncset.done $0x0  }
0x1d0: {  	s30 =	rddreg [dreg:$0x1a];
	[sflag:s21] =	ssyncadd.s32 $0xFFFFF800  }
0x1d1: {  	[spmem:s30] =	stream.linear.scatter [tilespmem:s17], [sflag:$0x9], $0x800, $0x38;
	[tilespmem:$0x14E00] =	vst v63  }
0x1d2: {  	_ =	swait.ge [sflag:s21], $0x800  }
0x1d3: {  	[sflag:s21] =	ssyncset.done $0x0  }
0x1d4: {  	s31 =	rddreg [dreg:$0x1b];
	[sflag:s21] =	ssyncadd.s32 $0xFFFFF800  }
0x1d5: {  	[spmem:s31] =	stream.linear.scatter [tilespmem:s17], [sflag:$0x9], $0x800, $0x38;
	[tilespmem:$0x14E00] =	vst v63  }
0x1d6: {  	_ =	swait.ge [sflag:s21], $0x800  }
0x1d7: {  	[sflag:s21] =	ssyncset.done $0x0  }
0x1d8: {  	s2 =	rddreg [dreg:$0x1c];
	[sflag:s21] =	ssyncadd.s32 $0xFFFFF800  }
0x1d9: {  	[spmem:s2] =	stream.linear.scatter [tilespmem:s17], [sflag:$0x9], $0x800, $0x38;
	[tilespmem:$0x14E00] =	vst v63  }
0x1da: {  	_ =	swait.ge [sflag:s21], $0x800  }
0x1db: {  	[sflag:s21] =	ssyncset.done $0x0  }
0x1dc: {  	s4 =	rddreg [dreg:$0x1d];
	[sflag:s21] =	ssyncadd.s32 $0xFFFFF800  }
0x1dd: {  	[spmem:s4] =	stream.linear.scatter [tilespmem:s17], [sflag:$0x9], $0x800, $0x38;
	[tilespmem:$0x14E00] =	vst v63  }
0x1de: {  	_ =	swait.ge [sflag:s21], $0x800  }
0x1df: {  	[sflag:s21] =	ssyncset.done $0x0  }
0x1e0: {  	s15 =	rddreg [dreg:$0x1e];
	[sflag:s21] =	ssyncadd.s32 $0xFFFFF800  }
0x1e1: {  	[spmem:s15] =	stream.linear.scatter [tilespmem:s17], [sflag:$0x9], $0x800, $0x38;
	[tilespmem:$0x14E00] =	vst v63  }
0x1e2: {  	_ =	swait.ge [sflag:s21], $0x800  }
0x1e3: {  	[sflag:s21] =	ssyncset.done $0x0  }
0x1e4: {  	[sflag:s21] =	ssyncadd.s32 $0xFFFFF800  }
0x1e5: {  	[bflag:$0x0] =	sbarrier.arrive $0xFFFF  }
0x1e6: {  	s0 =	simm.s32 $0x0;
	s24 =	rddreg [dreg:$0x10]  }
0x1e7: {  	[tilespmem:s0], [sflag:$0x1] =	stream.linear.gather [hbm4b:s24+s0], $0x50, $0x38;
	[tilespmem:$0x14E00] =	vst v63  }
0x1e8: {  	_ = 	snop  }
0x1e9: {  	[tilespmem:s22], [sflag:$0x5] =	stream.linear.gather [hbm4b:s16+s0], $0x2800, $0x38;
	[tilespmem:$0x14E00] =	vst v63  }
.Ltmp6:
0x1ea: {  	s30 =	rddreg [dreg:$0x11];
	(pc) =	sbr.rel .LBB2_7-.Ltmp6, $4  }
0x1eb: {  	s31 =	rddreg [dreg:$0xe]  }
0x1ec: {  	[tilespmem:s23], [sflag:$0x2] =	stream.linear.gather [hbm4b:s30+s0], $0x50, $0x38;
	[tilespmem:$0x14E00] =	vst v63  }
0x1ed: {  	s2 =	simm.s32 $0x0;
	s24 =	rddreg [dreg:$0x15]  }
0x1ee: {  	[tilespmem:s5], [sflag:$0x6] =	stream.linear.gather [hbm4b:s31+s0], $0x2800, $0x38;
	[tilespmem:$0x14E00] =	vst v63  }
.LBB2_9:
0x1ef: {  	s4 =	sadd.s32 $0xFFFFFFF6, s24;
	s31 =	sadd.s32 s0, s16  }
0x1f0: {  	[tilespmem:s3], [sflag:$0x1] =	stream.linear.gather [hbm4b:s4+s3], $0x50, $0x38;
	[tilespmem:$0x14E00] =	vst v63  }
0x1f1: {  	s15 =	sadd.s32 $0xA00, s31  }
0x1f2: {  	[tilespmem:s22], [sflag:$0x5] =	stream.linear.gather [hbm4b:s15+s3], $0x2800, $0x38;
	[tilespmem:$0x14E00] =	vst v63  }
0x1f3: {  	_ = 	snop  }
0x1f4: {  	[tilespmem:s23], [sflag:$0x2] =	stream.linear.gather [hbm4b:s24+s3], $0x50, $0x38;
	[tilespmem:$0x14E00] =	vst v63  }
0x1f5: {  	s4 =	sadd.s32 $0xF00, s31  }
0x1f6: {  	[tilespmem:s5], [sflag:$0x6] =	stream.linear.gather [hbm4b:s4+s3], $0x2800, $0x38;
	[tilespmem:$0x14E00] =	vst v63  }
0x1f7: {  	_ =	swait.ge [sflag:s11], $0x50  }
0x1f8: {  	[sflag:s11] =	ssyncset.done $0x0  }
0x1f9: {  	[sflag:s11] =	ssyncadd.s32 $0xFFFFFFB0  }
0x1fa: {  	_ =	swait.ge [sflag:s12], $0x2800  }
0x1fb: {  	[sflag:s12] =	ssyncset.done $0x0  }
0x1fc: {  	[sflag:s12] =	ssyncadd.s32 $0xFFFFD800  }
0x1fd: {  	v2 =	vld [tilespmem:$0x100]  }
0x1fe: {  	v3 =	vld [tilespmem:$0x110]  }
0x1ff: {  	v4 =	vld [tilespmem:$0x120]  }
0x200: {  	v6 =	vld [tilespmem:$0x130]  }
0x201: {  	v8 =	vld [tilespmem:$0x140];
	_ =	sdelay $0x2  }
0x202: {  	v5 =	vsub.s32 v2, v0;
	v2 =	vand.u32 $0x7F, v2;
	v7 =	vsub.s32 v3, v0  }
0x203: {  	v3 =	vand.u32 $0x7F, v3;
	v49 =	vsub.s32 v4, v0;
	v4 =	vand.u32 $0x7F, v4  }
0x204: {  	v50 =	vsub.s32 v6, v0;
	v51 =	vand.u32 $0x7F, v6;
	v52 =	vsub.s32 v8, v0  }
0x205: {  	v53 =	vand.u32 $0x7F, v8;
	vm0 =	vlt.u32 v5, $0x1400;
	v2 =	vor.u32 $0x1400, v2  }
0x206: {  	vm7 =	vlt.u32 v7, $0x1400;
	v3 =	vor.u32 $0x1400, v3;
	v2 =	vsel vm0, v5, v2  }
0x207: {  	vm8 =	vlt.u32 v49, $0x1400;
	v4 =	vor.u32 $0x1400, v4;
	v3 =	vsel vm7, v7, v3;
	[tilespmem:$0x100] =	vst v2  }
0x208: {  	vm9 =	vlt.u32 v50, $0x1400;
	v2 =	vsel vm8, v49, v4;
	[tilespmem:$0x110] =	vst v3;
	v3 =	vor.u32 $0x1400, v51  }
0x209: {  	vm10 =	vlt.u32 v52, $0x1400;
	[tilespmem:$0x120] =	vst v2;
	v2 =	vsel vm9, v50, v3;
	v3 =	vor.u32 $0x1400, v53  }
0x20a: {  	[tilespmem:$0x130] =	vst v2;
	v2 =	vsel vm10, v52, v3  }
0x20b: {  	[tilespmem:$0x140] =	vst v2  }
0x20c: {  	[spmem:s1] =	stream.indirect.scatter.add.f32 [tilespmem:s18], [sflag:$0xA], $0x80, s13, s8, $0xb8;
	[tilespmem:$0x14E00] =	vst v63  }
0x20d: {  	_ =	swait.ge [sflag:s19], $0x2800  }
0x20e: {  	[sflag:s19] =	ssyncset.done $0x0  }
0x20f: {  	[sflag:s19] =	ssyncadd.s32 $0xFFFFD800  }
0x210: {  	_ =	swait.ge [sflag:s20], $0x50  }
0x211: {  	[sflag:s20] =	ssyncset.done $0x0  }
0x212: {  	[sflag:s20] =	ssyncadd.s32 $0xFFFFFFB0  }
0x213: {  	_ =	swait.ge [sflag:s25], $0x2800  }
0x214: {  	[sflag:s25] =	ssyncset.done $0x0  }
0x215: {  	[sflag:s25] =	ssyncadd.s32 $0xFFFFD800  }
0x216: {  	v2 =	vld [tilespmem:$0x180]  }
0x217: {  	v3 =	vld [tilespmem:$0x190]  }
0x218: {  	v54 =	vld [tilespmem:$0x1A0]  }
0x219: {  	v56 =	vld [tilespmem:$0x1B0]  }
0x21a: {  	v58 =	vld [tilespmem:$0x1C0];
	_ =	sdelay $0x2  }
0x21b: {  	v55 =	vsub.s32 v2, v0;
	v2 =	vand.u32 $0x7F, v2;
	v57 =	vsub.s32 v3, v0  }
0x21c: {  	v3 =	vand.u32 $0x7F, v3;
	v59 =	vsub.s32 v54, v0;
	v4 =	vand.u32 $0x7F, v54  }
0x21d: {  	v60 =	vsub.s32 v56, v0;
	v61 =	vand.u32 $0x7F, v56;
	v62 =	vsub.s32 v58, v0  }
0x21e: {  	v63 =	vand.u32 $0x7F, v58;
	vm11 =	vlt.u32 v55, $0x1400;
	v2 =	vor.u32 $0x1400, v2  }
0x21f: {  	vm12 =	vlt.u32 v57, $0x1400;
	v3 =	vor.u32 $0x1400, v3;
	v2 =	vsel vm11, v55, v2  }
0x220: {  	vm13 =	vlt.u32 v59, $0x1400;
	v4 =	vor.u32 $0x1400, v4;
	v3 =	vsel vm12, v57, v3;
	[tilespmem:$0x180] =	vst v2  }
0x221: {  	vm14 =	vlt.u32 v60, $0x1400;
	v2 =	vsel vm13, v59, v4;
	[tilespmem:$0x190] =	vst v3;
	v3 =	vor.u32 $0x1400, v61  }
0x222: {  	vm15 =	vlt.u32 v62, $0x1400;
	[tilespmem:$0x1A0] =	vst v2;
	v2 =	vsel vm14, v60, v3;
	v3 =	vor.u32 $0x1400, v63  }
0x223: {  	[tilespmem:$0x1B0] =	vst v2;
	v2 =	vsel vm15, v62, v3  }
0x224: {  	s15 =	simm.s32 $0x9;
	[tilespmem:$0x1C0] =	vst v2  }
0x225: {  	[spmem:s1] =	stream.indirect.scatter.add.f32 [tilespmem:s28], [sflag:$0x9], $0x80, s26, s8, $0xb8;
	[tilespmem:$0x14E00] =	vst v63  }
.LBB2_10:
0x226: {  	s0 =	sadd.s32 $0xA00, s0  }
0x227: {  	p0 =	sne.s32 s0, $0x4E200  }
.Ltmp7:
0x228: {  	_ = 	snop;
	(pc) =	sbr.rel @!p0 .LBB2_11-.Ltmp7, $4  }
0x229: {  	_ = 	snop  }
0x22a: {  	_ =	swait.ge [sflag:s15], $0x2800  }
0x22b: {  	[sflag:s15] =	ssyncset.done $0x0  }
0x22c: {  	s2 =	sadd.s32 $0x1, s2;
	s24 =	sadd.s32 $0x14, s24;
	[sflag:s15] =	ssyncadd.s32 $0xFFFFD800  }
.LBB2_7:
0x22d: {  	s4 =	sand.u32 $0x1, s2  }
0x22e: {  	p0 =	seq.s32 s4, $0x1  }
.Ltmp8:
0x22f: {  	_ = 	snop;
	(pc) =	sbr.rel @p0 .LBB2_9-.Ltmp8, $1  }
0x230: {  	_ =	sdelay $0x3  }
0x231: {  	p0 =	seq.s32 s0, $0x4D800  }
0x232: {  	s4 =	sadd.s32 @!p0 $0xFFFFFFF6, s24;
	s15 =	simm.s32 @!p0 $0x0;
	s30 =	simm.s32 @!p0 $0x100  }
0x233: {  	[tilespmem:s30], [sflag:$0x3] =	stream.linear.gather @!p0 [hbm4b:s4+s15], $0x50, $0x38;
	[tilespmem:$0x14E00] =	vst v63  }
0x234: {  	s4 =	sadd.s32 @!p0 s0, s16  }
0x235: {  	s31 =	simm.s32 @!p0 $0x5200;
	s30 =	sadd.s32 @!p0 $0xA00, s4  }
0x236: {  	[tilespmem:s31], [sflag:$0x7] =	stream.linear.gather @!p0 [hbm4b:s30+s15], $0x2800, $0x38;
	[tilespmem:$0x14E00] =	vst v63  }
0x237: {  	s30 =	simm.s32 @!p0 $0x180  }
0x238: {  	[tilespmem:s30], [sflag:$0x4] =	stream.linear.gather @!p0 [hbm4b:s24+s15], $0x50, $0x38;
	[tilespmem:$0x14E00] =	vst v63  }
0x239: {  	s4 =	sadd.s32 @!p0 $0xF00, s4;
	s30 =	simm.s32 @!p0 $0x7A00  }
0x23a: {  	[tilespmem:s30], [sflag:$0x8] =	stream.linear.gather @!p0 [hbm4b:s4+s15], $0x2800, $0x38;
	[tilespmem:$0x14E00] =	vst v63  }
0x23b: {  	_ =	swait.ge [sflag:s6], $0x50  }
0x23c: {  	[sflag:s6] =	ssyncset.done $0x0  }
0x23d: {  	[sflag:s6] =	ssyncadd.s32 $0xFFFFFFB0  }
0x23e: {  	_ =	swait.ge [sflag:s7], $0x2800  }
0x23f: {  	[sflag:s7] =	ssyncset.done $0x0  }
0x240: {  	[sflag:s7] =	ssyncadd.s32 $0xFFFFD800  }
0x241: {  	v2 =	vld [tilespmem:$0x0]  }
0x242: {  	v3 =	vld [tilespmem:$0x10]  }
0x243: {  	v4 =	vld [tilespmem:$0x20]  }
0x244: {  	v6 =	vld [tilespmem:$0x30]  }
0x245: {  	v8 =	vld [tilespmem:$0x40];
	_ =	sdelay $0x2  }
0x246: {  	v5 =	vsub.s32 v2, v0;
	v2 =	vand.u32 $0x7F, v2;
	v7 =	vsub.s32 v3, v0  }
0x247: {  	v3 =	vand.u32 $0x7F, v3;
	v49 =	vsub.s32 v4, v0;
	v4 =	vand.u32 $0x7F, v4  }
0x248: {  	v50 =	vsub.s32 v6, v0;
	v51 =	vand.u32 $0x7F, v6;
	v52 =	vsub.s32 v8, v0  }
0x249: {  	v53 =	vand.u32 $0x7F, v8;
	vm0 =	vlt.u32 v5, $0x1400;
	v2 =	vor.u32 $0x1400, v2  }
0x24a: {  	vm7 =	vlt.u32 v7, $0x1400;
	v3 =	vor.u32 $0x1400, v3;
	v2 =	vsel vm0, v5, v2  }
0x24b: {  	vm8 =	vlt.u32 v49, $0x1400;
	v4 =	vor.u32 $0x1400, v4;
	v3 =	vsel vm7, v7, v3;
	[tilespmem:$0x0] =	vst v2  }
0x24c: {  	vm9 =	vlt.u32 v50, $0x1400;
	v2 =	vsel vm8, v49, v4;
	[tilespmem:$0x10] =	vst v3;
	v3 =	vor.u32 $0x1400, v51  }
0x24d: {  	vm10 =	vlt.u32 v52, $0x1400;
	[tilespmem:$0x20] =	vst v2;
	v2 =	vsel vm9, v50, v3;
	v3 =	vor.u32 $0x1400, v53  }
0x24e: {  	[tilespmem:$0x30] =	vst v2;
	v2 =	vsel vm10, v52, v3  }
0x24f: {  	s15 =	simm.s32 $0xA;
	[tilespmem:$0x40] =	vst v2  }
0x250: {  	[spmem:s1] =	stream.indirect.scatter.add.f32 [tilespmem:s22], [sflag:$0xA], $0x80, s3, s8, $0xb8;
	[tilespmem:$0x14E00] =	vst v63  }
0x251: {  	_ =	swait.ge [sflag:s15], $0x2800  }
0x252: {  	[sflag:s15] =	ssyncset.done $0x0  }
0x253: {  	[sflag:s15] =	ssyncadd.s32 $0xFFFFD800  }
0x254: {  	_ =	swait.ge [sflag:s9], $0x50  }
0x255: {  	[sflag:s9] =	ssyncset.done $0x0  }
0x256: {  	[sflag:s9] =	ssyncadd.s32 $0xFFFFFFB0  }
0x257: {  	_ =	swait.ge [sflag:s10], $0x2800  }
0x258: {  	[sflag:s10] =	ssyncset.done $0x0  }
0x259: {  	[sflag:s10] =	ssyncadd.s32 $0xFFFFD800  }
0x25a: {  	v2 =	vld [tilespmem:$0x80]  }
0x25b: {  	v3 =	vld [tilespmem:$0x90]  }
0x25c: {  	v54 =	vld [tilespmem:$0xA0]  }
0x25d: {  	v56 =	vld [tilespmem:$0xB0]  }
0x25e: {  	v58 =	vld [tilespmem:$0xC0];
	_ =	sdelay $0x2  }
0x25f: {  	v55 =	vsub.s32 v2, v0;
	v2 =	vand.u32 $0x7F, v2;
	v57 =	vsub.s32 v3, v0  }
0x260: {  	v3 =	vand.u32 $0x7F, v3;
	v59 =	vsub.s32 v54, v0;
	v4 =	vand.u32 $0x7F, v54  }
0x261: {  	v60 =	vsub.s32 v56, v0;
	v61 =	vand.u32 $0x7F, v56;
	v62 =	vsub.s32 v58, v0  }
0x262: {  	v63 =	vand.u32 $0x7F, v58;
	vm11 =	vlt.u32 v55, $0x1400;
	v2 =	vor.u32 $0x1400, v2  }
0x263: {  	vm12 =	vlt.u32 v57, $0x1400;
	v3 =	vor.u32 $0x1400, v3;
	v2 =	vsel vm11, v55, v2  }
0x264: {  	vm13 =	vlt.u32 v59, $0x1400;
	v4 =	vor.u32 $0x1400, v4;
	v3 =	vsel vm12, v57, v3;
	[tilespmem:$0x80] =	vst v2  }
.Ltmp9:
0x265: {  	vm14 =	vlt.u32 v60, $0x1400;
	v2 =	vsel vm13, v59, v4;
	[tilespmem:$0x90] =	vst v3;
	v3 =	vor.u32 $0x1400, v61;
	(pc) =	sbr.rel .LBB2_10-.Ltmp9, $4  }
0x266: {  	vm15 =	vlt.u32 v62, $0x1400;
	[tilespmem:$0xA0] =	vst v2;
	v2 =	vsel vm14, v60, v3;
	v3 =	vor.u32 $0x1400, v63  }
0x267: {  	[tilespmem:$0xB0] =	vst v2;
	v2 =	vsel vm15, v62, v3  }
0x268: {  	[tilespmem:$0xC0] =	vst v2  }
0x269: {  	[spmem:s1] =	stream.indirect.scatter.add.f32 [tilespmem:s5], [sflag:$0xA], $0x80, s23, s8, $0xb8;
	[tilespmem:$0x14E00] =	vst v63  }
.LBB2_12:
0x26a: {  	_ =	sfence.sel $0x180000  }
0x26b: {  	[bflag:$0x0] =	sbarrier.arrive $0xFFFF  }
0x26c: {  	_ =	strace $0x9000004D  }
0x26d: {  	s0 =	stileid.u32;
	[bflag:$0x2] =	sbarrier.arrive $0xFFFF  }
0x26e: {  	p0 =	sne.s32 s0, $0x0;
	s0 =	rddreg [dreg:$0x2]  }
0x26f: {  	s0 =	sadd.s32 @!p0 $0x100000, s0  }
0x270: {  	[sflag:s0] =	ssyncadd.tile.s32 @!p0 $0x1;
	_ =	shalt  }
.Lfunc_end2:
_tile_overlayer_lowered:
.L_overlay_start_2:
0x271: {  	(tag) =	ssettag $0x2  }
0x272: {  	s0 =	rddreg [dreg:$0x0];
	s2 =	stileid.u32  }
0x273: {  	s1 =	rddreg [dreg:$0x1];
	p0 =	sne.s32 s2, $0x0  }
0x274: {  	s3 =	rddreg [dreg:$0x2];
	[bflag:$0x3] =	sbarrier.arrive $0xFFFF;
	s2 =	simm.s32 @!p0 $0x1C09  }
0x275: {  	[timem:s3], [sflag:s2] =	dma.local @!p0 [hbm:s0], s1  }
0x276: {  	s0 =	simm.s32 @!p0 $0x9  }
0x277: {  	_ =	swait.ge @!p0 [sflag:s0], s1  }
0x278: {  	s1 =	ssub.s32 @!p0 $0x0, s1;
	[sflag:s0] =	ssyncset.done @!p0 $0x0  }
0x279: {  	[sflag:s0] =	ssyncadd.s32 @!p0 s1  }
0x27a: {  	[bflag:$0x3] =	sbarrier.arrive $0xFFFF  }
0x27b: {  	_ =	shalt  }

// kernel: kernel.8.cloned.1.call-start
scs
__scs_entry_jumppad:
0x0: {  	(pc) =	sbr.rel $0x88, $3  }
0x1: {  	(tag) =	ssettag $0x0;
	lr =	simm.s32 $0x1  }
0x2: {  	[smem:$0x3F8C] =	sst lr;
	_ =	strace $0xD0000000  }
0x3: {  	_ = 	snop  }
0x4: {  	_ = 	snop  }
0x5: {  	_ = 	snop  }
0x6: {  	_ = 	snop  }
0x7: {  	_ = 	snop  }
__scs_overlays_trampoline_lowered:
0x8: {  	[smem:$0x3F9B] =	sst s0  }
0x9: {  	[smem:$0x3F9C] =	sst s1  }
0xa: {  	[smem:$0x3F9D] =	sst s2  }
0xb: {  	[smem:$0x3F9E] =	sst s3  }
0xc: {  	[smem:$0x3F9F] =	sst s4  }
0xd: {  	[smem:$0x3FA0] =	sst s5  }
0xe: {  	[smem:$0x3FA1] =	sst s6  }
0xf: {  	[smem:$0x3FA2] =	sst s7  }
0x10: {  	[smem:$0x3FA3] =	sst s8  }
0x11: {  	[smem:$0x3FA4] =	sst s9;
	s0 =	simm.s32 @!p0 $0x0  }
0x12: {  	s1 =	sld [smem:$0x3F8A];
	s0 =	simm.s32 @p0 $0x1  }
0x13: {  	[smem:$0x3FA5] =	sst s0;
	s0 =	simm.s32 @!p1 $0x0  }
0x14: {  	s2 =	sld [smem:$0x3F89];
	s0 =	simm.s32 @p1 $0x1  }
0x15: {  	[smem:$0x3FA6] =	sst s0;
	s0 =	simm.s32 @!p2 $0x0  }
0x16: {  	s3 =	sld [smem:$0x3FDB];
	s0 =	simm.s32 @p2 $0x1  }
0x17: {  	s4 =	simm.s32 $0x1BF5;
	[smem:$0x3FA8] =	sst s0  }
0x18: {  	s0 =	sld [smem:$0x3F8B];
	_ =	swait.ge [sflag:s4], $0x0  }
0x19: {  	s7 =	sld [smem:$0x3F8C]  }
0x1a: {  	s8 =	sadd.s32 $0xFFFFE003, lr  }
0x1b: {  	s9 =	sadd.s32 $0xFFFFFEF7, lr;
	s5 =	simm.s32 $0xFFFFFFFF;
	p2 =	slt.u32 s8, $0xFFFFF086  }
0x1c: {  	p1 =	slt.u32 s9, $0xF7A;
	s5 =	simm.s32 @!p2 $0x0  }
0x1d: {  	s5 =	simm.s32 @p1 $0x1;
	p0 =	seq.s32 s7, s2  }
0x1e: {  	s7 =	smul.u32 @!p0 $0xF7A, s2;
	p2 =	seq.s32 @!p0 s5, $0x0  }
0x1f: {  	s9 =	smul.u32 $0xF7A, s1;
	s8 =	simm.s32 @!p0 $0x1BF5;
	p2 =	por !p2, p0  }
0x20: {  	[sflag:s8] =	ssyncset.s32 @!p0 $0xFFFFF086;
	s6 =	sadd.s32 @!p0 s3, s7;
	s7 =	simm.s32 @!p0 $0x108  }
0x21: {  	s3 =	sadd.s32 s3, s9;
	s6 =	sadd.s32 @!p0 $0x88, s6;
	s7 =	simm.s32 @p2 $0x1082  }
0x22: {  	[simem:s7], [sflag:s8] =	dma.local @!p0 [hbm:s6], $0xF7A  }
0x23: {  	s9 =	sor.u32 $0xD0000000, s2;
	s6 =	simm.s32 $0x108;
	_ =	swait.ge @!p0 [sflag:s8], $0x0  }
0x24: {  	s3 =	sadd.s32 $0x88, s3;
	s6 =	simm.s32 @!p1 $0x1082;
	[sflag:s4] =	ssyncset.s32 $0xFFFFF086  }
0x25: {  	[simem:s6], [sflag:s4] =	dma.local [hbm:s3], $0xF7A  }
0x26: {  	[smem:$0x3F8C] =	sst s1;
	(tag) =	ssettag s2;
	_ =	strace s9  }
0x27: {  	s1 =	sld [smem:$0x3F9C]  }
0x28: {  	s2 =	sld [smem:$0x3F9D]  }
0x29: {  	s4 =	sld [smem:$0x3F9F]  }
0x2a: {  	p0 =	seq.s32 s5, $0x0;
	s5 =	sld [smem:$0x3FA0]  }
0x2b: {  	s6 =	sld [smem:$0x3FA1]  }
0x2c: {  	s7 =	sld [smem:$0x3FA2]  }
0x2d: {  	s3 =	simm.s32 $0x108;
	s8 =	sld [smem:$0x3FA3]  }
0x2e: {  	s3 =	simm.s32 @!p0 $0x1082;
	s9 =	sld [smem:$0x3FA4]  }
0x2f: {  	lr =	sadd.s32 s0, s3;
	s0 =	sld [smem:$0x3F9B]  }
0x30: {  	s3 =	sld [smem:$0x3F9E]  }
0x31: {  	[smem:$0x3FA7] =	sst s10  }
0x32: {  	s10 =	sld [smem:$0x3FA5];
	_ =	sdelay $0x3  }
0x33: {  	p0 =	seq.s32 s10, $0x1;
	s10 =	sld [smem:$0x3FA7];
	_ =	sdelay $0x3  }
0x34: {  	[smem:$0x3FA7] =	sst s10  }
0x35: {  	s10 =	sld [smem:$0x3FA6];
	_ =	sdelay $0x3  }
0x36: {  	p1 =	seq.s32 s10, $0x1;
	s10 =	sld [smem:$0x3FA7];
	_ =	sdelay $0x3  }
0x37: {  	[smem:$0x3FA7] =	sst s10  }
0x38: {  	s10 =	sld [smem:$0x3FA8]  }
0x39: {  	_ = 	snop;
	(pc) =	sbr.ind lr, $3  }
0x3a: {  	_ = 	snop  }
0x3b: {  	_ = 	snop  }
0x3c: {  	p2 =	seq.s32 s10, $0x1;
	s10 =	sld [smem:$0x3FA7]  }
0x3d: {  	_ =	shalt  }
0x3e: {  	_ =	shalt  }
0x3f: {  	_ =	shalt  }
0x40: {  	_ =	shalt  }
0x41: {  	_ =	shalt  }
0x42: {  	_ =	shalt  }
0x43: {  	_ =	shalt  }
0x44: {  	_ =	shalt  }
0x45: {  	_ =	shalt  }
0x46: {  	_ =	shalt  }
0x47: {  	_ =	shalt  }
0x48: {  	_ =	shalt  }
0x49: {  	_ =	shalt  }
0x4a: {  	_ =	shalt  }
0x4b: {  	_ =	shalt  }
0x4c: {  	_ =	shalt  }
0x4d: {  	_ =	shalt  }
0x4e: {  	_ =	shalt  }
0x4f: {  	_ =	shalt  }
0x50: {  	_ =	shalt  }
0x51: {  	_ =	shalt  }
0x52: {  	_ =	shalt  }
0x53: {  	_ =	shalt  }
0x54: {  	_ =	shalt  }
0x55: {  	_ =	shalt  }
0x56: {  	_ =	shalt  }
0x57: {  	_ =	shalt  }
0x58: {  	_ =	shalt  }
0x59: {  	_ =	shalt  }
0x5a: {  	_ =	shalt  }
0x5b: {  	_ =	shalt  }
0x5c: {  	_ =	shalt  }
0x5d: {  	_ =	shalt  }
0x5e: {  	_ =	shalt  }
0x5f: {  	_ =	shalt  }
0x60: {  	_ =	shalt  }
0x61: {  	_ =	shalt  }
0x62: {  	_ =	shalt  }
0x63: {  	_ =	shalt  }
0x64: {  	_ =	shalt  }
0x65: {  	_ =	shalt  }
0x66: {  	_ =	shalt  }
0x67: {  	_ =	shalt  }
0x68: {  	_ =	shalt  }
0x69: {  	_ =	shalt  }
0x6a: {  	_ =	shalt  }
0x6b: {  	_ =	shalt  }
0x6c: {  	_ =	shalt  }
0x6d: {  	_ =	shalt  }
0x6e: {  	_ =	shalt  }
0x6f: {  	_ =	shalt  }
0x70: {  	_ =	shalt  }
0x71: {  	_ =	shalt  }
0x72: {  	_ =	shalt  }
0x73: {  	_ =	shalt  }
0x74: {  	_ =	shalt  }
0x75: {  	_ =	shalt  }
0x76: {  	_ =	shalt  }
0x77: {  	_ =	shalt  }
0x78: {  	_ =	shalt  }
0x79: {  	_ =	shalt  }
0x7a: {  	_ =	shalt  }
0x7b: {  	_ =	shalt  }
0x7c: {  	_ =	shalt  }
0x7d: {  	_ =	shalt  }
0x7e: {  	_ =	shalt  }
0x7f: {  	_ =	shalt  }
0x80: {  	_ =	shalt  }
0x81: {  	_ =	shalt  }
0x82: {  	_ =	shalt  }
0x83: {  	_ =	shalt  }
0x84: {  	_ =	shalt  }
0x85: {  	_ =	shalt  }
0x86: {  	_ =	shalt  }
0x87: {  	_ =	shalt  }
.Lfunc_end0:
.L_simem_size_0:
called_computation_lowered:
.L_overlay_start_0:
0x88: {  	s2 =	sld [smem:$0x3FD9]  }
0x89: {  	s3 =	sld [smem:$0x3FFE];
	_ =	sdelay $0x1  }
0x8a: {  	s1 =	srdreg.scid  }
0x8b: {  	s0 =	sand.u32 $0x1, s1  }
0x8c: {  	s17 =	sshll.u32 s0, $0xA;
	s2 =	sadd.s32 s3, s2  }
0x8d: {  	s2 =	sadd.s32 s2, s17  }
0x8e: {  	[smem:$0x3FB3] =	sst s2  }
0x8f: {  	_ = 	snop  }
0x90: {  	s2 =	sld [smem:$0x3FD0];
	(tm) =	ssettm $0x1  }
0x91: {  	s18 =	sld [smem:$0x3FFB];
	_ =	sdelay $0x3  }
0x92: {  	_ =	strace s18  }
0x93: {  	s3 =	sld [smem:$0x3FFC];
	_ =	sdelay $0x3  }
0x94: {  	_ =	strace s3  }
0x95: {  	s3 =	sld [smem:$0x3FFD];
	_ =	sdelay $0x3  }
0x96: {  	_ =	strace s3  }
0x97: {  	_ =	strace $0x8FFFFFFF  }
0x98: {  	s19 =	sld [smem:$0x3FDB];
	_ =	sdelay $0x1  }
0x99: {  	s4 =	simm.s32 $_scs_section_size  }
0x9a: {  	s5 =	simm.s32 $_size__tile_overlayer_lowered;
	s6 =	simm.s32 $_tile_overlayer_lowered  }
0x9b: {  	s22 =	simm.s32 $0x1BFF;
	s21 =	sshll.u32 s6, $0x1;
	s3 =	sadd.s32 s4, s19  }
0x9c: {  	s7 =	simm.s32 $0x0;
	s20 =	sshll.u32 s5, $0x1;
	s5 =	sadd.s32 s21, s3  }
0x9d: {  	[timem:s7], [sflag:s22] =	dma.local [hbm:s5], s20  }
0x9e: {  	_ =	swait.ge [sflag:s22], s20  }
0x9f: {  	s4 =	ssub.s32 $0x0, s20;
	[sflag:s22] =	ssyncset.done $0x0  }
0xa0: {  	[sflag:s22] =	ssyncadd.s32 s4;
	_ =	sdelay $0x1  }
0xa1: {  	s23 =	simm.s32 $0x1B8B  }
0xa2: {  	_ =	swait.ge [sflag:s23], $0x1  }
0xa3: {  	[sflag:s23] =	ssyncset.done $0x0  }
0xa4: {  	s25 =	simm.s32 $0x1B8E;
	s24 =	sld [smem:$0x3FFE];
	[sflag:s23] =	ssyncadd.s32 $0xFFFFFFFF  }
0xa5: {  	s26 =	simm.s32 $execute0_lowered;
	[smem:$0x3FD2] =	sst s25  }
0xa6: {  	s5 =	sshll.u32 s26, $0x1;
	_ =	strace $0x80000046;
	[dreg:$0x1] =	wrdreg $0xFFFFFFFF  }
0xa7: {  	s28 =	simm.s32 $_size_execute0_lowered;
	s3 =	sadd.s32 s3, s5;
	[dreg:$0x0] =	wrdreg $0x0  }
0xa8: {  	s5 =	sshll.u32 s28, $0x1;
	[dreg:$0x2] =	wrdreg s3  }
0xa9: {  	[dreg:$0x3] =	wrdreg s5  }
0xaa: {  	[dreg:$0x4] =	wrdreg $0xC0  }
0xab: {  	_ =	task [dreg:s7], $0x5FFFF  }
0xac: {  	[dreg:$0x1] =	wrdreg $0xFFFFFFFF  }
0xad: {  	[dreg:$0x0] =	wrdreg $0x60  }
0xae: {  	[dreg:$0x2] =	wrdreg s2  }
0xaf: {  	[dreg:$0x3] =	wrdreg s24  }
0xb0: {  	[dreg:$0x4] =	wrdreg $0x9  }
0xb1: {  	_ =	task.clear_ibuf [dreg:s7], $0x5FFFF;
	_ =	strace $0x90000046  }
0xb2: {  	s29 =	simm.s32 $0x9;
	_ =	strace $0x80000048  }
0xb3: {  	_ =	swait.ge [sflag:s29], $0x1  }
0xb4: {  	[sflag:s29] =	ssyncadd.s32 $0xFFFFFFFF  }
0xb5: {  	_ =	strace $0x90000048  }
0xb6: {  	_ =	sfence  }
0xb7: {  	s30 =	sld [smem:$0x0];
	_ =	sdelay $0x2  }
0xb8: {  	s31 =	sshll.u32 s1, $0xD;
	s1 =	sshrl.u32 s1, $0x2  }
0xb9: {  	s3 =	sand.u32 $0x4000, s31;
	s1 =	sadd.s32 s1, s30  }
0xba: {  	s0 =	sor.u32 s3, s0;
	s1 =	sshll.u32 s1, $0x11  }
0xbb: {  	s0 =	sor.u32 s1, s0  }
0xbc: {  	s0 =	sadd.s32 $0x8F2B, s0  }
0xbd: {  	[sflag:s0] =	ssyncadd.remote.s32 $0x1  }
0xbe: {  	_ =	sfence.sel $0xFFFF  }
0xbf: {  	[dreg:$0x0] =	wrdreg $0xFFFFFFFF;
	(pc) =	sbr.abs _section_cstart, $3  }
0xc0: {  	[dreg:$0x1] =	wrdreg $0xFFFFFFFF  }
0xc1: {  	_ =	task.clear_ibuf [dreg:s7], $0x2FFFF;
	_ =	strace $0x9FFFFFFF  }
0xc2: {  	(tm) =	ssettm $0x7FFFFFFF  }
0xc3: {  	_ =	shalt  }
tec
execute0_lowered:
.L_overlay_start_1:
0x0: {  	(tag) =	ssettag $0x1  }
0x1: {  	s2 =	rddreg [dreg:$0x0]  }
0x2: {  	s4 =	rddreg [dreg:$0x1];
	s5 =	srdreg.scid  }
0x3: {  	s1 =	stileid.u32;
	s3 =	simm.s32 $0x0;
	s19 =	simm.s32 $0x200  }
0x4: {  	s20 =	simm.s32 $0x3;
	s21 =	simm.s32 $0x2;
	s22 =	simm.s32 $0x6600  }
0x5: {  	s23 =	simm.s32 $0x4;
	s12 =	sand.u32 $0x1, s5;
	s14 =	smul.u32 $0x4E20, s1  }
0x6: {  	s24 =	sshll.u32 s1, $0x1;
	[smem:$0x7FF] =	sst s3;
	s17 =	smul.u32 $0x4E200, s1  }
0x7: {  	s15 =	sadd.s32 $0xDE00, s4;
	s13 =	sadd.s32 $0x3EE00, s4;
	s16 =	smul.u32 $0x2710, s12  }
0x8: {  	s5 =	sor.u32 s12, s24;
	s6 =	ssub.s32 $0x2, s12;
	s18 =	smul.u32 $0x27100, s12  }
0x9: {  	_ =	strace $0x80000047;
	s7 =	smul.u32 $0x2710, s5;
	s25 =	sshrl.u32 s6, $0x1  }
0xa: {  	s24 =	simm.s32 $0x5;
	s10 =	smul.u32 $0x27100, s5;
	s6 =	ssub.s32 s6, s25  }
0xb: {  	s14 =	sadd.s32 s16, s14;
	s25 =	simm.s32 $0x6;
	s26 =	sshrl.u32 s7, $0x3  }
0xc: {  	s9 =	sadd.s32 $0xC8, s7;
	s11 =	sadd.s32 $0x258, s7;
	s6 =	smax.u32 s6, $0x1  }
0xd: {  	s16 =	sadd.s32 $0x3E8, s14;
	s30 =	sadd.s32 $0x320, s14;
	s4 =	sadd.s32 s15, s26  }
0xe: {  	s8 =	sshrl.u32 s9, $0x3;
	s28 =	sshrl.u32 s11, $0x3;
	s29 =	sshll.u32 s9, $0x4  }
0xf: {  	s16 =	sshrl.u32 s16, $0x3;
	s31 =	sshrl.u32 s30, $0x3;
	s26 =	simm.s32 $0x0  }
0x10: {  	s5 =	sadd.s32 s15, s8;
	s7 =	sadd.s32 $0x32, s4;
	s8 =	sadd.s32 s13, s10  }
0x11: {  	s9 =	sadd.s32 s15, s28;
	s10 =	sadd.s32 s13, s29;
	s13 =	sadd.s32 s17, s13  }
0x12: {  	s14 =	sadd.s32 s16, s15;
	s15 =	sadd.s32 s31, s15;
	s16 =	simm.s32 $0x100  }
0x13: {  	s17 =	simm.s32 $0x1;
	s11 =	sadd.s32 $0x25800, s8;
	s13 =	sadd.s32 s18, s13  }
0x14: {  	s12 =	sadd.s32 $0x26480, s8;
	s18 =	simm.s32 $0xC8;
	s13 =	sadd.s32 $0x2580, s13  }
.LBB2_1:
0x15: {  	[tilespmem:s3], [sflag:$0x1] =	stream.linear.gather [hbm4b:s4+s3], $0xC8, $0x38;
	[tilespmem:$0xCA00] =	vst v63  }
0x16: {  	_ = 	snop  }
0x17: {  	[tilespmem:s16], [sflag:$0x2] =	stream.linear.gather [hbm4b:s5+s3], $0xC8, $0x38;
	[tilespmem:$0xCA00] =	vst v63  }
0x18: {  	_ =	swait.ge [sflag:s17], $0xC8  }
0x19: {  	[sflag:s17] =	ssyncset.done $0x0  }
0x1a: {  	[sflag:s17] =	ssyncadd.s32 $0xFFFFFF38  }
0x1b: {  	[tilespmem:s19], [sflag:$0x3] =	stream.indirect.gather [hbm4b:s2+s18], $0x80, s3, s18, $0xb8;
	[tilespmem:$0xCA00] =	vst v63  }
0x1c: {  	_ =	swait.ge [sflag:s20], $0x6400  }
0x1d: {  	[sflag:s20] =	ssyncset.done $0x0  }
0x1e: {  	[sflag:s20] =	ssyncadd.s32 $0xFFFF9C00  }
0x1f: {  	[tilespmem:s3], [sflag:$0x1] =	stream.linear.gather [hbm4b:s7+s3], $0xC8, $0x38;
	[tilespmem:$0xCA00] =	vst v63  }
0x20: {  	_ = 	snop  }
0x21: {  	[hbm4b:s8+s3] =	stream.linear.scatter [tilespmem:s19], [sflag:$0x5], $0x6400, $0x38;
	[tilespmem:$0xCA00] =	vst v63  }
0x22: {  	_ =	swait.ge [sflag:s21], $0xC8  }
0x23: {  	[sflag:s21] =	ssyncset.done $0x0  }
0x24: {  	[sflag:s21] =	ssyncadd.s32 $0xFFFFFF38  }
0x25: {  	[tilespmem:s22], [sflag:$0x4] =	stream.indirect.gather [hbm4b:s2+s18], $0x80, s16, s18, $0xb8;
	[tilespmem:$0xCA00] =	vst v63  }
0x26: {  	_ =	swait.ge [sflag:s23], $0x6400  }
0x27: {  	[sflag:s23] =	ssyncset.done $0x0  }
0x28: {  	[sflag:s23] =	ssyncadd.s32 $0xFFFF9C00  }
0x29: {  	[tilespmem:s16], [sflag:$0x2] =	stream.linear.gather [hbm4b:s9+s3], $0xC8, $0x38;
	[tilespmem:$0xCA00] =	vst v63  }
0x2a: {  	_ = 	snop  }
0x2b: {  	[hbm4b:s10+s3] =	stream.linear.scatter [tilespmem:s22], [sflag:$0x6], $0x6400, $0x38;
	[tilespmem:$0xCA00] =	vst v63  }
0x2c: {  	_ =	swait.ge [sflag:s24], $0x6400  }
0x2d: {  	[sflag:s24] =	ssyncset.done $0x0  }
0x2e: {  	[sflag:s24] =	ssyncadd.s32 $0xFFFF9C00  }
0x2f: {  	_ =	swait.ge [sflag:s17], $0xC8  }
0x30: {  	[sflag:s17] =	ssyncset.done $0x0  }
0x31: {  	[sflag:s17] =	ssyncadd.s32 $0xFFFFFF38  }
0x32: {  	[tilespmem:s19], [sflag:$0x3] =	stream.indirect.gather [hbm4b:s2+s18], $0x80, s3, s18, $0xb8;
	[tilespmem:$0xCA00] =	vst v63  }
0x33: {  	_ =	swait.ge [sflag:s20], $0x6400  }
0x34: {  	[sflag:s20] =	ssyncset.done $0x0  }
0x35: {  	s28 =	sadd.s32 $0x0, s15;
	[sflag:s20] =	ssyncadd.s32 $0xFFFF9C00  }
0x36: {  	[tilespmem:s3], [sflag:$0x1] =	stream.linear.gather [hbm4b:s28+s3], $0xC8, $0x38;
	[tilespmem:$0xCA00] =	vst v63  }
0x37: {  	s28 =	sadd.s32 $0xFFFFF380, s13  }
0x38: {  	[hbm4b:s28+s3] =	stream.linear.scatter [tilespmem:s19], [sflag:$0x5], $0x6400, $0x38;
	[tilespmem:$0xCA00] =	vst v63  }
0x39: {  	_ =	swait.ge [sflag:s25], $0x6400  }
0x3a: {  	[sflag:s25] =	ssyncset.done $0x0  }
0x3b: {  	[sflag:s25] =	ssyncadd.s32 $0xFFFF9C00  }
0x3c: {  	_ =	swait.ge [sflag:s21], $0xC8  }
0x3d: {  	[sflag:s21] =	ssyncset.done $0x0  }
0x3e: {  	[sflag:s21] =	ssyncadd.s32 $0xFFFFFF38  }
0x3f: {  	[tilespmem:s22], [sflag:$0x4] =	stream.indirect.gather [hbm4b:s2+s18], $0x80, s16, s18, $0xb8;
	[tilespmem:$0xCA00] =	vst v63  }
0x40: {  	_ =	swait.ge [sflag:s23], $0x6400  }
0x41: {  	[sflag:s23] =	ssyncset.done $0x0  }
0x42: {  	s28 =	sadd.s32 $0x0, s14;
	[sflag:s23] =	ssyncadd.s32 $0xFFFF9C00  }
0x43: {  	[tilespmem:s16], [sflag:$0x2] =	stream.linear.gather [hbm4b:s28+s3], $0xC8, $0x38;
	[tilespmem:$0xCA00] =	vst v63  }
0x44: {  	s29 =	sadd.s32 $0x1900, s13;
	s30 =	smov.u32 s13;
	s28 =	simm.s32 $0x32  }
.LBB2_2:
0x45: {  	[hbm4b:s30+s3] =	stream.linear.scatter [tilespmem:s22], [sflag:$0x6], $0x6400, $0x38;
	[tilespmem:$0xCA00] =	vst v63  }
0x46: {  	s31 =	smov.u32 s28;
	s30 =	smov.u32 s29  }
0x47: {  	p0 =	sne.s32 s28, $0x44C;
	s28 =	sadd.s32 $0x32, s28;
	_ =	swait.ge [sflag:s24], $0x6400  }
0x48: {  	[sflag:s24] =	ssyncset.done $0x0  }
0x49: {  	[sflag:s24] =	ssyncadd.s32 $0xFFFF9C00  }
0x4a: {  	_ =	swait.ge [sflag:s17], $0xC8  }
0x4b: {  	[sflag:s17] =	ssyncset.done $0x0  }
0x4c: {  	[sflag:s17] =	ssyncadd.s32 $0xFFFFFF38  }
0x4d: {  	[tilespmem:s19], [sflag:$0x3] =	stream.indirect.gather [hbm4b:s2+s18], $0x80, s3, s18, $0xb8;
	[tilespmem:$0xCA00] =	vst v63  }
0x4e: {  	_ =	swait.ge [sflag:s20], $0x6400  }
0x4f: {  	[sflag:s20] =	ssyncset.done $0x0  }
0x50: {  	s0 =	sadd.s32 s31, s15;
	[sflag:s20] =	ssyncadd.s32 $0xFFFF9C00  }
0x51: {  	[tilespmem:s3], [sflag:$0x1] =	stream.linear.gather [hbm4b:s0+s3], $0xC8, $0x38;
	[tilespmem:$0xCA00] =	vst v63  }
0x52: {  	s0 =	sadd.s32 $0xFFFFF380, s29  }
0x53: {  	[hbm4b:s0+s3] =	stream.linear.scatter [tilespmem:s19], [sflag:$0x5], $0x6400, $0x38;
	[tilespmem:$0xCA00] =	vst v63  }
0x54: {  	_ =	swait.ge [sflag:s25], $0x6400  }
0x55: {  	[sflag:s25] =	ssyncset.done $0x0  }
0x56: {  	[sflag:s25] =	ssyncadd.s32 $0xFFFF9C00  }
0x57: {  	_ =	swait.ge [sflag:s21], $0xC8  }
0x58: {  	[sflag:s21] =	ssyncset.done $0x0  }
0x59: {  	[sflag:s21] =	ssyncadd.s32 $0xFFFFFF38  }
0x5a: {  	[tilespmem:s22], [sflag:$0x4] =	stream.indirect.gather [hbm4b:s2+s18], $0x80, s16, s18, $0xb8;
	[tilespmem:$0xCA00] =	vst v63  }
.Ltmp0:
0x5b: {  	_ =	swait.ge [sflag:s23], $0x6400;
	(pc) =	sbr.rel @p0 .LBB2_2-.Ltmp0, $4  }
0x5c: {  	[sflag:s23] =	ssyncset.done $0x0  }
0x5d: {  	s0 =	sadd.s32 s31, s14;
	[sflag:s23] =	ssyncadd.s32 $0xFFFF9C00  }
0x5e: {  	[tilespmem:s16], [sflag:$0x2] =	stream.linear.gather [hbm4b:s0+s3], $0xC8, $0x38;
	[tilespmem:$0xCA00] =	vst v63  }
0x5f: {  	s29 =	sadd.s32 $0x1900, s29  }
0x60: {  	[hbm4b:s30+s3] =	stream.linear.scatter [tilespmem:s22], [sflag:$0x6], $0x6400, $0x38;
	[tilespmem:$0xCA00] =	vst v63  }
0x61: {  	_ =	swait.ge [sflag:s24], $0x6400  }
0x62: {  	[sflag:s24] =	ssyncset.done $0x0  }
0x63: {  	[sflag:s24] =	ssyncadd.s32 $0xFFFF9C00  }
0x64: {  	_ =	swait.ge [sflag:s17], $0xC8  }
0x65: {  	[sflag:s17] =	ssyncset.done $0x0  }
0x66: {  	[sflag:s17] =	ssyncadd.s32 $0xFFFFFF38  }
0x67: {  	[tilespmem:s19], [sflag:$0x3] =	stream.indirect.gather [hbm4b:s2+s18], $0x80, s3, s18, $0xb8;
	[tilespmem:$0xCA00] =	vst v63  }
0x68: {  	_ =	swait.ge [sflag:s20], $0x6400  }
0x69: {  	[sflag:s20] =	ssyncset.done $0x0  }
0x6a: {  	[sflag:s20] =	ssyncadd.s32 $0xFFFF9C00  }
0x6b: {  	[hbm4b:s11+s3] =	stream.linear.scatter [tilespmem:s19], [sflag:$0x5], $0x6400, $0x38;
	[tilespmem:$0xCA00] =	vst v63  }
0x6c: {  	_ =	swait.ge [sflag:s25], $0x6400  }
0x6d: {  	[sflag:s25] =	ssyncset.done $0x0  }
0x6e: {  	[sflag:s25] =	ssyncadd.s32 $0xFFFF9C00  }
0x6f: {  	_ =	swait.ge [sflag:s21], $0xC8  }
0x70: {  	[sflag:s21] =	ssyncset.done $0x0  }
0x71: {  	[sflag:s21] =	ssyncadd.s32 $0xFFFFFF38  }
0x72: {  	[tilespmem:s22], [sflag:$0x4] =	stream.indirect.gather [hbm4b:s2+s18], $0x80, s16, s18, $0xb8;
	[tilespmem:$0xCA00] =	vst v63  }
0x73: {  	_ =	swait.ge [sflag:s23], $0x6400  }
0x74: {  	[sflag:s23] =	ssyncset.done $0x0  }
0x75: {  	s26 =	sadd.s32 $0x1, s26;
	[sflag:s23] =	ssyncadd.s32 $0xFFFF9C00  }
0x76: {  	[hbm4b:s12+s3] =	stream.linear.scatter [tilespmem:s22], [sflag:$0x6], $0x6400, $0x38;
	[tilespmem:$0xCA00] =	vst v63  }
0x77: {  	p0 =	sne.s32 s26, s6;
	_ =	swait.ge [sflag:s24], $0x6400  }
.Ltmp1:
0x78: {  	[sflag:s24] =	ssyncset.done $0x0;
	(pc) =	sbr.rel @p0 .LBB2_1-.Ltmp1, $4  }
0x79: {  	[sflag:s24] =	ssyncadd.s32 $0xFFFF9C00  }
0x7a: {  	_ =	swait.ge [sflag:s25], $0x6400  }
0x7b: {  	[sflag:s25] =	ssyncset.done $0x0  }
0x7c: {  	[sflag:s25] =	ssyncadd.s32 $0xFFFF9C00  }
0x7d: {  	_ =	sfence.sel $0x180000  }
0x7e: {  	[bflag:$0x0] =	sbarrier.arrive $0xFFFF  }
0x7f: {  	_ =	strace $0x90000047  }
0x80: {  	[bflag:$0x2] =	sbarrier.arrive $0xFFFF  }
0x81: {  	p0 =	sne.s32 s1, $0x0;
	s0 =	rddreg [dreg:$0x2]  }
0x82: {  	s0 =	sadd.s32 @!p0 $0x100000, s0  }
0x83: {  	[sflag:s0] =	ssyncadd.tile.s32 @!p0 $0x1;
	_ =	shalt  }
.Lfunc_end2:
_tile_overlayer_lowered:
.L_overlay_start_2:
0x84: {  	(tag) =	ssettag $0x2  }
0x85: {  	s0 =	rddreg [dreg:$0x0];
	s2 =	stileid.u32  }
0x86: {  	s1 =	rddreg [dreg:$0x1];
	p0 =	sne.s32 s2, $0x0  }
0x87: {  	s3 =	rddreg [dreg:$0x2];
	[bflag:$0x3] =	sbarrier.arrive $0xFFFF;
	s2 =	simm.s32 @!p0 $0x1C07  }
0x88: {  	[timem:s3], [sflag:s2] =	dma.local @!p0 [hbm:s0], s1  }
0x89: {  	s0 =	simm.s32 @!p0 $0x7  }
0x8a: {  	_ =	swait.ge @!p0 [sflag:s0], s1  }
0x8b: {  	s1 =	ssub.s32 @!p0 $0x0, s1;
	[sflag:s0] =	ssyncset.done @!p0 $0x0  }
0x8c: {  	[sflag:s0] =	ssyncadd.s32 @!p0 s1  }
0x8d: {  	[bflag:$0x3] =	sbarrier.arrive $0xFFFF  }
0x8e: {  	_ =	shalt  }

</sc_bundles>
